<compile_context>
chip_gen: v7x
topology: tpu7x:2x2x1
jax: 0.10.2.dev20260603
libtpu: 0.0.44.dev20260713+nightly
codegen_flags: <defaults>
</compile_context>

<pallas_src>
import functools
import jax
import jax.numpy as jnp
from jax import lax
from jax.experimental import pallas as pl
from jax.experimental.pallas import tpu as pltpu
from jax.experimental.pallas import tpu_sc as plsc

N = 1024
E = 65536
G = 32
F = 16
SDIM = 256
VDIM = 64
EDIM = 32
NBOND = 5
NLAYERS = 2

B = 1024
NB = E // B

_BF = jnp.bfloat16


def _silu(x):
    return x * jax.nn.sigmoid(x)


def _dot(a, b):
    return jax.lax.dot_general(a, b, (((1,), (0,)), ((), ())),
                               preferred_element_type=jnp.float32,
                               precision=jax.lax.Precision.DEFAULT)


def _dot_t(a, b):
    return jax.lax.dot_general(a, b, (((0,), (0,)), ((), ())),
                               preferred_element_type=jnp.float32,
                               precision=jax.lax.Precision.DEFAULT)


def _highp(fn):
    @functools.wraps(fn)
    def wrapper(*refs):
        with jax.default_matmul_precision('highest'):
            return fn(*refs)
    return wrapper


def _iota_row(n):
    return jax.lax.broadcasted_iota(jnp.int32, (1, n), 1)


def _iota_col(n):
    return jax.lax.broadcasted_iota(jnp.int32, (n, 1), 0)


@_highp
def _node_prep_kernel(x_ref, t_ref, pos_ref, bcol_ref, brow_ref,
                      wta_ref, bta_ref, wtb_ref, btb_ref,
                      wam_ref, bam_ref, watm_ref, batm_ref,
                      wbm_ref, bbm_ref, wbtm_ref, bbtm_ref,
                      ws1_ref, ws2_ref,
                      s_ref, posc_ref, ta1_ref, ta2_ref, u_ref):
    x = x_ref[:]
    t = t_ref[:]
    ohB = (bcol_ref[:] == _iota_row(G)).astype(jnp.float32)
    ohBT = (_iota_col(G) == brow_ref[:]).astype(jnp.float32)
    ta = t @ wta_ref[:] + bta_ref[:]
    tb = t @ wtb_ref[:] + btb_ref[:]
    s0 = x @ wam_ref[:] + bam_ref[:] + ohB @ ta
    s = s0 @ watm_ref[:] + batm_ref[:]
    pos = pos_ref[:]
    psum = ohBT @ pos
    cnt = jnp.sum(ohBT, axis=1, keepdims=True)
    mean = psum / jnp.maximum(cnt, 1.0)
    posc = pos - ohB @ mean
    s_ref[:] = s
    posc_ref[:] = posc
    xb = x @ wbm_ref[:] + bbm_ref[:]
    q = xb @ wbtm_ref[:]
    hi = posc.astype(_BF)
    lo = (posc - hi.astype(jnp.float32)).astype(_BF)
    u_ref[:] = tb @ wbtm_ref[:] + bbtm_ref[:]
    a1 = (s @ ws1_ref[:]).astype(_BF)
    a2 = (s @ ws2_ref[:]).astype(_BF)
    ta1_ref[:] = jnp.concatenate([a1, hi, lo], axis=1)
    ta2_ref[:] = jnp.concatenate([a2, hi, lo, q.astype(_BF)], axis=1)


def _layer0_kernel(scol_ref, tcol_ref, gcol_ref,
                   ta2_ref, ta1_ref, u_ref,
                   we_ref, wd_ref, bmsg_ref, wvg_ref, weu_ref,
                   e1_ref, rnd_ref, cnt_ref, segm_ref, segmv_ref):
    @pl.when(pl.program_id(0) == 0)
    def _():
        cnt_ref[:] = jnp.zeros_like(cnt_ref)
        segm_ref[:] = jnp.zeros_like(segm_ref)
        segmv_ref[:] = jnp.zeros_like(segmv_ref)
    ta2 = ta2_ref[:]
    ta1 = ta1_ref[:]
    u = u_ref[:]
    we = we_ref[:]
    wd = wd_ref[:]
    bmsg = bmsg_ref[:]
    wvg = wvg_ref[:]
    weu = weu_ref[:]
    col3 = (_iota_row(8) == 3).astype(jnp.float32)
    H = B // _NSPLIT
    for h in range(_NSPLIT):
        sl = pl.ds(h * H, H)
        oh_t = (tcol_ref[sl, :] == _iota_row(N)).astype(_BF)
        oh_s = (scol_ref[sl, :] == _iota_row(N)).astype(_BF)
        oh_g = (gcol_ref[sl, :] == _iota_row(G)).astype(jnp.float32)
        at = _dot(oh_t, ta2)
        asrc = _dot(oh_s, ta1)
        pos_t = at[:, SDIM:SDIM + 8] + at[:, SDIM + 8:SDIM + 16]
        pos_s = asrc[:, SDIM:SDIM + 8] + asrc[:, SDIM + 8:SDIM + 16]
        e0 = at[:, SDIM + 16:SDIM + 48] + oh_g @ u
        r = pos_t - pos_s
        d2 = jnp.sum(r * r, axis=1, keepdims=True)
        d = jnp.sqrt(jnp.maximum(d2, 1e-6))
        rn = r / (1.0 + d)
        rnd_ref[sl, :] = rn + d * col3
        pre = (asrc[:, 0:SDIM] + at[:, 0:SDIM] + e0 @ we
               + d * wd + bmsg)
        m = _silu(pre)
        e1_ref[sl, :] = e0 + m @ weu
        gate = m @ wvg
        mv = jnp.concatenate([rn[:, 0:1] * gate, rn[:, 1:2] * gate,
                              rn[:, 2:3] * gate], axis=1)
        cnt_ref[:] += _dot_t(oh_t, jnp.ones((H, 8), _BF))
        segm_ref[:] += _dot_t(oh_t, m.astype(_BF))
        segmv_ref[:] += _dot_t(oh_t, mv.astype(_BF))


_NSPLIT = 2


def _layer_kernel(scol_ref, tcol_ref, e_ref, rnd_ref,
                  a1_ref, a2_ref, we_ref, wd_ref, bmsg_ref,
                  wvg_ref, weu_ref,
                  enew_ref, segm_ref, segmv_ref):
    @pl.when(pl.program_id(0) == 0)
    def _():
        segm_ref[:] = jnp.zeros_like(segm_ref)
        segmv_ref[:] = jnp.zeros_like(segmv_ref)
    a1 = a1_ref[:]
    a2 = a2_ref[:]
    we = we_ref[:]
    wd = wd_ref[:]
    bmsg = bmsg_ref[:]
    wvg = wvg_ref[:]
    weu = weu_ref[:]
    H = B // _NSPLIT
    for h in range(_NSPLIT):
        sl = pl.ds(h * H, H)
        oh_s = (scol_ref[sl, :] == _iota_row(N)).astype(_BF)
        oh_t = (tcol_ref[sl, :] == _iota_row(N)).astype(_BF)
        e = e_ref[sl, :]
        rnd = rnd_ref[sl, :]
        d = rnd[:, 3:4]
        pre = (_dot(oh_s, a1) + _dot(oh_t, a2) + e @ we + d * wd + bmsg)
        m = _silu(pre)
        keyf = (scol_ref[sl, :] * N + tcol_ref[sl, :]).astype(jnp.float32)
        enew_ref[sl, :] = jnp.concatenate(
            [e + m @ weu, keyf, jnp.zeros((H, 15), jnp.float32)], axis=1)
        gate = m @ wvg
        mv = jnp.concatenate([rnd[:, 0:1] * gate, rnd[:, 1:2] * gate,
                              rnd[:, 2:3] * gate], axis=1)
        segm_ref[:] += _dot_t(oh_t, m.astype(_BF))
        segmv_ref[:] += _dot_t(oh_t, mv.astype(_BF))


@_highp
def _node_update_kernel(s_ref, segm_ref, segmv_ref, cnt_ref,
                        wupd_ref, ws1_ref, ws2_ref,
                        snew_ref, vl_ref, a1_ref, a2_ref):
    cnt = jnp.maximum(cnt_ref[:, 0:1], 1.0)
    snew = s_ref[:] + (segm_ref[:] / cnt) @ wupd_ref[:]
    snew_ref[:] = snew
    vl_ref[:] = segmv_ref[:] / cnt
    a1_ref[:] = (snew @ ws1_ref[:]).astype(_BF)
    a2_ref[:] = (snew @ ws2_ref[:]).astype(_BF)


@_highp
def _final_node_kernel(s_ref, v0_ref, v1_ref, posc_ref, bcol_ref, brow_ref,
                       wsm_ref, bsm_ref, w0f_ref, wcoord_ref,
                       wbond_ref, bbond_ref, b0_ref,
                       z_ref, c16_ref, wb2_ref, c0_ref):
    s2 = _silu(s_ref[:] @ wsm_ref[:] + bsm_ref[:])
    z_ref[:] = (s2 @ w0f_ref[:]).astype(_BF)
    v = v0_ref[:] + v1_ref[:]
    wc = wcoord_ref[:]
    c0c = v[:, 0:VDIM] @ wc
    c1c = v[:, VDIM:2 * VDIM] @ wc
    c2c = v[:, 2 * VDIM:3 * VDIM] @ wc
    zero5 = jnp.zeros((N, 5), jnp.float32)
    coords = posc_ref[:] + jnp.concatenate([c0c, c1c, c2c, zero5], axis=1)
    ohB = (bcol_ref[:] == _iota_row(G)).astype(jnp.float32)
    ohBT = (_iota_col(G) == brow_ref[:]).astype(jnp.float32)
    csum = ohBT @ coords
    cnt = jnp.sum(ohBT, axis=1, keepdims=True)
    mean = csum / jnp.maximum(cnt, 1.0)
    cc = coords - ohB @ mean
    hi = cc.astype(_BF)
    lo = (cc - hi.astype(jnp.float32)).astype(_BF)
    c16_ref[:] = jnp.concatenate([hi, lo], axis=1)
    wb2_ref[:] = wbond_ref[:] @ w0f_ref[:]
    c0_ref[:] = bbond_ref[:] @ w0f_ref[:] + b0_ref[:]


@_highp
def _final_edge_kernel(icol_ref, jcol_ref, echk_ref, rchk_ref, z_ref,
                       c16_ref, wb2_ref, c0_ref, w0d_ref, w1_ref, b1_ref,
                       out_ref):
    oh_i = (icol_ref[:] == _iota_row(N)).astype(_BF)
    oh_j = (jcol_ref[:] == _iota_row(N)).astype(_BF)
    zp = _dot(oh_i + oh_j, z_ref[:])
    dc16 = _dot(oh_i - oh_j, c16_ref[:])
    dc = dc16[:, 0:8] + dc16[:, 8:16]
    dd = jnp.sum(dc * dc, axis=1, keepdims=True)
    k2f = (icol_ref[:] * N + jcol_ref[:]).astype(jnp.float32)
    ok = (rchk_ref[:, 32:33] == k2f).astype(jnp.float32)
    esym = 0.5 * (echk_ref[:, 0:EDIM] + rchk_ref[:, 0:EDIM] * ok)
    h = _silu(zp + esym @ wb2_ref[:] + dd * w0d_ref[:] + c0_ref[:])
    out_ref[:] = h @ w1_ref[:] + b1_ref[:]


_SC_NC = 2
_SC_NS = 16
_NW = _SC_NC * _SC_NS
_CH = E // _NW
_SUB = 128
_NSUB = _CH // _SUB


def _sc_scatter_ids(k1_2d, ids_2d):
    mesh = plsc.VectorSubcoreMesh(core_axis_name="c", subcore_axis_name="s")

    @functools.partial(
        pl.kernel, mesh=mesh,
        out_type=jax.ShapeDtypeStruct((N * N,), jnp.int32),
        scratch_types=[pltpu.VMEM((_NSUB, _SUB), jnp.int32),
                       pltpu.VMEM((_NSUB, _SUB), jnp.int32),
                       pltpu.SemaphoreType.DMA],
    )
    def k(k1_hbm, ids_hbm, tbl_hbm, kidx_v, vals_v, sem):
        wid = lax.axis_index("s") * _SC_NC + lax.axis_index("c")
        row0 = wid * _NSUB
        pltpu.sync_copy(k1_hbm.at[pl.ds(row0, _NSUB)], kidx_v)
        pltpu.sync_copy(ids_hbm.at[pl.ds(row0, _NSUB)], vals_v)
        copies = [pltpu.async_copy(vals_v.at[i], tbl_hbm.at[kidx_v.at[i]],
                                   sem) for i in range(_NSUB)]
        for c in copies:
            c.wait()

    return k(k1_2d, ids_2d)


def _sc_resolve(tbl, k2_flat):
    mesh = plsc.VectorSubcoreMesh(core_axis_name="c", subcore_axis_name="s")

    @functools.partial(
        pl.kernel, mesh=mesh,
        compiler_params=pltpu.CompilerParams(use_tc_tiling_on_sc=False),
        out_type=jax.ShapeDtypeStruct((E,), jnp.int32),
        scratch_types=[pltpu.VMEM((_CH,), jnp.int32),
                       pltpu.VMEM((_CH,), jnp.int32),
                       pltpu.SemaphoreType.DMA],
    )
    def k(tbl_hbm, k2_hbm, w2_hbm, k2_v, w2_v, sem):
        wid = lax.axis_index("s") * _SC_NC + lax.axis_index("c")
        base = wid * _CH
        pltpu.sync_copy(k2_hbm.at[pl.ds(base, _CH)], k2_v)
        copies = []
        for i in range(_NSUB):
            sl = pl.ds(i * _SUB, _SUB)
            copies.append(pltpu.async_copy(tbl_hbm.at[k2_v.at[sl]],
                                           w2_v.at[sl], sem))
        for c in copies:
            c.wait()
        for j in range(_CH // 16):
            s16 = pl.ds(j * 16, 16)
            w2_v[s16] = w2_v[s16] & (E - 1)
        pltpu.sync_copy(w2_v, w2_hbm.at[pl.ds(base, _CH)])

    return k(tbl, k2_flat)


def _sc_row_gather(e2chk, w2c):
    mesh = plsc.VectorSubcoreMesh(core_axis_name="c", subcore_axis_name="s")

    @functools.partial(
        pl.kernel, mesh=mesh,
        compiler_params=pltpu.CompilerParams(use_tc_tiling_on_sc=False),
        out_type=jax.ShapeDtypeStruct((E, 48), jnp.float32),
        scratch_types=[pltpu.VMEM((_CH,), jnp.int32),
                       pltpu.VMEM((_CH, 48), jnp.float32),
                       pltpu.SemaphoreType.DMA],
    )
    def k(e2_hbm, w2_hbm, out_hbm, w2_v, rows_v, sem):
        wid = lax.axis_index("s") * _SC_NC + lax.axis_index("c")
        base = wid * _CH
        pltpu.sync_copy(w2_hbm.at[pl.ds(base, _CH)], w2_v)
        copies = []
        for i in range(_NSUB):
            sl = pl.ds(i * _SUB, _SUB)
            copies.append(pltpu.async_copy(e2_hbm.at[w2_v.at[sl]],
                                           rows_v.at[pl.ds(i * _SUB, _SUB)],
                                           sem))
        for c in copies:
            c.wait()
        pltpu.sync_copy(rows_v, out_hbm.at[pl.ds(base, _CH)])

    return k(e2chk, w2c)


def _row(v):
    return v.reshape(1, -1)


def kernel(x, t, pos, edge_index_local, edge_index_global, batch,
           batch_edge_global, params):
    p = params
    src = edge_index_global[0].astype(jnp.int32)
    tgt = edge_index_global[1].astype(jnp.int32)
    beg = batch_edge_global.astype(jnp.int32)
    batch = batch.astype(jnp.int32)
    pos8 = jnp.pad(pos, ((0, 0), (0, 5)))

    scol = src.reshape(E, 1)
    tcol = tgt.reshape(E, 1)
    gcol = beg.reshape(E, 1)
    bcol = batch.reshape(N, 1)
    brow = batch.reshape(1, N)

    wmsg0, wmsg1 = p['Wmsg0'], p['Wmsg1']
    ws1_0, ws2_0 = wmsg0[:SDIM], wmsg0[SDIM:2 * SDIM]
    we_0, wd_0 = wmsg0[2 * SDIM:2 * SDIM + EDIM], _row(wmsg0[2 * SDIM + EDIM])
    ws1_1, ws2_1 = wmsg1[:SDIM], wmsg1[SDIM:2 * SDIM]
    we_1, wd_1 = wmsg1[2 * SDIM:2 * SDIM + EDIM], _row(wmsg1[2 * SDIM + EDIM])
    w0f, w0d = p['W0'][:SDIM], _row(p['W0'][SDIM])
    w1p = jnp.pad(p['W1'], ((0, 0), (0, 3)))
    b1p = _row(jnp.pad(p['b1'], (0, 3)))

    f32 = jnp.float32
    full = lambda shape: pl.BlockSpec(shape, lambda i: (0,) * len(shape))
    ecol = pl.BlockSpec((B, 1), lambda i: (i, 0))
    eblk = lambda w: pl.BlockSpec((B, w), lambda i: (i, 0))

    s, posc, ta1, ta2, u = pl.pallas_call(
        _node_prep_kernel,
        out_shape=[jax.ShapeDtypeStruct((N, SDIM), f32),
                   jax.ShapeDtypeStruct((N, 8), f32),
                   jax.ShapeDtypeStruct((N, SDIM + 16), _BF),
                   jax.ShapeDtypeStruct((N, SDIM + 48), _BF),
                   jax.ShapeDtypeStruct((G, EDIM), f32)],
    )(x, t, pos8, bcol, brow, p['Wta'], _row(p['bta']), p['Wtb'],
      _row(p['btb']), p['Wam'], _row(p['bam']), p['Watm'], _row(p['batm']),
      p['Wbm'], _row(p['bbm']), p['Wbtm'], _row(p['bbtm']), ws1_0, ws2_0)

    e1, rnd, cnt8, segm0, segmv0 = pl.pallas_call(
        _layer0_kernel,
        grid=(NB,),
        in_specs=[ecol, ecol, ecol, full((N, SDIM + 48)),
                  full((N, SDIM + 16)), full((G, EDIM)),
                  full((EDIM, SDIM)), full((1, SDIM)), full((1, SDIM)),
                  full((SDIM, VDIM)), full((SDIM, EDIM))],
        out_specs=[eblk(EDIM), eblk(8), full((N, 8)), full((N, SDIM)),
                   full((N, 3 * VDIM))],
        out_shape=[jax.ShapeDtypeStruct((E, EDIM), f32),
                   jax.ShapeDtypeStruct((E, 8), f32),
                   jax.ShapeDtypeStruct((N, 8), f32),
                   jax.ShapeDtypeStruct((N, SDIM), f32),
                   jax.ShapeDtypeStruct((N, 3 * VDIM), f32)],
    )(scol, tcol, gcol, ta2, ta1, u, we_0, wd_0, _row(p['bmsg0']),
      p['Wvg0'], p['Weu0'])

    layer_call = pl.pallas_call(
        _layer_kernel,
        grid=(NB,),
        in_specs=[ecol, ecol, eblk(EDIM), eblk(8),
                  full((N, SDIM)), full((N, SDIM)), full((EDIM, SDIM)),
                  full((1, SDIM)), full((1, SDIM)), full((SDIM, VDIM)),
                  full((SDIM, EDIM))],
        out_specs=[eblk(48), full((N, SDIM)), full((N, 3 * VDIM))],
        out_shape=[jax.ShapeDtypeStruct((E, 48), f32),
                   jax.ShapeDtypeStruct((N, SDIM), f32),
                   jax.ShapeDtypeStruct((N, 3 * VDIM), f32)],
    )
    node_update = pl.pallas_call(
        _node_update_kernel,
        out_shape=[jax.ShapeDtypeStruct((N, SDIM), f32),
                   jax.ShapeDtypeStruct((N, 3 * VDIM), f32),
                   jax.ShapeDtypeStruct((N, SDIM), _BF),
                   jax.ShapeDtypeStruct((N, SDIM), _BF)],
    )

    s1, v0, a1b, a2b = node_update(s, segm0, segmv0, cnt8,
                                   p['Wupd0'], ws1_1, ws2_1)
    e2chk, segm1, segmv1 = layer_call(scol, tcol, e1, rnd, a1b, a2b,
                                   we_1, wd_1, _row(p['bmsg1']),
                                   p['Wvg1'], p['Weu1'])
    s2f, v1, _, _ = node_update(s1, segm1, segmv1, cnt8,
                                p['Wupd1'], ws1_1, ws2_1)

    z, c16, wb2, c0v = pl.pallas_call(
        _final_node_kernel,
        out_shape=[jax.ShapeDtypeStruct((N, SDIM), _BF),
                   jax.ShapeDtypeStruct((N, 16), _BF),
                   jax.ShapeDtypeStruct((EDIM, SDIM), f32),
                   jax.ShapeDtypeStruct((1, SDIM), f32)],
    )(s2f, v0, v1, posc, bcol, brow, p['Wsm'], _row(p['bsm']), w0f,
      p['Wcoord'], p['Wbond'], _row(p['bbond']), _row(p['b0']))

    key1 = src * N + tgt
    key2 = tgt * N + src
    ids = jnp.arange(E, dtype=jnp.int32)
    tbl = _sc_scatter_ids(key1.reshape(E // _SUB, _SUB),
                          ids.reshape(E // _SUB, _SUB))
    w2c = _sc_resolve(tbl, key2)
    r2chk = _sc_row_gather(e2chk, w2c)

    outp = pl.pallas_call(
        _final_edge_kernel,
        grid=(NB,),
        in_specs=[ecol, ecol, eblk(48), eblk(48), full((N, SDIM)),
                  full((N, 16)), full((EDIM, SDIM)), full((1, SDIM)),
                  full((1, SDIM)), full((SDIM, 8)), full((1, 8))],
        out_specs=eblk(8),
        out_shape=jax.ShapeDtypeStruct((E, 8), f32),
    )(tcol, scol, e2chk, r2chk, z, c16, wb2, c0v, w0d, w1p, b1p)

    return outp[:, :NBOND]

# --- scband reference (transcript-rebuilt; emitter-appended) ---
"""Pipeline reference for scband-edge-prediction-network-58815282151679 (READ-ONLY COPY).

The authoritative reference and input builder live on the scoring server;
editing this copy changes nothing except your own understanding.
"""

import jax, jax.numpy as jnp
import numpy as np

N = 1024
E = 65536
G = 32
F = 16
SDIM = 256
VDIM = 64
EDIM = 32
NBOND = 5
NLAYERS = 2


def _w(key, shape, scale=0.02):
    return jax.random.normal(key, shape, dtype=jnp.float32) * scale


def make_params(key):
    keys = jax.random.split(key, 64)
    it = iter(range(64))
    nxt = lambda: keys[next(it)]
    p = {}
    p['Wta'] = _w(nxt(), (1, SDIM)); p['bta'] = jnp.zeros((SDIM,), jnp.float32)
    p['Wtb'] = _w(nxt(), (1, EDIM)); p['btb'] = jnp.zeros((EDIM,), jnp.float32)
    p['Wam'] = _w(nxt(), (F, SDIM)); p['bam'] = jnp.zeros((SDIM,), jnp.float32)
    p['Watm'] = _w(nxt(), (SDIM, SDIM)); p['batm'] = jnp.zeros((SDIM,), jnp.float32)
    p['Wbm'] = _w(nxt(), (F, EDIM)); p['bbm'] = jnp.zeros((EDIM,), jnp.float32)
    p['Wbtm'] = _w(nxt(), (EDIM, EDIM)); p['bbtm'] = jnp.zeros((EDIM,), jnp.float32)
    for l in range(NLAYERS):
        p['Wmsg%d' % l] = _w(nxt(), (2 * SDIM + EDIM + 1, SDIM))
        p['bmsg%d' % l] = jnp.zeros((SDIM,), jnp.float32)
        p['Wupd%d' % l] = _w(nxt(), (SDIM, SDIM))
        p['Wvg%d' % l] = _w(nxt(), (SDIM, VDIM))
        p['Weu%d' % l] = _w(nxt(), (SDIM, EDIM))
    p['Wsm'] = _w(nxt(), (SDIM, SDIM)); p['bsm'] = jnp.zeros((SDIM,), jnp.float32)
    p['Wbond'] = _w(nxt(), (EDIM, SDIM)); p['bbond'] = jnp.zeros((SDIM,), jnp.float32)
    p['W0'] = _w(nxt(), (SDIM + 1, SDIM)); p['b0'] = jnp.zeros((SDIM,), jnp.float32)
    p['W1'] = _w(nxt(), (SDIM, NBOND)); p['b1'] = jnp.zeros((NBOND,), jnp.float32)
    p['Wcoord'] = _w(nxt(), (VDIM, 1))
    return p


def scatter_mean(vals, idx, num):
    s = jax.ops.segment_sum(vals, idx, num_segments=num)
    cnt = jax.ops.segment_sum(jnp.ones((vals.shape[0],), jnp.float32), idx, num_segments=num)
    cnt = jnp.clip(cnt, 1.0)
    return s / cnt.reshape((num,) + (1,) * (vals.ndim - 1))


def setup_inputs(seed: int = 0) -> dict:
    key = jax.random.key(seed)
    ks = jax.random.split(key, 10)
    x = jax.random.normal(ks[0], (N, F), dtype=jnp.float32)
    t = jax.random.uniform(ks[1], (G, 1), dtype=jnp.float32)
    pos = jax.random.normal(ks[2], (N, 3), dtype=jnp.float32)
    edge_index_local = jax.random.randint(ks[3], (2, E), 0, N)
    edge_index_global = jax.random.randint(ks[4], (2, E), 0, N)
    batch = jnp.sort(jax.random.randint(ks[5], (N,), 0, G))
    batch_edge_global = jax.random.randint(ks[6], (E,), 0, G)
    params = make_params(ks[7])
    return {'x': x, 't': t, 'pos': pos, 'edge_index_local': edge_index_local,
            'edge_index_global': edge_index_global, 'batch': batch,
            'batch_edge_global': batch_edge_global, 'params': params}


def _forward(x, t, pos, batch, ei, beg, params):
    pos = pos - scatter_mean(pos, batch, G)[batch]
    ta = t @ params['Wta'] + params['bta']
    tb = t @ params['Wtb'] + params['btb']
    tnode = ta[batch]
    tedge = tb[beg]
    s = x @ params['Wam'] + params['bam']
    s = (s + tnode) @ params['Watm'] + params['batm']
    ea = x[ei[1]]
    e = ea @ params['Wbm'] + params['bbm']
    e = (e + tedge) @ params['Wbtm'] + params['bbtm']
    src, tgt = ei[0], ei[1]
    r = pos[tgt] - pos[src]
    d = jnp.sqrt(jnp.clip((r ** 2).sum(-1), 1e-6))
    rn = r / (1.0 + d[:, None])
    v = jnp.zeros((x.shape[0], 3, VDIM), jnp.float32)
    for l in range(NLAYERS):
        feat = jnp.concatenate([s[src], s[tgt], e, d[:, None]], axis=-1)
        m = jax.nn.silu(feat @ params['Wmsg%d' % l] + params['bmsg%d' % l])
        s = s + scatter_mean(m, tgt, N) @ params['Wupd%d' % l]
        gate = m @ params['Wvg%d' % l]
        mv = rn[:, :, None] * gate[:, None, :]
        v = v + scatter_mean(mv, tgt, N)
        e = e + m @ params['Weu%d' % l]
    s2 = jax.nn.silu(s @ params['Wsm'] + params['bsm'])
    coords = (v @ params['Wcoord'])[..., 0]
    coords = pos + coords
    coords = coords - scatter_mean(coords, batch, G)[batch]
    e_dense = jnp.zeros((N, N, EDIM), jnp.float32).at[ei[0], ei[1]].set(e)
    e_dense = 0.5 * (e_dense + e_dense.transpose(1, 0, 2))
    e = e_dense[ei[0], ei[1]]
    j_idx, i_idx = ei[0], ei[1]
    dd = ((coords[i_idx] - coords[j_idx]) ** 2).sum(-1, keepdims=True)
    f = s2[i_idx] + s2[j_idx] + (e @ params['Wbond'] + params['bbond'])
    edge = jnp.concatenate([f, dd], axis=-1)
    h = jax.nn.silu(edge @ params['W0'] + params['b0'])
    out = h @ params['W1'] + params['b1']
    return out


def reference(x, t, pos, edge_index_local, edge_index_global, batch, batch_edge_global, params):
    return _forward(x, t, pos, batch, edge_index_global, batch_edge_global, params)

if __name__ == "__main__":
    import jax
    _d = setup_inputs()
    print(jax.jit(kernel)(*tuple(_d.values())))

</pallas_src>

<mosaic_0001>
#map = affine_map<(d0, d1) -> (0, 0)>
#map1 = affine_map<(d0, d1) -> (0)>
module attributes {stable_mosaic.version = 14 : i64} {
  func.func @k(%arg0: i32, %arg1: i32, %arg2: memref<512x128xi32, #tpu.memory_space<hbm>>, %arg3: memref<512x128xi32, #tpu.memory_space<hbm>>, %arg4: memref<1048576xi32, #tpu.memory_space<hbm>>, %arg5: memref<16x128xi32, #tpu.memory_space<vmem>>, %arg6: memref<16x128xi32, #tpu.memory_space<vmem>>, %arg7: memref<!tpu.dma_semaphore, #tpu.memory_space<semaphore_mem>>) attributes {dimension_semantics = [#tpu.dimension_semantics<core_parallel>, #tpu.dimension_semantics<subcore_parallel>], iteration_bounds = array<i64: 2, 16>, scalar_prefetch = 0 : i64, scratch_operands = 3 : i64, tpu.core_type = #tpu.core_type<sc_vector_subcore>, window_params = [{transform_indices = #map}, {transform_indices = #map}, {transform_indices = #map1}]} {
    %mul3A = arith.constant 2 : i32
    %mul3A_0 = arith.muli %arg1, %mul3A : i32
    %add3A = arith.addi %mul3A_0, %arg0 : i32
    %mul3A_1 = arith.constant 16 : i32
    %mul3A_2 = arith.muli %add3A, %mul3A_1 : i32
    "tpu.region"() ({
      %run_scoped3A = tpu.sem_alloc : memref<!tpu.dma_semaphore, #tpu.memory_space<semaphore_mem>>
      %dma_start3A_321 = arith.constant 0 : i32
      %dma_start3A_322 = tpu.memref_slice %arg2[%mul3A_2, %dma_start3A_321] : memref<512x128xi32, #tpu.memory_space<hbm>> -> memref<16x128xi32, #tpu.memory_space<hbm>>
      %dma_start3A_323 = arith.constant 0 : i32
      %dma_start3A_324 = tpu.memref_slice %arg2[%mul3A_2, %dma_start3A_323] : memref<512x128xi32, #tpu.memory_space<hbm>> -> memref<16x128xi32, #tpu.memory_space<hbm>>
      tpu.enqueue_dma source(%dma_start3A_324 : memref<16x128xi32, #tpu.memory_space<hbm>>) target(%arg5 : memref<16x128xi32, #tpu.memory_space<vmem>>) target_semaphore(%run_scoped3A : memref<!tpu.dma_semaphore, #tpu.memory_space<semaphore_mem>>)
      %dma_wait3A_325 = arith.constant 0 : i32
      %dma_wait3A_326 = tpu.memref_slice %arg2[%mul3A_2, %dma_wait3A_325] : memref<512x128xi32, #tpu.memory_space<hbm>> -> memref<16x128xi32, #tpu.memory_space<hbm>>
      %dma_wait3A_327 = arith.constant 0 : i32
      %dma_wait3A_328 = tpu.memref_slice %arg2[%mul3A_2, %dma_wait3A_327] : memref<512x128xi32, #tpu.memory_space<hbm>> -> memref<16x128xi32, #tpu.memory_space<hbm>>
      tpu.wait_dma2 semaphore(%run_scoped3A : memref<!tpu.dma_semaphore, #tpu.memory_space<semaphore_mem>>) src(%dma_wait3A_328 : memref<16x128xi32, #tpu.memory_space<hbm>>) dst(%arg5 : memref<16x128xi32, #tpu.memory_space<vmem>>)
      tpu.yield
    }) : () -> ()
    "tpu.region"() ({
      %run_scoped3A = tpu.sem_alloc : memref<!tpu.dma_semaphore, #tpu.memory_space<semaphore_mem>>
      %dma_start3A_321 = arith.constant 0 : i32
      %dma_start3A_322 = tpu.memref_slice %arg3[%mul3A_2, %dma_start3A_321] : memref<512x128xi32, #tpu.memory_space<hbm>> -> memref<16x128xi32, #tpu.memory_space<hbm>>
      %dma_start3A_323 = arith.constant 0 : i32
      %dma_start3A_324 = tpu.memref_slice %arg3[%mul3A_2, %dma_start3A_323] : memref<512x128xi32, #tpu.memory_space<hbm>> -> memref<16x128xi32, #tpu.memory_space<hbm>>
      tpu.enqueue_dma source(%dma_start3A_324 : memref<16x128xi32, #tpu.memory_space<hbm>>) target(%arg6 : memref<16x128xi32, #tpu.memory_space<vmem>>) target_semaphore(%run_scoped3A : memref<!tpu.dma_semaphore, #tpu.memory_space<semaphore_mem>>)
      %dma_wait3A_325 = arith.constant 0 : i32
      %dma_wait3A_326 = tpu.memref_slice %arg3[%mul3A_2, %dma_wait3A_325] : memref<512x128xi32, #tpu.memory_space<hbm>> -> memref<16x128xi32, #tpu.memory_space<hbm>>
      %dma_wait3A_327 = arith.constant 0 : i32
      %dma_wait3A_328 = tpu.memref_slice %arg3[%mul3A_2, %dma_wait3A_327] : memref<512x128xi32, #tpu.memory_space<hbm>> -> memref<16x128xi32, #tpu.memory_space<hbm>>
      tpu.wait_dma2 semaphore(%run_scoped3A : memref<!tpu.dma_semaphore, #tpu.memory_space<semaphore_mem>>) src(%dma_wait3A_328 : memref<16x128xi32, #tpu.memory_space<hbm>>) dst(%arg6 : memref<16x128xi32, #tpu.memory_space<vmem>>)
      tpu.yield
    }) : () -> ()
    %dma_start3A = arith.constant 0 : i32
    %dma_start3A_3 = arith.constant 0 : i32
    %dma_start3A_4 = arith.constant 0 : i32
    %dma_start3A_5 = tpu.memref_slice %arg6[%dma_start3A, %dma_start3A_4] : memref<16x128xi32, #tpu.memory_space<vmem>> -> memref<1x128xi32, #tpu.memory_space<vmem>>
    %dma_start3A_6 = tpu.memref_squeeze %dma_start3A_5 : memref<1x128xi32, #tpu.memory_space<vmem>> -> memref<128xi32, #tpu.memory_space<vmem>>
    %dma_start3A_7 = arith.constant 0 : i32
    %dma_start3A_8 = tpu.memref_slice %arg5[%dma_start3A_3, %dma_start3A_7] : memref<16x128xi32, #tpu.memory_space<vmem>> -> memref<1x128xi32, #tpu.memory_space<vmem>>
    %dma_start3A_9 = tpu.memref_squeeze %dma_start3A_8 : memref<1x128xi32, #tpu.memory_space<vmem>> -> memref<128xi32, #tpu.memory_space<vmem>>
    %dma_start3A_10 = arith.constant 0 : i32
    %dma_start3A_11 = tpu.memref_slice %arg4[%dma_start3A_10] : memref<1048576xi32, #tpu.memory_space<hbm>> -> memref<1048576xi32, #tpu.memory_space<hbm>>
    tpu.enqueue_indirect_dma source(%dma_start3A_6 : memref<128xi32, #tpu.memory_space<vmem>>) target(%dma_start3A_11 : memref<1048576xi32, #tpu.memory_space<hbm>>) offsets(%dma_start3A_9 : memref<128xi32, #tpu.memory_space<vmem>>) semaphore(%arg7 : memref<!tpu.dma_semaphore, #tpu.memory_space<semaphore_mem>>)
    %dma_start3A_12 = arith.constant 1 : i32
    %dma_start3A_13 = arith.constant 1 : i32
    %dma_start3A_14 = arith.constant 0 : i32
    %dma_start3A_15 = tpu.memref_slice %arg6[%dma_start3A_12, %dma_start3A_14] : memref<16x128xi32, #tpu.memory_space<vmem>> -> memref<1x128xi32, #tpu.memory_space<vmem>>
    %dma_start3A_16 = tpu.memref_squeeze %dma_start3A_15 : memref<1x128xi32, #tpu.memory_space<vmem>> -> memref<128xi32, #tpu.memory_space<vmem>>
    %dma_start3A_17 = arith.constant 0 : i32
    %dma_start3A_18 = tpu.memref_slice %arg5[%dma_start3A_13, %dma_start3A_17] : memref<16x128xi32, #tpu.memory_space<vmem>> -> memref<1x128xi32, #tpu.memory_space<vmem>>
    %dma_start3A_19 = tpu.memref_squeeze %dma_start3A_18 : memref<1x128xi32, #tpu.memory_space<vmem>> -> memref<128xi32, #tpu.memory_space<vmem>>
    %dma_start3A_20 = arith.constant 0 : i32
    %dma_start3A_21 = tpu.memref_slice %arg4[%dma_start3A_20] : memref<1048576xi32, #tpu.memory_space<hbm>> -> memref<1048576xi32, #tpu.memory_space<hbm>>
    tpu.enqueue_indirect_dma source(%dma_start3A_16 : memref<128xi32, #tpu.memory_space<vmem>>) target(%dma_start3A_21 : memref<1048576xi32, #tpu.memory_space<hbm>>) offsets(%dma_start3A_19 : memref<128xi32, #tpu.memory_space<vmem>>) semaphore(%arg7 : memref<!tpu.dma_semaphore, #tpu.memory_space<semaphore_mem>>)
    %dma_start3A_22 = arith.constant 2 : i32
    %dma_start3A_23 = arith.constant 2 : i32
    %dma_start3A_24 = arith.constant 0 : i32
    %dma_start3A_25 = tpu.memref_slice %arg6[%dma_start3A_22, %dma_start3A_24] : memref<16x128xi32, #tpu.memory_space<vmem>> -> memref<1x128xi32, #tpu.memory_space<vmem>>
    %dma_start3A_26 = tpu.memref_squeeze %dma_start3A_25 : memref<1x128xi32, #tpu.memory_space<vmem>> -> memref<128xi32, #tpu.memory_space<vmem>>
    %dma_start3A_27 = arith.constant 0 : i32
    %dma_start3A_28 = tpu.memref_slice %arg5[%dma_start3A_23, %dma_start3A_27] : memref<16x128xi32, #tpu.memory_space<vmem>> -> memref<1x128xi32, #tpu.memory_space<vmem>>
    %dma_start3A_29 = tpu.memref_squeeze %dma_start3A_28 : memref<1x128xi32, #tpu.memory_space<vmem>> -> memref<128xi32, #tpu.memory_space<vmem>>
    %dma_start3A_30 = arith.constant 0 : i32
    %dma_start3A_31 = tpu.memref_slice %arg4[%dma_start3A_30] : memref<1048576xi32, #tpu.memory_space<hbm>> -> memref<1048576xi32, #tpu.memory_space<hbm>>
    tpu.enqueue_indirect_dma source(%dma_start3A_26 : memref<128xi32, #tpu.memory_space<vmem>>) target(%dma_start3A_31 : memref<1048576xi32, #tpu.memory_space<hbm>>) offsets(%dma_start3A_29 : memref<128xi32, #tpu.memory_space<vmem>>) semaphore(%arg7 : memref<!tpu.dma_semaphore, #tpu.memory_space<semaphore_mem>>)
    %dma_start3A_32 = arith.constant 3 : i32
    %dma_start3A_33 = arith.constant 3 : i32
    %dma_start3A_34 = arith.constant 0 : i32
    %dma_start3A_35 = tpu.memref_slice %arg6[%dma_start3A_32, %dma_start3A_34] : memref<16x128xi32, #tpu.memory_space<vmem>> -> memref<1x128xi32, #tpu.memory_space<vmem>>
    %dma_start3A_36 = tpu.memref_squeeze %dma_start3A_35 : memref<1x128xi32, #tpu.memory_space<vmem>> -> memref<128xi32, #tpu.memory_space<vmem>>
    %dma_start3A_37 = arith.constant 0 : i32
    %dma_start3A_38 = tpu.memref_slice %arg5[%dma_start3A_33, %dma_start3A_37] : memref<16x128xi32, #tpu.memory_space<vmem>> -> memref<1x128xi32, #tpu.memory_space<vmem>>
    %dma_start3A_39 = tpu.memref_squeeze %dma_start3A_38 : memref<1x128xi32, #tpu.memory_space<vmem>> -> memref<128xi32, #tpu.memory_space<vmem>>
    %dma_start3A_40 = arith.constant 0 : i32
    %dma_start3A_41 = tpu.memref_slice %arg4[%dma_start3A_40] : memref<1048576xi32, #tpu.memory_space<hbm>> -> memref<1048576xi32, #tpu.memory_space<hbm>>
    tpu.enqueue_indirect_dma source(%dma_start3A_36 : memref<128xi32, #tpu.memory_space<vmem>>) target(%dma_start3A_41 : memref<1048576xi32, #tpu.memory_space<hbm>>) offsets(%dma_start3A_39 : memref<128xi32, #tpu.memory_space<vmem>>) semaphore(%arg7 : memref<!tpu.dma_semaphore, #tpu.memory_space<semaphore_mem>>)
    %dma_start3A_42 = arith.constant 4 : i32
    %dma_start3A_43 = arith.constant 4 : i32
    %dma_start3A_44 = arith.constant 0 : i32
    %dma_start3A_45 = tpu.memref_slice %arg6[%dma_start3A_42, %dma_start3A_44] : memref<16x128xi32, #tpu.memory_space<vmem>> -> memref<1x128xi32, #tpu.memory_space<vmem>>
    %dma_start3A_46 = tpu.memref_squeeze %dma_start3A_45 : memref<1x128xi32, #tpu.memory_space<vmem>> -> memref<128xi32, #tpu.memory_space<vmem>>
    %dma_start3A_47 = arith.constant 0 : i32
    %dma_start3A_48 = tpu.memref_slice %arg5[%dma_start3A_43, %dma_start3A_47] : memref<16x128xi32, #tpu.memory_space<vmem>> -> memref<1x128xi32, #tpu.memory_space<vmem>>
    %dma_start3A_49 = tpu.memref_squeeze %dma_start3A_48 : memref<1x128xi32, #tpu.memory_space<vmem>> -> memref<128xi32, #tpu.memory_space<vmem>>
    %dma_start3A_50 = arith.constant 0 : i32
    %dma_start3A_51 = tpu.memref_slice %arg4[%dma_start3A_50] : memref<1048576xi32, #tpu.memory_space<hbm>> -> memref<1048576xi32, #tpu.memory_space<hbm>>
    tpu.enqueue_indirect_dma source(%dma_start3A_46 : memref<128xi32, #tpu.memory_space<vmem>>) target(%dma_start3A_51 : memref<1048576xi32, #tpu.memory_space<hbm>>) offsets(%dma_start3A_49 : memref<128xi32, #tpu.memory_space<vmem>>) semaphore(%arg7 : memref<!tpu.dma_semaphore, #tpu.memory_space<semaphore_mem>>)
    %dma_start3A_52 = arith.constant 5 : i32
    %dma_start3A_53 = arith.constant 5 : i32
    %dma_start3A_54 = arith.constant 0 : i32
    %dma_start3A_55 = tpu.memref_slice %arg6[%dma_start3A_52, %dma_start3A_54] : memref<16x128xi32, #tpu.memory_space<vmem>> -> memref<1x128xi32, #tpu.memory_space<vmem>>
    %dma_start3A_56 = tpu.memref_squeeze %dma_start3A_55 : memref<1x128xi32, #tpu.memory_space<vmem>> -> memref<128xi32, #tpu.memory_space<vmem>>
    %dma_start3A_57 = arith.constant 0 : i32
    %dma_start3A_58 = tpu.memref_slice %arg5[%dma_start3A_53, %dma_start3A_57] : memref<16x128xi32, #tpu.memory_space<vmem>> -> memref<1x128xi32, #tpu.memory_space<vmem>>
    %dma_start3A_59 = tpu.memref_squeeze %dma_start3A_58 : memref<1x128xi32, #tpu.memory_space<vmem>> -> memref<128xi32, #tpu.memory_space<vmem>>
    %dma_start3A_60 = arith.constant 0 : i32
    %dma_start3A_61 = tpu.memref_slice %arg4[%dma_start3A_60] : memref<1048576xi32, #tpu.memory_space<hbm>> -> memref<1048576xi32, #tpu.memory_space<hbm>>
    tpu.enqueue_indirect_dma source(%dma_start3A_56 : memref<128xi32, #tpu.memory_space<vmem>>) target(%dma_start3A_61 : memref<1048576xi32, #tpu.memory_space<hbm>>) offsets(%dma_start3A_59 : memref<128xi32, #tpu.memory_space<vmem>>) semaphore(%arg7 : memref<!tpu.dma_semaphore, #tpu.memory_space<semaphore_mem>>)
    %dma_start3A_62 = arith.constant 6 : i32
    %dma_start3A_63 = arith.constant 6 : i32
    %dma_start3A_64 = arith.constant 0 : i32
    %dma_start3A_65 = tpu.memref_slice %arg6[%dma_start3A_62, %dma_start3A_64] : memref<16x128xi32, #tpu.memory_space<vmem>> -> memref<1x128xi32, #tpu.memory_space<vmem>>
    %dma_start3A_66 = tpu.memref_squeeze %dma_start3A_65 : memref<1x128xi32, #tpu.memory_space<vmem>> -> memref<128xi32, #tpu.memory_space<vmem>>
    %dma_start3A_67 = arith.constant 0 : i32
    %dma_start3A_68 = tpu.memref_slice %arg5[%dma_start3A_63, %dma_start3A_67] : memref<16x128xi32, #tpu.memory_space<vmem>> -> memref<1x128xi32, #tpu.memory_space<vmem>>
    %dma_start3A_69 = tpu.memref_squeeze %dma_start3A_68 : memref<1x128xi32, #tpu.memory_space<vmem>> -> memref<128xi32, #tpu.memory_space<vmem>>
    %dma_start3A_70 = arith.constant 0 : i32
    %dma_start3A_71 = tpu.memref_slice %arg4[%dma_start3A_70] : memref<1048576xi32, #tpu.memory_space<hbm>> -> memref<1048576xi32, #tpu.memory_space<hbm>>
    tpu.enqueue_indirect_dma source(%dma_start3A_66 : memref<128xi32, #tpu.memory_space<vmem>>) target(%dma_start3A_71 : memref<1048576xi32, #tpu.memory_space<hbm>>) offsets(%dma_start3A_69 : memref<128xi32, #tpu.memory_space<vmem>>) semaphore(%arg7 : memref<!tpu.dma_semaphore, #tpu.memory_space<semaphore_mem>>)
    %dma_start3A_72 = arith.constant 7 : i32
    %dma_start3A_73 = arith.constant 7 : i32
    %dma_start3A_74 = arith.constant 0 : i32
    %dma_start3A_75 = tpu.memref_slice %arg6[%dma_start3A_72, %dma_start3A_74] : memref<16x128xi32, #tpu.memory_space<vmem>> -> memref<1x128xi32, #tpu.memory_space<vmem>>
    %dma_start3A_76 = tpu.memref_squeeze %dma_start3A_75 : memref<1x128xi32, #tpu.memory_space<vmem>> -> memref<128xi32, #tpu.memory_space<vmem>>
    %dma_start3A_77 = arith.constant 0 : i32
    %dma_start3A_78 = tpu.memref_slice %arg5[%dma_start3A_73, %dma_start3A_77] : memref<16x128xi32, #tpu.memory_space<vmem>> -> memref<1x128xi32, #tpu.memory_space<vmem>>
    %dma_start3A_79 = tpu.memref_squeeze %dma_start3A_78 : memref<1x128xi32, #tpu.memory_space<vmem>> -> memref<128xi32, #tpu.memory_space<vmem>>
    %dma_start3A_80 = arith.constant 0 : i32
    %dma_start3A_81 = tpu.memref_slice %arg4[%dma_start3A_80] : memref<1048576xi32, #tpu.memory_space<hbm>> -> memref<1048576xi32, #tpu.memory_space<hbm>>
    tpu.enqueue_indirect_dma source(%dma_start3A_76 : memref<128xi32, #tpu.memory_space<vmem>>) target(%dma_start3A_81 : memref<1048576xi32, #tpu.memory_space<hbm>>) offsets(%dma_start3A_79 : memref<128xi32, #tpu.memory_space<vmem>>) semaphore(%arg7 : memref<!tpu.dma_semaphore, #tpu.memory_space<semaphore_mem>>)
    %dma_start3A_82 = arith.constant 8 : i32
    %dma_start3A_83 = arith.constant 8 : i32
    %dma_start3A_84 = arith.constant 0 : i32
    %dma_start3A_85 = tpu.memref_slice %arg6[%dma_start3A_82, %dma_start3A_84] : memref<16x128xi32, #tpu.memory_space<vmem>> -> memref<1x128xi32, #tpu.memory_space<vmem>>
    %dma_start3A_86 = tpu.memref_squeeze %dma_start3A_85 : memref<1x128xi32, #tpu.memory_space<vmem>> -> memref<128xi32, #tpu.memory_space<vmem>>
    %dma_start3A_87 = arith.constant 0 : i32
    %dma_start3A_88 = tpu.memref_slice %arg5[%dma_start3A_83, %dma_start3A_87] : memref<16x128xi32, #tpu.memory_space<vmem>> -> memref<1x128xi32, #tpu.memory_space<vmem>>
    %dma_start3A_89 = tpu.memref_squeeze %dma_start3A_88 : memref<1x128xi32, #tpu.memory_space<vmem>> -> memref<128xi32, #tpu.memory_space<vmem>>
    %dma_start3A_90 = arith.constant 0 : i32
    %dma_start3A_91 = tpu.memref_slice %arg4[%dma_start3A_90] : memref<1048576xi32, #tpu.memory_space<hbm>> -> memref<1048576xi32, #tpu.memory_space<hbm>>
    tpu.enqueue_indirect_dma source(%dma_start3A_86 : memref<128xi32, #tpu.memory_space<vmem>>) target(%dma_start3A_91 : memref<1048576xi32, #tpu.memory_space<hbm>>) offsets(%dma_start3A_89 : memref<128xi32, #tpu.memory_space<vmem>>) semaphore(%arg7 : memref<!tpu.dma_semaphore, #tpu.memory_space<semaphore_mem>>)
    %dma_start3A_92 = arith.constant 9 : i32
    %dma_start3A_93 = arith.constant 9 : i32
    %dma_start3A_94 = arith.constant 0 : i32
    %dma_start3A_95 = tpu.memref_slice %arg6[%dma_start3A_92, %dma_start3A_94] : memref<16x128xi32, #tpu.memory_space<vmem>> -> memref<1x128xi32, #tpu.memory_space<vmem>>
    %dma_start3A_96 = tpu.memref_squeeze %dma_start3A_95 : memref<1x128xi32, #tpu.memory_space<vmem>> -> memref<128xi32, #tpu.memory_space<vmem>>
    %dma_start3A_97 = arith.constant 0 : i32
    %dma_start3A_98 = tpu.memref_slice %arg5[%dma_start3A_93, %dma_start3A_97] : memref<16x128xi32, #tpu.memory_space<vmem>> -> memref<1x128xi32, #tpu.memory_space<vmem>>
    %dma_start3A_99 = tpu.memref_squeeze %dma_start3A_98 : memref<1x128xi32, #tpu.memory_space<vmem>> -> memref<128xi32, #tpu.memory_space<vmem>>
    %dma_start3A_100 = arith.constant 0 : i32
    %dma_start3A_101 = tpu.memref_slice %arg4[%dma_start3A_100] : memref<1048576xi32, #tpu.memory_space<hbm>> -> memref<1048576xi32, #tpu.memory_space<hbm>>
    tpu.enqueue_indirect_dma source(%dma_start3A_96 : memref<128xi32, #tpu.memory_space<vmem>>) target(%dma_start3A_101 : memref<1048576xi32, #tpu.memory_space<hbm>>) offsets(%dma_start3A_99 : memref<128xi32, #tpu.memory_space<vmem>>) semaphore(%arg7 : memref<!tpu.dma_semaphore, #tpu.memory_space<semaphore_mem>>)
    %dma_start3A_102 = arith.constant 10 : i32
    %dma_start3A_103 = arith.constant 10 : i32
    %dma_start3A_104 = arith.constant 0 : i32
    %dma_start3A_105 = tpu.memref_slice %arg6[%dma_start3A_102, %dma_start3A_104] : memref<16x128xi32, #tpu.memory_space<vmem>> -> memref<1x128xi32, #tpu.memory_space<vmem>>
    %dma_start3A_106 = tpu.memref_squeeze %dma_start3A_105 : memref<1x128xi32, #tpu.memory_space<vmem>> -> memref<128xi32, #tpu.memory_space<vmem>>
    %dma_start3A_107 = arith.constant 0 : i32
    %dma_start3A_108 = tpu.memref_slice %arg5[%dma_start3A_103, %dma_start3A_107] : memref<16x128xi32, #tpu.memory_space<vmem>> -> memref<1x128xi32, #tpu.memory_space<vmem>>
    %dma_start3A_109 = tpu.memref_squeeze %dma_start3A_108 : memref<1x128xi32, #tpu.memory_space<vmem>> -> memref<128xi32, #tpu.memory_space<vmem>>
    %dma_start3A_110 = arith.constant 0 : i32
    %dma_start3A_111 = tpu.memref_slice %arg4[%dma_start3A_110] : memref<1048576xi32, #tpu.memory_space<hbm>> -> memref<1048576xi32, #tpu.memory_space<hbm>>
    tpu.enqueue_indirect_dma source(%dma_start3A_106 : memref<128xi32, #tpu.memory_space<vmem>>) target(%dma_start3A_111 : memref<1048576xi32, #tpu.memory_space<hbm>>) offsets(%dma_start3A_109 : memref<128xi32, #tpu.memory_space<vmem>>) semaphore(%arg7 : memref<!tpu.dma_semaphore, #tpu.memory_space<semaphore_mem>>)
    %dma_start3A_112 = arith.constant 11 : i32
    %dma_start3A_113 = arith.constant 11 : i32
    %dma_start3A_114 = arith.constant 0 : i32
    %dma_start3A_115 = tpu.memref_slice %arg6[%dma_start3A_112, %dma_start3A_114] : memref<16x128xi32, #tpu.memory_space<vmem>> -> memref<1x128xi32, #tpu.memory_space<vmem>>
    %dma_start3A_116 = tpu.memref_squeeze %dma_start3A_115 : memref<1x128xi32, #tpu.memory_space<vmem>> -> memref<128xi32, #tpu.memory_space<vmem>>
    %dma_start3A_117 = arith.constant 0 : i32
    %dma_start3A_118 = tpu.memref_slice %arg5[%dma_start3A_113, %dma_start3A_117] : memref<16x128xi32, #tpu.memory_space<vmem>> -> memref<1x128xi32, #tpu.memory_space<vmem>>
    %dma_start3A_119 = tpu.memref_squeeze %dma_start3A_118 : memref<1x128xi32, #tpu.memory_space<vmem>> -> memref<128xi32, #tpu.memory_space<vmem>>
    %dma_start3A_120 = arith.constant 0 : i32
    %dma_start3A_121 = tpu.memref_slice %arg4[%dma_start3A_120] : memref<1048576xi32, #tpu.memory_space<hbm>> -> memref<1048576xi32, #tpu.memory_space<hbm>>
    tpu.enqueue_indirect_dma source(%dma_start3A_116 : memref<128xi32, #tpu.memory_space<vmem>>) target(%dma_start3A_121 : memref<1048576xi32, #tpu.memory_space<hbm>>) offsets(%dma_start3A_119 : memref<128xi32, #tpu.memory_space<vmem>>) semaphore(%arg7 : memref<!tpu.dma_semaphore, #tpu.memory_space<semaphore_mem>>)
    %dma_start3A_122 = arith.constant 12 : i32
    %dma_start3A_123 = arith.constant 12 : i32
    %dma_start3A_124 = arith.constant 0 : i32
    %dma_start3A_125 = tpu.memref_slice %arg6[%dma_start3A_122, %dma_start3A_124] : memref<16x128xi32, #tpu.memory_space<vmem>> -> memref<1x128xi32, #tpu.memory_space<vmem>>
    %dma_start3A_126 = tpu.memref_squeeze %dma_start3A_125 : memref<1x128xi32, #tpu.memory_space<vmem>> -> memref<128xi32, #tpu.memory_space<vmem>>
    %dma_start3A_127 = arith.constant 0 : i32
    %dma_start3A_128 = tpu.memref_slice %arg5[%dma_start3A_123, %dma_start3A_127] : memref<16x128xi32, #tpu.memory_space<vmem>> -> memref<1x128xi32, #tpu.memory_space<vmem>>
    %dma_start3A_129 = tpu.memref_squeeze %dma_start3A_128 : memref<1x128xi32, #tpu.memory_space<vmem>> -> memref<128xi32, #tpu.memory_space<vmem>>
    %dma_start3A_130 = arith.constant 0 : i32
    %dma_start3A_131 = tpu.memref_slice %arg4[%dma_start3A_130] : memref<1048576xi32, #tpu.memory_space<hbm>> -> memref<1048576xi32, #tpu.memory_space<hbm>>
    tpu.enqueue_indirect_dma source(%dma_start3A_126 : memref<128xi32, #tpu.memory_space<vmem>>) target(%dma_start3A_131 : memref<1048576xi32, #tpu.memory_space<hbm>>) offsets(%dma_start3A_129 : memref<128xi32, #tpu.memory_space<vmem>>) semaphore(%arg7 : memref<!tpu.dma_semaphore, #tpu.memory_space<semaphore_mem>>)
    %dma_start3A_132 = arith.constant 13 : i32
    %dma_start3A_133 = arith.constant 13 : i32
    %dma_start3A_134 = arith.constant 0 : i32
    %dma_start3A_135 = tpu.memref_slice %arg6[%dma_start3A_132, %dma_start3A_134] : memref<16x128xi32, #tpu.memory_space<vmem>> -> memref<1x128xi32, #tpu.memory_space<vmem>>
    %dma_start3A_136 = tpu.memref_squeeze %dma_start3A_135 : memref<1x128xi32, #tpu.memory_space<vmem>> -> memref<128xi32, #tpu.memory_space<vmem>>
    %dma_start3A_137 = arith.constant 0 : i32
    %dma_start3A_138 = tpu.memref_slice %arg5[%dma_start3A_133, %dma_start3A_137] : memref<16x128xi32, #tpu.memory_space<vmem>> -> memref<1x128xi32, #tpu.memory_space<vmem>>
    %dma_start3A_139 = tpu.memref_squeeze %dma_start3A_138 : memref<1x128xi32, #tpu.memory_space<vmem>> -> memref<128xi32, #tpu.memory_space<vmem>>
    %dma_start3A_140 = arith.constant 0 : i32
    %dma_start3A_141 = tpu.memref_slice %arg4[%dma_start3A_140] : memref<1048576xi32, #tpu.memory_space<hbm>> -> memref<1048576xi32, #tpu.memory_space<hbm>>
    tpu.enqueue_indirect_dma source(%dma_start3A_136 : memref<128xi32, #tpu.memory_space<vmem>>) target(%dma_start3A_141 : memref<1048576xi32, #tpu.memory_space<hbm>>) offsets(%dma_start3A_139 : memref<128xi32, #tpu.memory_space<vmem>>) semaphore(%arg7 : memref<!tpu.dma_semaphore, #tpu.memory_space<semaphore_mem>>)
    %dma_start3A_142 = arith.constant 14 : i32
    %dma_start3A_143 = arith.constant 14 : i32
    %dma_start3A_144 = arith.constant 0 : i32
    %dma_start3A_145 = tpu.memref_slice %arg6[%dma_start3A_142, %dma_start3A_144] : memref<16x128xi32, #tpu.memory_space<vmem>> -> memref<1x128xi32, #tpu.memory_space<vmem>>
    %dma_start3A_146 = tpu.memref_squeeze %dma_start3A_145 : memref<1x128xi32, #tpu.memory_space<vmem>> -> memref<128xi32, #tpu.memory_space<vmem>>
    %dma_start3A_147 = arith.constant 0 : i32
    %dma_start3A_148 = tpu.memref_slice %arg5[%dma_start3A_143, %dma_start3A_147] : memref<16x128xi32, #tpu.memory_space<vmem>> -> memref<1x128xi32, #tpu.memory_space<vmem>>
    %dma_start3A_149 = tpu.memref_squeeze %dma_start3A_148 : memref<1x128xi32, #tpu.memory_space<vmem>> -> memref<128xi32, #tpu.memory_space<vmem>>
    %dma_start3A_150 = arith.constant 0 : i32
    %dma_start3A_151 = tpu.memref_slice %arg4[%dma_start3A_150] : memref<1048576xi32, #tpu.memory_space<hbm>> -> memref<1048576xi32, #tpu.memory_space<hbm>>
    tpu.enqueue_indirect_dma source(%dma_start3A_146 : memref<128xi32, #tpu.memory_space<vmem>>) target(%dma_start3A_151 : memref<1048576xi32, #tpu.memory_space<hbm>>) offsets(%dma_start3A_149 : memref<128xi32, #tpu.memory_space<vmem>>) semaphore(%arg7 : memref<!tpu.dma_semaphore, #tpu.memory_space<semaphore_mem>>)
    %dma_start3A_152 = arith.constant 15 : i32
    %dma_start3A_153 = arith.constant 15 : i32
    %dma_start3A_154 = arith.constant 0 : i32
    %dma_start3A_155 = tpu.memref_slice %arg6[%dma_start3A_152, %dma_start3A_154] : memref<16x128xi32, #tpu.memory_space<vmem>> -> memref<1x128xi32, #tpu.memory_space<vmem>>
    %dma_start3A_156 = tpu.memref_squeeze %dma_start3A_155 : memref<1x128xi32, #tpu.memory_space<vmem>> -> memref<128xi32, #tpu.memory_space<vmem>>
    %dma_start3A_157 = arith.constant 0 : i32
    %dma_start3A_158 = tpu.memref_slice %arg5[%dma_start3A_153, %dma_start3A_157] : memref<16x128xi32, #tpu.memory_space<vmem>> -> memref<1x128xi32, #tpu.memory_space<vmem>>
    %dma_start3A_159 = tpu.memref_squeeze %dma_start3A_158 : memref<1x128xi32, #tpu.memory_space<vmem>> -> memref<128xi32, #tpu.memory_space<vmem>>
    %dma_start3A_160 = arith.constant 0 : i32
    %dma_start3A_161 = tpu.memref_slice %arg4[%dma_start3A_160] : memref<1048576xi32, #tpu.memory_space<hbm>> -> memref<1048576xi32, #tpu.memory_space<hbm>>
    tpu.enqueue_indirect_dma source(%dma_start3A_156 : memref<128xi32, #tpu.memory_space<vmem>>) target(%dma_start3A_161 : memref<1048576xi32, #tpu.memory_space<hbm>>) offsets(%dma_start3A_159 : memref<128xi32, #tpu.memory_space<vmem>>) semaphore(%arg7 : memref<!tpu.dma_semaphore, #tpu.memory_space<semaphore_mem>>)
    %dma_wait3A = arith.constant 0 : i32
    %dma_wait3A_162 = arith.constant 0 : i32
    %dma_wait3A_163 = arith.constant 0 : i32
    %dma_wait3A_164 = tpu.memref_slice %arg6[%dma_wait3A, %dma_wait3A_163] : memref<16x128xi32, #tpu.memory_space<vmem>> -> memref<1x128xi32, #tpu.memory_space<vmem>>
    %dma_wait3A_165 = tpu.memref_squeeze %dma_wait3A_164 : memref<1x128xi32, #tpu.memory_space<vmem>> -> memref<128xi32, #tpu.memory_space<vmem>>
    %dma_wait3A_166 = arith.constant 0 : i32
    %dma_wait3A_167 = tpu.memref_slice %arg5[%dma_wait3A_162, %dma_wait3A_166] : memref<16x128xi32, #tpu.memory_space<vmem>> -> memref<1x128xi32, #tpu.memory_space<vmem>>
    %dma_wait3A_168 = tpu.memref_squeeze %dma_wait3A_167 : memref<1x128xi32, #tpu.memory_space<vmem>> -> memref<128xi32, #tpu.memory_space<vmem>>
    %dma_wait3A_169 = arith.constant 0 : i32
    %dma_wait3A_170 = tpu.memref_slice %arg4[%dma_wait3A_169] : memref<1048576xi32, #tpu.memory_space<hbm>> -> memref<1048576xi32, #tpu.memory_space<hbm>>
    tpu.wait_indirect_dma semaphore(%arg7 : memref<!tpu.dma_semaphore, #tpu.memory_space<semaphore_mem>>) src(%dma_wait3A_165 : memref<128xi32, #tpu.memory_space<vmem>>) dst(%dma_wait3A_170 : memref<1048576xi32, #tpu.memory_space<hbm>>)
    %dma_wait3A_171 = arith.constant 1 : i32
    %dma_wait3A_172 = arith.constant 1 : i32
    %dma_wait3A_173 = arith.constant 0 : i32
    %dma_wait3A_174 = tpu.memref_slice %arg6[%dma_wait3A_171, %dma_wait3A_173] : memref<16x128xi32, #tpu.memory_space<vmem>> -> memref<1x128xi32, #tpu.memory_space<vmem>>
    %dma_wait3A_175 = tpu.memref_squeeze %dma_wait3A_174 : memref<1x128xi32, #tpu.memory_space<vmem>> -> memref<128xi32, #tpu.memory_space<vmem>>
    %dma_wait3A_176 = arith.constant 0 : i32
    %dma_wait3A_177 = tpu.memref_slice %arg5[%dma_wait3A_172, %dma_wait3A_176] : memref<16x128xi32, #tpu.memory_space<vmem>> -> memref<1x128xi32, #tpu.memory_space<vmem>>
    %dma_wait3A_178 = tpu.memref_squeeze %dma_wait3A_177 : memref<1x128xi32, #tpu.memory_space<vmem>> -> memref<128xi32, #tpu.memory_space<vmem>>
    %dma_wait3A_179 = arith.constant 0 : i32
    %dma_wait3A_180 = tpu.memref_slice %arg4[%dma_wait3A_179] : memref<1048576xi32, #tpu.memory_space<hbm>> -> memref<1048576xi32, #tpu.memory_space<hbm>>
    tpu.wait_indirect_dma semaphore(%arg7 : memref<!tpu.dma_semaphore, #tpu.memory_space<semaphore_mem>>) src(%dma_wait3A_175 : memref<128xi32, #tpu.memory_space<vmem>>) dst(%dma_wait3A_180 : memref<1048576xi32, #tpu.memory_space<hbm>>)
    %dma_wait3A_181 = arith.constant 2 : i32
    %dma_wait3A_182 = arith.constant 2 : i32
    %dma_wait3A_183 = arith.constant 0 : i32
    %dma_wait3A_184 = tpu.memref_slice %arg6[%dma_wait3A_181, %dma_wait3A_183] : memref<16x128xi32, #tpu.memory_space<vmem>> -> memref<1x128xi32, #tpu.memory_space<vmem>>
    %dma_wait3A_185 = tpu.memref_squeeze %dma_wait3A_184 : memref<1x128xi32, #tpu.memory_space<vmem>> -> memref<128xi32, #tpu.memory_space<vmem>>
    %dma_wait3A_186 = arith.constant 0 : i32
    %dma_wait3A_187 = tpu.memref_slice %arg5[%dma_wait3A_182, %dma_wait3A_186] : memref<16x128xi32, #tpu.memory_space<vmem>> -> memref<1x128xi32, #tpu.memory_space<vmem>>
    %dma_wait3A_188 = tpu.memref_squeeze %dma_wait3A_187 : memref<1x128xi32, #tpu.memory_space<vmem>> -> memref<128xi32, #tpu.memory_space<vmem>>
    %dma_wait3A_189 = arith.constant 0 : i32
    %dma_wait3A_190 = tpu.memref_slice %arg4[%dma_wait3A_189] : memref<1048576xi32, #tpu.memory_space<hbm>> -> memref<1048576xi32, #tpu.memory_space<hbm>>
    tpu.wait_indirect_dma semaphore(%arg7 : memref<!tpu.dma_semaphore, #tpu.memory_space<semaphore_mem>>) src(%dma_wait3A_185 : memref<128xi32, #tpu.memory_space<vmem>>) dst(%dma_wait3A_190 : memref<1048576xi32, #tpu.memory_space<hbm>>)
    %dma_wait3A_191 = arith.constant 3 : i32
    %dma_wait3A_192 = arith.constant 3 : i32
    %dma_wait3A_193 = arith.constant 0 : i32
    %dma_wait3A_194 = tpu.memref_slice %arg6[%dma_wait3A_191, %dma_wait3A_193] : memref<16x128xi32, #tpu.memory_space<vmem>> -> memref<1x128xi32, #tpu.memory_space<vmem>>
    %dma_wait3A_195 = tpu.memref_squeeze %dma_wait3A_194 : memref<1x128xi32, #tpu.memory_space<vmem>> -> memref<128xi32, #tpu.memory_space<vmem>>
    %dma_wait3A_196 = arith.constant 0 : i32
    %dma_wait3A_197 = tpu.memref_slice %arg5[%dma_wait3A_192, %dma_wait3A_196] : memref<16x128xi32, #tpu.memory_space<vmem>> -> memref<1x128xi32, #tpu.memory_space<vmem>>
    %dma_wait3A_198 = tpu.memref_squeeze %dma_wait3A_197 : memref<1x128xi32, #tpu.memory_space<vmem>> -> memref<128xi32, #tpu.memory_space<vmem>>
    %dma_wait3A_199 = arith.constant 0 : i32
    %dma_wait3A_200 = tpu.memref_slice %arg4[%dma_wait3A_199] : memref<1048576xi32, #tpu.memory_space<hbm>> -> memref<1048576xi32, #tpu.memory_space<hbm>>
    tpu.wait_indirect_dma semaphore(%arg7 : memref<!tpu.dma_semaphore, #tpu.memory_space<semaphore_mem>>) src(%dma_wait3A_195 : memref<128xi32, #tpu.memory_space<vmem>>) dst(%dma_wait3A_200 : memref<1048576xi32, #tpu.memory_space<hbm>>)
    %dma_wait3A_201 = arith.constant 4 : i32
    %dma_wait3A_202 = arith.constant 4 : i32
    %dma_wait3A_203 = arith.constant 0 : i32
    %dma_wait3A_204 = tpu.memref_slice %arg6[%dma_wait3A_201, %dma_wait3A_203] : memref<16x128xi32, #tpu.memory_space<vmem>> -> memref<1x128xi32, #tpu.memory_space<vmem>>
    %dma_wait3A_205 = tpu.memref_squeeze %dma_wait3A_204 : memref<1x128xi32, #tpu.memory_space<vmem>> -> memref<128xi32, #tpu.memory_space<vmem>>
    %dma_wait3A_206 = arith.constant 0 : i32
    %dma_wait3A_207 = tpu.memref_slice %arg5[%dma_wait3A_202, %dma_wait3A_206] : memref<16x128xi32, #tpu.memory_space<vmem>> -> memref<1x128xi32, #tpu.memory_space<vmem>>
    %dma_wait3A_208 = tpu.memref_squeeze %dma_wait3A_207 : memref<1x128xi32, #tpu.memory_space<vmem>> -> memref<128xi32, #tpu.memory_space<vmem>>
    %dma_wait3A_209 = arith.constant 0 : i32
    %dma_wait3A_210 = tpu.memref_slice %arg4[%dma_wait3A_209] : memref<1048576xi32, #tpu.memory_space<hbm>> -> memref<1048576xi32, #tpu.memory_space<hbm>>
    tpu.wait_indirect_dma semaphore(%arg7 : memref<!tpu.dma_semaphore, #tpu.memory_space<semaphore_mem>>) src(%dma_wait3A_205 : memref<128xi32, #tpu.memory_space<vmem>>) dst(%dma_wait3A_210 : memref<1048576xi32, #tpu.memory_space<hbm>>)
    %dma_wait3A_211 = arith.constant 5 : i32
    %dma_wait3A_212 = arith.constant 5 : i32
    %dma_wait3A_213 = arith.constant 0 : i32
    %dma_wait3A_214 = tpu.memref_slice %arg6[%dma_wait3A_211, %dma_wait3A_213] : memref<16x128xi32, #tpu.memory_space<vmem>> -> memref<1x128xi32, #tpu.memory_space<vmem>>
    %dma_wait3A_215 = tpu.memref_squeeze %dma_wait3A_214 : memref<1x128xi32, #tpu.memory_space<vmem>> -> memref<128xi32, #tpu.memory_space<vmem>>
    %dma_wait3A_216 = arith.constant 0 : i32
    %dma_wait3A_217 = tpu.memref_slice %arg5[%dma_wait3A_212, %dma_wait3A_216] : memref<16x128xi32, #tpu.memory_space<vmem>> -> memref<1x128xi32, #tpu.memory_space<vmem>>
    %dma_wait3A_218 = tpu.memref_squeeze %dma_wait3A_217 : memref<1x128xi32, #tpu.memory_space<vmem>> -> memref<128xi32, #tpu.memory_space<vmem>>
    %dma_wait3A_219 = arith.constant 0 : i32
    %dma_wait3A_220 = tpu.memref_slice %arg4[%dma_wait3A_219] : memref<1048576xi32, #tpu.memory_space<hbm>> -> memref<1048576xi32, #tpu.memory_space<hbm>>
    tpu.wait_indirect_dma semaphore(%arg7 : memref<!tpu.dma_semaphore, #tpu.memory_space<semaphore_mem>>) src(%dma_wait3A_215 : memref<128xi32, #tpu.memory_space<vmem>>) dst(%dma_wait3A_220 : memref<1048576xi32, #tpu.memory_space<hbm>>)
    %dma_wait3A_221 = arith.constant 6 : i32
    %dma_wait3A_222 = arith.constant 6 : i32
    %dma_wait3A_223 = arith.constant 0 : i32
    %dma_wait3A_224 = tpu.memref_slice %arg6[%dma_wait3A_221, %dma_wait3A_223] : memref<16x128xi32, #tpu.memory_space<vmem>> -> memref<1x128xi32, #tpu.memory_space<vmem>>
    %dma_wait3A_225 = tpu.memref_squeeze %dma_wait3A_224 : memref<1x128xi32, #tpu.memory_space<vmem>> -> memref<128xi32, #tpu.memory_space<vmem>>
    %dma_wait3A_226 = arith.constant 0 : i32
    %dma_wait3A_227 = tpu.memref_slice %arg5[%dma_wait3A_222, %dma_wait3A_226] : memref<16x128xi32, #tpu.memory_space<vmem>> -> memref<1x128xi32, #tpu.memory_space<vmem>>
    %dma_wait3A_228 = tpu.memref_squeeze %dma_wait3A_227 : memref<1x128xi32, #tpu.memory_space<vmem>> -> memref<128xi32, #tpu.memory_space<vmem>>
    %dma_wait3A_229 = arith.constant 0 : i32
    %dma_wait3A_230 = tpu.memref_slice %arg4[%dma_wait3A_229] : memref<1048576xi32, #tpu.memory_space<hbm>> -> memref<1048576xi32, #tpu.memory_space<hbm>>
    tpu.wait_indirect_dma semaphore(%arg7 : memref<!tpu.dma_semaphore, #tpu.memory_space<semaphore_mem>>) src(%dma_wait3A_225 : memref<128xi32, #tpu.memory_space<vmem>>) dst(%dma_wait3A_230 : memref<1048576xi32, #tpu.memory_space<hbm>>)
    %dma_wait3A_231 = arith.constant 7 : i32
    %dma_wait3A_232 = arith.constant 7 : i32
    %dma_wait3A_233 = arith.constant 0 : i32
    %dma_wait3A_234 = tpu.memref_slice %arg6[%dma_wait3A_231, %dma_wait3A_233] : memref<16x128xi32, #tpu.memory_space<vmem>> -> memref<1x128xi32, #tpu.memory_space<vmem>>
    %dma_wait3A_235 = tpu.memref_squeeze %dma_wait3A_234 : memref<1x128xi32, #tpu.memory_space<vmem>> -> memref<128xi32, #tpu.memory_space<vmem>>
    %dma_wait3A_236 = arith.constant 0 : i32
    %dma_wait3A_237 = tpu.memref_slice %arg5[%dma_wait3A_232, %dma_wait3A_236] : memref<16x128xi32, #tpu.memory_space<vmem>> -> memref<1x128xi32, #tpu.memory_space<vmem>>
    %dma_wait3A_238 = tpu.memref_squeeze %dma_wait3A_237 : memref<1x128xi32, #tpu.memory_space<vmem>> -> memref<128xi32, #tpu.memory_space<vmem>>
    %dma_wait3A_239 = arith.constant 0 : i32
    %dma_wait3A_240 = tpu.memref_slice %arg4[%dma_wait3A_239] : memref<1048576xi32, #tpu.memory_space<hbm>> -> memref<1048576xi32, #tpu.memory_space<hbm>>
    tpu.wait_indirect_dma semaphore(%arg7 : memref<!tpu.dma_semaphore, #tpu.memory_space<semaphore_mem>>) src(%dma_wait3A_235 : memref<128xi32, #tpu.memory_space<vmem>>) dst(%dma_wait3A_240 : memref<1048576xi32, #tpu.memory_space<hbm>>)
    %dma_wait3A_241 = arith.constant 8 : i32
    %dma_wait3A_242 = arith.constant 8 : i32
    %dma_wait3A_243 = arith.constant 0 : i32
    %dma_wait3A_244 = tpu.memref_slice %arg6[%dma_wait3A_241, %dma_wait3A_243] : memref<16x128xi32, #tpu.memory_space<vmem>> -> memref<1x128xi32, #tpu.memory_space<vmem>>
    %dma_wait3A_245 = tpu.memref_squeeze %dma_wait3A_244 : memref<1x128xi32, #tpu.memory_space<vmem>> -> memref<128xi32, #tpu.memory_space<vmem>>
    %dma_wait3A_246 = arith.constant 0 : i32
    %dma_wait3A_247 = tpu.memref_slice %arg5[%dma_wait3A_242, %dma_wait3A_246] : memref<16x128xi32, #tpu.memory_space<vmem>> -> memref<1x128xi32, #tpu.memory_space<vmem>>
    %dma_wait3A_248 = tpu.memref_squeeze %dma_wait3A_247 : memref<1x128xi32, #tpu.memory_space<vmem>> -> memref<128xi32, #tpu.memory_space<vmem>>
    %dma_wait3A_249 = arith.constant 0 : i32
    %dma_wait3A_250 = tpu.memref_slice %arg4[%dma_wait3A_249] : memref<1048576xi32, #tpu.memory_space<hbm>> -> memref<1048576xi32, #tpu.memory_space<hbm>>
    tpu.wait_indirect_dma semaphore(%arg7 : memref<!tpu.dma_semaphore, #tpu.memory_space<semaphore_mem>>) src(%dma_wait3A_245 : memref<128xi32, #tpu.memory_space<vmem>>) dst(%dma_wait3A_250 : memref<1048576xi32, #tpu.memory_space<hbm>>)
    %dma_wait3A_251 = arith.constant 9 : i32
    %dma_wait3A_252 = arith.constant 9 : i32
    %dma_wait3A_253 = arith.constant 0 : i32
    %dma_wait3A_254 = tpu.memref_slice %arg6[%dma_wait3A_251, %dma_wait3A_253] : memref<16x128xi32, #tpu.memory_space<vmem>> -> memref<1x128xi32, #tpu.memory_space<vmem>>
    %dma_wait3A_255 = tpu.memref_squeeze %dma_wait3A_254 : memref<1x128xi32, #tpu.memory_space<vmem>> -> memref<128xi32, #tpu.memory_space<vmem>>
    %dma_wait3A_256 = arith.constant 0 : i32
    %dma_wait3A_257 = tpu.memref_slice %arg5[%dma_wait3A_252, %dma_wait3A_256] : memref<16x128xi32, #tpu.memory_space<vmem>> -> memref<1x128xi32, #tpu.memory_space<vmem>>
    %dma_wait3A_258 = tpu.memref_squeeze %dma_wait3A_257 : memref<1x128xi32, #tpu.memory_space<vmem>> -> memref<128xi32, #tpu.memory_space<vmem>>
    %dma_wait3A_259 = arith.constant 0 : i32
    %dma_wait3A_260 = tpu.memref_slice %arg4[%dma_wait3A_259] : memref<1048576xi32, #tpu.memory_space<hbm>> -> memref<1048576xi32, #tpu.memory_space<hbm>>
    tpu.wait_indirect_dma semaphore(%arg7 : memref<!tpu.dma_semaphore, #tpu.memory_space<semaphore_mem>>) src(%dma_wait3A_255 : memref<128xi32, #tpu.memory_space<vmem>>) dst(%dma_wait3A_260 : memref<1048576xi32, #tpu.memory_space<hbm>>)
    %dma_wait3A_261 = arith.constant 10 : i32
    %dma_wait3A_262 = arith.constant 10 : i32
    %dma_wait3A_263 = arith.constant 0 : i32
    %dma_wait3A_264 = tpu.memref_slice %arg6[%dma_wait3A_261, %dma_wait3A_263] : memref<16x128xi32, #tpu.memory_space<vmem>> -> memref<1x128xi32, #tpu.memory_space<vmem>>
    %dma_wait3A_265 = tpu.memref_squeeze %dma_wait3A_264 : memref<1x128xi32, #tpu.memory_space<vmem>> -> memref<128xi32, #tpu.memory_space<vmem>>
    %dma_wait3A_266 = arith.constant 0 : i32
    %dma_wait3A_267 = tpu.memref_slice %arg5[%dma_wait3A_262, %dma_wait3A_266] : memref<16x128xi32, #tpu.memory_space<vmem>> -> memref<1x128xi32, #tpu.memory_space<vmem>>
    %dma_wait3A_268 = tpu.memref_squeeze %dma_wait3A_267 : memref<1x128xi32, #tpu.memory_space<vmem>> -> memref<128xi32, #tpu.memory_space<vmem>>
    %dma_wait3A_269 = arith.constant 0 : i32
    %dma_wait3A_270 = tpu.memref_slice %arg4[%dma_wait3A_269] : memref<1048576xi32, #tpu.memory_space<hbm>> -> memref<1048576xi32, #tpu.memory_space<hbm>>
    tpu.wait_indirect_dma semaphore(%arg7 : memref<!tpu.dma_semaphore, #tpu.memory_space<semaphore_mem>>) src(%dma_wait3A_265 : memref<128xi32, #tpu.memory_space<vmem>>) dst(%dma_wait3A_270 : memref<1048576xi32, #tpu.memory_space<hbm>>)
    %dma_wait3A_271 = arith.constant 11 : i32
    %dma_wait3A_272 = arith.constant 11 : i32
    %dma_wait3A_273 = arith.constant 0 : i32
    %dma_wait3A_274 = tpu.memref_slice %arg6[%dma_wait3A_271, %dma_wait3A_273] : memref<16x128xi32, #tpu.memory_space<vmem>> -> memref<1x128xi32, #tpu.memory_space<vmem>>
    %dma_wait3A_275 = tpu.memref_squeeze %dma_wait3A_274 : memref<1x128xi32, #tpu.memory_space<vmem>> -> memref<128xi32, #tpu.memory_space<vmem>>
    %dma_wait3A_276 = arith.constant 0 : i32
    %dma_wait3A_277 = tpu.memref_slice %arg5[%dma_wait3A_272, %dma_wait3A_276] : memref<16x128xi32, #tpu.memory_space<vmem>> -> memref<1x128xi32, #tpu.memory_space<vmem>>
    %dma_wait3A_278 = tpu.memref_squeeze %dma_wait3A_277 : memref<1x128xi32, #tpu.memory_space<vmem>> -> memref<128xi32, #tpu.memory_space<vmem>>
    %dma_wait3A_279 = arith.constant 0 : i32
    %dma_wait3A_280 = tpu.memref_slice %arg4[%dma_wait3A_279] : memref<1048576xi32, #tpu.memory_space<hbm>> -> memref<1048576xi32, #tpu.memory_space<hbm>>
    tpu.wait_indirect_dma semaphore(%arg7 : memref<!tpu.dma_semaphore, #tpu.memory_space<semaphore_mem>>) src(%dma_wait3A_275 : memref<128xi32, #tpu.memory_space<vmem>>) dst(%dma_wait3A_280 : memref<1048576xi32, #tpu.memory_space<hbm>>)
    %dma_wait3A_281 = arith.constant 12 : i32
    %dma_wait3A_282 = arith.constant 12 : i32
    %dma_wait3A_283 = arith.constant 0 : i32
    %dma_wait3A_284 = tpu.memref_slice %arg6[%dma_wait3A_281, %dma_wait3A_283] : memref<16x128xi32, #tpu.memory_space<vmem>> -> memref<1x128xi32, #tpu.memory_space<vmem>>
    %dma_wait3A_285 = tpu.memref_squeeze %dma_wait3A_284 : memref<1x128xi32, #tpu.memory_space<vmem>> -> memref<128xi32, #tpu.memory_space<vmem>>
    %dma_wait3A_286 = arith.constant 0 : i32
    %dma_wait3A_287 = tpu.memref_slice %arg5[%dma_wait3A_282, %dma_wait3A_286] : memref<16x128xi32, #tpu.memory_space<vmem>> -> memref<1x128xi32, #tpu.memory_space<vmem>>
    %dma_wait3A_288 = tpu.memref_squeeze %dma_wait3A_287 : memref<1x128xi32, #tpu.memory_space<vmem>> -> memref<128xi32, #tpu.memory_space<vmem>>
    %dma_wait3A_289 = arith.constant 0 : i32
    %dma_wait3A_290 = tpu.memref_slice %arg4[%dma_wait3A_289] : memref<1048576xi32, #tpu.memory_space<hbm>> -> memref<1048576xi32, #tpu.memory_space<hbm>>
    tpu.wait_indirect_dma semaphore(%arg7 : memref<!tpu.dma_semaphore, #tpu.memory_space<semaphore_mem>>) src(%dma_wait3A_285 : memref<128xi32, #tpu.memory_space<vmem>>) dst(%dma_wait3A_290 : memref<1048576xi32, #tpu.memory_space<hbm>>)
    %dma_wait3A_291 = arith.constant 13 : i32
    %dma_wait3A_292 = arith.constant 13 : i32
    %dma_wait3A_293 = arith.constant 0 : i32
    %dma_wait3A_294 = tpu.memref_slice %arg6[%dma_wait3A_291, %dma_wait3A_293] : memref<16x128xi32, #tpu.memory_space<vmem>> -> memref<1x128xi32, #tpu.memory_space<vmem>>
    %dma_wait3A_295 = tpu.memref_squeeze %dma_wait3A_294 : memref<1x128xi32, #tpu.memory_space<vmem>> -> memref<128xi32, #tpu.memory_space<vmem>>
    %dma_wait3A_296 = arith.constant 0 : i32
    %dma_wait3A_297 = tpu.memref_slice %arg5[%dma_wait3A_292, %dma_wait3A_296] : memref<16x128xi32, #tpu.memory_space<vmem>> -> memref<1x128xi32, #tpu.memory_space<vmem>>
    %dma_wait3A_298 = tpu.memref_squeeze %dma_wait3A_297 : memref<1x128xi32, #tpu.memory_space<vmem>> -> memref<128xi32, #tpu.memory_space<vmem>>
    %dma_wait3A_299 = arith.constant 0 : i32
    %dma_wait3A_300 = tpu.memref_slice %arg4[%dma_wait3A_299] : memref<1048576xi32, #tpu.memory_space<hbm>> -> memref<1048576xi32, #tpu.memory_space<hbm>>
    tpu.wait_indirect_dma semaphore(%arg7 : memref<!tpu.dma_semaphore, #tpu.memory_space<semaphore_mem>>) src(%dma_wait3A_295 : memref<128xi32, #tpu.memory_space<vmem>>) dst(%dma_wait3A_300 : memref<1048576xi32, #tpu.memory_space<hbm>>)
    %dma_wait3A_301 = arith.constant 14 : i32
    %dma_wait3A_302 = arith.constant 14 : i32
    %dma_wait3A_303 = arith.constant 0 : i32
    %dma_wait3A_304 = tpu.memref_slice %arg6[%dma_wait3A_301, %dma_wait3A_303] : memref<16x128xi32, #tpu.memory_space<vmem>> -> memref<1x128xi32, #tpu.memory_space<vmem>>
    %dma_wait3A_305 = tpu.memref_squeeze %dma_wait3A_304 : memref<1x128xi32, #tpu.memory_space<vmem>> -> memref<128xi32, #tpu.memory_space<vmem>>
    %dma_wait3A_306 = arith.constant 0 : i32
    %dma_wait3A_307 = tpu.memref_slice %arg5[%dma_wait3A_302, %dma_wait3A_306] : memref<16x128xi32, #tpu.memory_space<vmem>> -> memref<1x128xi32, #tpu.memory_space<vmem>>
    %dma_wait3A_308 = tpu.memref_squeeze %dma_wait3A_307 : memref<1x128xi32, #tpu.memory_space<vmem>> -> memref<128xi32, #tpu.memory_space<vmem>>
    %dma_wait3A_309 = arith.constant 0 : i32
    %dma_wait3A_310 = tpu.memref_slice %arg4[%dma_wait3A_309] : memref<1048576xi32, #tpu.memory_space<hbm>> -> memref<1048576xi32, #tpu.memory_space<hbm>>
    tpu.wait_indirect_dma semaphore(%arg7 : memref<!tpu.dma_semaphore, #tpu.memory_space<semaphore_mem>>) src(%dma_wait3A_305 : memref<128xi32, #tpu.memory_space<vmem>>) dst(%dma_wait3A_310 : memref<1048576xi32, #tpu.memory_space<hbm>>)
    %dma_wait3A_311 = arith.constant 15 : i32
    %dma_wait3A_312 = arith.constant 15 : i32
    %dma_wait3A_313 = arith.constant 0 : i32
    %dma_wait3A_314 = tpu.memref_slice %arg6[%dma_wait3A_311, %dma_wait3A_313] : memref<16x128xi32, #tpu.memory_space<vmem>> -> memref<1x128xi32, #tpu.memory_space<vmem>>
    %dma_wait3A_315 = tpu.memref_squeeze %dma_wait3A_314 : memref<1x128xi32, #tpu.memory_space<vmem>> -> memref<128xi32, #tpu.memory_space<vmem>>
    %dma_wait3A_316 = arith.constant 0 : i32
    %dma_wait3A_317 = tpu.memref_slice %arg5[%dma_wait3A_312, %dma_wait3A_316] : memref<16x128xi32, #tpu.memory_space<vmem>> -> memref<1x128xi32, #tpu.memory_space<vmem>>
    %dma_wait3A_318 = tpu.memref_squeeze %dma_wait3A_317 : memref<1x128xi32, #tpu.memory_space<vmem>> -> memref<128xi32, #tpu.memory_space<vmem>>
    %dma_wait3A_319 = arith.constant 0 : i32
    %dma_wait3A_320 = tpu.memref_slice %arg4[%dma_wait3A_319] : memref<1048576xi32, #tpu.memory_space<hbm>> -> memref<1048576xi32, #tpu.memory_space<hbm>>
    tpu.wait_indirect_dma semaphore(%arg7 : memref<!tpu.dma_semaphore, #tpu.memory_space<semaphore_mem>>) src(%dma_wait3A_315 : memref<128xi32, #tpu.memory_space<vmem>>) dst(%dma_wait3A_320 : memref<1048576xi32, #tpu.memory_space<hbm>>)
    return
  }
}

#map = affine_map<(d0, d1) -> (0, 0)>
#map1 = affine_map<(d0, d1) -> (0)>
module attributes {stable_mosaic.version = 14 : i64} {
  func.func @k(%arg0: i32, %arg1: i32, %arg2: memref<65536x48xf32, #tpu.memory_space<hbm>>, %arg3: memref<65536xi32, #tpu.memory_space<hbm>>, %arg4: memref<65536x48xf32, #tpu.memory_space<hbm>>, %arg5: memref<2048xi32, #tpu.memory_space<vmem>>, %arg6: memref<2048x48xf32, #tpu.memory_space<vmem>>, %arg7: memref<!tpu.dma_semaphore, #tpu.memory_space<semaphore_mem>>) attributes {dimension_semantics = [#tpu.dimension_semantics<core_parallel>, #tpu.dimension_semantics<subcore_parallel>], iteration_bounds = array<i64: 2, 16>, scalar_prefetch = 0 : i64, scratch_operands = 3 : i64, tpu.core_type = #tpu.core_type<sc_vector_subcore>, window_params = [{transform_indices = #map}, {transform_indices = #map1}, {transform_indices = #map}]} {
    %mul3A = arith.constant 2 : i32
    %mul3A_0 = arith.muli %arg1, %mul3A : i32
    %add3A = arith.addi %mul3A_0, %arg0 : i32
    %mul3A_1 = arith.constant 2048 : i32
    %mul3A_2 = arith.muli %add3A, %mul3A_1 : i32
    "tpu.region"() ({
      %run_scoped3A = tpu.sem_alloc : memref<!tpu.dma_semaphore, #tpu.memory_space<semaphore_mem>>
      %dma_start3A_257 = tpu.memref_slice %arg3[%mul3A_2] : memref<65536xi32, #tpu.memory_space<hbm>> -> memref<2048xi32, #tpu.memory_space<hbm>>
      %dma_start3A_258 = tpu.memref_slice %arg3[%mul3A_2] : memref<65536xi32, #tpu.memory_space<hbm>> -> memref<2048xi32, #tpu.memory_space<hbm>>
      tpu.enqueue_dma source(%dma_start3A_258 : memref<2048xi32, #tpu.memory_space<hbm>>) target(%arg5 : memref<2048xi32, #tpu.memory_space<vmem>>) target_semaphore(%run_scoped3A : memref<!tpu.dma_semaphore, #tpu.memory_space<semaphore_mem>>)
      %dma_wait3A_259 = tpu.memref_slice %arg3[%mul3A_2] : memref<65536xi32, #tpu.memory_space<hbm>> -> memref<2048xi32, #tpu.memory_space<hbm>>
      %dma_wait3A_260 = tpu.memref_slice %arg3[%mul3A_2] : memref<65536xi32, #tpu.memory_space<hbm>> -> memref<2048xi32, #tpu.memory_space<hbm>>
      tpu.wait_dma2 semaphore(%run_scoped3A : memref<!tpu.dma_semaphore, #tpu.memory_space<semaphore_mem>>) src(%dma_wait3A_260 : memref<2048xi32, #tpu.memory_space<hbm>>) dst(%arg5 : memref<2048xi32, #tpu.memory_space<vmem>>)
      tpu.yield
    }) : () -> ()
    %dma_start3A = arith.constant 0 : i32
    %dma_start3A_3 = arith.constant 0 : i32
    %dma_start3A_4 = tpu.memref_slice %arg6[%dma_start3A, %dma_start3A_3] : memref<2048x48xf32, #tpu.memory_space<vmem>> -> memref<128x48xf32, #tpu.memory_space<vmem>>
    %dma_start3A_5 = arith.constant 0 : i32
    %dma_start3A_6 = tpu.memref_slice %arg5[%dma_start3A_5] : memref<2048xi32, #tpu.memory_space<vmem>> -> memref<128xi32, #tpu.memory_space<vmem>>
    %dma_start3A_7 = arith.constant 0 : i32
    %dma_start3A_8 = arith.constant 0 : i32
    %dma_start3A_9 = tpu.memref_slice %arg2[%dma_start3A_7, %dma_start3A_8] : memref<65536x48xf32, #tpu.memory_space<hbm>> -> memref<65536x48xf32, #tpu.memory_space<hbm>>
    tpu.enqueue_indirect_dma source(%dma_start3A_9 : memref<65536x48xf32, #tpu.memory_space<hbm>>) target(%dma_start3A_4 : memref<128x48xf32, #tpu.memory_space<vmem>>) offsets(%dma_start3A_6 : memref<128xi32, #tpu.memory_space<vmem>>) semaphore(%arg7 : memref<!tpu.dma_semaphore, #tpu.memory_space<semaphore_mem>>)
    %dma_start3A_10 = arith.constant 128 : i32
    %dma_start3A_11 = arith.constant 0 : i32
    %dma_start3A_12 = tpu.memref_slice %arg6[%dma_start3A_10, %dma_start3A_11] : memref<2048x48xf32, #tpu.memory_space<vmem>> -> memref<128x48xf32, #tpu.memory_space<vmem>>
    %dma_start3A_13 = arith.constant 128 : i32
    %dma_start3A_14 = tpu.memref_slice %arg5[%dma_start3A_13] : memref<2048xi32, #tpu.memory_space<vmem>> -> memref<128xi32, #tpu.memory_space<vmem>>
    %dma_start3A_15 = arith.constant 0 : i32
    %dma_start3A_16 = arith.constant 0 : i32
    %dma_start3A_17 = tpu.memref_slice %arg2[%dma_start3A_15, %dma_start3A_16] : memref<65536x48xf32, #tpu.memory_space<hbm>> -> memref<65536x48xf32, #tpu.memory_space<hbm>>
    tpu.enqueue_indirect_dma source(%dma_start3A_17 : memref<65536x48xf32, #tpu.memory_space<hbm>>) target(%dma_start3A_12 : memref<128x48xf32, #tpu.memory_space<vmem>>) offsets(%dma_start3A_14 : memref<128xi32, #tpu.memory_space<vmem>>) semaphore(%arg7 : memref<!tpu.dma_semaphore, #tpu.memory_space<semaphore_mem>>)
    %dma_start3A_18 = arith.constant 256 : i32
    %dma_start3A_19 = arith.constant 0 : i32
    %dma_start3A_20 = tpu.memref_slice %arg6[%dma_start3A_18, %dma_start3A_19] : memref<2048x48xf32, #tpu.memory_space<vmem>> -> memref<128x48xf32, #tpu.memory_space<vmem>>
    %dma_start3A_21 = arith.constant 256 : i32
    %dma_start3A_22 = tpu.memref_slice %arg5[%dma_start3A_21] : memref<2048xi32, #tpu.memory_space<vmem>> -> memref<128xi32, #tpu.memory_space<vmem>>
    %dma_start3A_23 = arith.constant 0 : i32
    %dma_start3A_24 = arith.constant 0 : i32
    %dma_start3A_25 = tpu.memref_slice %arg2[%dma_start3A_23, %dma_start3A_24] : memref<65536x48xf32, #tpu.memory_space<hbm>> -> memref<65536x48xf32, #tpu.memory_space<hbm>>
    tpu.enqueue_indirect_dma source(%dma_start3A_25 : memref<65536x48xf32, #tpu.memory_space<hbm>>) target(%dma_start3A_20 : memref<128x48xf32, #tpu.memory_space<vmem>>) offsets(%dma_start3A_22 : memref<128xi32, #tpu.memory_space<vmem>>) semaphore(%arg7 : memref<!tpu.dma_semaphore, #tpu.memory_space<semaphore_mem>>)
    %dma_start3A_26 = arith.constant 384 : i32
    %dma_start3A_27 = arith.constant 0 : i32
    %dma_start3A_28 = tpu.memref_slice %arg6[%dma_start3A_26, %dma_start3A_27] : memref<2048x48xf32, #tpu.memory_space<vmem>> -> memref<128x48xf32, #tpu.memory_space<vmem>>
    %dma_start3A_29 = arith.constant 384 : i32
    %dma_start3A_30 = tpu.memref_slice %arg5[%dma_start3A_29] : memref<2048xi32, #tpu.memory_space<vmem>> -> memref<128xi32, #tpu.memory_space<vmem>>
    %dma_start3A_31 = arith.constant 0 : i32
    %dma_start3A_32 = arith.constant 0 : i32
    %dma_start3A_33 = tpu.memref_slice %arg2[%dma_start3A_31, %dma_start3A_32] : memref<65536x48xf32, #tpu.memory_space<hbm>> -> memref<65536x48xf32, #tpu.memory_space<hbm>>
    tpu.enqueue_indirect_dma source(%dma_start3A_33 : memref<65536x48xf32, #tpu.memory_space<hbm>>) target(%dma_start3A_28 : memref<128x48xf32, #tpu.memory_space<vmem>>) offsets(%dma_start3A_30 : memref<128xi32, #tpu.memory_space<vmem>>) semaphore(%arg7 : memref<!tpu.dma_semaphore, #tpu.memory_space<semaphore_mem>>)
    %dma_start3A_34 = arith.constant 512 : i32
    %dma_start3A_35 = arith.constant 0 : i32
    %dma_start3A_36 = tpu.memref_slice %arg6[%dma_start3A_34, %dma_start3A_35] : memref<2048x48xf32, #tpu.memory_space<vmem>> -> memref<128x48xf32, #tpu.memory_space<vmem>>
    %dma_start3A_37 = arith.constant 512 : i32
    %dma_start3A_38 = tpu.memref_slice %arg5[%dma_start3A_37] : memref<2048xi32, #tpu.memory_space<vmem>> -> memref<128xi32, #tpu.memory_space<vmem>>
    %dma_start3A_39 = arith.constant 0 : i32
    %dma_start3A_40 = arith.constant 0 : i32
    %dma_start3A_41 = tpu.memref_slice %arg2[%dma_start3A_39, %dma_start3A_40] : memref<65536x48xf32, #tpu.memory_space<hbm>> -> memref<65536x48xf32, #tpu.memory_space<hbm>>
    tpu.enqueue_indirect_dma source(%dma_start3A_41 : memref<65536x48xf32, #tpu.memory_space<hbm>>) target(%dma_start3A_36 : memref<128x48xf32, #tpu.memory_space<vmem>>) offsets(%dma_start3A_38 : memref<128xi32, #tpu.memory_space<vmem>>) semaphore(%arg7 : memref<!tpu.dma_semaphore, #tpu.memory_space<semaphore_mem>>)
    %dma_start3A_42 = arith.constant 640 : i32
    %dma_start3A_43 = arith.constant 0 : i32
    %dma_start3A_44 = tpu.memref_slice %arg6[%dma_start3A_42, %dma_start3A_43] : memref<2048x48xf32, #tpu.memory_space<vmem>> -> memref<128x48xf32, #tpu.memory_space<vmem>>
    %dma_start3A_45 = arith.constant 640 : i32
    %dma_start3A_46 = tpu.memref_slice %arg5[%dma_start3A_45] : memref<2048xi32, #tpu.memory_space<vmem>> -> memref<128xi32, #tpu.memory_space<vmem>>
    %dma_start3A_47 = arith.constant 0 : i32
    %dma_start3A_48 = arith.constant 0 : i32
    %dma_start3A_49 = tpu.memref_slice %arg2[%dma_start3A_47, %dma_start3A_48] : memref<65536x48xf32, #tpu.memory_space<hbm>> -> memref<65536x48xf32, #tpu.memory_space<hbm>>
    tpu.enqueue_indirect_dma source(%dma_start3A_49 : memref<65536x48xf32, #tpu.memory_space<hbm>>) target(%dma_start3A_44 : memref<128x48xf32, #tpu.memory_space<vmem>>) offsets(%dma_start3A_46 : memref<128xi32, #tpu.memory_space<vmem>>) semaphore(%arg7 : memref<!tpu.dma_semaphore, #tpu.memory_space<semaphore_mem>>)
    %dma_start3A_50 = arith.constant 768 : i32
    %dma_start3A_51 = arith.constant 0 : i32
    %dma_start3A_52 = tpu.memref_slice %arg6[%dma_start3A_50, %dma_start3A_51] : memref<2048x48xf32, #tpu.memory_space<vmem>> -> memref<128x48xf32, #tpu.memory_space<vmem>>
    %dma_start3A_53 = arith.constant 768 : i32
    %dma_start3A_54 = tpu.memref_slice %arg5[%dma_start3A_53] : memref<2048xi32, #tpu.memory_space<vmem>> -> memref<128xi32, #tpu.memory_space<vmem>>
    %dma_start3A_55 = arith.constant 0 : i32
    %dma_start3A_56 = arith.constant 0 : i32
    %dma_start3A_57 = tpu.memref_slice %arg2[%dma_start3A_55, %dma_start3A_56] : memref<65536x48xf32, #tpu.memory_space<hbm>> -> memref<65536x48xf32, #tpu.memory_space<hbm>>
    tpu.enqueue_indirect_dma source(%dma_start3A_57 : memref<65536x48xf32, #tpu.memory_space<hbm>>) target(%dma_start3A_52 : memref<128x48xf32, #tpu.memory_space<vmem>>) offsets(%dma_start3A_54 : memref<128xi32, #tpu.memory_space<vmem>>) semaphore(%arg7 : memref<!tpu.dma_semaphore, #tpu.memory_space<semaphore_mem>>)
    %dma_start3A_58 = arith.constant 896 : i32
    %dma_start3A_59 = arith.constant 0 : i32
    %dma_start3A_60 = tpu.memref_slice %arg6[%dma_start3A_58, %dma_start3A_59] : memref<2048x48xf32, #tpu.memory_space<vmem>> -> memref<128x48xf32, #tpu.memory_space<vmem>>
    %dma_start3A_61 = arith.constant 896 : i32
    %dma_start3A_62 = tpu.memref_slice %arg5[%dma_start3A_61] : memref<2048xi32, #tpu.memory_space<vmem>> -> memref<128xi32, #tpu.memory_space<vmem>>
    %dma_start3A_63 = arith.constant 0 : i32
    %dma_start3A_64 = arith.constant 0 : i32
    %dma_start3A_65 = tpu.memref_slice %arg2[%dma_start3A_63, %dma_start3A_64] : memref<65536x48xf32, #tpu.memory_space<hbm>> -> memref<65536x48xf32, #tpu.memory_space<hbm>>
    tpu.enqueue_indirect_dma source(%dma_start3A_65 : memref<65536x48xf32, #tpu.memory_space<hbm>>) target(%dma_start3A_60 : memref<128x48xf32, #tpu.memory_space<vmem>>) offsets(%dma_start3A_62 : memref<128xi32, #tpu.memory_space<vmem>>) semaphore(%arg7 : memref<!tpu.dma_semaphore, #tpu.memory_space<semaphore_mem>>)
    %dma_start3A_66 = arith.constant 1024 : i32
    %dma_start3A_67 = arith.constant 0 : i32
    %dma_start3A_68 = tpu.memref_slice %arg6[%dma_start3A_66, %dma_start3A_67] : memref<2048x48xf32, #tpu.memory_space<vmem>> -> memref<128x48xf32, #tpu.memory_space<vmem>>
    %dma_start3A_69 = arith.constant 1024 : i32
    %dma_start3A_70 = tpu.memref_slice %arg5[%dma_start3A_69] : memref<2048xi32, #tpu.memory_space<vmem>> -> memref<128xi32, #tpu.memory_space<vmem>>
    %dma_start3A_71 = arith.constant 0 : i32
    %dma_start3A_72 = arith.constant 0 : i32
    %dma_start3A_73 = tpu.memref_slice %arg2[%dma_start3A_71, %dma_start3A_72] : memref<65536x48xf32, #tpu.memory_space<hbm>> -> memref<65536x48xf32, #tpu.memory_space<hbm>>
    tpu.enqueue_indirect_dma source(%dma_start3A_73 : memref<65536x48xf32, #tpu.memory_space<hbm>>) target(%dma_start3A_68 : memref<128x48xf32, #tpu.memory_space<vmem>>) offsets(%dma_start3A_70 : memref<128xi32, #tpu.memory_space<vmem>>) semaphore(%arg7 : memref<!tpu.dma_semaphore, #tpu.memory_space<semaphore_mem>>)
    %dma_start3A_74 = arith.constant 1152 : i32
    %dma_start3A_75 = arith.constant 0 : i32
    %dma_start3A_76 = tpu.memref_slice %arg6[%dma_start3A_74, %dma_start3A_75] : memref<2048x48xf32, #tpu.memory_space<vmem>> -> memref<128x48xf32, #tpu.memory_space<vmem>>
    %dma_start3A_77 = arith.constant 1152 : i32
    %dma_start3A_78 = tpu.memref_slice %arg5[%dma_start3A_77] : memref<2048xi32, #tpu.memory_space<vmem>> -> memref<128xi32, #tpu.memory_space<vmem>>
    %dma_start3A_79 = arith.constant 0 : i32
    %dma_start3A_80 = arith.constant 0 : i32
    %dma_start3A_81 = tpu.memref_slice %arg2[%dma_start3A_79, %dma_start3A_80] : memref<65536x48xf32, #tpu.memory_space<hbm>> -> memref<65536x48xf32, #tpu.memory_space<hbm>>
    tpu.enqueue_indirect_dma source(%dma_start3A_81 : memref<65536x48xf32, #tpu.memory_space<hbm>>) target(%dma_start3A_76 : memref<128x48xf32, #tpu.memory_space<vmem>>) offsets(%dma_start3A_78 : memref<128xi32, #tpu.memory_space<vmem>>) semaphore(%arg7 : memref<!tpu.dma_semaphore, #tpu.memory_space<semaphore_mem>>)
    %dma_start3A_82 = arith.constant 1280 : i32
    %dma_start3A_83 = arith.constant 0 : i32
    %dma_start3A_84 = tpu.memref_slice %arg6[%dma_start3A_82, %dma_start3A_83] : memref<2048x48xf32, #tpu.memory_space<vmem>> -> memref<128x48xf32, #tpu.memory_space<vmem>>
    %dma_start3A_85 = arith.constant 1280 : i32
    %dma_start3A_86 = tpu.memref_slice %arg5[%dma_start3A_85] : memref<2048xi32, #tpu.memory_space<vmem>> -> memref<128xi32, #tpu.memory_space<vmem>>
    %dma_start3A_87 = arith.constant 0 : i32
    %dma_start3A_88 = arith.constant 0 : i32
    %dma_start3A_89 = tpu.memref_slice %arg2[%dma_start3A_87, %dma_start3A_88] : memref<65536x48xf32, #tpu.memory_space<hbm>> -> memref<65536x48xf32, #tpu.memory_space<hbm>>
    tpu.enqueue_indirect_dma source(%dma_start3A_89 : memref<65536x48xf32, #tpu.memory_space<hbm>>) target(%dma_start3A_84 : memref<128x48xf32, #tpu.memory_space<vmem>>) offsets(%dma_start3A_86 : memref<128xi32, #tpu.memory_space<vmem>>) semaphore(%arg7 : memref<!tpu.dma_semaphore, #tpu.memory_space<semaphore_mem>>)
    %dma_start3A_90 = arith.constant 1408 : i32
    %dma_start3A_91 = arith.constant 0 : i32
    %dma_start3A_92 = tpu.memref_slice %arg6[%dma_start3A_90, %dma_start3A_91] : memref<2048x48xf32, #tpu.memory_space<vmem>> -> memref<128x48xf32, #tpu.memory_space<vmem>>
    %dma_start3A_93 = arith.constant 1408 : i32
    %dma_start3A_94 = tpu.memref_slice %arg5[%dma_start3A_93] : memref<2048xi32, #tpu.memory_space<vmem>> -> memref<128xi32, #tpu.memory_space<vmem>>
    %dma_start3A_95 = arith.constant 0 : i32
    %dma_start3A_96 = arith.constant 0 : i32
    %dma_start3A_97 = tpu.memref_slice %arg2[%dma_start3A_95, %dma_start3A_96] : memref<65536x48xf32, #tpu.memory_space<hbm>> -> memref<65536x48xf32, #tpu.memory_space<hbm>>
    tpu.enqueue_indirect_dma source(%dma_start3A_97 : memref<65536x48xf32, #tpu.memory_space<hbm>>) target(%dma_start3A_92 : memref<128x48xf32, #tpu.memory_space<vmem>>) offsets(%dma_start3A_94 : memref<128xi32, #tpu.memory_space<vmem>>) semaphore(%arg7 : memref<!tpu.dma_semaphore, #tpu.memory_space<semaphore_mem>>)
    %dma_start3A_98 = arith.constant 1536 : i32
    %dma_start3A_99 = arith.constant 0 : i32
    %dma_start3A_100 = tpu.memref_slice %arg6[%dma_start3A_98, %dma_start3A_99] : memref<2048x48xf32, #tpu.memory_space<vmem>> -> memref<128x48xf32, #tpu.memory_space<vmem>>
    %dma_start3A_101 = arith.constant 1536 : i32
    %dma_start3A_102 = tpu.memref_slice %arg5[%dma_start3A_101] : memref<2048xi32, #tpu.memory_space<vmem>> -> memref<128xi32, #tpu.memory_space<vmem>>
    %dma_start3A_103 = arith.constant 0 : i32
    %dma_start3A_104 = arith.constant 0 : i32
    %dma_start3A_105 = tpu.memref_slice %arg2[%dma_start3A_103, %dma_start3A_104] : memref<65536x48xf32, #tpu.memory_space<hbm>> -> memref<65536x48xf32, #tpu.memory_space<hbm>>
    tpu.enqueue_indirect_dma source(%dma_start3A_105 : memref<65536x48xf32, #tpu.memory_space<hbm>>) target(%dma_start3A_100 : memref<128x48xf32, #tpu.memory_space<vmem>>) offsets(%dma_start3A_102 : memref<128xi32, #tpu.memory_space<vmem>>) semaphore(%arg7 : memref<!tpu.dma_semaphore, #tpu.memory_space<semaphore_mem>>)
    %dma_start3A_106 = arith.constant 1664 : i32
    %dma_start3A_107 = arith.constant 0 : i32
    %dma_start3A_108 = tpu.memref_slice %arg6[%dma_start3A_106, %dma_start3A_107] : memref<2048x48xf32, #tpu.memory_space<vmem>> -> memref<128x48xf32, #tpu.memory_space<vmem>>
    %dma_start3A_109 = arith.constant 1664 : i32
    %dma_start3A_110 = tpu.memref_slice %arg5[%dma_start3A_109] : memref<2048xi32, #tpu.memory_space<vmem>> -> memref<128xi32, #tpu.memory_space<vmem>>
    %dma_start3A_111 = arith.constant 0 : i32
    %dma_start3A_112 = arith.constant 0 : i32
    %dma_start3A_113 = tpu.memref_slice %arg2[%dma_start3A_111, %dma_start3A_112] : memref<65536x48xf32, #tpu.memory_space<hbm>> -> memref<65536x48xf32, #tpu.memory_space<hbm>>
    tpu.enqueue_indirect_dma source(%dma_start3A_113 : memref<65536x48xf32, #tpu.memory_space<hbm>>) target(%dma_start3A_108 : memref<128x48xf32, #tpu.memory_space<vmem>>) offsets(%dma_start3A_110 : memref<128xi32, #tpu.memory_space<vmem>>) semaphore(%arg7 : memref<!tpu.dma_semaphore, #tpu.memory_space<semaphore_mem>>)
    %dma_start3A_114 = arith.constant 1792 : i32
    %dma_start3A_115 = arith.constant 0 : i32
    %dma_start3A_116 = tpu.memref_slice %arg6[%dma_start3A_114, %dma_start3A_115] : memref<2048x48xf32, #tpu.memory_space<vmem>> -> memref<128x48xf32, #tpu.memory_space<vmem>>
    %dma_start3A_117 = arith.constant 1792 : i32
    %dma_start3A_118 = tpu.memref_slice %arg5[%dma_start3A_117] : memref<2048xi32, #tpu.memory_space<vmem>> -> memref<128xi32, #tpu.memory_space<vmem>>
    %dma_start3A_119 = arith.constant 0 : i32
    %dma_start3A_120 = arith.constant 0 : i32
    %dma_start3A_121 = tpu.memref_slice %arg2[%dma_start3A_119, %dma_start3A_120] : memref<65536x48xf32, #tpu.memory_space<hbm>> -> memref<65536x48xf32, #tpu.memory_space<hbm>>
    tpu.enqueue_indirect_dma source(%dma_start3A_121 : memref<65536x48xf32, #tpu.memory_space<hbm>>) target(%dma_start3A_116 : memref<128x48xf32, #tpu.memory_space<vmem>>) offsets(%dma_start3A_118 : memref<128xi32, #tpu.memory_space<vmem>>) semaphore(%arg7 : memref<!tpu.dma_semaphore, #tpu.memory_space<semaphore_mem>>)
    %dma_start3A_122 = arith.constant 1920 : i32
    %dma_start3A_123 = arith.constant 0 : i32
    %dma_start3A_124 = tpu.memref_slice %arg6[%dma_start3A_122, %dma_start3A_123] : memref<2048x48xf32, #tpu.memory_space<vmem>> -> memref<128x48xf32, #tpu.memory_space<vmem>>
    %dma_start3A_125 = arith.constant 1920 : i32
    %dma_start3A_126 = tpu.memref_slice %arg5[%dma_start3A_125] : memref<2048xi32, #tpu.memory_space<vmem>> -> memref<128xi32, #tpu.memory_space<vmem>>
    %dma_start3A_127 = arith.constant 0 : i32
    %dma_start3A_128 = arith.constant 0 : i32
    %dma_start3A_129 = tpu.memref_slice %arg2[%dma_start3A_127, %dma_start3A_128] : memref<65536x48xf32, #tpu.memory_space<hbm>> -> memref<65536x48xf32, #tpu.memory_space<hbm>>
    tpu.enqueue_indirect_dma source(%dma_start3A_129 : memref<65536x48xf32, #tpu.memory_space<hbm>>) target(%dma_start3A_124 : memref<128x48xf32, #tpu.memory_space<vmem>>) offsets(%dma_start3A_126 : memref<128xi32, #tpu.memory_space<vmem>>) semaphore(%arg7 : memref<!tpu.dma_semaphore, #tpu.memory_space<semaphore_mem>>)
    %dma_wait3A = arith.constant 0 : i32
    %dma_wait3A_130 = arith.constant 0 : i32
    %dma_wait3A_131 = tpu.memref_slice %arg6[%dma_wait3A, %dma_wait3A_130] : memref<2048x48xf32, #tpu.memory_space<vmem>> -> memref<128x48xf32, #tpu.memory_space<vmem>>
    %dma_wait3A_132 = arith.constant 0 : i32
    %dma_wait3A_133 = tpu.memref_slice %arg5[%dma_wait3A_132] : memref<2048xi32, #tpu.memory_space<vmem>> -> memref<128xi32, #tpu.memory_space<vmem>>
    %dma_wait3A_134 = arith.constant 0 : i32
    %dma_wait3A_135 = arith.constant 0 : i32
    %dma_wait3A_136 = tpu.memref_slice %arg2[%dma_wait3A_134, %dma_wait3A_135] : memref<65536x48xf32, #tpu.memory_space<hbm>> -> memref<65536x48xf32, #tpu.memory_space<hbm>>
    tpu.wait_indirect_dma semaphore(%arg7 : memref<!tpu.dma_semaphore, #tpu.memory_space<semaphore_mem>>) src(%dma_wait3A_136 : memref<65536x48xf32, #tpu.memory_space<hbm>>) dst(%dma_wait3A_131 : memref<128x48xf32, #tpu.memory_space<vmem>>)
    %dma_wait3A_137 = arith.constant 128 : i32
    %dma_wait3A_138 = arith.constant 0 : i32
    %dma_wait3A_139 = tpu.memref_slice %arg6[%dma_wait3A_137, %dma_wait3A_138] : memref<2048x48xf32, #tpu.memory_space<vmem>> -> memref<128x48xf32, #tpu.memory_space<vmem>>
    %dma_wait3A_140 = arith.constant 128 : i32
    %dma_wait3A_141 = tpu.memref_slice %arg5[%dma_wait3A_140] : memref<2048xi32, #tpu.memory_space<vmem>> -> memref<128xi32, #tpu.memory_space<vmem>>
    %dma_wait3A_142 = arith.constant 0 : i32
    %dma_wait3A_143 = arith.constant 0 : i32
    %dma_wait3A_144 = tpu.memref_slice %arg2[%dma_wait3A_142, %dma_wait3A_143] : memref<65536x48xf32, #tpu.memory_space<hbm>> -> memref<65536x48xf32, #tpu.memory_space<hbm>>
    tpu.wait_indirect_dma semaphore(%arg7 : memref<!tpu.dma_semaphore, #tpu.memory_space<semaphore_mem>>) src(%dma_wait3A_144 : memref<65536x48xf32, #tpu.memory_space<hbm>>) dst(%dma_wait3A_139 : memref<128x48xf32, #tpu.memory_space<vmem>>)
    %dma_wait3A_145 = arith.constant 256 : i32
    %dma_wait3A_146 = arith.constant 0 : i32
    %dma_wait3A_147 = tpu.memref_slice %arg6[%dma_wait3A_145, %dma_wait3A_146] : memref<2048x48xf32, #tpu.memory_space<vmem>> -> memref<128x48xf32, #tpu.memory_space<vmem>>
    %dma_wait3A_148 = arith.constant 256 : i32
    %dma_wait3A_149 = tpu.memref_slice %arg5[%dma_wait3A_148] : memref<2048xi32, #tpu.memory_space<vmem>> -> memref<128xi32, #tpu.memory_space<vmem>>
    %dma_wait3A_150 = arith.constant 0 : i32
    %dma_wait3A_151 = arith.constant 0 : i32
    %dma_wait3A_152 = tpu.memref_slice %arg2[%dma_wait3A_150, %dma_wait3A_151] : memref<65536x48xf32, #tpu.memory_space<hbm>> -> memref<65536x48xf32, #tpu.memory_space<hbm>>
    tpu.wait_indirect_dma semaphore(%arg7 : memref<!tpu.dma_semaphore, #tpu.memory_space<semaphore_mem>>) src(%dma_wait3A_152 : memref<65536x48xf32, #tpu.memory_space<hbm>>) dst(%dma_wait3A_147 : memref<128x48xf32, #tpu.memory_space<vmem>>)
    %dma_wait3A_153 = arith.constant 384 : i32
    %dma_wait3A_154 = arith.constant 0 : i32
    %dma_wait3A_155 = tpu.memref_slice %arg6[%dma_wait3A_153, %dma_wait3A_154] : memref<2048x48xf32, #tpu.memory_space<vmem>> -> memref<128x48xf32, #tpu.memory_space<vmem>>
    %dma_wait3A_156 = arith.constant 384 : i32
    %dma_wait3A_157 = tpu.memref_slice %arg5[%dma_wait3A_156] : memref<2048xi32, #tpu.memory_space<vmem>> -> memref<128xi32, #tpu.memory_space<vmem>>
    %dma_wait3A_158 = arith.constant 0 : i32
    %dma_wait3A_159 = arith.constant 0 : i32
    %dma_wait3A_160 = tpu.memref_slice %arg2[%dma_wait3A_158, %dma_wait3A_159] : memref<65536x48xf32, #tpu.memory_space<hbm>> -> memref<65536x48xf32, #tpu.memory_space<hbm>>
    tpu.wait_indirect_dma semaphore(%arg7 : memref<!tpu.dma_semaphore, #tpu.memory_space<semaphore_mem>>) src(%dma_wait3A_160 : memref<65536x48xf32, #tpu.memory_space<hbm>>) dst(%dma_wait3A_155 : memref<128x48xf32, #tpu.memory_space<vmem>>)
    %dma_wait3A_161 = arith.constant 512 : i32
    %dma_wait3A_162 = arith.constant 0 : i32
    %dma_wait3A_163 = tpu.memref_slice %arg6[%dma_wait3A_161, %dma_wait3A_162] : memref<2048x48xf32, #tpu.memory_space<vmem>> -> memref<128x48xf32, #tpu.memory_space<vmem>>
    %dma_wait3A_164 = arith.constant 512 : i32
    %dma_wait3A_165 = tpu.memref_slice %arg5[%dma_wait3A_164] : memref<2048xi32, #tpu.memory_space<vmem>> -> memref<128xi32, #tpu.memory_space<vmem>>
    %dma_wait3A_166 = arith.constant 0 : i32
    %dma_wait3A_167 = arith.constant 0 : i32
    %dma_wait3A_168 = tpu.memref_slice %arg2[%dma_wait3A_166, %dma_wait3A_167] : memref<65536x48xf32, #tpu.memory_space<hbm>> -> memref<65536x48xf32, #tpu.memory_space<hbm>>
    tpu.wait_indirect_dma semaphore(%arg7 : memref<!tpu.dma_semaphore, #tpu.memory_space<semaphore_mem>>) src(%dma_wait3A_168 : memref<65536x48xf32, #tpu.memory_space<hbm>>) dst(%dma_wait3A_163 : memref<128x48xf32, #tpu.memory_space<vmem>>)
    %dma_wait3A_169 = arith.constant 640 : i32
    %dma_wait3A_170 = arith.constant 0 : i32
    %dma_wait3A_171 = tpu.memref_slice %arg6[%dma_wait3A_169, %dma_wait3A_170] : memref<2048x48xf32, #tpu.memory_space<vmem>> -> memref<128x48xf32, #tpu.memory_space<vmem>>
    %dma_wait3A_172 = arith.constant 640 : i32
    %dma_wait3A_173 = tpu.memref_slice %arg5[%dma_wait3A_172] : memref<2048xi32, #tpu.memory_space<vmem>> -> memref<128xi32, #tpu.memory_space<vmem>>
    %dma_wait3A_174 = arith.constant 0 : i32
    %dma_wait3A_175 = arith.constant 0 : i32
    %dma_wait3A_176 = tpu.memref_slice %arg2[%dma_wait3A_174, %dma_wait3A_175] : memref<65536x48xf32, #tpu.memory_space<hbm>> -> memref<65536x48xf32, #tpu.memory_space<hbm>>
    tpu.wait_indirect_dma semaphore(%arg7 : memref<!tpu.dma_semaphore, #tpu.memory_space<semaphore_mem>>) src(%dma_wait3A_176 : memref<65536x48xf32, #tpu.memory_space<hbm>>) dst(%dma_wait3A_171 : memref<128x48xf32, #tpu.memory_space<vmem>>)
    %dma_wait3A_177 = arith.constant 768 : i32
    %dma_wait3A_178 = arith.constant 0 : i32
    %dma_wait3A_179 = tpu.memref_slice %arg6[%dma_wait3A_177, %dma_wait3A_178] : memref<2048x48xf32, #tpu.memory_space<vmem>> -> memref<128x48xf32, #tpu.memory_space<vmem>>
    %dma_wait3A_180 = arith.constant 768 : i32
    %dma_wait3A_181 = tpu.memref_slice %arg5[%dma_wait3A_180] : memref<2048xi32, #tpu.memory_space<vmem>> -> memref<128xi32, #tpu.memory_space<vmem>>
    %dma_wait3A_182 = arith.constant 0 : i32
    %dma_wait3A_183 = arith.constant 0 : i32
    %dma_wait3A_184 = tpu.memref_slice %arg2[%dma_wait3A_182, %dma_wait3A_183] : memref<65536x48xf32, #tpu.memory_space<hbm>> -> memref<65536x48xf32, #tpu.memory_space<hbm>>
    tpu.wait_indirect_dma semaphore(%arg7 : memref<!tpu.dma_semaphore, #tpu.memory_space<semaphore_mem>>) src(%dma_wait3A_184 : memref<65536x48xf32, #tpu.memory_space<hbm>>) dst(%dma_wait3A_179 : memref<128x48xf32, #tpu.memory_space<vmem>>)
    %dma_wait3A_185 = arith.constant 896 : i32
    %dma_wait3A_186 = arith.constant 0 : i32
    %dma_wait3A_187 = tpu.memref_slice %arg6[%dma_wait3A_185, %dma_wait3A_186] : memref<2048x48xf32, #tpu.memory_space<vmem>> -> memref<128x48xf32, #tpu.memory_space<vmem>>
    %dma_wait3A_188 = arith.constant 896 : i32
    %dma_wait3A_189 = tpu.memref_slice %arg5[%dma_wait3A_188] : memref<2048xi32, #tpu.memory_space<vmem>> -> memref<128xi32, #tpu.memory_space<vmem>>
    %dma_wait3A_190 = arith.constant 0 : i32
    %dma_wait3A_191 = arith.constant 0 : i32
    %dma_wait3A_192 = tpu.memref_slice %arg2[%dma_wait3A_190, %dma_wait3A_191] : memref<65536x48xf32, #tpu.memory_space<hbm>> -> memref<65536x48xf32, #tpu.memory_space<hbm>>
    tpu.wait_indirect_dma semaphore(%arg7 : memref<!tpu.dma_semaphore, #tpu.memory_space<semaphore_mem>>) src(%dma_wait3A_192 : memref<65536x48xf32, #tpu.memory_space<hbm>>) dst(%dma_wait3A_187 : memref<128x48xf32, #tpu.memory_space<vmem>>)
    %dma_wait3A_193 = arith.constant 1024 : i32
    %dma_wait3A_194 = arith.constant 0 : i32
    %dma_wait3A_195 = tpu.memref_slice %arg6[%dma_wait3A_193, %dma_wait3A_194] : memref<2048x48xf32, #tpu.memory_space<vmem>> -> memref<128x48xf32, #tpu.memory_space<vmem>>
    %dma_wait3A_196 = arith.constant 1024 : i32
    %dma_wait3A_197 = tpu.memref_slice %arg5[%dma_wait3A_196] : memref<2048xi32, #tpu.memory_space<vmem>> -> memref<128xi32, #tpu.memory_space<vmem>>
    %dma_wait3A_198 = arith.constant 0 : i32
    %dma_wait3A_199 = arith.constant 0 : i32
    %dma_wait3A_200 = tpu.memref_slice %arg2[%dma_wait3A_198, %dma_wait3A_199] : memref<65536x48xf32, #tpu.memory_space<hbm>> -> memref<65536x48xf32, #tpu.memory_space<hbm>>
    tpu.wait_indirect_dma semaphore(%arg7 : memref<!tpu.dma_semaphore, #tpu.memory_space<semaphore_mem>>) src(%dma_wait3A_200 : memref<65536x48xf32, #tpu.memory_space<hbm>>) dst(%dma_wait3A_195 : memref<128x48xf32, #tpu.memory_space<vmem>>)
    %dma_wait3A_201 = arith.constant 1152 : i32
    %dma_wait3A_202 = arith.constant 0 : i32
    %dma_wait3A_203 = tpu.memref_slice %arg6[%dma_wait3A_201, %dma_wait3A_202] : memref<2048x48xf32, #tpu.memory_space<vmem>> -> memref<128x48xf32, #tpu.memory_space<vmem>>
    %dma_wait3A_204 = arith.constant 1152 : i32
    %dma_wait3A_205 = tpu.memref_slice %arg5[%dma_wait3A_204] : memref<2048xi32, #tpu.memory_space<vmem>> -> memref<128xi32, #tpu.memory_space<vmem>>
    %dma_wait3A_206 = arith.constant 0 : i32
    %dma_wait3A_207 = arith.constant 0 : i32
    %dma_wait3A_208 = tpu.memref_slice %arg2[%dma_wait3A_206, %dma_wait3A_207] : memref<65536x48xf32, #tpu.memory_space<hbm>> -> memref<65536x48xf32, #tpu.memory_space<hbm>>
    tpu.wait_indirect_dma semaphore(%arg7 : memref<!tpu.dma_semaphore, #tpu.memory_space<semaphore_mem>>) src(%dma_wait3A_208 : memref<65536x48xf32, #tpu.memory_space<hbm>>) dst(%dma_wait3A_203 : memref<128x48xf32, #tpu.memory_space<vmem>>)
    %dma_wait3A_209 = arith.constant 1280 : i32
    %dma_wait3A_210 = arith.constant 0 : i32
    %dma_wait3A_211 = tpu.memref_slice %arg6[%dma_wait3A_209, %dma_wait3A_210] : memref<2048x48xf32, #tpu.memory_space<vmem>> -> memref<128x48xf32, #tpu.memory_space<vmem>>
    %dma_wait3A_212 = arith.constant 1280 : i32
    %dma_wait3A_213 = tpu.memref_slice %arg5[%dma_wait3A_212] : memref<2048xi32, #tpu.memory_space<vmem>> -> memref<128xi32, #tpu.memory_space<vmem>>
    %dma_wait3A_214 = arith.constant 0 : i32
    %dma_wait3A_215 = arith.constant 0 : i32
    %dma_wait3A_216 = tpu.memref_slice %arg2[%dma_wait3A_214, %dma_wait3A_215] : memref<65536x48xf32, #tpu.memory_space<hbm>> -> memref<65536x48xf32, #tpu.memory_space<hbm>>
    tpu.wait_indirect_dma semaphore(%arg7 : memref<!tpu.dma_semaphore, #tpu.memory_space<semaphore_mem>>) src(%dma_wait3A_216 : memref<65536x48xf32, #tpu.memory_space<hbm>>) dst(%dma_wait3A_211 : memref<128x48xf32, #tpu.memory_space<vmem>>)
    %dma_wait3A_217 = arith.constant 1408 : i32
    %dma_wait3A_218 = arith.constant 0 : i32
    %dma_wait3A_219 = tpu.memref_slice %arg6[%dma_wait3A_217, %dma_wait3A_218] : memref<2048x48xf32, #tpu.memory_space<vmem>> -> memref<128x48xf32, #tpu.memory_space<vmem>>
    %dma_wait3A_220 = arith.constant 1408 : i32
    %dma_wait3A_221 = tpu.memref_slice %arg5[%dma_wait3A_220] : memref<2048xi32, #tpu.memory_space<vmem>> -> memref<128xi32, #tpu.memory_space<vmem>>
    %dma_wait3A_222 = arith.constant 0 : i32
    %dma_wait3A_223 = arith.constant 0 : i32
    %dma_wait3A_224 = tpu.memref_slice %arg2[%dma_wait3A_222, %dma_wait3A_223] : memref<65536x48xf32, #tpu.memory_space<hbm>> -> memref<65536x48xf32, #tpu.memory_space<hbm>>
    tpu.wait_indirect_dma semaphore(%arg7 : memref<!tpu.dma_semaphore, #tpu.memory_space<semaphore_mem>>) src(%dma_wait3A_224 : memref<65536x48xf32, #tpu.memory_space<hbm>>) dst(%dma_wait3A_219 : memref<128x48xf32, #tpu.memory_space<vmem>>)
    %dma_wait3A_225 = arith.constant 1536 : i32
    %dma_wait3A_226 = arith.constant 0 : i32
    %dma_wait3A_227 = tpu.memref_slice %arg6[%dma_wait3A_225, %dma_wait3A_226] : memref<2048x48xf32, #tpu.memory_space<vmem>> -> memref<128x48xf32, #tpu.memory_space<vmem>>
    %dma_wait3A_228 = arith.constant 1536 : i32
    %dma_wait3A_229 = tpu.memref_slice %arg5[%dma_wait3A_228] : memref<2048xi32, #tpu.memory_space<vmem>> -> memref<128xi32, #tpu.memory_space<vmem>>
    %dma_wait3A_230 = arith.constant 0 : i32
    %dma_wait3A_231 = arith.constant 0 : i32
    %dma_wait3A_232 = tpu.memref_slice %arg2[%dma_wait3A_230, %dma_wait3A_231] : memref<65536x48xf32, #tpu.memory_space<hbm>> -> memref<65536x48xf32, #tpu.memory_space<hbm>>
    tpu.wait_indirect_dma semaphore(%arg7 : memref<!tpu.dma_semaphore, #tpu.memory_space<semaphore_mem>>) src(%dma_wait3A_232 : memref<65536x48xf32, #tpu.memory_space<hbm>>) dst(%dma_wait3A_227 : memref<128x48xf32, #tpu.memory_space<vmem>>)
    %dma_wait3A_233 = arith.constant 1664 : i32
    %dma_wait3A_234 = arith.constant 0 : i32
    %dma_wait3A_235 = tpu.memref_slice %arg6[%dma_wait3A_233, %dma_wait3A_234] : memref<2048x48xf32, #tpu.memory_space<vmem>> -> memref<128x48xf32, #tpu.memory_space<vmem>>
    %dma_wait3A_236 = arith.constant 1664 : i32
    %dma_wait3A_237 = tpu.memref_slice %arg5[%dma_wait3A_236] : memref<2048xi32, #tpu.memory_space<vmem>> -> memref<128xi32, #tpu.memory_space<vmem>>
    %dma_wait3A_238 = arith.constant 0 : i32
    %dma_wait3A_239 = arith.constant 0 : i32
    %dma_wait3A_240 = tpu.memref_slice %arg2[%dma_wait3A_238, %dma_wait3A_239] : memref<65536x48xf32, #tpu.memory_space<hbm>> -> memref<65536x48xf32, #tpu.memory_space<hbm>>
    tpu.wait_indirect_dma semaphore(%arg7 : memref<!tpu.dma_semaphore, #tpu.memory_space<semaphore_mem>>) src(%dma_wait3A_240 : memref<65536x48xf32, #tpu.memory_space<hbm>>) dst(%dma_wait3A_235 : memref<128x48xf32, #tpu.memory_space<vmem>>)
    %dma_wait3A_241 = arith.constant 1792 : i32
    %dma_wait3A_242 = arith.constant 0 : i32
    %dma_wait3A_243 = tpu.memref_slice %arg6[%dma_wait3A_241, %dma_wait3A_242] : memref<2048x48xf32, #tpu.memory_space<vmem>> -> memref<128x48xf32, #tpu.memory_space<vmem>>
    %dma_wait3A_244 = arith.constant 1792 : i32
    %dma_wait3A_245 = tpu.memref_slice %arg5[%dma_wait3A_244] : memref<2048xi32, #tpu.memory_space<vmem>> -> memref<128xi32, #tpu.memory_space<vmem>>
    %dma_wait3A_246 = arith.constant 0 : i32
    %dma_wait3A_247 = arith.constant 0 : i32
    %dma_wait3A_248 = tpu.memref_slice %arg2[%dma_wait3A_246, %dma_wait3A_247] : memref<65536x48xf32, #tpu.memory_space<hbm>> -> memref<65536x48xf32, #tpu.memory_space<hbm>>
    tpu.wait_indirect_dma semaphore(%arg7 : memref<!tpu.dma_semaphore, #tpu.memory_space<semaphore_mem>>) src(%dma_wait3A_248 : memref<65536x48xf32, #tpu.memory_space<hbm>>) dst(%dma_wait3A_243 : memref<128x48xf32, #tpu.memory_space<vmem>>)
    %dma_wait3A_249 = arith.constant 1920 : i32
    %dma_wait3A_250 = arith.constant 0 : i32
    %dma_wait3A_251 = tpu.memref_slice %arg6[%dma_wait3A_249, %dma_wait3A_250] : memref<2048x48xf32, #tpu.memory_space<vmem>> -> memref<128x48xf32, #tpu.memory_space<vmem>>
    %dma_wait3A_252 = arith.constant 1920 : i32
    %dma_wait3A_253 = tpu.memref_slice %arg5[%dma_wait3A_252] : memref<2048xi32, #tpu.memory_space<vmem>> -> memref<128xi32, #tpu.memory_space<vmem>>
    %dma_wait3A_254 = arith.constant 0 : i32
    %dma_wait3A_255 = arith.constant 0 : i32
    %dma_wait3A_256 = tpu.memref_slice %arg2[%dma_wait3A_254, %dma_wait3A_255] : memref<65536x48xf32, #tpu.memory_space<hbm>> -> memref<65536x48xf32, #tpu.memory_space<hbm>>
    tpu.wait_indirect_dma semaphore(%arg7 : memref<!tpu.dma_semaphore, #tpu.memory_space<semaphore_mem>>) src(%dma_wait3A_256 : memref<65536x48xf32, #tpu.memory_space<hbm>>) dst(%dma_wait3A_251 : memref<128x48xf32, #tpu.memory_space<vmem>>)
    "tpu.region"() ({
      %run_scoped3A = tpu.sem_alloc : memref<!tpu.dma_semaphore, #tpu.memory_space<semaphore_mem>>
      %dma_start3A_257 = arith.constant 0 : i32
      %dma_start3A_258 = tpu.memref_slice %arg4[%mul3A_2, %dma_start3A_257] : memref<65536x48xf32, #tpu.memory_space<hbm>> -> memref<2048x48xf32, #tpu.memory_space<hbm>>
      %dma_start3A_259 = arith.constant 0 : i32
      %dma_start3A_260 = tpu.memref_slice %arg4[%mul3A_2, %dma_start3A_259] : memref<65536x48xf32, #tpu.memory_space<hbm>> -> memref<2048x48xf32, #tpu.memory_space<hbm>>
      tpu.enqueue_dma source(%arg6 : memref<2048x48xf32, #tpu.memory_space<vmem>>) target(%dma_start3A_260 : memref<2048x48xf32, #tpu.memory_space<hbm>>) target_semaphore(%run_scoped3A : memref<!tpu.dma_semaphore, #tpu.memory_space<semaphore_mem>>)
      %dma_wait3A_261 = arith.constant 0 : i32
      %dma_wait3A_262 = tpu.memref_slice %arg4[%mul3A_2, %dma_wait3A_261] : memref<65536x48xf32, #tpu.memory_space<hbm>> -> memref<2048x48xf32, #tpu.memory_space<hbm>>
      %dma_wait3A_263 = arith.constant 0 : i32
      %dma_wait3A_264 = tpu.memref_slice %arg4[%mul3A_2, %dma_wait3A_263] : memref<65536x48xf32, #tpu.memory_space<hbm>> -> memref<2048x48xf32, #tpu.memory_space<hbm>>
      tpu.wait_dma2 semaphore(%run_scoped3A : memref<!tpu.dma_semaphore, #tpu.memory_space<semaphore_mem>>) src(%arg6 : memref<2048x48xf32, #tpu.memory_space<vmem>>) dst(%dma_wait3A_264 : memref<2048x48xf32, #tpu.memory_space<hbm>>)
      tpu.yield
    }) : () -> ()
    return
  }
}

#map = affine_map<(d0, d1) -> (0)>
module attributes {stable_mosaic.version = 14 : i64} {
  func.func @k(%arg0: i32, %arg1: i32, %arg2: memref<1048576xi32, #tpu.memory_space<hbm>>, %arg3: memref<65536xi32, #tpu.memory_space<hbm>>, %arg4: memref<65536xi32, #tpu.memory_space<hbm>>, %arg5: memref<2048xi32, #tpu.memory_space<vmem>>, %arg6: memref<2048xi32, #tpu.memory_space<vmem>>, %arg7: memref<!tpu.dma_semaphore, #tpu.memory_space<semaphore_mem>>) attributes {dimension_semantics = [#tpu.dimension_semantics<core_parallel>, #tpu.dimension_semantics<subcore_parallel>], iteration_bounds = array<i64: 2, 16>, scalar_prefetch = 0 : i64, scratch_operands = 3 : i64, tpu.core_type = #tpu.core_type<sc_vector_subcore>, window_params = [{transform_indices = #map}, {transform_indices = #map}, {transform_indices = #map}]} {
    %mul3A = arith.constant 2 : i32
    %mul3A_0 = arith.muli %arg1, %mul3A : i32
    %add3A = arith.addi %mul3A_0, %arg0 : i32
    %mul3A_1 = arith.constant 2048 : i32
    %mul3A_2 = arith.muli %add3A, %mul3A_1 : i32
    "tpu.region"() ({
      %run_scoped3A = tpu.sem_alloc : memref<!tpu.dma_semaphore, #tpu.memory_space<semaphore_mem>>
      %dma_start3A_1470 = tpu.memref_slice %arg3[%mul3A_2] : memref<65536xi32, #tpu.memory_space<hbm>> -> memref<2048xi32, #tpu.memory_space<hbm>>
      %dma_start3A_1471 = tpu.memref_slice %arg3[%mul3A_2] : memref<65536xi32, #tpu.memory_space<hbm>> -> memref<2048xi32, #tpu.memory_space<hbm>>
      tpu.enqueue_dma source(%dma_start3A_1471 : memref<2048xi32, #tpu.memory_space<hbm>>) target(%arg5 : memref<2048xi32, #tpu.memory_space<vmem>>) target_semaphore(%run_scoped3A : memref<!tpu.dma_semaphore, #tpu.memory_space<semaphore_mem>>)
      %dma_wait3A_1472 = tpu.memref_slice %arg3[%mul3A_2] : memref<65536xi32, #tpu.memory_space<hbm>> -> memref<2048xi32, #tpu.memory_space<hbm>>
      %dma_wait3A_1473 = tpu.memref_slice %arg3[%mul3A_2] : memref<65536xi32, #tpu.memory_space<hbm>> -> memref<2048xi32, #tpu.memory_space<hbm>>
      tpu.wait_dma2 semaphore(%run_scoped3A : memref<!tpu.dma_semaphore, #tpu.memory_space<semaphore_mem>>) src(%dma_wait3A_1473 : memref<2048xi32, #tpu.memory_space<hbm>>) dst(%arg5 : memref<2048xi32, #tpu.memory_space<vmem>>)
      tpu.yield
    }) : () -> ()
    %dma_start3A = arith.constant 0 : i32
    %dma_start3A_3 = tpu.memref_slice %arg6[%dma_start3A] : memref<2048xi32, #tpu.memory_space<vmem>> -> memref<128xi32, #tpu.memory_space<vmem>>
    %dma_start3A_4 = arith.constant 0 : i32
    %dma_start3A_5 = tpu.memref_slice %arg5[%dma_start3A_4] : memref<2048xi32, #tpu.memory_space<vmem>> -> memref<128xi32, #tpu.memory_space<vmem>>
    %dma_start3A_6 = arith.constant 0 : i32
    %dma_start3A_7 = tpu.memref_slice %arg2[%dma_start3A_6] : memref<1048576xi32, #tpu.memory_space<hbm>> -> memref<1048576xi32, #tpu.memory_space<hbm>>
    tpu.enqueue_indirect_dma source(%dma_start3A_7 : memref<1048576xi32, #tpu.memory_space<hbm>>) target(%dma_start3A_3 : memref<128xi32, #tpu.memory_space<vmem>>) offsets(%dma_start3A_5 : memref<128xi32, #tpu.memory_space<vmem>>) semaphore(%arg7 : memref<!tpu.dma_semaphore, #tpu.memory_space<semaphore_mem>>)
    %dma_start3A_8 = arith.constant 128 : i32
    %dma_start3A_9 = tpu.memref_slice %arg6[%dma_start3A_8] : memref<2048xi32, #tpu.memory_space<vmem>> -> memref<128xi32, #tpu.memory_space<vmem>>
    %dma_start3A_10 = arith.constant 128 : i32
    %dma_start3A_11 = tpu.memref_slice %arg5[%dma_start3A_10] : memref<2048xi32, #tpu.memory_space<vmem>> -> memref<128xi32, #tpu.memory_space<vmem>>
    %dma_start3A_12 = arith.constant 0 : i32
    %dma_start3A_13 = tpu.memref_slice %arg2[%dma_start3A_12] : memref<1048576xi32, #tpu.memory_space<hbm>> -> memref<1048576xi32, #tpu.memory_space<hbm>>
    tpu.enqueue_indirect_dma source(%dma_start3A_13 : memref<1048576xi32, #tpu.memory_space<hbm>>) target(%dma_start3A_9 : memref<128xi32, #tpu.memory_space<vmem>>) offsets(%dma_start3A_11 : memref<128xi32, #tpu.memory_space<vmem>>) semaphore(%arg7 : memref<!tpu.dma_semaphore, #tpu.memory_space<semaphore_mem>>)
    %dma_start3A_14 = arith.constant 256 : i32
    %dma_start3A_15 = tpu.memref_slice %arg6[%dma_start3A_14] : memref<2048xi32, #tpu.memory_space<vmem>> -> memref<128xi32, #tpu.memory_space<vmem>>
    %dma_start3A_16 = arith.constant 256 : i32
    %dma_start3A_17 = tpu.memref_slice %arg5[%dma_start3A_16] : memref<2048xi32, #tpu.memory_space<vmem>> -> memref<128xi32, #tpu.memory_space<vmem>>
    %dma_start3A_18 = arith.constant 0 : i32
    %dma_start3A_19 = tpu.memref_slice %arg2[%dma_start3A_18] : memref<1048576xi32, #tpu.memory_space<hbm>> -> memref<1048576xi32, #tpu.memory_space<hbm>>
    tpu.enqueue_indirect_dma source(%dma_start3A_19 : memref<1048576xi32, #tpu.memory_space<hbm>>) target(%dma_start3A_15 : memref<128xi32, #tpu.memory_space<vmem>>) offsets(%dma_start3A_17 : memref<128xi32, #tpu.memory_space<vmem>>) semaphore(%arg7 : memref<!tpu.dma_semaphore, #tpu.memory_space<semaphore_mem>>)
    %dma_start3A_20 = arith.constant 384 : i32
    %dma_start3A_21 = tpu.memref_slice %arg6[%dma_start3A_20] : memref<2048xi32, #tpu.memory_space<vmem>> -> memref<128xi32, #tpu.memory_space<vmem>>
    %dma_start3A_22 = arith.constant 384 : i32
    %dma_start3A_23 = tpu.memref_slice %arg5[%dma_start3A_22] : memref<2048xi32, #tpu.memory_space<vmem>> -> memref<128xi32, #tpu.memory_space<vmem>>
    %dma_start3A_24 = arith.constant 0 : i32
    %dma_start3A_25 = tpu.memref_slice %arg2[%dma_start3A_24] : memref<1048576xi32, #tpu.memory_space<hbm>> -> memref<1048576xi32, #tpu.memory_space<hbm>>
    tpu.enqueue_indirect_dma source(%dma_start3A_25 : memref<1048576xi32, #tpu.memory_space<hbm>>) target(%dma_start3A_21 : memref<128xi32, #tpu.memory_space<vmem>>) offsets(%dma_start3A_23 : memref<128xi32, #tpu.memory_space<vmem>>) semaphore(%arg7 : memref<!tpu.dma_semaphore, #tpu.memory_space<semaphore_mem>>)
    %dma_start3A_26 = arith.constant 512 : i32
    %dma_start3A_27 = tpu.memref_slice %arg6[%dma_start3A_26] : memref<2048xi32, #tpu.memory_space<vmem>> -> memref<128xi32, #tpu.memory_space<vmem>>
    %dma_start3A_28 = arith.constant 512 : i32
    %dma_start3A_29 = tpu.memref_slice %arg5[%dma_start3A_28] : memref<2048xi32, #tpu.memory_space<vmem>> -> memref<128xi32, #tpu.memory_space<vmem>>
    %dma_start3A_30 = arith.constant 0 : i32
    %dma_start3A_31 = tpu.memref_slice %arg2[%dma_start3A_30] : memref<1048576xi32, #tpu.memory_space<hbm>> -> memref<1048576xi32, #tpu.memory_space<hbm>>
    tpu.enqueue_indirect_dma source(%dma_start3A_31 : memref<1048576xi32, #tpu.memory_space<hbm>>) target(%dma_start3A_27 : memref<128xi32, #tpu.memory_space<vmem>>) offsets(%dma_start3A_29 : memref<128xi32, #tpu.memory_space<vmem>>) semaphore(%arg7 : memref<!tpu.dma_semaphore, #tpu.memory_space<semaphore_mem>>)
    %dma_start3A_32 = arith.constant 640 : i32
    %dma_start3A_33 = tpu.memref_slice %arg6[%dma_start3A_32] : memref<2048xi32, #tpu.memory_space<vmem>> -> memref<128xi32, #tpu.memory_space<vmem>>
    %dma_start3A_34 = arith.constant 640 : i32
    %dma_start3A_35 = tpu.memref_slice %arg5[%dma_start3A_34] : memref<2048xi32, #tpu.memory_space<vmem>> -> memref<128xi32, #tpu.memory_space<vmem>>
    %dma_start3A_36 = arith.constant 0 : i32
    %dma_start3A_37 = tpu.memref_slice %arg2[%dma_start3A_36] : memref<1048576xi32, #tpu.memory_space<hbm>> -> memref<1048576xi32, #tpu.memory_space<hbm>>
    tpu.enqueue_indirect_dma source(%dma_start3A_37 : memref<1048576xi32, #tpu.memory_space<hbm>>) target(%dma_start3A_33 : memref<128xi32, #tpu.memory_space<vmem>>) offsets(%dma_start3A_35 : memref<128xi32, #tpu.memory_space<vmem>>) semaphore(%arg7 : memref<!tpu.dma_semaphore, #tpu.memory_space<semaphore_mem>>)
    %dma_start3A_38 = arith.constant 768 : i32
    %dma_start3A_39 = tpu.memref_slice %arg6[%dma_start3A_38] : memref<2048xi32, #tpu.memory_space<vmem>> -> memref<128xi32, #tpu.memory_space<vmem>>
    %dma_start3A_40 = arith.constant 768 : i32
    %dma_start3A_41 = tpu.memref_slice %arg5[%dma_start3A_40] : memref<2048xi32, #tpu.memory_space<vmem>> -> memref<128xi32, #tpu.memory_space<vmem>>
    %dma_start3A_42 = arith.constant 0 : i32
    %dma_start3A_43 = tpu.memref_slice %arg2[%dma_start3A_42] : memref<1048576xi32, #tpu.memory_space<hbm>> -> memref<1048576xi32, #tpu.memory_space<hbm>>
    tpu.enqueue_indirect_dma source(%dma_start3A_43 : memref<1048576xi32, #tpu.memory_space<hbm>>) target(%dma_start3A_39 : memref<128xi32, #tpu.memory_space<vmem>>) offsets(%dma_start3A_41 : memref<128xi32, #tpu.memory_space<vmem>>) semaphore(%arg7 : memref<!tpu.dma_semaphore, #tpu.memory_space<semaphore_mem>>)
    %dma_start3A_44 = arith.constant 896 : i32
    %dma_start3A_45 = tpu.memref_slice %arg6[%dma_start3A_44] : memref<2048xi32, #tpu.memory_space<vmem>> -> memref<128xi32, #tpu.memory_space<vmem>>
    %dma_start3A_46 = arith.constant 896 : i32
    %dma_start3A_47 = tpu.memref_slice %arg5[%dma_start3A_46] : memref<2048xi32, #tpu.memory_space<vmem>> -> memref<128xi32, #tpu.memory_space<vmem>>
    %dma_start3A_48 = arith.constant 0 : i32
    %dma_start3A_49 = tpu.memref_slice %arg2[%dma_start3A_48] : memref<1048576xi32, #tpu.memory_space<hbm>> -> memref<1048576xi32, #tpu.memory_space<hbm>>
    tpu.enqueue_indirect_dma source(%dma_start3A_49 : memref<1048576xi32, #tpu.memory_space<hbm>>) target(%dma_start3A_45 : memref<128xi32, #tpu.memory_space<vmem>>) offsets(%dma_start3A_47 : memref<128xi32, #tpu.memory_space<vmem>>) semaphore(%arg7 : memref<!tpu.dma_semaphore, #tpu.memory_space<semaphore_mem>>)
    %dma_start3A_50 = arith.constant 1024 : i32
    %dma_start3A_51 = tpu.memref_slice %arg6[%dma_start3A_50] : memref<2048xi32, #tpu.memory_space<vmem>> -> memref<128xi32, #tpu.memory_space<vmem>>
    %dma_start3A_52 = arith.constant 1024 : i32
    %dma_start3A_53 = tpu.memref_slice %arg5[%dma_start3A_52] : memref<2048xi32, #tpu.memory_space<vmem>> -> memref<128xi32, #tpu.memory_space<vmem>>
    %dma_start3A_54 = arith.constant 0 : i32
    %dma_start3A_55 = tpu.memref_slice %arg2[%dma_start3A_54] : memref<1048576xi32, #tpu.memory_space<hbm>> -> memref<1048576xi32, #tpu.memory_space<hbm>>
    tpu.enqueue_indirect_dma source(%dma_start3A_55 : memref<1048576xi32, #tpu.memory_space<hbm>>) target(%dma_start3A_51 : memref<128xi32, #tpu.memory_space<vmem>>) offsets(%dma_start3A_53 : memref<128xi32, #tpu.memory_space<vmem>>) semaphore(%arg7 : memref<!tpu.dma_semaphore, #tpu.memory_space<semaphore_mem>>)
    %dma_start3A_56 = arith.constant 1152 : i32
    %dma_start3A_57 = tpu.memref_slice %arg6[%dma_start3A_56] : memref<2048xi32, #tpu.memory_space<vmem>> -> memref<128xi32, #tpu.memory_space<vmem>>
    %dma_start3A_58 = arith.constant 1152 : i32
    %dma_start3A_59 = tpu.memref_slice %arg5[%dma_start3A_58] : memref<2048xi32, #tpu.memory_space<vmem>> -> memref<128xi32, #tpu.memory_space<vmem>>
    %dma_start3A_60 = arith.constant 0 : i32
    %dma_start3A_61 = tpu.memref_slice %arg2[%dma_start3A_60] : memref<1048576xi32, #tpu.memory_space<hbm>> -> memref<1048576xi32, #tpu.memory_space<hbm>>
    tpu.enqueue_indirect_dma source(%dma_start3A_61 : memref<1048576xi32, #tpu.memory_space<hbm>>) target(%dma_start3A_57 : memref<128xi32, #tpu.memory_space<vmem>>) offsets(%dma_start3A_59 : memref<128xi32, #tpu.memory_space<vmem>>) semaphore(%arg7 : memref<!tpu.dma_semaphore, #tpu.memory_space<semaphore_mem>>)
    %dma_start3A_62 = arith.constant 1280 : i32
    %dma_start3A_63 = tpu.memref_slice %arg6[%dma_start3A_62] : memref<2048xi32, #tpu.memory_space<vmem>> -> memref<128xi32, #tpu.memory_space<vmem>>
    %dma_start3A_64 = arith.constant 1280 : i32
    %dma_start3A_65 = tpu.memref_slice %arg5[%dma_start3A_64] : memref<2048xi32, #tpu.memory_space<vmem>> -> memref<128xi32, #tpu.memory_space<vmem>>
    %dma_start3A_66 = arith.constant 0 : i32
    %dma_start3A_67 = tpu.memref_slice %arg2[%dma_start3A_66] : memref<1048576xi32, #tpu.memory_space<hbm>> -> memref<1048576xi32, #tpu.memory_space<hbm>>
    tpu.enqueue_indirect_dma source(%dma_start3A_67 : memref<1048576xi32, #tpu.memory_space<hbm>>) target(%dma_start3A_63 : memref<128xi32, #tpu.memory_space<vmem>>) offsets(%dma_start3A_65 : memref<128xi32, #tpu.memory_space<vmem>>) semaphore(%arg7 : memref<!tpu.dma_semaphore, #tpu.memory_space<semaphore_mem>>)
    %dma_start3A_68 = arith.constant 1408 : i32
    %dma_start3A_69 = tpu.memref_slice %arg6[%dma_start3A_68] : memref<2048xi32, #tpu.memory_space<vmem>> -> memref<128xi32, #tpu.memory_space<vmem>>
    %dma_start3A_70 = arith.constant 1408 : i32
    %dma_start3A_71 = tpu.memref_slice %arg5[%dma_start3A_70] : memref<2048xi32, #tpu.memory_space<vmem>> -> memref<128xi32, #tpu.memory_space<vmem>>
    %dma_start3A_72 = arith.constant 0 : i32
    %dma_start3A_73 = tpu.memref_slice %arg2[%dma_start3A_72] : memref<1048576xi32, #tpu.memory_space<hbm>> -> memref<1048576xi32, #tpu.memory_space<hbm>>
    tpu.enqueue_indirect_dma source(%dma_start3A_73 : memref<1048576xi32, #tpu.memory_space<hbm>>) target(%dma_start3A_69 : memref<128xi32, #tpu.memory_space<vmem>>) offsets(%dma_start3A_71 : memref<128xi32, #tpu.memory_space<vmem>>) semaphore(%arg7 : memref<!tpu.dma_semaphore, #tpu.memory_space<semaphore_mem>>)
    %dma_start3A_74 = arith.constant 1536 : i32
    %dma_start3A_75 = tpu.memref_slice %arg6[%dma_start3A_74] : memref<2048xi32, #tpu.memory_space<vmem>> -> memref<128xi32, #tpu.memory_space<vmem>>
    %dma_start3A_76 = arith.constant 1536 : i32
    %dma_start3A_77 = tpu.memref_slice %arg5[%dma_start3A_76] : memref<2048xi32, #tpu.memory_space<vmem>> -> memref<128xi32, #tpu.memory_space<vmem>>
    %dma_start3A_78 = arith.constant 0 : i32
    %dma_start3A_79 = tpu.memref_slice %arg2[%dma_start3A_78] : memref<1048576xi32, #tpu.memory_space<hbm>> -> memref<1048576xi32, #tpu.memory_space<hbm>>
    tpu.enqueue_indirect_dma source(%dma_start3A_79 : memref<1048576xi32, #tpu.memory_space<hbm>>) target(%dma_start3A_75 : memref<128xi32, #tpu.memory_space<vmem>>) offsets(%dma_start3A_77 : memref<128xi32, #tpu.memory_space<vmem>>) semaphore(%arg7 : memref<!tpu.dma_semaphore, #tpu.memory_space<semaphore_mem>>)
    %dma_start3A_80 = arith.constant 1664 : i32
    %dma_start3A_81 = tpu.memref_slice %arg6[%dma_start3A_80] : memref<2048xi32, #tpu.memory_space<vmem>> -> memref<128xi32, #tpu.memory_space<vmem>>
    %dma_start3A_82 = arith.constant 1664 : i32
    %dma_start3A_83 = tpu.memref_slice %arg5[%dma_start3A_82] : memref<2048xi32, #tpu.memory_space<vmem>> -> memref<128xi32, #tpu.memory_space<vmem>>
    %dma_start3A_84 = arith.constant 0 : i32
    %dma_start3A_85 = tpu.memref_slice %arg2[%dma_start3A_84] : memref<1048576xi32, #tpu.memory_space<hbm>> -> memref<1048576xi32, #tpu.memory_space<hbm>>
    tpu.enqueue_indirect_dma source(%dma_start3A_85 : memref<1048576xi32, #tpu.memory_space<hbm>>) target(%dma_start3A_81 : memref<128xi32, #tpu.memory_space<vmem>>) offsets(%dma_start3A_83 : memref<128xi32, #tpu.memory_space<vmem>>) semaphore(%arg7 : memref<!tpu.dma_semaphore, #tpu.memory_space<semaphore_mem>>)
    %dma_start3A_86 = arith.constant 1792 : i32
    %dma_start3A_87 = tpu.memref_slice %arg6[%dma_start3A_86] : memref<2048xi32, #tpu.memory_space<vmem>> -> memref<128xi32, #tpu.memory_space<vmem>>
    %dma_start3A_88 = arith.constant 1792 : i32
    %dma_start3A_89 = tpu.memref_slice %arg5[%dma_start3A_88] : memref<2048xi32, #tpu.memory_space<vmem>> -> memref<128xi32, #tpu.memory_space<vmem>>
    %dma_start3A_90 = arith.constant 0 : i32
    %dma_start3A_91 = tpu.memref_slice %arg2[%dma_start3A_90] : memref<1048576xi32, #tpu.memory_space<hbm>> -> memref<1048576xi32, #tpu.memory_space<hbm>>
    tpu.enqueue_indirect_dma source(%dma_start3A_91 : memref<1048576xi32, #tpu.memory_space<hbm>>) target(%dma_start3A_87 : memref<128xi32, #tpu.memory_space<vmem>>) offsets(%dma_start3A_89 : memref<128xi32, #tpu.memory_space<vmem>>) semaphore(%arg7 : memref<!tpu.dma_semaphore, #tpu.memory_space<semaphore_mem>>)
    %dma_start3A_92 = arith.constant 1920 : i32
    %dma_start3A_93 = tpu.memref_slice %arg6[%dma_start3A_92] : memref<2048xi32, #tpu.memory_space<vmem>> -> memref<128xi32, #tpu.memory_space<vmem>>
    %dma_start3A_94 = arith.constant 1920 : i32
    %dma_start3A_95 = tpu.memref_slice %arg5[%dma_start3A_94] : memref<2048xi32, #tpu.memory_space<vmem>> -> memref<128xi32, #tpu.memory_space<vmem>>
    %dma_start3A_96 = arith.constant 0 : i32
    %dma_start3A_97 = tpu.memref_slice %arg2[%dma_start3A_96] : memref<1048576xi32, #tpu.memory_space<hbm>> -> memref<1048576xi32, #tpu.memory_space<hbm>>
    tpu.enqueue_indirect_dma source(%dma_start3A_97 : memref<1048576xi32, #tpu.memory_space<hbm>>) target(%dma_start3A_93 : memref<128xi32, #tpu.memory_space<vmem>>) offsets(%dma_start3A_95 : memref<128xi32, #tpu.memory_space<vmem>>) semaphore(%arg7 : memref<!tpu.dma_semaphore, #tpu.memory_space<semaphore_mem>>)
    %dma_wait3A = arith.constant 0 : i32
    %dma_wait3A_98 = tpu.memref_slice %arg6[%dma_wait3A] : memref<2048xi32, #tpu.memory_space<vmem>> -> memref<128xi32, #tpu.memory_space<vmem>>
    %dma_wait3A_99 = arith.constant 0 : i32
    %dma_wait3A_100 = tpu.memref_slice %arg5[%dma_wait3A_99] : memref<2048xi32, #tpu.memory_space<vmem>> -> memref<128xi32, #tpu.memory_space<vmem>>
    %dma_wait3A_101 = arith.constant 0 : i32
    %dma_wait3A_102 = tpu.memref_slice %arg2[%dma_wait3A_101] : memref<1048576xi32, #tpu.memory_space<hbm>> -> memref<1048576xi32, #tpu.memory_space<hbm>>
    tpu.wait_indirect_dma semaphore(%arg7 : memref<!tpu.dma_semaphore, #tpu.memory_space<semaphore_mem>>) src(%dma_wait3A_102 : memref<1048576xi32, #tpu.memory_space<hbm>>) dst(%dma_wait3A_98 : memref<128xi32, #tpu.memory_space<vmem>>)
    %dma_wait3A_103 = arith.constant 128 : i32
    %dma_wait3A_104 = tpu.memref_slice %arg6[%dma_wait3A_103] : memref<2048xi32, #tpu.memory_space<vmem>> -> memref<128xi32, #tpu.memory_space<vmem>>
    %dma_wait3A_105 = arith.constant 128 : i32
    %dma_wait3A_106 = tpu.memref_slice %arg5[%dma_wait3A_105] : memref<2048xi32, #tpu.memory_space<vmem>> -> memref<128xi32, #tpu.memory_space<vmem>>
    %dma_wait3A_107 = arith.constant 0 : i32
    %dma_wait3A_108 = tpu.memref_slice %arg2[%dma_wait3A_107] : memref<1048576xi32, #tpu.memory_space<hbm>> -> memref<1048576xi32, #tpu.memory_space<hbm>>
    tpu.wait_indirect_dma semaphore(%arg7 : memref<!tpu.dma_semaphore, #tpu.memory_space<semaphore_mem>>) src(%dma_wait3A_108 : memref<1048576xi32, #tpu.memory_space<hbm>>) dst(%dma_wait3A_104 : memref<128xi32, #tpu.memory_space<vmem>>)
    %dma_wait3A_109 = arith.constant 256 : i32
    %dma_wait3A_110 = tpu.memref_slice %arg6[%dma_wait3A_109] : memref<2048xi32, #tpu.memory_space<vmem>> -> memref<128xi32, #tpu.memory_space<vmem>>
    %dma_wait3A_111 = arith.constant 256 : i32
    %dma_wait3A_112 = tpu.memref_slice %arg5[%dma_wait3A_111] : memref<2048xi32, #tpu.memory_space<vmem>> -> memref<128xi32, #tpu.memory_space<vmem>>
    %dma_wait3A_113 = arith.constant 0 : i32
    %dma_wait3A_114 = tpu.memref_slice %arg2[%dma_wait3A_113] : memref<1048576xi32, #tpu.memory_space<hbm>> -> memref<1048576xi32, #tpu.memory_space<hbm>>
    tpu.wait_indirect_dma semaphore(%arg7 : memref<!tpu.dma_semaphore, #tpu.memory_space<semaphore_mem>>) src(%dma_wait3A_114 : memref<1048576xi32, #tpu.memory_space<hbm>>) dst(%dma_wait3A_110 : memref<128xi32, #tpu.memory_space<vmem>>)
    %dma_wait3A_115 = arith.constant 384 : i32
    %dma_wait3A_116 = tpu.memref_slice %arg6[%dma_wait3A_115] : memref<2048xi32, #tpu.memory_space<vmem>> -> memref<128xi32, #tpu.memory_space<vmem>>
    %dma_wait3A_117 = arith.constant 384 : i32
    %dma_wait3A_118 = tpu.memref_slice %arg5[%dma_wait3A_117] : memref<2048xi32, #tpu.memory_space<vmem>> -> memref<128xi32, #tpu.memory_space<vmem>>
    %dma_wait3A_119 = arith.constant 0 : i32
    %dma_wait3A_120 = tpu.memref_slice %arg2[%dma_wait3A_119] : memref<1048576xi32, #tpu.memory_space<hbm>> -> memref<1048576xi32, #tpu.memory_space<hbm>>
    tpu.wait_indirect_dma semaphore(%arg7 : memref<!tpu.dma_semaphore, #tpu.memory_space<semaphore_mem>>) src(%dma_wait3A_120 : memref<1048576xi32, #tpu.memory_space<hbm>>) dst(%dma_wait3A_116 : memref<128xi32, #tpu.memory_space<vmem>>)
    %dma_wait3A_121 = arith.constant 512 : i32
    %dma_wait3A_122 = tpu.memref_slice %arg6[%dma_wait3A_121] : memref<2048xi32, #tpu.memory_space<vmem>> -> memref<128xi32, #tpu.memory_space<vmem>>
    %dma_wait3A_123 = arith.constant 512 : i32
    %dma_wait3A_124 = tpu.memref_slice %arg5[%dma_wait3A_123] : memref<2048xi32, #tpu.memory_space<vmem>> -> memref<128xi32, #tpu.memory_space<vmem>>
    %dma_wait3A_125 = arith.constant 0 : i32
    %dma_wait3A_126 = tpu.memref_slice %arg2[%dma_wait3A_125] : memref<1048576xi32, #tpu.memory_space<hbm>> -> memref<1048576xi32, #tpu.memory_space<hbm>>
    tpu.wait_indirect_dma semaphore(%arg7 : memref<!tpu.dma_semaphore, #tpu.memory_space<semaphore_mem>>) src(%dma_wait3A_126 : memref<1048576xi32, #tpu.memory_space<hbm>>) dst(%dma_wait3A_122 : memref<128xi32, #tpu.memory_space<vmem>>)
    %dma_wait3A_127 = arith.constant 640 : i32
    %dma_wait3A_128 = tpu.memref_slice %arg6[%dma_wait3A_127] : memref<2048xi32, #tpu.memory_space<vmem>> -> memref<128xi32, #tpu.memory_space<vmem>>
    %dma_wait3A_129 = arith.constant 640 : i32
    %dma_wait3A_130 = tpu.memref_slice %arg5[%dma_wait3A_129] : memref<2048xi32, #tpu.memory_space<vmem>> -> memref<128xi32, #tpu.memory_space<vmem>>
    %dma_wait3A_131 = arith.constant 0 : i32
    %dma_wait3A_132 = tpu.memref_slice %arg2[%dma_wait3A_131] : memref<1048576xi32, #tpu.memory_space<hbm>> -> memref<1048576xi32, #tpu.memory_space<hbm>>
    tpu.wait_indirect_dma semaphore(%arg7 : memref<!tpu.dma_semaphore, #tpu.memory_space<semaphore_mem>>) src(%dma_wait3A_132 : memref<1048576xi32, #tpu.memory_space<hbm>>) dst(%dma_wait3A_128 : memref<128xi32, #tpu.memory_space<vmem>>)
    %dma_wait3A_133 = arith.constant 768 : i32
    %dma_wait3A_134 = tpu.memref_slice %arg6[%dma_wait3A_133] : memref<2048xi32, #tpu.memory_space<vmem>> -> memref<128xi32, #tpu.memory_space<vmem>>
    %dma_wait3A_135 = arith.constant 768 : i32
    %dma_wait3A_136 = tpu.memref_slice %arg5[%dma_wait3A_135] : memref<2048xi32, #tpu.memory_space<vmem>> -> memref<128xi32, #tpu.memory_space<vmem>>
    %dma_wait3A_137 = arith.constant 0 : i32
    %dma_wait3A_138 = tpu.memref_slice %arg2[%dma_wait3A_137] : memref<1048576xi32, #tpu.memory_space<hbm>> -> memref<1048576xi32, #tpu.memory_space<hbm>>
    tpu.wait_indirect_dma semaphore(%arg7 : memref<!tpu.dma_semaphore, #tpu.memory_space<semaphore_mem>>) src(%dma_wait3A_138 : memref<1048576xi32, #tpu.memory_space<hbm>>) dst(%dma_wait3A_134 : memref<128xi32, #tpu.memory_space<vmem>>)
    %dma_wait3A_139 = arith.constant 896 : i32
    %dma_wait3A_140 = tpu.memref_slice %arg6[%dma_wait3A_139] : memref<2048xi32, #tpu.memory_space<vmem>> -> memref<128xi32, #tpu.memory_space<vmem>>
    %dma_wait3A_141 = arith.constant 896 : i32
    %dma_wait3A_142 = tpu.memref_slice %arg5[%dma_wait3A_141] : memref<2048xi32, #tpu.memory_space<vmem>> -> memref<128xi32, #tpu.memory_space<vmem>>
    %dma_wait3A_143 = arith.constant 0 : i32
    %dma_wait3A_144 = tpu.memref_slice %arg2[%dma_wait3A_143] : memref<1048576xi32, #tpu.memory_space<hbm>> -> memref<1048576xi32, #tpu.memory_space<hbm>>
    tpu.wait_indirect_dma semaphore(%arg7 : memref<!tpu.dma_semaphore, #tpu.memory_space<semaphore_mem>>) src(%dma_wait3A_144 : memref<1048576xi32, #tpu.memory_space<hbm>>) dst(%dma_wait3A_140 : memref<128xi32, #tpu.memory_space<vmem>>)
    %dma_wait3A_145 = arith.constant 1024 : i32
    %dma_wait3A_146 = tpu.memref_slice %arg6[%dma_wait3A_145] : memref<2048xi32, #tpu.memory_space<vmem>> -> memref<128xi32, #tpu.memory_space<vmem>>
    %dma_wait3A_147 = arith.constant 1024 : i32
    %dma_wait3A_148 = tpu.memref_slice %arg5[%dma_wait3A_147] : memref<2048xi32, #tpu.memory_space<vmem>> -> memref<128xi32, #tpu.memory_space<vmem>>
    %dma_wait3A_149 = arith.constant 0 : i32
    %dma_wait3A_150 = tpu.memref_slice %arg2[%dma_wait3A_149] : memref<1048576xi32, #tpu.memory_space<hbm>> -> memref<1048576xi32, #tpu.memory_space<hbm>>
    tpu.wait_indirect_dma semaphore(%arg7 : memref<!tpu.dma_semaphore, #tpu.memory_space<semaphore_mem>>) src(%dma_wait3A_150 : memref<1048576xi32, #tpu.memory_space<hbm>>) dst(%dma_wait3A_146 : memref<128xi32, #tpu.memory_space<vmem>>)
    %dma_wait3A_151 = arith.constant 1152 : i32
    %dma_wait3A_152 = tpu.memref_slice %arg6[%dma_wait3A_151] : memref<2048xi32, #tpu.memory_space<vmem>> -> memref<128xi32, #tpu.memory_space<vmem>>
    %dma_wait3A_153 = arith.constant 1152 : i32
    %dma_wait3A_154 = tpu.memref_slice %arg5[%dma_wait3A_153] : memref<2048xi32, #tpu.memory_space<vmem>> -> memref<128xi32, #tpu.memory_space<vmem>>
    %dma_wait3A_155 = arith.constant 0 : i32
    %dma_wait3A_156 = tpu.memref_slice %arg2[%dma_wait3A_155] : memref<1048576xi32, #tpu.memory_space<hbm>> -> memref<1048576xi32, #tpu.memory_space<hbm>>
    tpu.wait_indirect_dma semaphore(%arg7 : memref<!tpu.dma_semaphore, #tpu.memory_space<semaphore_mem>>) src(%dma_wait3A_156 : memref<1048576xi32, #tpu.memory_space<hbm>>) dst(%dma_wait3A_152 : memref<128xi32, #tpu.memory_space<vmem>>)
    %dma_wait3A_157 = arith.constant 1280 : i32
    %dma_wait3A_158 = tpu.memref_slice %arg6[%dma_wait3A_157] : memref<2048xi32, #tpu.memory_space<vmem>> -> memref<128xi32, #tpu.memory_space<vmem>>
    %dma_wait3A_159 = arith.constant 1280 : i32
    %dma_wait3A_160 = tpu.memref_slice %arg5[%dma_wait3A_159] : memref<2048xi32, #tpu.memory_space<vmem>> -> memref<128xi32, #tpu.memory_space<vmem>>
    %dma_wait3A_161 = arith.constant 0 : i32
    %dma_wait3A_162 = tpu.memref_slice %arg2[%dma_wait3A_161] : memref<1048576xi32, #tpu.memory_space<hbm>> -> memref<1048576xi32, #tpu.memory_space<hbm>>
    tpu.wait_indirect_dma semaphore(%arg7 : memref<!tpu.dma_semaphore, #tpu.memory_space<semaphore_mem>>) src(%dma_wait3A_162 : memref<1048576xi32, #tpu.memory_space<hbm>>) dst(%dma_wait3A_158 : memref<128xi32, #tpu.memory_space<vmem>>)
    %dma_wait3A_163 = arith.constant 1408 : i32
    %dma_wait3A_164 = tpu.memref_slice %arg6[%dma_wait3A_163] : memref<2048xi32, #tpu.memory_space<vmem>> -> memref<128xi32, #tpu.memory_space<vmem>>
    %dma_wait3A_165 = arith.constant 1408 : i32
    %dma_wait3A_166 = tpu.memref_slice %arg5[%dma_wait3A_165] : memref<2048xi32, #tpu.memory_space<vmem>> -> memref<128xi32, #tpu.memory_space<vmem>>
    %dma_wait3A_167 = arith.constant 0 : i32
    %dma_wait3A_168 = tpu.memref_slice %arg2[%dma_wait3A_167] : memref<1048576xi32, #tpu.memory_space<hbm>> -> memref<1048576xi32, #tpu.memory_space<hbm>>
    tpu.wait_indirect_dma semaphore(%arg7 : memref<!tpu.dma_semaphore, #tpu.memory_space<semaphore_mem>>) src(%dma_wait3A_168 : memref<1048576xi32, #tpu.memory_space<hbm>>) dst(%dma_wait3A_164 : memref<128xi32, #tpu.memory_space<vmem>>)
    %dma_wait3A_169 = arith.constant 1536 : i32
    %dma_wait3A_170 = tpu.memref_slice %arg6[%dma_wait3A_169] : memref<2048xi32, #tpu.memory_space<vmem>> -> memref<128xi32, #tpu.memory_space<vmem>>
    %dma_wait3A_171 = arith.constant 1536 : i32
    %dma_wait3A_172 = tpu.memref_slice %arg5[%dma_wait3A_171] : memref<2048xi32, #tpu.memory_space<vmem>> -> memref<128xi32, #tpu.memory_space<vmem>>
    %dma_wait3A_173 = arith.constant 0 : i32
    %dma_wait3A_174 = tpu.memref_slice %arg2[%dma_wait3A_173] : memref<1048576xi32, #tpu.memory_space<hbm>> -> memref<1048576xi32, #tpu.memory_space<hbm>>
    tpu.wait_indirect_dma semaphore(%arg7 : memref<!tpu.dma_semaphore, #tpu.memory_space<semaphore_mem>>) src(%dma_wait3A_174 : memref<1048576xi32, #tpu.memory_space<hbm>>) dst(%dma_wait3A_170 : memref<128xi32, #tpu.memory_space<vmem>>)
    %dma_wait3A_175 = arith.constant 1664 : i32
    %dma_wait3A_176 = tpu.memref_slice %arg6[%dma_wait3A_175] : memref<2048xi32, #tpu.memory_space<vmem>> -> memref<128xi32, #tpu.memory_space<vmem>>
    %dma_wait3A_177 = arith.constant 1664 : i32
    %dma_wait3A_178 = tpu.memref_slice %arg5[%dma_wait3A_177] : memref<2048xi32, #tpu.memory_space<vmem>> -> memref<128xi32, #tpu.memory_space<vmem>>
    %dma_wait3A_179 = arith.constant 0 : i32
    %dma_wait3A_180 = tpu.memref_slice %arg2[%dma_wait3A_179] : memref<1048576xi32, #tpu.memory_space<hbm>> -> memref<1048576xi32, #tpu.memory_space<hbm>>
    tpu.wait_indirect_dma semaphore(%arg7 : memref<!tpu.dma_semaphore, #tpu.memory_space<semaphore_mem>>) src(%dma_wait3A_180 : memref<1048576xi32, #tpu.memory_space<hbm>>) dst(%dma_wait3A_176 : memref<128xi32, #tpu.memory_space<vmem>>)
    %dma_wait3A_181 = arith.constant 1792 : i32
    %dma_wait3A_182 = tpu.memref_slice %arg6[%dma_wait3A_181] : memref<2048xi32, #tpu.memory_space<vmem>> -> memref<128xi32, #tpu.memory_space<vmem>>
    %dma_wait3A_183 = arith.constant 1792 : i32
    %dma_wait3A_184 = tpu.memref_slice %arg5[%dma_wait3A_183] : memref<2048xi32, #tpu.memory_space<vmem>> -> memref<128xi32, #tpu.memory_space<vmem>>
    %dma_wait3A_185 = arith.constant 0 : i32
    %dma_wait3A_186 = tpu.memref_slice %arg2[%dma_wait3A_185] : memref<1048576xi32, #tpu.memory_space<hbm>> -> memref<1048576xi32, #tpu.memory_space<hbm>>
    tpu.wait_indirect_dma semaphore(%arg7 : memref<!tpu.dma_semaphore, #tpu.memory_space<semaphore_mem>>) src(%dma_wait3A_186 : memref<1048576xi32, #tpu.memory_space<hbm>>) dst(%dma_wait3A_182 : memref<128xi32, #tpu.memory_space<vmem>>)
    %dma_wait3A_187 = arith.constant 1920 : i32
    %dma_wait3A_188 = tpu.memref_slice %arg6[%dma_wait3A_187] : memref<2048xi32, #tpu.memory_space<vmem>> -> memref<128xi32, #tpu.memory_space<vmem>>
    %dma_wait3A_189 = arith.constant 1920 : i32
    %dma_wait3A_190 = tpu.memref_slice %arg5[%dma_wait3A_189] : memref<2048xi32, #tpu.memory_space<vmem>> -> memref<128xi32, #tpu.memory_space<vmem>>
    %dma_wait3A_191 = arith.constant 0 : i32
    %dma_wait3A_192 = tpu.memref_slice %arg2[%dma_wait3A_191] : memref<1048576xi32, #tpu.memory_space<hbm>> -> memref<1048576xi32, #tpu.memory_space<hbm>>
    tpu.wait_indirect_dma semaphore(%arg7 : memref<!tpu.dma_semaphore, #tpu.memory_space<semaphore_mem>>) src(%dma_wait3A_192 : memref<1048576xi32, #tpu.memory_space<hbm>>) dst(%dma_wait3A_188 : memref<128xi32, #tpu.memory_space<vmem>>)
    %get3A = arith.constant 0 : index
    %get3A_193 = tpu.vector_load %arg6[%get3A] {strides = array<i32>} : memref<2048xi32, #tpu.memory_space<vmem>>, vector<16xi32>,
    %get3A_194 = vector.shape_cast %get3A_193 : vector<16xi32> to vector<16xi32>
    %and3A = arith.constant 65535 : i32
    %and3A_195 = vector.broadcast %and3A : i32 to vector<16xi32>
    %and3A_196 = arith.andi %get3A_194, %and3A_195 : vector<16xi32>
    %swap3A = arith.constant 0 : index
    %swap3A_197 = tpu.vector_load %arg6[%swap3A] {strides = array<i32>} : memref<2048xi32, #tpu.memory_space<vmem>>, vector<16xi32>,
    %swap3A_198 = vector.shape_cast %swap3A_197 : vector<16xi32> to vector<16xi32>
    %swap3A_199 = vector.shape_cast %and3A_196 : vector<16xi32> to vector<16xi32>
    tpu.vector_store %arg6[%swap3A], %swap3A_199 {strides = array<i32>} : memref<2048xi32, #tpu.memory_space<vmem>>, vector<16xi32>,
    %get3A_200 = arith.constant 16 : index
    %get3A_201 = tpu.vector_load %arg6[%get3A_200] {strides = array<i32>} : memref<2048xi32, #tpu.memory_space<vmem>>, vector<16xi32>,
    %get3A_202 = vector.shape_cast %get3A_201 : vector<16xi32> to vector<16xi32>
    %and3A_203 = arith.constant 65535 : i32
    %and3A_204 = vector.broadcast %and3A_203 : i32 to vector<16xi32>
    %and3A_205 = arith.andi %get3A_202, %and3A_204 : vector<16xi32>
    %swap3A_206 = arith.constant 16 : index
    %swap3A_207 = tpu.vector_load %arg6[%swap3A_206] {strides = array<i32>} : memref<2048xi32, #tpu.memory_space<vmem>>, vector<16xi32>,
    %swap3A_208 = vector.shape_cast %swap3A_207 : vector<16xi32> to vector<16xi32>
    %swap3A_209 = vector.shape_cast %and3A_205 : vector<16xi32> to vector<16xi32>
    tpu.vector_store %arg6[%swap3A_206], %swap3A_209 {strides = array<i32>} : memref<2048xi32, #tpu.memory_space<vmem>>, vector<16xi32>,
    %get3A_210 = arith.constant 32 : index
    %get3A_211 = tpu.vector_load %arg6[%get3A_210] {strides = array<i32>} : memref<2048xi32, #tpu.memory_space<vmem>>, vector<16xi32>,
    %get3A_212 = vector.shape_cast %get3A_211 : vector<16xi32> to vector<16xi32>
    %and3A_213 = arith.constant 65535 : i32
    %and3A_214 = vector.broadcast %and3A_213 : i32 to vector<16xi32>
    %and3A_215 = arith.andi %get3A_212, %and3A_214 : vector<16xi32>
    %swap3A_216 = arith.constant 32 : index
    %swap3A_217 = tpu.vector_load %arg6[%swap3A_216] {strides = array<i32>} : memref<2048xi32, #tpu.memory_space<vmem>>, vector<16xi32>,
    %swap3A_218 = vector.shape_cast %swap3A_217 : vector<16xi32> to vector<16xi32>
    %swap3A_219 = vector.shape_cast %and3A_215 : vector<16xi32> to vector<16xi32>
    tpu.vector_store %arg6[%swap3A_216], %swap3A_219 {strides = array<i32>} : memref<2048xi32, #tpu.memory_space<vmem>>, vector<16xi32>,
    %get3A_220 = arith.constant 48 : index
    %get3A_221 = tpu.vector_load %arg6[%get3A_220] {strides = array<i32>} : memref<2048xi32, #tpu.memory_space<vmem>>, vector<16xi32>,
    %get3A_222 = vector.shape_cast %get3A_221 : vector<16xi32> to vector<16xi32>
    %and3A_223 = arith.constant 65535 : i32
    %and3A_224 = vector.broadcast %and3A_223 : i32 to vector<16xi32>
    %and3A_225 = arith.andi %get3A_222, %and3A_224 : vector<16xi32>
    %swap3A_226 = arith.constant 48 : index
    %swap3A_227 = tpu.vector_load %arg6[%swap3A_226] {strides = array<i32>} : memref<2048xi32, #tpu.memory_space<vmem>>, vector<16xi32>,
    %swap3A_228 = vector.shape_cast %swap3A_227 : vector<16xi32> to vector<16xi32>
    %swap3A_229 = vector.shape_cast %and3A_225 : vector<16xi32> to vector<16xi32>
    tpu.vector_store %arg6[%swap3A_226], %swap3A_229 {strides = array<i32>} : memref<2048xi32, #tpu.memory_space<vmem>>, vector<16xi32>,
    %get3A_230 = arith.constant 64 : index
    %get3A_231 = tpu.vector_load %arg6[%get3A_230] {strides = array<i32>} : memref<2048xi32, #tpu.memory_space<vmem>>, vector<16xi32>,
    %get3A_232 = vector.shape_cast %get3A_231 : vector<16xi32> to vector<16xi32>
    %and3A_233 = arith.constant 65535 : i32
    %and3A_234 = vector.broadcast %and3A_233 : i32 to vector<16xi32>
    %and3A_235 = arith.andi %get3A_232, %and3A_234 : vector<16xi32>
    %swap3A_236 = arith.constant 64 : index
    %swap3A_237 = tpu.vector_load %arg6[%swap3A_236] {strides = array<i32>} : memref<2048xi32, #tpu.memory_space<vmem>>, vector<16xi32>,
    %swap3A_238 = vector.shape_cast %swap3A_237 : vector<16xi32> to vector<16xi32>
    %swap3A_239 = vector.shape_cast %and3A_235 : vector<16xi32> to vector<16xi32>
    tpu.vector_store %arg6[%swap3A_236], %swap3A_239 {strides = array<i32>} : memref<2048xi32, #tpu.memory_space<vmem>>, vector<16xi32>,
    %get3A_240 = arith.constant 80 : index
    %get3A_241 = tpu.vector_load %arg6[%get3A_240] {strides = array<i32>} : memref<2048xi32, #tpu.memory_space<vmem>>, vector<16xi32>,
    %get3A_242 = vector.shape_cast %get3A_241 : vector<16xi32> to vector<16xi32>
    %and3A_243 = arith.constant 65535 : i32
    %and3A_244 = vector.broadcast %and3A_243 : i32 to vector<16xi32>
    %and3A_245 = arith.andi %get3A_242, %and3A_244 : vector<16xi32>
    %swap3A_246 = arith.constant 80 : index
    %swap3A_247 = tpu.vector_load %arg6[%swap3A_246] {strides = array<i32>} : memref<2048xi32, #tpu.memory_space<vmem>>, vector<16xi32>,
    %swap3A_248 = vector.shape_cast %swap3A_247 : vector<16xi32> to vector<16xi32>
    %swap3A_249 = vector.shape_cast %and3A_245 : vector<16xi32> to vector<16xi32>
    tpu.vector_store %arg6[%swap3A_246], %swap3A_249 {strides = array<i32>} : memref<2048xi32, #tpu.memory_space<vmem>>, vector<16xi32>,
    %get3A_250 = arith.constant 96 : index
    %get3A_251 = tpu.vector_load %arg6[%get3A_250] {strides = array<i32>} : memref<2048xi32, #tpu.memory_space<vmem>>, vector<16xi32>,
    %get3A_252 = vector.shape_cast %get3A_251 : vector<16xi32> to vector<16xi32>
    %and3A_253 = arith.constant 65535 : i32
    %and3A_254 = vector.broadcast %and3A_253 : i32 to vector<16xi32>
    %and3A_255 = arith.andi %get3A_252, %and3A_254 : vector<16xi32>
    %swap3A_256 = arith.constant 96 : index
    %swap3A_257 = tpu.vector_load %arg6[%swap3A_256] {strides = array<i32>} : memref<2048xi32, #tpu.memory_space<vmem>>, vector<16xi32>,
    %swap3A_258 = vector.shape_cast %swap3A_257 : vector<16xi32> to vector<16xi32>
    %swap3A_259 = vector.shape_cast %and3A_255 : vector<16xi32> to vector<16xi32>
    tpu.vector_store %arg6[%swap3A_256], %swap3A_259 {strides = array<i32>} : memref<2048xi32, #tpu.memory_space<vmem>>, vector<16xi32>,
    %get3A_260 = arith.constant 112 : index
    %get3A_261 = tpu.vector_load %arg6[%get3A_260] {strides = array<i32>} : memref<2048xi32, #tpu.memory_space<vmem>>, vector<16xi32>,
    %get3A_262 = vector.shape_cast %get3A_261 : vector<16xi32> to vector<16xi32>
    %and3A_263 = arith.constant 65535 : i32
    %and3A_264 = vector.broadcast %and3A_263 : i32 to vector<16xi32>
    %and3A_265 = arith.andi %get3A_262, %and3A_264 : vector<16xi32>
    %swap3A_266 = arith.constant 112 : index
    %swap3A_267 = tpu.vector_load %arg6[%swap3A_266] {strides = array<i32>} : memref<2048xi32, #tpu.memory_space<vmem>>, vector<16xi32>,
    %swap3A_268 = vector.shape_cast %swap3A_267 : vector<16xi32> to vector<16xi32>
    %swap3A_269 = vector.shape_cast %and3A_265 : vector<16xi32> to vector<16xi32>
    tpu.vector_store %arg6[%swap3A_266], %swap3A_269 {strides = array<i32>} : memref<2048xi32, #tpu.memory_space<vmem>>, vector<16xi32>,
    %get3A_270 = arith.constant 128 : index
    %get3A_271 = tpu.vector_load %arg6[%get3A_270] {strides = array<i32>} : memref<2048xi32, #tpu.memory_space<vmem>>, vector<16xi32>,
    %get3A_272 = vector.shape_cast %get3A_271 : vector<16xi32> to vector<16xi32>
    %and3A_273 = arith.constant 65535 : i32
    %and3A_274 = vector.broadcast %and3A_273 : i32 to vector<16xi32>
    %and3A_275 = arith.andi %get3A_272, %and3A_274 : vector<16xi32>
    %swap3A_276 = arith.constant 128 : index
    %swap3A_277 = tpu.vector_load %arg6[%swap3A_276] {strides = array<i32>} : memref<2048xi32, #tpu.memory_space<vmem>>, vector<16xi32>,
    %swap3A_278 = vector.shape_cast %swap3A_277 : vector<16xi32> to vector<16xi32>
    %swap3A_279 = vector.shape_cast %and3A_275 : vector<16xi32> to vector<16xi32>
    tpu.vector_store %arg6[%swap3A_276], %swap3A_279 {strides = array<i32>} : memref<2048xi32, #tpu.memory_space<vmem>>, vector<16xi32>,
    %get3A_280 = arith.constant 144 : index
    %get3A_281 = tpu.vector_load %arg6[%get3A_280] {strides = array<i32>} : memref<2048xi32, #tpu.memory_space<vmem>>, vector<16xi32>,
    %get3A_282 = vector.shape_cast %get3A_281 : vector<16xi32> to vector<16xi32>
    %and3A_283 = arith.constant 65535 : i32
    %and3A_284 = vector.broadcast %and3A_283 : i32 to vector<16xi32>
    %and3A_285 = arith.andi %get3A_282, %and3A_284 : vector<16xi32>
    %swap3A_286 = arith.constant 144 : index
    %swap3A_287 = tpu.vector_load %arg6[%swap3A_286] {strides = array<i32>} : memref<2048xi32, #tpu.memory_space<vmem>>, vector<16xi32>,
    %swap3A_288 = vector.shape_cast %swap3A_287 : vector<16xi32> to vector<16xi32>
    %swap3A_289 = vector.shape_cast %and3A_285 : vector<16xi32> to vector<16xi32>
    tpu.vector_store %arg6[%swap3A_286], %swap3A_289 {strides = array<i32>} : memref<2048xi32, #tpu.memory_space<vmem>>, vector<16xi32>,
    %get3A_290 = arith.constant 160 : index
    %get3A_291 = tpu.vector_load %arg6[%get3A_290] {strides = array<i32>} : memref<2048xi32, #tpu.memory_space<vmem>>, vector<16xi32>,
    %get3A_292 = vector.shape_cast %get3A_291 : vector<16xi32> to vector<16xi32>
    %and3A_293 = arith.constant 65535 : i32
    %and3A_294 = vector.broadcast %and3A_293 : i32 to vector<16xi32>
    %and3A_295 = arith.andi %get3A_292, %and3A_294 : vector<16xi32>
    %swap3A_296 = arith.constant 160 : index
    %swap3A_297 = tpu.vector_load %arg6[%swap3A_296] {strides = array<i32>} : memref<2048xi32, #tpu.memory_space<vmem>>, vector<16xi32>,
    %swap3A_298 = vector.shape_cast %swap3A_297 : vector<16xi32> to vector<16xi32>
    %swap3A_299 = vector.shape_cast %and3A_295 : vector<16xi32> to vector<16xi32>
    tpu.vector_store %arg6[%swap3A_296], %swap3A_299 {strides = array<i32>} : memref<2048xi32, #tpu.memory_space<vmem>>, vector<16xi32>,
    %get3A_300 = arith.constant 176 : index
    %get3A_301 = tpu.vector_load %arg6[%get3A_300] {strides = array<i32>} : memref<2048xi32, #tpu.memory_space<vmem>>, vector<16xi32>,
    %get3A_302 = vector.shape_cast %get3A_301 : vector<16xi32> to vector<16xi32>
    %and3A_303 = arith.constant 65535 : i32
    %and3A_304 = vector.broadcast %and3A_303 : i32 to vector<16xi32>
    %and3A_305 = arith.andi %get3A_302, %and3A_304 : vector<16xi32>
    %swap3A_306 = arith.constant 176 : index
    %swap3A_307 = tpu.vector_load %arg6[%swap3A_306] {strides = array<i32>} : memref<2048xi32, #tpu.memory_space<vmem>>, vector<16xi32>,
    %swap3A_308 = vector.shape_cast %swap3A_307 : vector<16xi32> to vector<16xi32>
    %swap3A_309 = vector.shape_cast %and3A_305 : vector<16xi32> to vector<16xi32>
    tpu.vector_store %arg6[%swap3A_306], %swap3A_309 {strides = array<i32>} : memref<2048xi32, #tpu.memory_space<vmem>>, vector<16xi32>,
    %get3A_310 = arith.constant 192 : index
    %get3A_311 = tpu.vector_load %arg6[%get3A_310] {strides = array<i32>} : memref<2048xi32, #tpu.memory_space<vmem>>, vector<16xi32>,
    %get3A_312 = vector.shape_cast %get3A_311 : vector<16xi32> to vector<16xi32>
    %and3A_313 = arith.constant 65535 : i32
    %and3A_314 = vector.broadcast %and3A_313 : i32 to vector<16xi32>
    %and3A_315 = arith.andi %get3A_312, %and3A_314 : vector<16xi32>
    %swap3A_316 = arith.constant 192 : index
    %swap3A_317 = tpu.vector_load %arg6[%swap3A_316] {strides = array<i32>} : memref<2048xi32, #tpu.memory_space<vmem>>, vector<16xi32>,
    %swap3A_318 = vector.shape_cast %swap3A_317 : vector<16xi32> to vector<16xi32>
    %swap3A_319 = vector.shape_cast %and3A_315 : vector<16xi32> to vector<16xi32>
    tpu.vector_store %arg6[%swap3A_316], %swap3A_319 {strides = array<i32>} : memref<2048xi32, #tpu.memory_space<vmem>>, vector<16xi32>,
    %get3A_320 = arith.constant 208 : index
    %get3A_321 = tpu.vector_load %arg6[%get3A_320] {strides = array<i32>} : memref<2048xi32, #tpu.memory_space<vmem>>, vector<16xi32>,
    %get3A_322 = vector.shape_cast %get3A_321 : vector<16xi32> to vector<16xi32>
    %and3A_323 = arith.constant 65535 : i32
    %and3A_324 = vector.broadcast %and3A_323 : i32 to vector<16xi32>
    %and3A_325 = arith.andi %get3A_322, %and3A_324 : vector<16xi32>
    %swap3A_326 = arith.constant 208 : index
    %swap3A_327 = tpu.vector_load %arg6[%swap3A_326] {strides = array<i32>} : memref<2048xi32, #tpu.memory_space<vmem>>, vector<16xi32>,
    %swap3A_328 = vector.shape_cast %swap3A_327 : vector<16xi32> to vector<16xi32>
    %swap3A_329 = vector.shape_cast %and3A_325 : vector<16xi32> to vector<16xi32>
    tpu.vector_store %arg6[%swap3A_326], %swap3A_329 {strides = array<i32>} : memref<2048xi32, #tpu.memory_space<vmem>>, vector<16xi32>,
    %get3A_330 = arith.constant 224 : index
    %get3A_331 = tpu.vector_load %arg6[%get3A_330] {strides = array<i32>} : memref<2048xi32, #tpu.memory_space<vmem>>, vector<16xi32>,
    %get3A_332 = vector.shape_cast %get3A_331 : vector<16xi32> to vector<16xi32>
    %and3A_333 = arith.constant 65535 : i32
    %and3A_334 = vector.broadcast %and3A_333 : i32 to vector<16xi32>
    %and3A_335 = arith.andi %get3A_332, %and3A_334 : vector<16xi32>
    %swap3A_336 = arith.constant 224 : index
    %swap3A_337 = tpu.vector_load %arg6[%swap3A_336] {strides = array<i32>} : memref<2048xi32, #tpu.memory_space<vmem>>, vector<16xi32>,
    %swap3A_338 = vector.shape_cast %swap3A_337 : vector<16xi32> to vector<16xi32>
    %swap3A_339 = vector.shape_cast %and3A_335 : vector<16xi32> to vector<16xi32>
    tpu.vector_store %arg6[%swap3A_336], %swap3A_339 {strides = array<i32>} : memref<2048xi32, #tpu.memory_space<vmem>>, vector<16xi32>,
    %get3A_340 = arith.constant 240 : index
    %get3A_341 = tpu.vector_load %arg6[%get3A_340] {strides = array<i32>} : memref<2048xi32, #tpu.memory_space<vmem>>, vector<16xi32>,
    %get3A_342 = vector.shape_cast %get3A_341 : vector<16xi32> to vector<16xi32>
    %and3A_343 = arith.constant 65535 : i32
    %and3A_344 = vector.broadcast %and3A_343 : i32 to vector<16xi32>
    %and3A_345 = arith.andi %get3A_342, %and3A_344 : vector<16xi32>
    %swap3A_346 = arith.constant 240 : index
    %swap3A_347 = tpu.vector_load %arg6[%swap3A_346] {strides = array<i32>} : memref<2048xi32, #tpu.memory_space<vmem>>, vector<16xi32>,
    %swap3A_348 = vector.shape_cast %swap3A_347 : vector<16xi32> to vector<16xi32>
    %swap3A_349 = vector.shape_cast %and3A_345 : vector<16xi32> to vector<16xi32>
    tpu.vector_store %arg6[%swap3A_346], %swap3A_349 {strides = array<i32>} : memref<2048xi32, #tpu.memory_space<vmem>>, vector<16xi32>,
    %get3A_350 = arith.constant 256 : index
    %get3A_351 = tpu.vector_load %arg6[%get3A_350] {strides = array<i32>} : memref<2048xi32, #tpu.memory_space<vmem>>, vector<16xi32>,
    %get3A_352 = vector.shape_cast %get3A_351 : vector<16xi32> to vector<16xi32>
    %and3A_353 = arith.constant 65535 : i32
    %and3A_354 = vector.broadcast %and3A_353 : i32 to vector<16xi32>
    %and3A_355 = arith.andi %get3A_352, %and3A_354 : vector<16xi32>
    %swap3A_356 = arith.constant 256 : index
    %swap3A_357 = tpu.vector_load %arg6[%swap3A_356] {strides = array<i32>} : memref<2048xi32, #tpu.memory_space<vmem>>, vector<16xi32>,
    %swap3A_358 = vector.shape_cast %swap3A_357 : vector<16xi32> to vector<16xi32>
    %swap3A_359 = vector.shape_cast %and3A_355 : vector<16xi32> to vector<16xi32>
    tpu.vector_store %arg6[%swap3A_356], %swap3A_359 {strides = array<i32>} : memref<2048xi32, #tpu.memory_space<vmem>>, vector<16xi32>,
    %get3A_360 = arith.constant 272 : index
    %get3A_361 = tpu.vector_load %arg6[%get3A_360] {strides = array<i32>} : memref<2048xi32, #tpu.memory_space<vmem>>, vector<16xi32>,
    %get3A_362 = vector.shape_cast %get3A_361 : vector<16xi32> to vector<16xi32>
    %and3A_363 = arith.constant 65535 : i32
    %and3A_364 = vector.broadcast %and3A_363 : i32 to vector<16xi32>
    %and3A_365 = arith.andi %get3A_362, %and3A_364 : vector<16xi32>
    %swap3A_366 = arith.constant 272 : index
    %swap3A_367 = tpu.vector_load %arg6[%swap3A_366] {strides = array<i32>} : memref<2048xi32, #tpu.memory_space<vmem>>, vector<16xi32>,
    %swap3A_368 = vector.shape_cast %swap3A_367 : vector<16xi32> to vector<16xi32>
    %swap3A_369 = vector.shape_cast %and3A_365 : vector<16xi32> to vector<16xi32>
    tpu.vector_store %arg6[%swap3A_366], %swap3A_369 {strides = array<i32>} : memref<2048xi32, #tpu.memory_space<vmem>>, vector<16xi32>,
    %get3A_370 = arith.constant 288 : index
    %get3A_371 = tpu.vector_load %arg6[%get3A_370] {strides = array<i32>} : memref<2048xi32, #tpu.memory_space<vmem>>, vector<16xi32>,
    %get3A_372 = vector.shape_cast %get3A_371 : vector<16xi32> to vector<16xi32>
    %and3A_373 = arith.constant 65535 : i32
    %and3A_374 = vector.broadcast %and3A_373 : i32 to vector<16xi32>
    %and3A_375 = arith.andi %get3A_372, %and3A_374 : vector<16xi32>
    %swap3A_376 = arith.constant 288 : index
    %swap3A_377 = tpu.vector_load %arg6[%swap3A_376] {strides = array<i32>} : memref<2048xi32, #tpu.memory_space<vmem>>, vector<16xi32>,
    %swap3A_378 = vector.shape_cast %swap3A_377 : vector<16xi32> to vector<16xi32>
    %swap3A_379 = vector.shape_cast %and3A_375 : vector<16xi32> to vector<16xi32>
    tpu.vector_store %arg6[%swap3A_376], %swap3A_379 {strides = array<i32>} : memref<2048xi32, #tpu.memory_space<vmem>>, vector<16xi32>,
    %get3A_380 = arith.constant 304 : index
    %get3A_381 = tpu.vector_load %arg6[%get3A_380] {strides = array<i32>} : memref<2048xi32, #tpu.memory_space<vmem>>, vector<16xi32>,
    %get3A_382 = vector.shape_cast %get3A_381 : vector<16xi32> to vector<16xi32>
    %and3A_383 = arith.constant 65535 : i32
    %and3A_384 = vector.broadcast %and3A_383 : i32 to vector<16xi32>
    %and3A_385 = arith.andi %get3A_382, %and3A_384 : vector<16xi32>
    %swap3A_386 = arith.constant 304 : index
    %swap3A_387 = tpu.vector_load %arg6[%swap3A_386] {strides = array<i32>} : memref<2048xi32, #tpu.memory_space<vmem>>, vector<16xi32>,
    %swap3A_388 = vector.shape_cast %swap3A_387 : vector<16xi32> to vector<16xi32>
    %swap3A_389 = vector.shape_cast %and3A_385 : vector<16xi32> to vector<16xi32>
    tpu.vector_store %arg6[%swap3A_386], %swap3A_389 {strides = array<i32>} : memref<2048xi32, #tpu.memory_space<vmem>>, vector<16xi32>,
    %get3A_390 = arith.constant 320 : index
    %get3A_391 = tpu.vector_load %arg6[%get3A_390] {strides = array<i32>} : memref<2048xi32, #tpu.memory_space<vmem>>, vector<16xi32>,
    %get3A_392 = vector.shape_cast %get3A_391 : vector<16xi32> to vector<16xi32>
    %and3A_393 = arith.constant 65535 : i32
    %and3A_394 = vector.broadcast %and3A_393 : i32 to vector<16xi32>
    %and3A_395 = arith.andi %get3A_392, %and3A_394 : vector<16xi32>
    %swap3A_396 = arith.constant 320 : index
    %swap3A_397 = tpu.vector_load %arg6[%swap3A_396] {strides = array<i32>} : memref<2048xi32, #tpu.memory_space<vmem>>, vector<16xi32>,
    %swap3A_398 = vector.shape_cast %swap3A_397 : vector<16xi32> to vector<16xi32>
    %swap3A_399 = vector.shape_cast %and3A_395 : vector<16xi32> to vector<16xi32>
    tpu.vector_store %arg6[%swap3A_396], %swap3A_399 {strides = array<i32>} : memref<2048xi32, #tpu.memory_space<vmem>>, vector<16xi32>,
    %get3A_400 = arith.constant 336 : index
    %get3A_401 = tpu.vector_load %arg6[%get3A_400] {strides = array<i32>} : memref<2048xi32, #tpu.memory_space<vmem>>, vector<16xi32>,
    %get3A_402 = vector.shape_cast %get3A_401 : vector<16xi32> to vector<16xi32>
    %and3A_403 = arith.constant 65535 : i32
    %and3A_404 = vector.broadcast %and3A_403 : i32 to vector<16xi32>
    %and3A_405 = arith.andi %get3A_402, %and3A_404 : vector<16xi32>
    %swap3A_406 = arith.constant 336 : index
    %swap3A_407 = tpu.vector_load %arg6[%swap3A_406] {strides = array<i32>} : memref<2048xi32, #tpu.memory_space<vmem>>, vector<16xi32>,
    %swap3A_408 = vector.shape_cast %swap3A_407 : vector<16xi32> to vector<16xi32>
    %swap3A_409 = vector.shape_cast %and3A_405 : vector<16xi32> to vector<16xi32>
    tpu.vector_store %arg6[%swap3A_406], %swap3A_409 {strides = array<i32>} : memref<2048xi32, #tpu.memory_space<vmem>>, vector<16xi32>,
    %get3A_410 = arith.constant 352 : index
    %get3A_411 = tpu.vector_load %arg6[%get3A_410] {strides = array<i32>} : memref<2048xi32, #tpu.memory_space<vmem>>, vector<16xi32>,
    %get3A_412 = vector.shape_cast %get3A_411 : vector<16xi32> to vector<16xi32>
    %and3A_413 = arith.constant 65535 : i32
    %and3A_414 = vector.broadcast %and3A_413 : i32 to vector<16xi32>
    %and3A_415 = arith.andi %get3A_412, %and3A_414 : vector<16xi32>
    %swap3A_416 = arith.constant 352 : index
    %swap3A_417 = tpu.vector_load %arg6[%swap3A_416] {strides = array<i32>} : memref<2048xi32, #tpu.memory_space<vmem>>, vector<16xi32>,
    %swap3A_418 = vector.shape_cast %swap3A_417 : vector<16xi32> to vector<16xi32>
    %swap3A_419 = vector.shape_cast %and3A_415 : vector<16xi32> to vector<16xi32>
    tpu.vector_store %arg6[%swap3A_416], %swap3A_419 {strides = array<i32>} : memref<2048xi32, #tpu.memory_space<vmem>>, vector<16xi32>,
    %get3A_420 = arith.constant 368 : index
    %get3A_421 = tpu.vector_load %arg6[%get3A_420] {strides = array<i32>} : memref<2048xi32, #tpu.memory_space<vmem>>, vector<16xi32>,
    %get3A_422 = vector.shape_cast %get3A_421 : vector<16xi32> to vector<16xi32>
    %and3A_423 = arith.constant 65535 : i32
    %and3A_424 = vector.broadcast %and3A_423 : i32 to vector<16xi32>
    %and3A_425 = arith.andi %get3A_422, %and3A_424 : vector<16xi32>
    %swap3A_426 = arith.constant 368 : index
    %swap3A_427 = tpu.vector_load %arg6[%swap3A_426] {strides = array<i32>} : memref<2048xi32, #tpu.memory_space<vmem>>, vector<16xi32>,
    %swap3A_428 = vector.shape_cast %swap3A_427 : vector<16xi32> to vector<16xi32>
    %swap3A_429 = vector.shape_cast %and3A_425 : vector<16xi32> to vector<16xi32>
    tpu.vector_store %arg6[%swap3A_426], %swap3A_429 {strides = array<i32>} : memref<2048xi32, #tpu.memory_space<vmem>>, vector<16xi32>,
    %get3A_430 = arith.constant 384 : index
    %get3A_431 = tpu.vector_load %arg6[%get3A_430] {strides = array<i32>} : memref<2048xi32, #tpu.memory_space<vmem>>, vector<16xi32>,
    %get3A_432 = vector.shape_cast %get3A_431 : vector<16xi32> to vector<16xi32>
    %and3A_433 = arith.constant 65535 : i32
    %and3A_434 = vector.broadcast %and3A_433 : i32 to vector<16xi32>
    %and3A_435 = arith.andi %get3A_432, %and3A_434 : vector<16xi32>
    %swap3A_436 = arith.constant 384 : index
    %swap3A_437 = tpu.vector_load %arg6[%swap3A_436] {strides = array<i32>} : memref<2048xi32, #tpu.memory_space<vmem>>, vector<16xi32>,
    %swap3A_438 = vector.shape_cast %swap3A_437 : vector<16xi32> to vector<16xi32>
    %swap3A_439 = vector.shape_cast %and3A_435 : vector<16xi32> to vector<16xi32>
    tpu.vector_store %arg6[%swap3A_436], %swap3A_439 {strides = array<i32>} : memref<2048xi32, #tpu.memory_space<vmem>>, vector<16xi32>,
    %get3A_440 = arith.constant 400 : index
    %get3A_441 = tpu.vector_load %arg6[%get3A_440] {strides = array<i32>} : memref<2048xi32, #tpu.memory_space<vmem>>, vector<16xi32>,
    %get3A_442 = vector.shape_cast %get3A_441 : vector<16xi32> to vector<16xi32>
    %and3A_443 = arith.constant 65535 : i32
    %and3A_444 = vector.broadcast %and3A_443 : i32 to vector<16xi32>
    %and3A_445 = arith.andi %get3A_442, %and3A_444 : vector<16xi32>
    %swap3A_446 = arith.constant 400 : index
    %swap3A_447 = tpu.vector_load %arg6[%swap3A_446] {strides = array<i32>} : memref<2048xi32, #tpu.memory_space<vmem>>, vector<16xi32>,
    %swap3A_448 = vector.shape_cast %swap3A_447 : vector<16xi32> to vector<16xi32>
    %swap3A_449 = vector.shape_cast %and3A_445 : vector<16xi32> to vector<16xi32>
    tpu.vector_store %arg6[%swap3A_446], %swap3A_449 {strides = array<i32>} : memref<2048xi32, #tpu.memory_space<vmem>>, vector<16xi32>,
    %get3A_450 = arith.constant 416 : index
    %get3A_451 = tpu.vector_load %arg6[%get3A_450] {strides = array<i32>} : memref<2048xi32, #tpu.memory_space<vmem>>, vector<16xi32>,
    %get3A_452 = vector.shape_cast %get3A_451 : vector<16xi32> to vector<16xi32>
    %and3A_453 = arith.constant 65535 : i32
    %and3A_454 = vector.broadcast %and3A_453 : i32 to vector<16xi32>
    %and3A_455 = arith.andi %get3A_452, %and3A_454 : vector<16xi32>
    %swap3A_456 = arith.constant 416 : index
    %swap3A_457 = tpu.vector_load %arg6[%swap3A_456] {strides = array<i32>} : memref<2048xi32, #tpu.memory_space<vmem>>, vector<16xi32>,
    %swap3A_458 = vector.shape_cast %swap3A_457 : vector<16xi32> to vector<16xi32>
    %swap3A_459 = vector.shape_cast %and3A_455 : vector<16xi32> to vector<16xi32>
    tpu.vector_store %arg6[%swap3A_456], %swap3A_459 {strides = array<i32>} : memref<2048xi32, #tpu.memory_space<vmem>>, vector<16xi32>,
    %get3A_460 = arith.constant 432 : index
    %get3A_461 = tpu.vector_load %arg6[%get3A_460] {strides = array<i32>} : memref<2048xi32, #tpu.memory_space<vmem>>, vector<16xi32>,
    %get3A_462 = vector.shape_cast %get3A_461 : vector<16xi32> to vector<16xi32>
    %and3A_463 = arith.constant 65535 : i32
    %and3A_464 = vector.broadcast %and3A_463 : i32 to vector<16xi32>
    %and3A_465 = arith.andi %get3A_462, %and3A_464 : vector<16xi32>
    %swap3A_466 = arith.constant 432 : index
    %swap3A_467 = tpu.vector_load %arg6[%swap3A_466] {strides = array<i32>} : memref<2048xi32, #tpu.memory_space<vmem>>, vector<16xi32>,
    %swap3A_468 = vector.shape_cast %swap3A_467 : vector<16xi32> to vector<16xi32>
    %swap3A_469 = vector.shape_cast %and3A_465 : vector<16xi32> to vector<16xi32>
    tpu.vector_store %arg6[%swap3A_466], %swap3A_469 {strides = array<i32>} : memref<2048xi32, #tpu.memory_space<vmem>>, vector<16xi32>,
    %get3A_470 = arith.constant 448 : index
    %get3A_471 = tpu.vector_load %arg6[%get3A_470] {strides = array<i32>} : memref<2048xi32, #tpu.memory_space<vmem>>, vector<16xi32>,
    %get3A_472 = vector.shape_cast %get3A_471 : vector<16xi32> to vector<16xi32>
    %and3A_473 = arith.constant 65535 : i32
    %and3A_474 = vector.broadcast %and3A_473 : i32 to vector<16xi32>
    %and3A_475 = arith.andi %get3A_472, %and3A_474 : vector<16xi32>
    %swap3A_476 = arith.constant 448 : index
    %swap3A_477 = tpu.vector_load %arg6[%swap3A_476] {strides = array<i32>} : memref<2048xi32, #tpu.memory_space<vmem>>, vector<16xi32>,
    %swap3A_478 = vector.shape_cast %swap3A_477 : vector<16xi32> to vector<16xi32>
    %swap3A_479 = vector.shape_cast %and3A_475 : vector<16xi32> to vector<16xi32>
    tpu.vector_store %arg6[%swap3A_476], %swap3A_479 {strides = array<i32>} : memref<2048xi32, #tpu.memory_space<vmem>>, vector<16xi32>,
    %get3A_480 = arith.constant 464 : index
    %get3A_481 = tpu.vector_load %arg6[%get3A_480] {strides = array<i32>} : memref<2048xi32, #tpu.memory_space<vmem>>, vector<16xi32>,
    %get3A_482 = vector.shape_cast %get3A_481 : vector<16xi32> to vector<16xi32>
    %and3A_483 = arith.constant 65535 : i32
    %and3A_484 = vector.broadcast %and3A_483 : i32 to vector<16xi32>
    %and3A_485 = arith.andi %get3A_482, %and3A_484 : vector<16xi32>
    %swap3A_486 = arith.constant 464 : index
    %swap3A_487 = tpu.vector_load %arg6[%swap3A_486] {strides = array<i32>} : memref<2048xi32, #tpu.memory_space<vmem>>, vector<16xi32>,
    %swap3A_488 = vector.shape_cast %swap3A_487 : vector<16xi32> to vector<16xi32>
    %swap3A_489 = vector.shape_cast %and3A_485 : vector<16xi32> to vector<16xi32>
    tpu.vector_store %arg6[%swap3A_486], %swap3A_489 {strides = array<i32>} : memref<2048xi32, #tpu.memory_space<vmem>>, vector<16xi32>,
    %get3A_490 = arith.constant 480 : index
    %get3A_491 = tpu.vector_load %arg6[%get3A_490] {strides = array<i32>} : memref<2048xi32, #tpu.memory_space<vmem>>, vector<16xi32>,
    %get3A_492 = vector.shape_cast %get3A_491 : vector<16xi32> to vector<16xi32>
    %and3A_493 = arith.constant 65535 : i32
    %and3A_494 = vector.broadcast %and3A_493 : i32 to vector<16xi32>
    %and3A_495 = arith.andi %get3A_492, %and3A_494 : vector<16xi32>
    %swap3A_496 = arith.constant 480 : index
    %swap3A_497 = tpu.vector_load %arg6[%swap3A_496] {strides = array<i32>} : memref<2048xi32, #tpu.memory_space<vmem>>, vector<16xi32>,
    %swap3A_498 = vector.shape_cast %swap3A_497 : vector<16xi32> to vector<16xi32>
    %swap3A_499 = vector.shape_cast %and3A_495 : vector<16xi32> to vector<16xi32>
    tpu.vector_store %arg6[%swap3A_496], %swap3A_499 {strides = array<i32>} : memref<2048xi32, #tpu.memory_space<vmem>>, vector<16xi32>,
    %get3A_500 = arith.constant 496 : index
    %get3A_501 = tpu.vector_load %arg6[%get3A_500] {strides = array<i32>} : memref<2048xi32, #tpu.memory_space<vmem>>, vector<16xi32>,
    %get3A_502 = vector.shape_cast %get3A_501 : vector<16xi32> to vector<16xi32>
    %and3A_503 = arith.constant 65535 : i32
    %and3A_504 = vector.broadcast %and3A_503 : i32 to vector<16xi32>
    %and3A_505 = arith.andi %get3A_502, %and3A_504 : vector<16xi32>
    %swap3A_506 = arith.constant 496 : index
    %swap3A_507 = tpu.vector_load %arg6[%swap3A_506] {strides = array<i32>} : memref<2048xi32, #tpu.memory_space<vmem>>, vector<16xi32>,
    %swap3A_508 = vector.shape_cast %swap3A_507 : vector<16xi32> to vector<16xi32>
    %swap3A_509 = vector.shape_cast %and3A_505 : vector<16xi32> to vector<16xi32>
    tpu.vector_store %arg6[%swap3A_506], %swap3A_509 {strides = array<i32>} : memref<2048xi32, #tpu.memory_space<vmem>>, vector<16xi32>,
    %get3A_510 = arith.constant 512 : index
    %get3A_511 = tpu.vector_load %arg6[%get3A_510] {strides = array<i32>} : memref<2048xi32, #tpu.memory_space<vmem>>, vector<16xi32>,
    %get3A_512 = vector.shape_cast %get3A_511 : vector<16xi32> to vector<16xi32>
    %and3A_513 = arith.constant 65535 : i32
    %and3A_514 = vector.broadcast %and3A_513 : i32 to vector<16xi32>
    %and3A_515 = arith.andi %get3A_512, %and3A_514 : vector<16xi32>
    %swap3A_516 = arith.constant 512 : index
    %swap3A_517 = tpu.vector_load %arg6[%swap3A_516] {strides = array<i32>} : memref<2048xi32, #tpu.memory_space<vmem>>, vector<16xi32>,
    %swap3A_518 = vector.shape_cast %swap3A_517 : vector<16xi32> to vector<16xi32>
    %swap3A_519 = vector.shape_cast %and3A_515 : vector<16xi32> to vector<16xi32>
    tpu.vector_store %arg6[%swap3A_516], %swap3A_519 {strides = array<i32>} : memref<2048xi32, #tpu.memory_space<vmem>>, vector<16xi32>,
    %get3A_520 = arith.constant 528 : index
    %get3A_521 = tpu.vector_load %arg6[%get3A_520] {strides = array<i32>} : memref<2048xi32, #tpu.memory_space<vmem>>, vector<16xi32>,
    %get3A_522 = vector.shape_cast %get3A_521 : vector<16xi32> to vector<16xi32>
    %and3A_523 = arith.constant 65535 : i32
    %and3A_524 = vector.broadcast %and3A_523 : i32 to vector<16xi32>
    %and3A_525 = arith.andi %get3A_522, %and3A_524 : vector<16xi32>
    %swap3A_526 = arith.constant 528 : index
    %swap3A_527 = tpu.vector_load %arg6[%swap3A_526] {strides = array<i32>} : memref<2048xi32, #tpu.memory_space<vmem>>, vector<16xi32>,
    %swap3A_528 = vector.shape_cast %swap3A_527 : vector<16xi32> to vector<16xi32>
    %swap3A_529 = vector.shape_cast %and3A_525 : vector<16xi32> to vector<16xi32>
    tpu.vector_store %arg6[%swap3A_526], %swap3A_529 {strides = array<i32>} : memref<2048xi32, #tpu.memory_space<vmem>>, vector<16xi32>,
    %get3A_530 = arith.constant 544 : index
    %get3A_531 = tpu.vector_load %arg6[%get3A_530] {strides = array<i32>} : memref<2048xi32, #tpu.memory_space<vmem>>, vector<16xi32>,
    %get3A_532 = vector.shape_cast %get3A_531 : vector<16xi32> to vector<16xi32>
    %and3A_533 = arith.constant 65535 : i32
    %and3A_534 = vector.broadcast %and3A_533 : i32 to vector<16xi32>
    %and3A_535 = arith.andi %get3A_532, %and3A_534 : vector<16xi32>
    %swap3A_536 = arith.constant 544 : index
    %swap3A_537 = tpu.vector_load %arg6[%swap3A_536] {strides = array<i32>} : memref<2048xi32, #tpu.memory_space<vmem>>, vector<16xi32>,
    %swap3A_538 = vector.shape_cast %swap3A_537 : vector<16xi32> to vector<16xi32>
    %swap3A_539 = vector.shape_cast %and3A_535 : vector<16xi32> to vector<16xi32>
    tpu.vector_store %arg6[%swap3A_536], %swap3A_539 {strides = array<i32>} : memref<2048xi32, #tpu.memory_space<vmem>>, vector<16xi32>,
    %get3A_540 = arith.constant 560 : index
    %get3A_541 = tpu.vector_load %arg6[%get3A_540] {strides = array<i32>} : memref<2048xi32, #tpu.memory_space<vmem>>, vector<16xi32>,
    %get3A_542 = vector.shape_cast %get3A_541 : vector<16xi32> to vector<16xi32>
    %and3A_543 = arith.constant 65535 : i32
    %and3A_544 = vector.broadcast %and3A_543 : i32 to vector<16xi32>
    %and3A_545 = arith.andi %get3A_542, %and3A_544 : vector<16xi32>
    %swap3A_546 = arith.constant 560 : index
    %swap3A_547 = tpu.vector_load %arg6[%swap3A_546] {strides = array<i32>} : memref<2048xi32, #tpu.memory_space<vmem>>, vector<16xi32>,
    %swap3A_548 = vector.shape_cast %swap3A_547 : vector<16xi32> to vector<16xi32>
    %swap3A_549 = vector.shape_cast %and3A_545 : vector<16xi32> to vector<16xi32>
    tpu.vector_store %arg6[%swap3A_546], %swap3A_549 {strides = array<i32>} : memref<2048xi32, #tpu.memory_space<vmem>>, vector<16xi32>,
    %get3A_550 = arith.constant 576 : index
    %get3A_551 = tpu.vector_load %arg6[%get3A_550] {strides = array<i32>} : memref<2048xi32, #tpu.memory_space<vmem>>, vector<16xi32>,
    %get3A_552 = vector.shape_cast %get3A_551 : vector<16xi32> to vector<16xi32>
    %and3A_553 = arith.constant 65535 : i32
    %and3A_554 = vector.broadcast %and3A_553 : i32 to vector<16xi32>
    %and3A_555 = arith.andi %get3A_552, %and3A_554 : vector<16xi32>
    %swap3A_556 = arith.constant 576 : index
    %swap3A_557 = tpu.vector_load %arg6[%swap3A_556] {strides = array<i32>} : memref<2048xi32, #tpu.memory_space<vmem>>, vector<16xi32>,
    %swap3A_558 = vector.shape_cast %swap3A_557 : vector<16xi32> to vector<16xi32>
    %swap3A_559 = vector.shape_cast %and3A_555 : vector<16xi32> to vector<16xi32>
    tpu.vector_store %arg6[%swap3A_556], %swap3A_559 {strides = array<i32>} : memref<2048xi32, #tpu.memory_space<vmem>>, vector<16xi32>,
    %get3A_560 = arith.constant 592 : index
    %get3A_561 = tpu.vector_load %arg6[%get3A_560] {strides = array<i32>} : memref<2048xi32, #tpu.memory_space<vmem>>, vector<16xi32>,
    %get3A_562 = vector.shape_cast %get3A_561 : vector<16xi32> to vector<16xi32>
    %and3A_563 = arith.constant 65535 : i32
    %and3A_564 = vector.broadcast %and3A_563 : i32 to vector<16xi32>
    %and3A_565 = arith.andi %get3A_562, %and3A_564 : vector<16xi32>
    %swap3A_566 = arith.constant 592 : index
    %swap3A_567 = tpu.vector_load %arg6[%swap3A_566] {strides = array<i32>} : memref<2048xi32, #tpu.memory_space<vmem>>, vector<16xi32>,
    %swap3A_568 = vector.shape_cast %swap3A_567 : vector<16xi32> to vector<16xi32>
    %swap3A_569 = vector.shape_cast %and3A_565 : vector<16xi32> to vector<16xi32>
    tpu.vector_store %arg6[%swap3A_566], %swap3A_569 {strides = array<i32>} : memref<2048xi32, #tpu.memory_space<vmem>>, vector<16xi32>,
    %get3A_570 = arith.constant 608 : index
    %get3A_571 = tpu.vector_load %arg6[%get3A_570] {strides = array<i32>} : memref<2048xi32, #tpu.memory_space<vmem>>, vector<16xi32>,
    %get3A_572 = vector.shape_cast %get3A_571 : vector<16xi32> to vector<16xi32>
    %and3A_573 = arith.constant 65535 : i32
    %and3A_574 = vector.broadcast %and3A_573 : i32 to vector<16xi32>
    %and3A_575 = arith.andi %get3A_572, %and3A_574 : vector<16xi32>
    %swap3A_576 = arith.constant 608 : index
    %swap3A_577 = tpu.vector_load %arg6[%swap3A_576] {strides = array<i32>} : memref<2048xi32, #tpu.memory_space<vmem>>, vector<16xi32>,
    %swap3A_578 = vector.shape_cast %swap3A_577 : vector<16xi32> to vector<16xi32>
    %swap3A_579 = vector.shape_cast %and3A_575 : vector<16xi32> to vector<16xi32>
    tpu.vector_store %arg6[%swap3A_576], %swap3A_579 {strides = array<i32>} : memref<2048xi32, #tpu.memory_space<vmem>>, vector<16xi32>,
    %get3A_580 = arith.constant 624 : index
    %get3A_581 = tpu.vector_load %arg6[%get3A_580] {strides = array<i32>} : memref<2048xi32, #tpu.memory_space<vmem>>, vector<16xi32>,
    %get3A_582 = vector.shape_cast %get3A_581 : vector<16xi32> to vector<16xi32>
    %and3A_583 = arith.constant 65535 : i32
    %and3A_584 = vector.broadcast %and3A_583 : i32 to vector<16xi32>
    %and3A_585 = arith.andi %get3A_582, %and3A_584 : vector<16xi32>
    %swap3A_586 = arith.constant 624 : index
    %swap3A_587 = tpu.vector_load %arg6[%swap3A_586] {strides = array<i32>} : memref<2048xi32, #tpu.memory_space<vmem>>, vector<16xi32>,
    %swap3A_588 = vector.shape_cast %swap3A_587 : vector<16xi32> to vector<16xi32>
    %swap3A_589 = vector.shape_cast %and3A_585 : vector<16xi32> to vector<16xi32>
    tpu.vector_store %arg6[%swap3A_586], %swap3A_589 {strides = array<i32>} : memref<2048xi32, #tpu.memory_space<vmem>>, vector<16xi32>,
    %get3A_590 = arith.constant 640 : index
    %get3A_591 = tpu.vector_load %arg6[%get3A_590] {strides = array<i32>} : memref<2048xi32, #tpu.memory_space<vmem>>, vector<16xi32>,
    %get3A_592 = vector.shape_cast %get3A_591 : vector<16xi32> to vector<16xi32>
    %and3A_593 = arith.constant 65535 : i32
    %and3A_594 = vector.broadcast %and3A_593 : i32 to vector<16xi32>
    %and3A_595 = arith.andi %get3A_592, %and3A_594 : vector<16xi32>
    %swap3A_596 = arith.constant 640 : index
    %swap3A_597 = tpu.vector_load %arg6[%swap3A_596] {strides = array<i32>} : memref<2048xi32, #tpu.memory_space<vmem>>, vector<16xi32>,
    %swap3A_598 = vector.shape_cast %swap3A_597 : vector<16xi32> to vector<16xi32>
    %swap3A_599 = vector.shape_cast %and3A_595 : vector<16xi32> to vector<16xi32>
    tpu.vector_store %arg6[%swap3A_596], %swap3A_599 {strides = array<i32>} : memref<2048xi32, #tpu.memory_space<vmem>>, vector<16xi32>,
    %get3A_600 = arith.constant 656 : index
    %get3A_601 = tpu.vector_load %arg6[%get3A_600] {strides = array<i32>} : memref<2048xi32, #tpu.memory_space<vmem>>, vector<16xi32>,
    %get3A_602 = vector.shape_cast %get3A_601 : vector<16xi32> to vector<16xi32>
    %and3A_603 = arith.constant 65535 : i32
    %and3A_604 = vector.broadcast %and3A_603 : i32 to vector<16xi32>
    %and3A_605 = arith.andi %get3A_602, %and3A_604 : vector<16xi32>
    %swap3A_606 = arith.constant 656 : index
    %swap3A_607 = tpu.vector_load %arg6[%swap3A_606] {strides = array<i32>} : memref<2048xi32, #tpu.memory_space<vmem>>, vector<16xi32>,
    %swap3A_608 = vector.shape_cast %swap3A_607 : vector<16xi32> to vector<16xi32>
    %swap3A_609 = vector.shape_cast %and3A_605 : vector<16xi32> to vector<16xi32>
    tpu.vector_store %arg6[%swap3A_606], %swap3A_609 {strides = array<i32>} : memref<2048xi32, #tpu.memory_space<vmem>>, vector<16xi32>,
    %get3A_610 = arith.constant 672 : index
    %get3A_611 = tpu.vector_load %arg6[%get3A_610] {strides = array<i32>} : memref<2048xi32, #tpu.memory_space<vmem>>, vector<16xi32>,
    %get3A_612 = vector.shape_cast %get3A_611 : vector<16xi32> to vector<16xi32>
    %and3A_613 = arith.constant 65535 : i32
    %and3A_614 = vector.broadcast %and3A_613 : i32 to vector<16xi32>
    %and3A_615 = arith.andi %get3A_612, %and3A_614 : vector<16xi32>
    %swap3A_616 = arith.constant 672 : index
    %swap3A_617 = tpu.vector_load %arg6[%swap3A_616] {strides = array<i32>} : memref<2048xi32, #tpu.memory_space<vmem>>, vector<16xi32>,
    %swap3A_618 = vector.shape_cast %swap3A_617 : vector<16xi32> to vector<16xi32>
    %swap3A_619 = vector.shape_cast %and3A_615 : vector<16xi32> to vector<16xi32>
    tpu.vector_store %arg6[%swap3A_616], %swap3A_619 {strides = array<i32>} : memref<2048xi32, #tpu.memory_space<vmem>>, vector<16xi32>,
    %get3A_620 = arith.constant 688 : index
    %get3A_621 = tpu.vector_load %arg6[%get3A_620] {strides = array<i32>} : memref<2048xi32, #tpu.memory_space<vmem>>, vector<16xi32>,
    %get3A_622 = vector.shape_cast %get3A_621 : vector<16xi32> to vector<16xi32>
    %and3A_623 = arith.constant 65535 : i32
    %and3A_624 = vector.broadcast %and3A_623 : i32 to vector<16xi32>
    %and3A_625 = arith.andi %get3A_622, %and3A_624 : vector<16xi32>
    %swap3A_626 = arith.constant 688 : index
    %swap3A_627 = tpu.vector_load %arg6[%swap3A_626] {strides = array<i32>} : memref<2048xi32, #tpu.memory_space<vmem>>, vector<16xi32>,
    %swap3A_628 = vector.shape_cast %swap3A_627 : vector<16xi32> to vector<16xi32>
    %swap3A_629 = vector.shape_cast %and3A_625 : vector<16xi32> to vector<16xi32>
    tpu.vector_store %arg6[%swap3A_626], %swap3A_629 {strides = array<i32>} : memref<2048xi32, #tpu.memory_space<vmem>>, vector<16xi32>,
    %get3A_630 = arith.constant 704 : index
    %get3A_631 = tpu.vector_load %arg6[%get3A_630] {strides = array<i32>} : memref<2048xi32, #tpu.memory_space<vmem>>, vector<16xi32>,
    %get3A_632 = vector.shape_cast %get3A_631 : vector<16xi32> to vector<16xi32>
    %and3A_633 = arith.constant 65535 : i32
    %and3A_634 = vector.broadcast %and3A_633 : i32 to vector<16xi32>
    %and3A_635 = arith.andi %get3A_632, %and3A_634 : vector<16xi32>
    %swap3A_636 = arith.constant 704 : index
    %swap3A_637 = tpu.vector_load %arg6[%swap3A_636] {strides = array<i32>} : memref<2048xi32, #tpu.memory_space<vmem>>, vector<16xi32>,
    %swap3A_638 = vector.shape_cast %swap3A_637 : vector<16xi32> to vector<16xi32>
    %swap3A_639 = vector.shape_cast %and3A_635 : vector<16xi32> to vector<16xi32>
    tpu.vector_store %arg6[%swap3A_636], %swap3A_639 {strides = array<i32>} : memref<2048xi32, #tpu.memory_space<vmem>>, vector<16xi32>,
    %get3A_640 = arith.constant 720 : index
    %get3A_641 = tpu.vector_load %arg6[%get3A_640] {strides = array<i32>} : memref<2048xi32, #tpu.memory_space<vmem>>, vector<16xi32>,
    %get3A_642 = vector.shape_cast %get3A_641 : vector<16xi32> to vector<16xi32>
    %and3A_643 = arith.constant 65535 : i32
    %and3A_644 = vector.broadcast %and3A_643 : i32 to vector<16xi32>
    %and3A_645 = arith.andi %get3A_642, %and3A_644 : vector<16xi32>
    %swap3A_646 = arith.constant 720 : index
    %swap3A_647 = tpu.vector_load %arg6[%swap3A_646] {strides = array<i32>} : memref<2048xi32, #tpu.memory_space<vmem>>, vector<16xi32>,
    %swap3A_648 = vector.shape_cast %swap3A_647 : vector<16xi32> to vector<16xi32>
    %swap3A_649 = vector.shape_cast %and3A_645 : vector<16xi32> to vector<16xi32>
    tpu.vector_store %arg6[%swap3A_646], %swap3A_649 {strides = array<i32>} : memref<2048xi32, #tpu.memory_space<vmem>>, vector<16xi32>,
    %get3A_650 = arith.constant 736 : index
    %get3A_651 = tpu.vector_load %arg6[%get3A_650] {strides = array<i32>} : memref<2048xi32, #tpu.memory_space<vmem>>, vector<16xi32>,
    %get3A_652 = vector.shape_cast %get3A_651 : vector<16xi32> to vector<16xi32>
    %and3A_653 = arith.constant 65535 : i32
    %and3A_654 = vector.broadcast %and3A_653 : i32 to vector<16xi32>
    %and3A_655 = arith.andi %get3A_652, %and3A_654 : vector<16xi32>
    %swap3A_656 = arith.constant 736 : index
    %swap3A_657 = tpu.vector_load %arg6[%swap3A_656] {strides = array<i32>} : memref<2048xi32, #tpu.memory_space<vmem>>, vector<16xi32>,
    %swap3A_658 = vector.shape_cast %swap3A_657 : vector<16xi32> to vector<16xi32>
    %swap3A_659 = vector.shape_cast %and3A_655 : vector<16xi32> to vector<16xi32>
    tpu.vector_store %arg6[%swap3A_656], %swap3A_659 {strides = array<i32>} : memref<2048xi32, #tpu.memory_space<vmem>>, vector<16xi32>,
    %get3A_660 = arith.constant 752 : index
    %get3A_661 = tpu.vector_load %arg6[%get3A_660] {strides = array<i32>} : memref<2048xi32, #tpu.memory_space<vmem>>, vector<16xi32>,
    %get3A_662 = vector.shape_cast %get3A_661 : vector<16xi32> to vector<16xi32>
    %and3A_663 = arith.constant 65535 : i32
    %and3A_664 = vector.broadcast %and3A_663 : i32 to vector<16xi32>
    %and3A_665 = arith.andi %get3A_662, %and3A_664 : vector<16xi32>
    %swap3A_666 = arith.constant 752 : index
    %swap3A_667 = tpu.vector_load %arg6[%swap3A_666] {strides = array<i32>} : memref<2048xi32, #tpu.memory_space<vmem>>, vector<16xi32>,
    %swap3A_668 = vector.shape_cast %swap3A_667 : vector<16xi32> to vector<16xi32>
    %swap3A_669 = vector.shape_cast %and3A_665 : vector<16xi32> to vector<16xi32>
    tpu.vector_store %arg6[%swap3A_666], %swap3A_669 {strides = array<i32>} : memref<2048xi32, #tpu.memory_space<vmem>>, vector<16xi32>,
    %get3A_670 = arith.constant 768 : index
    %get3A_671 = tpu.vector_load %arg6[%get3A_670] {strides = array<i32>} : memref<2048xi32, #tpu.memory_space<vmem>>, vector<16xi32>,
    %get3A_672 = vector.shape_cast %get3A_671 : vector<16xi32> to vector<16xi32>
    %and3A_673 = arith.constant 65535 : i32
    %and3A_674 = vector.broadcast %and3A_673 : i32 to vector<16xi32>
    %and3A_675 = arith.andi %get3A_672, %and3A_674 : vector<16xi32>
    %swap3A_676 = arith.constant 768 : index
    %swap3A_677 = tpu.vector_load %arg6[%swap3A_676] {strides = array<i32>} : memref<2048xi32, #tpu.memory_space<vmem>>, vector<16xi32>,
    %swap3A_678 = vector.shape_cast %swap3A_677 : vector<16xi32> to vector<16xi32>
    %swap3A_679 = vector.shape_cast %and3A_675 : vector<16xi32> to vector<16xi32>
    tpu.vector_store %arg6[%swap3A_676], %swap3A_679 {strides = array<i32>} : memref<2048xi32, #tpu.memory_space<vmem>>, vector<16xi32>,
    %get3A_680 = arith.constant 784 : index
    %get3A_681 = tpu.vector_load %arg6[%get3A_680] {strides = array<i32>} : memref<2048xi32, #tpu.memory_space<vmem>>, vector<16xi32>,
    %get3A_682 = vector.shape_cast %get3A_681 : vector<16xi32> to vector<16xi32>
    %and3A_683 = arith.constant 65535 : i32
    %and3A_684 = vector.broadcast %and3A_683 : i32 to vector<16xi32>
    %and3A_685 = arith.andi %get3A_682, %and3A_684 : vector<16xi32>
    %swap3A_686 = arith.constant 784 : index
    %swap3A_687 = tpu.vector_load %arg6[%swap3A_686] {strides = array<i32>} : memref<2048xi32, #tpu.memory_space<vmem>>, vector<16xi32>,
    %swap3A_688 = vector.shape_cast %swap3A_687 : vector<16xi32> to vector<16xi32>
    %swap3A_689 = vector.shape_cast %and3A_685 : vector<16xi32> to vector<16xi32>
    tpu.vector_store %arg6[%swap3A_686], %swap3A_689 {strides = array<i32>} : memref<2048xi32, #tpu.memory_space<vmem>>, vector<16xi32>,
    %get3A_690 = arith.constant 800 : index
    %get3A_691 = tpu.vector_load %arg6[%get3A_690] {strides = array<i32>} : memref<2048xi32, #tpu.memory_space<vmem>>, vector<16xi32>,
    %get3A_692 = vector.shape_cast %get3A_691 : vector<16xi32> to vector<16xi32>
    %and3A_693 = arith.constant 65535 : i32
    %and3A_694 = vector.broadcast %and3A_693 : i32 to vector<16xi32>
    %and3A_695 = arith.andi %get3A_692, %and3A_694 : vector<16xi32>
    %swap3A_696 = arith.constant 800 : index
    %swap3A_697 = tpu.vector_load %arg6[%swap3A_696] {strides = array<i32>} : memref<2048xi32, #tpu.memory_space<vmem>>, vector<16xi32>,
    %swap3A_698 = vector.shape_cast %swap3A_697 : vector<16xi32> to vector<16xi32>
    %swap3A_699 = vector.shape_cast %and3A_695 : vector<16xi32> to vector<16xi32>
    tpu.vector_store %arg6[%swap3A_696], %swap3A_699 {strides = array<i32>} : memref<2048xi32, #tpu.memory_space<vmem>>, vector<16xi32>,
    %get3A_700 = arith.constant 816 : index
    %get3A_701 = tpu.vector_load %arg6[%get3A_700] {strides = array<i32>} : memref<2048xi32, #tpu.memory_space<vmem>>, vector<16xi32>,
    %get3A_702 = vector.shape_cast %get3A_701 : vector<16xi32> to vector<16xi32>
    %and3A_703 = arith.constant 65535 : i32
    %and3A_704 = vector.broadcast %and3A_703 : i32 to vector<16xi32>
    %and3A_705 = arith.andi %get3A_702, %and3A_704 : vector<16xi32>
    %swap3A_706 = arith.constant 816 : index
    %swap3A_707 = tpu.vector_load %arg6[%swap3A_706] {strides = array<i32>} : memref<2048xi32, #tpu.memory_space<vmem>>, vector<16xi32>,
    %swap3A_708 = vector.shape_cast %swap3A_707 : vector<16xi32> to vector<16xi32>
    %swap3A_709 = vector.shape_cast %and3A_705 : vector<16xi32> to vector<16xi32>
    tpu.vector_store %arg6[%swap3A_706], %swap3A_709 {strides = array<i32>} : memref<2048xi32, #tpu.memory_space<vmem>>, vector<16xi32>,
    %get3A_710 = arith.constant 832 : index
    %get3A_711 = tpu.vector_load %arg6[%get3A_710] {strides = array<i32>} : memref<2048xi32, #tpu.memory_space<vmem>>, vector<16xi32>,
    %get3A_712 = vector.shape_cast %get3A_711 : vector<16xi32> to vector<16xi32>
    %and3A_713 = arith.constant 65535 : i32
    %and3A_714 = vector.broadcast %and3A_713 : i32 to vector<16xi32>
    %and3A_715 = arith.andi %get3A_712, %and3A_714 : vector<16xi32>
    %swap3A_716 = arith.constant 832 : index
    %swap3A_717 = tpu.vector_load %arg6[%swap3A_716] {strides = array<i32>} : memref<2048xi32, #tpu.memory_space<vmem>>, vector<16xi32>,
    %swap3A_718 = vector.shape_cast %swap3A_717 : vector<16xi32> to vector<16xi32>
    %swap3A_719 = vector.shape_cast %and3A_715 : vector<16xi32> to vector<16xi32>
    tpu.vector_store %arg6[%swap3A_716], %swap3A_719 {strides = array<i32>} : memref<2048xi32, #tpu.memory_space<vmem>>, vector<16xi32>,
    %get3A_720 = arith.constant 848 : index
    %get3A_721 = tpu.vector_load %arg6[%get3A_720] {strides = array<i32>} : memref<2048xi32, #tpu.memory_space<vmem>>, vector<16xi32>,
    %get3A_722 = vector.shape_cast %get3A_721 : vector<16xi32> to vector<16xi32>
    %and3A_723 = arith.constant 65535 : i32
    %and3A_724 = vector.broadcast %and3A_723 : i32 to vector<16xi32>
    %and3A_725 = arith.andi %get3A_722, %and3A_724 : vector<16xi32>
    %swap3A_726 = arith.constant 848 : index
    %swap3A_727 = tpu.vector_load %arg6[%swap3A_726] {strides = array<i32>} : memref<2048xi32, #tpu.memory_space<vmem>>, vector<16xi32>,
    %swap3A_728 = vector.shape_cast %swap3A_727 : vector<16xi32> to vector<16xi32>
    %swap3A_729 = vector.shape_cast %and3A_725 : vector<16xi32> to vector<16xi32>
    tpu.vector_store %arg6[%swap3A_726], %swap3A_729 {strides = array<i32>} : memref<2048xi32, #tpu.memory_space<vmem>>, vector<16xi32>,
    %get3A_730 = arith.constant 864 : index
    %get3A_731 = tpu.vector_load %arg6[%get3A_730] {strides = array<i32>} : memref<2048xi32, #tpu.memory_space<vmem>>, vector<16xi32>,
    %get3A_732 = vector.shape_cast %get3A_731 : vector<16xi32> to vector<16xi32>
    %and3A_733 = arith.constant 65535 : i32
    %and3A_734 = vector.broadcast %and3A_733 : i32 to vector<16xi32>
    %and3A_735 = arith.andi %get3A_732, %and3A_734 : vector<16xi32>
    %swap3A_736 = arith.constant 864 : index
    %swap3A_737 = tpu.vector_load %arg6[%swap3A_736] {strides = array<i32>} : memref<2048xi32, #tpu.memory_space<vmem>>, vector<16xi32>,
    %swap3A_738 = vector.shape_cast %swap3A_737 : vector<16xi32> to vector<16xi32>
    %swap3A_739 = vector.shape_cast %and3A_735 : vector<16xi32> to vector<16xi32>
    tpu.vector_store %arg6[%swap3A_736], %swap3A_739 {strides = array<i32>} : memref<2048xi32, #tpu.memory_space<vmem>>, vector<16xi32>,
    %get3A_740 = arith.constant 880 : index
    %get3A_741 = tpu.vector_load %arg6[%get3A_740] {strides = array<i32>} : memref<2048xi32, #tpu.memory_space<vmem>>, vector<16xi32>,
    %get3A_742 = vector.shape_cast %get3A_741 : vector<16xi32> to vector<16xi32>
    %and3A_743 = arith.constant 65535 : i32
    %and3A_744 = vector.broadcast %and3A_743 : i32 to vector<16xi32>
    %and3A_745 = arith.andi %get3A_742, %and3A_744 : vector<16xi32>
    %swap3A_746 = arith.constant 880 : index
    %swap3A_747 = tpu.vector_load %arg6[%swap3A_746] {strides = array<i32>} : memref<2048xi32, #tpu.memory_space<vmem>>, vector<16xi32>,
    %swap3A_748 = vector.shape_cast %swap3A_747 : vector<16xi32> to vector<16xi32>
    %swap3A_749 = vector.shape_cast %and3A_745 : vector<16xi32> to vector<16xi32>
    tpu.vector_store %arg6[%swap3A_746], %swap3A_749 {strides = array<i32>} : memref<2048xi32, #tpu.memory_space<vmem>>, vector<16xi32>,
    %get3A_750 = arith.constant 896 : index
    %get3A_751 = tpu.vector_load %arg6[%get3A_750] {strides = array<i32>} : memref<2048xi32, #tpu.memory_space<vmem>>, vector<16xi32>,
    %get3A_752 = vector.shape_cast %get3A_751 : vector<16xi32> to vector<16xi32>
    %and3A_753 = arith.constant 65535 : i32
    %and3A_754 = vector.broadcast %and3A_753 : i32 to vector<16xi32>
    %and3A_755 = arith.andi %get3A_752, %and3A_754 : vector<16xi32>
    %swap3A_756 = arith.constant 896 : index
    %swap3A_757 = tpu.vector_load %arg6[%swap3A_756] {strides = array<i32>} : memref<2048xi32, #tpu.memory_space<vmem>>, vector<16xi32>,
    %swap3A_758 = vector.shape_cast %swap3A_757 : vector<16xi32> to vector<16xi32>
    %swap3A_759 = vector.shape_cast %and3A_755 : vector<16xi32> to vector<16xi32>
    tpu.vector_store %arg6[%swap3A_756], %swap3A_759 {strides = array<i32>} : memref<2048xi32, #tpu.memory_space<vmem>>, vector<16xi32>,
    %get3A_760 = arith.constant 912 : index
    %get3A_761 = tpu.vector_load %arg6[%get3A_760] {strides = array<i32>} : memref<2048xi32, #tpu.memory_space<vmem>>, vector<16xi32>,
    %get3A_762 = vector.shape_cast %get3A_761 : vector<16xi32> to vector<16xi32>
    %and3A_763 = arith.constant 65535 : i32
    %and3A_764 = vector.broadcast %and3A_763 : i32 to vector<16xi32>
    %and3A_765 = arith.andi %get3A_762, %and3A_764 : vector<16xi32>
    %swap3A_766 = arith.constant 912 : index
    %swap3A_767 = tpu.vector_load %arg6[%swap3A_766] {strides = array<i32>} : memref<2048xi32, #tpu.memory_space<vmem>>, vector<16xi32>,
    %swap3A_768 = vector.shape_cast %swap3A_767 : vector<16xi32> to vector<16xi32>
    %swap3A_769 = vector.shape_cast %and3A_765 : vector<16xi32> to vector<16xi32>
    tpu.vector_store %arg6[%swap3A_766], %swap3A_769 {strides = array<i32>} : memref<2048xi32, #tpu.memory_space<vmem>>, vector<16xi32>,
    %get3A_770 = arith.constant 928 : index
    %get3A_771 = tpu.vector_load %arg6[%get3A_770] {strides = array<i32>} : memref<2048xi32, #tpu.memory_space<vmem>>, vector<16xi32>,
    %get3A_772 = vector.shape_cast %get3A_771 : vector<16xi32> to vector<16xi32>
    %and3A_773 = arith.constant 65535 : i32
    %and3A_774 = vector.broadcast %and3A_773 : i32 to vector<16xi32>
    %and3A_775 = arith.andi %get3A_772, %and3A_774 : vector<16xi32>
    %swap3A_776 = arith.constant 928 : index
    %swap3A_777 = tpu.vector_load %arg6[%swap3A_776] {strides = array<i32>} : memref<2048xi32, #tpu.memory_space<vmem>>, vector<16xi32>,
    %swap3A_778 = vector.shape_cast %swap3A_777 : vector<16xi32> to vector<16xi32>
    %swap3A_779 = vector.shape_cast %and3A_775 : vector<16xi32> to vector<16xi32>
    tpu.vector_store %arg6[%swap3A_776], %swap3A_779 {strides = array<i32>} : memref<2048xi32, #tpu.memory_space<vmem>>, vector<16xi32>,
    %get3A_780 = arith.constant 944 : index
    %get3A_781 = tpu.vector_load %arg6[%get3A_780] {strides = array<i32>} : memref<2048xi32, #tpu.memory_space<vmem>>, vector<16xi32>,
    %get3A_782 = vector.shape_cast %get3A_781 : vector<16xi32> to vector<16xi32>
    %and3A_783 = arith.constant 65535 : i32
    %and3A_784 = vector.broadcast %and3A_783 : i32 to vector<16xi32>
    %and3A_785 = arith.andi %get3A_782, %and3A_784 : vector<16xi32>
    %swap3A_786 = arith.constant 944 : index
    %swap3A_787 = tpu.vector_load %arg6[%swap3A_786] {strides = array<i32>} : memref<2048xi32, #tpu.memory_space<vmem>>, vector<16xi32>,
    %swap3A_788 = vector.shape_cast %swap3A_787 : vector<16xi32> to vector<16xi32>
    %swap3A_789 = vector.shape_cast %and3A_785 : vector<16xi32> to vector<16xi32>
    tpu.vector_store %arg6[%swap3A_786], %swap3A_789 {strides = array<i32>} : memref<2048xi32, #tpu.memory_space<vmem>>, vector<16xi32>,
    %get3A_790 = arith.constant 960 : index
    %get3A_791 = tpu.vector_load %arg6[%get3A_790] {strides = array<i32>} : memref<2048xi32, #tpu.memory_space<vmem>>, vector<16xi32>,
    %get3A_792 = vector.shape_cast %get3A_791 : vector<16xi32> to vector<16xi32>
    %and3A_793 = arith.constant 65535 : i32
    %and3A_794 = vector.broadcast %and3A_793 : i32 to vector<16xi32>
    %and3A_795 = arith.andi %get3A_792, %and3A_794 : vector<16xi32>
    %swap3A_796 = arith.constant 960 : index
    %swap3A_797 = tpu.vector_load %arg6[%swap3A_796] {strides = array<i32>} : memref<2048xi32, #tpu.memory_space<vmem>>, vector<16xi32>,
    %swap3A_798 = vector.shape_cast %swap3A_797 : vector<16xi32> to vector<16xi32>
    %swap3A_799 = vector.shape_cast %and3A_795 : vector<16xi32> to vector<16xi32>
    tpu.vector_store %arg6[%swap3A_796], %swap3A_799 {strides = array<i32>} : memref<2048xi32, #tpu.memory_space<vmem>>, vector<16xi32>,
    %get3A_800 = arith.constant 976 : index
    %get3A_801 = tpu.vector_load %arg6[%get3A_800] {strides = array<i32>} : memref<2048xi32, #tpu.memory_space<vmem>>, vector<16xi32>,
    %get3A_802 = vector.shape_cast %get3A_801 : vector<16xi32> to vector<16xi32>
    %and3A_803 = arith.constant 65535 : i32
    %and3A_804 = vector.broadcast %and3A_803 : i32 to vector<16xi32>
    %and3A_805 = arith.andi %get3A_802, %and3A_804 : vector<16xi32>
    %swap3A_806 = arith.constant 976 : index
    %swap3A_807 = tpu.vector_load %arg6[%swap3A_806] {strides = array<i32>} : memref<2048xi32, #tpu.memory_space<vmem>>, vector<16xi32>,
    %swap3A_808 = vector.shape_cast %swap3A_807 : vector<16xi32> to vector<16xi32>
    %swap3A_809 = vector.shape_cast %and3A_805 : vector<16xi32> to vector<16xi32>
    tpu.vector_store %arg6[%swap3A_806], %swap3A_809 {strides = array<i32>} : memref<2048xi32, #tpu.memory_space<vmem>>, vector<16xi32>,
    %get3A_810 = arith.constant 992 : index
    %get3A_811 = tpu.vector_load %arg6[%get3A_810] {strides = array<i32>} : memref<2048xi32, #tpu.memory_space<vmem>>, vector<16xi32>,
    %get3A_812 = vector.shape_cast %get3A_811 : vector<16xi32> to vector<16xi32>
    %and3A_813 = arith.constant 65535 : i32
    %and3A_814 = vector.broadcast %and3A_813 : i32 to vector<16xi32>
    %and3A_815 = arith.andi %get3A_812, %and3A_814 : vector<16xi32>
    %swap3A_816 = arith.constant 992 : index
    %swap3A_817 = tpu.vector_load %arg6[%swap3A_816] {strides = array<i32>} : memref<2048xi32, #tpu.memory_space<vmem>>, vector<16xi32>,
    %swap3A_818 = vector.shape_cast %swap3A_817 : vector<16xi32> to vector<16xi32>
    %swap3A_819 = vector.shape_cast %and3A_815 : vector<16xi32> to vector<16xi32>
    tpu.vector_store %arg6[%swap3A_816], %swap3A_819 {strides = array<i32>} : memref<2048xi32, #tpu.memory_space<vmem>>, vector<16xi32>,
    %get3A_820 = arith.constant 1008 : index
    %get3A_821 = tpu.vector_load %arg6[%get3A_820] {strides = array<i32>} : memref<2048xi32, #tpu.memory_space<vmem>>, vector<16xi32>,
    %get3A_822 = vector.shape_cast %get3A_821 : vector<16xi32> to vector<16xi32>
    %and3A_823 = arith.constant 65535 : i32
    %and3A_824 = vector.broadcast %and3A_823 : i32 to vector<16xi32>
    %and3A_825 = arith.andi %get3A_822, %and3A_824 : vector<16xi32>
    %swap3A_826 = arith.constant 1008 : index
    %swap3A_827 = tpu.vector_load %arg6[%swap3A_826] {strides = array<i32>} : memref<2048xi32, #tpu.memory_space<vmem>>, vector<16xi32>,
    %swap3A_828 = vector.shape_cast %swap3A_827 : vector<16xi32> to vector<16xi32>
    %swap3A_829 = vector.shape_cast %and3A_825 : vector<16xi32> to vector<16xi32>
    tpu.vector_store %arg6[%swap3A_826], %swap3A_829 {strides = array<i32>} : memref<2048xi32, #tpu.memory_space<vmem>>, vector<16xi32>,
    %get3A_830 = arith.constant 1024 : index
    %get3A_831 = tpu.vector_load %arg6[%get3A_830] {strides = array<i32>} : memref<2048xi32, #tpu.memory_space<vmem>>, vector<16xi32>,
    %get3A_832 = vector.shape_cast %get3A_831 : vector<16xi32> to vector<16xi32>
    %and3A_833 = arith.constant 65535 : i32
    %and3A_834 = vector.broadcast %and3A_833 : i32 to vector<16xi32>
    %and3A_835 = arith.andi %get3A_832, %and3A_834 : vector<16xi32>
    %swap3A_836 = arith.constant 1024 : index
    %swap3A_837 = tpu.vector_load %arg6[%swap3A_836] {strides = array<i32>} : memref<2048xi32, #tpu.memory_space<vmem>>, vector<16xi32>,
    %swap3A_838 = vector.shape_cast %swap3A_837 : vector<16xi32> to vector<16xi32>
    %swap3A_839 = vector.shape_cast %and3A_835 : vector<16xi32> to vector<16xi32>
    tpu.vector_store %arg6[%swap3A_836], %swap3A_839 {strides = array<i32>} : memref<2048xi32, #tpu.memory_space<vmem>>, vector<16xi32>,
    %get3A_840 = arith.constant 1040 : index
    %get3A_841 = tpu.vector_load %arg6[%get3A_840] {strides = array<i32>} : memref<2048xi32, #tpu.memory_space<vmem>>, vector<16xi32>,
    %get3A_842 = vector.shape_cast %get3A_841 : vector<16xi32> to vector<16xi32>
    %and3A_843 = arith.constant 65535 : i32
    %and3A_844 = vector.broadcast %and3A_843 : i32 to vector<16xi32>
    %and3A_845 = arith.andi %get3A_842, %and3A_844 : vector<16xi32>
    %swap3A_846 = arith.constant 1040 : index
    %swap3A_847 = tpu.vector_load %arg6[%swap3A_846] {strides = array<i32>} : memref<2048xi32, #tpu.memory_space<vmem>>, vector<16xi32>,
    %swap3A_848 = vector.shape_cast %swap3A_847 : vector<16xi32> to vector<16xi32>
    %swap3A_849 = vector.shape_cast %and3A_845 : vector<16xi32> to vector<16xi32>
    tpu.vector_store %arg6[%swap3A_846], %swap3A_849 {strides = array<i32>} : memref<2048xi32, #tpu.memory_space<vmem>>, vector<16xi32>,
    %get3A_850 = arith.constant 1056 : index
    %get3A_851 = tpu.vector_load %arg6[%get3A_850] {strides = array<i32>} : memref<2048xi32, #tpu.memory_space<vmem>>, vector<16xi32>,
    %get3A_852 = vector.shape_cast %get3A_851 : vector<16xi32> to vector<16xi32>
    %and3A_853 = arith.constant 65535 : i32
    %and3A_854 = vector.broadcast %and3A_853 : i32 to vector<16xi32>
    %and3A_855 = arith.andi %get3A_852, %and3A_854 : vector<16xi32>
    %swap3A_856 = arith.constant 1056 : index
    %swap3A_857 = tpu.vector_load %arg6[%swap3A_856] {strides = array<i32>} : memref<2048xi32, #tpu.memory_space<vmem>>, vector<16xi32>,
    %swap3A_858 = vector.shape_cast %swap3A_857 : vector<16xi32> to vector<16xi32>
    %swap3A_859 = vector.shape_cast %and3A_855 : vector<16xi32> to vector<16xi32>
    tpu.vector_store %arg6[%swap3A_856], %swap3A_859 {strides = array<i32>} : memref<2048xi32, #tpu.memory_space<vmem>>, vector<16xi32>,
    %get3A_860 = arith.constant 1072 : index
    %get3A_861 = tpu.vector_load %arg6[%get3A_860] {strides = array<i32>} : memref<2048xi32, #tpu.memory_space<vmem>>, vector<16xi32>,
    %get3A_862 = vector.shape_cast %get3A_861 : vector<16xi32> to vector<16xi32>
    %and3A_863 = arith.constant 65535 : i32
    %and3A_864 = vector.broadcast %and3A_863 : i32 to vector<16xi32>
    %and3A_865 = arith.andi %get3A_862, %and3A_864 : vector<16xi32>
    %swap3A_866 = arith.constant 1072 : index
    %swap3A_867 = tpu.vector_load %arg6[%swap3A_866] {strides = array<i32>} : memref<2048xi32, #tpu.memory_space<vmem>>, vector<16xi32>,
    %swap3A_868 = vector.shape_cast %swap3A_867 : vector<16xi32> to vector<16xi32>
    %swap3A_869 = vector.shape_cast %and3A_865 : vector<16xi32> to vector<16xi32>
    tpu.vector_store %arg6[%swap3A_866], %swap3A_869 {strides = array<i32>} : memref<2048xi32, #tpu.memory_space<vmem>>, vector<16xi32>,
    %get3A_870 = arith.constant 1088 : index
    %get3A_871 = tpu.vector_load %arg6[%get3A_870] {strides = array<i32>} : memref<2048xi32, #tpu.memory_space<vmem>>, vector<16xi32>,
    %get3A_872 = vector.shape_cast %get3A_871 : vector<16xi32> to vector<16xi32>
    %and3A_873 = arith.constant 65535 : i32
    %and3A_874 = vector.broadcast %and3A_873 : i32 to vector<16xi32>
    %and3A_875 = arith.andi %get3A_872, %and3A_874 : vector<16xi32>
    %swap3A_876 = arith.constant 1088 : index
    %swap3A_877 = tpu.vector_load %arg6[%swap3A_876] {strides = array<i32>} : memref<2048xi32, #tpu.memory_space<vmem>>, vector<16xi32>,
    %swap3A_878 = vector.shape_cast %swap3A_877 : vector<16xi32> to vector<16xi32>
    %swap3A_879 = vector.shape_cast %and3A_875 : vector<16xi32> to vector<16xi32>
    tpu.vector_store %arg6[%swap3A_876], %swap3A_879 {strides = array<i32>} : memref<2048xi32, #tpu.memory_space<vmem>>, vector<16xi32>,
    %get3A_880 = arith.constant 1104 : index
    %get3A_881 = tpu.vector_load %arg6[%get3A_880] {strides = array<i32>} : memref<2048xi32, #tpu.memory_space<vmem>>, vector<16xi32>,
    %get3A_882 = vector.shape_cast %get3A_881 : vector<16xi32> to vector<16xi32>
    %and3A_883 = arith.constant 65535 : i32
    %and3A_884 = vector.broadcast %and3A_883 : i32 to vector<16xi32>
    %and3A_885 = arith.andi %get3A_882, %and3A_884 : vector<16xi32>
    %swap3A_886 = arith.constant 1104 : index
    %swap3A_887 = tpu.vector_load %arg6[%swap3A_886] {strides = array<i32>} : memref<2048xi32, #tpu.memory_space<vmem>>, vector<16xi32>,
    %swap3A_888 = vector.shape_cast %swap3A_887 : vector<16xi32> to vector<16xi32>
    %swap3A_889 = vector.shape_cast %and3A_885 : vector<16xi32> to vector<16xi32>
    tpu.vector_store %arg6[%swap3A_886], %swap3A_889 {strides = array<i32>} : memref<2048xi32, #tpu.memory_space<vmem>>, vector<16xi32>,
    %get3A_890 = arith.constant 1120 : index
    %get3A_891 = tpu.vector_load %arg6[%get3A_890] {strides = array<i32>} : memref<2048xi32, #tpu.memory_space<vmem>>, vector<16xi32>,
    %get3A_892 = vector.shape_cast %get3A_891 : vector<16xi32> to vector<16xi32>
    %and3A_893 = arith.constant 65535 : i32
    %and3A_894 = vector.broadcast %and3A_893 : i32 to vector<16xi32>
    %and3A_895 = arith.andi %get3A_892, %and3A_894 : vector<16xi32>
    %swap3A_896 = arith.constant 1120 : index
    %swap3A_897 = tpu.vector_load %arg6[%swap3A_896] {strides = array<i32>} : memref<2048xi32, #tpu.memory_space<vmem>>, vector<16xi32>,
    %swap3A_898 = vector.shape_cast %swap3A_897 : vector<16xi32> to vector<16xi32>
    %swap3A_899 = vector.shape_cast %and3A_895 : vector<16xi32> to vector<16xi32>
    tpu.vector_store %arg6[%swap3A_896], %swap3A_899 {strides = array<i32>} : memref<2048xi32, #tpu.memory_space<vmem>>, vector<16xi32>,
    %get3A_900 = arith.constant 1136 : index
    %get3A_901 = tpu.vector_load %arg6[%get3A_900] {strides = array<i32>} : memref<2048xi32, #tpu.memory_space<vmem>>, vector<16xi32>,
    %get3A_902 = vector.shape_cast %get3A_901 : vector<16xi32> to vector<16xi32>
    %and3A_903 = arith.constant 65535 : i32
    %and3A_904 = vector.broadcast %and3A_903 : i32 to vector<16xi32>
    %and3A_905 = arith.andi %get3A_902, %and3A_904 : vector<16xi32>
    %swap3A_906 = arith.constant 1136 : index
    %swap3A_907 = tpu.vector_load %arg6[%swap3A_906] {strides = array<i32>} : memref<2048xi32, #tpu.memory_space<vmem>>, vector<16xi32>,
    %swap3A_908 = vector.shape_cast %swap3A_907 : vector<16xi32> to vector<16xi32>
    %swap3A_909 = vector.shape_cast %and3A_905 : vector<16xi32> to vector<16xi32>
    tpu.vector_store %arg6[%swap3A_906], %swap3A_909 {strides = array<i32>} : memref<2048xi32, #tpu.memory_space<vmem>>, vector<16xi32>,
    %get3A_910 = arith.constant 1152 : index
    %get3A_911 = tpu.vector_load %arg6[%get3A_910] {strides = array<i32>} : memref<2048xi32, #tpu.memory_space<vmem>>, vector<16xi32>,
    %get3A_912 = vector.shape_cast %get3A_911 : vector<16xi32> to vector<16xi32>
    %and3A_913 = arith.constant 65535 : i32
    %and3A_914 = vector.broadcast %and3A_913 : i32 to vector<16xi32>
    %and3A_915 = arith.andi %get3A_912, %and3A_914 : vector<16xi32>
    %swap3A_916 = arith.constant 1152 : index
    %swap3A_917 = tpu.vector_load %arg6[%swap3A_916] {strides = array<i32>} : memref<2048xi32, #tpu.memory_space<vmem>>, vector<16xi32>,
    %swap3A_918 = vector.shape_cast %swap3A_917 : vector<16xi32> to vector<16xi32>
    %swap3A_919 = vector.shape_cast %and3A_915 : vector<16xi32> to vector<16xi32>
    tpu.vector_store %arg6[%swap3A_916], %swap3A_919 {strides = array<i32>} : memref<2048xi32, #tpu.memory_space<vmem>>, vector<16xi32>,
    %get3A_920 = arith.constant 1168 : index
    %get3A_921 = tpu.vector_load %arg6[%get3A_920] {strides = array<i32>} : memref<2048xi32, #tpu.memory_space<vmem>>, vector<16xi32>,
    %get3A_922 = vector.shape_cast %get3A_921 : vector<16xi32> to vector<16xi32>
    %and3A_923 = arith.constant 65535 : i32
    %and3A_924 = vector.broadcast %and3A_923 : i32 to vector<16xi32>
    %and3A_925 = arith.andi %get3A_922, %and3A_924 : vector<16xi32>
    %swap3A_926 = arith.constant 1168 : index
    %swap3A_927 = tpu.vector_load %arg6[%swap3A_926] {strides = array<i32>} : memref<2048xi32, #tpu.memory_space<vmem>>, vector<16xi32>,
    %swap3A_928 = vector.shape_cast %swap3A_927 : vector<16xi32> to vector<16xi32>
    %swap3A_929 = vector.shape_cast %and3A_925 : vector<16xi32> to vector<16xi32>
    tpu.vector_store %arg6[%swap3A_926], %swap3A_929 {strides = array<i32>} : memref<2048xi32, #tpu.memory_space<vmem>>, vector<16xi32>,
    %get3A_930 = arith.constant 1184 : index
    %get3A_931 = tpu.vector_load %arg6[%get3A_930] {strides = array<i32>} : memref<2048xi32, #tpu.memory_space<vmem>>, vector<16xi32>,
    %get3A_932 = vector.shape_cast %get3A_931 : vector<16xi32> to vector<16xi32>
    %and3A_933 = arith.constant 65535 : i32
    %and3A_934 = vector.broadcast %and3A_933 : i32 to vector<16xi32>
    %and3A_935 = arith.andi %get3A_932, %and3A_934 : vector<16xi32>
    %swap3A_936 = arith.constant 1184 : index
    %swap3A_937 = tpu.vector_load %arg6[%swap3A_936] {strides = array<i32>} : memref<2048xi32, #tpu.memory_space<vmem>>, vector<16xi32>,
    %swap3A_938 = vector.shape_cast %swap3A_937 : vector<16xi32> to vector<16xi32>
    %swap3A_939 = vector.shape_cast %and3A_935 : vector<16xi32> to vector<16xi32>
    tpu.vector_store %arg6[%swap3A_936], %swap3A_939 {strides = array<i32>} : memref<2048xi32, #tpu.memory_space<vmem>>, vector<16xi32>,
    %get3A_940 = arith.constant 1200 : index
    %get3A_941 = tpu.vector_load %arg6[%get3A_940] {strides = array<i32>} : memref<2048xi32, #tpu.memory_space<vmem>>, vector<16xi32>,
    %get3A_942 = vector.shape_cast %get3A_941 : vector<16xi32> to vector<16xi32>
    %and3A_943 = arith.constant 65535 : i32
    %and3A_944 = vector.broadcast %and3A_943 : i32 to vector<16xi32>
    %and3A_945 = arith.andi %get3A_942, %and3A_944 : vector<16xi32>
    %swap3A_946 = arith.constant 1200 : index
    %swap3A_947 = tpu.vector_load %arg6[%swap3A_946] {strides = array<i32>} : memref<2048xi32, #tpu.memory_space<vmem>>, vector<16xi32>,
    %swap3A_948 = vector.shape_cast %swap3A_947 : vector<16xi32> to vector<16xi32>
    %swap3A_949 = vector.shape_cast %and3A_945 : vector<16xi32> to vector<16xi32>
    tpu.vector_store %arg6[%swap3A_946], %swap3A_949 {strides = array<i32>} : memref<2048xi32, #tpu.memory_space<vmem>>, vector<16xi32>,
    %get3A_950 = arith.constant 1216 : index
    %get3A_951 = tpu.vector_load %arg6[%get3A_950] {strides = array<i32>} : memref<2048xi32, #tpu.memory_space<vmem>>, vector<16xi32>,
    %get3A_952 = vector.shape_cast %get3A_951 : vector<16xi32> to vector<16xi32>
    %and3A_953 = arith.constant 65535 : i32
    %and3A_954 = vector.broadcast %and3A_953 : i32 to vector<16xi32>
    %and3A_955 = arith.andi %get3A_952, %and3A_954 : vector<16xi32>
    %swap3A_956 = arith.constant 1216 : index
    %swap3A_957 = tpu.vector_load %arg6[%swap3A_956] {strides = array<i32>} : memref<2048xi32, #tpu.memory_space<vmem>>, vector<16xi32>,
    %swap3A_958 = vector.shape_cast %swap3A_957 : vector<16xi32> to vector<16xi32>
    %swap3A_959 = vector.shape_cast %and3A_955 : vector<16xi32> to vector<16xi32>
    tpu.vector_store %arg6[%swap3A_956], %swap3A_959 {strides = array<i32>} : memref<2048xi32, #tpu.memory_space<vmem>>, vector<16xi32>,
    %get3A_960 = arith.constant 1232 : index
    %get3A_961 = tpu.vector_load %arg6[%get3A_960] {strides = array<i32>} : memref<2048xi32, #tpu.memory_space<vmem>>, vector<16xi32>,
    %get3A_962 = vector.shape_cast %get3A_961 : vector<16xi32> to vector<16xi32>
    %and3A_963 = arith.constant 65535 : i32
    %and3A_964 = vector.broadcast %and3A_963 : i32 to vector<16xi32>
    %and3A_965 = arith.andi %get3A_962, %and3A_964 : vector<16xi32>
    %swap3A_966 = arith.constant 1232 : index
    %swap3A_967 = tpu.vector_load %arg6[%swap3A_966] {strides = array<i32>} : memref<2048xi32, #tpu.memory_space<vmem>>, vector<16xi32>,
    %swap3A_968 = vector.shape_cast %swap3A_967 : vector<16xi32> to vector<16xi32>
    %swap3A_969 = vector.shape_cast %and3A_965 : vector<16xi32> to vector<16xi32>
    tpu.vector_store %arg6[%swap3A_966], %swap3A_969 {strides = array<i32>} : memref<2048xi32, #tpu.memory_space<vmem>>, vector<16xi32>,
    %get3A_970 = arith.constant 1248 : index
    %get3A_971 = tpu.vector_load %arg6[%get3A_970] {strides = array<i32>} : memref<2048xi32, #tpu.memory_space<vmem>>, vector<16xi32>,
    %get3A_972 = vector.shape_cast %get3A_971 : vector<16xi32> to vector<16xi32>
    %and3A_973 = arith.constant 65535 : i32
    %and3A_974 = vector.broadcast %and3A_973 : i32 to vector<16xi32>
    %and3A_975 = arith.andi %get3A_972, %and3A_974 : vector<16xi32>
    %swap3A_976 = arith.constant 1248 : index
    %swap3A_977 = tpu.vector_load %arg6[%swap3A_976] {strides = array<i32>} : memref<2048xi32, #tpu.memory_space<vmem>>, vector<16xi32>,
    %swap3A_978 = vector.shape_cast %swap3A_977 : vector<16xi32> to vector<16xi32>
    %swap3A_979 = vector.shape_cast %and3A_975 : vector<16xi32> to vector<16xi32>
    tpu.vector_store %arg6[%swap3A_976], %swap3A_979 {strides = array<i32>} : memref<2048xi32, #tpu.memory_space<vmem>>, vector<16xi32>,
    %get3A_980 = arith.constant 1264 : index
    %get3A_981 = tpu.vector_load %arg6[%get3A_980] {strides = array<i32>} : memref<2048xi32, #tpu.memory_space<vmem>>, vector<16xi32>,
    %get3A_982 = vector.shape_cast %get3A_981 : vector<16xi32> to vector<16xi32>
    %and3A_983 = arith.constant 65535 : i32
    %and3A_984 = vector.broadcast %and3A_983 : i32 to vector<16xi32>
    %and3A_985 = arith.andi %get3A_982, %and3A_984 : vector<16xi32>
    %swap3A_986 = arith.constant 1264 : index
    %swap3A_987 = tpu.vector_load %arg6[%swap3A_986] {strides = array<i32>} : memref<2048xi32, #tpu.memory_space<vmem>>, vector<16xi32>,
    %swap3A_988 = vector.shape_cast %swap3A_987 : vector<16xi32> to vector<16xi32>
    %swap3A_989 = vector.shape_cast %and3A_985 : vector<16xi32> to vector<16xi32>
    tpu.vector_store %arg6[%swap3A_986], %swap3A_989 {strides = array<i32>} : memref<2048xi32, #tpu.memory_space<vmem>>, vector<16xi32>,
    %get3A_990 = arith.constant 1280 : index
    %get3A_991 = tpu.vector_load %arg6[%get3A_990] {strides = array<i32>} : memref<2048xi32, #tpu.memory_space<vmem>>, vector<16xi32>,
    %get3A_992 = vector.shape_cast %get3A_991 : vector<16xi32> to vector<16xi32>
    %and3A_993 = arith.constant 65535 : i32
    %and3A_994 = vector.broadcast %and3A_993 : i32 to vector<16xi32>
    %and3A_995 = arith.andi %get3A_992, %and3A_994 : vector<16xi32>
    %swap3A_996 = arith.constant 1280 : index
    %swap3A_997 = tpu.vector_load %arg6[%swap3A_996] {strides = array<i32>} : memref<2048xi32, #tpu.memory_space<vmem>>, vector<16xi32>,
    %swap3A_998 = vector.shape_cast %swap3A_997 : vector<16xi32> to vector<16xi32>
    %swap3A_999 = vector.shape_cast %and3A_995 : vector<16xi32> to vector<16xi32>
    tpu.vector_store %arg6[%swap3A_996], %swap3A_999 {strides = array<i32>} : memref<2048xi32, #tpu.memory_space<vmem>>, vector<16xi32>,
    %get3A_1000 = arith.constant 1296 : index
    %get3A_1001 = tpu.vector_load %arg6[%get3A_1000] {strides = array<i32>} : memref<2048xi32, #tpu.memory_space<vmem>>, vector<16xi32>,
    %get3A_1002 = vector.shape_cast %get3A_1001 : vector<16xi32> to vector<16xi32>
    %and3A_1003 = arith.constant 65535 : i32
    %and3A_1004 = vector.broadcast %and3A_1003 : i32 to vector<16xi32>
    %and3A_1005 = arith.andi %get3A_1002, %and3A_1004 : vector<16xi32>
    %swap3A_1006 = arith.constant 1296 : index
    %swap3A_1007 = tpu.vector_load %arg6[%swap3A_1006] {strides = array<i32>} : memref<2048xi32, #tpu.memory_space<vmem>>, vector<16xi32>,
    %swap3A_1008 = vector.shape_cast %swap3A_1007 : vector<16xi32> to vector<16xi32>
    %swap3A_1009 = vector.shape_cast %and3A_1005 : vector<16xi32> to vector<16xi32>
    tpu.vector_store %arg6[%swap3A_1006], %swap3A_1009 {strides = array<i32>} : memref<2048xi32, #tpu.memory_space<vmem>>, vector<16xi32>,
    %get3A_1010 = arith.constant 1312 : index
    %get3A_1011 = tpu.vector_load %arg6[%get3A_1010] {strides = array<i32>} : memref<2048xi32, #tpu.memory_space<vmem>>, vector<16xi32>,
    %get3A_1012 = vector.shape_cast %get3A_1011 : vector<16xi32> to vector<16xi32>
    %and3A_1013 = arith.constant 65535 : i32
    %and3A_1014 = vector.broadcast %and3A_1013 : i32 to vector<16xi32>
    %and3A_1015 = arith.andi %get3A_1012, %and3A_1014 : vector<16xi32>
    %swap3A_1016 = arith.constant 1312 : index
    %swap3A_1017 = tpu.vector_load %arg6[%swap3A_1016] {strides = array<i32>} : memref<2048xi32, #tpu.memory_space<vmem>>, vector<16xi32>,
    %swap3A_1018 = vector.shape_cast %swap3A_1017 : vector<16xi32> to vector<16xi32>
    %swap3A_1019 = vector.shape_cast %and3A_1015 : vector<16xi32> to vector<16xi32>
    tpu.vector_store %arg6[%swap3A_1016], %swap3A_1019 {strides = array<i32>} : memref<2048xi32, #tpu.memory_space<vmem>>, vector<16xi32>,
    %get3A_1020 = arith.constant 1328 : index
    %get3A_1021 = tpu.vector_load %arg6[%get3A_1020] {strides = array<i32>} : memref<2048xi32, #tpu.memory_space<vmem>>, vector<16xi32>,
    %get3A_1022 = vector.shape_cast %get3A_1021 : vector<16xi32> to vector<16xi32>
    %and3A_1023 = arith.constant 65535 : i32
    %and3A_1024 = vector.broadcast %and3A_1023 : i32 to vector<16xi32>
    %and3A_1025 = arith.andi %get3A_1022, %and3A_1024 : vector<16xi32>
    %swap3A_1026 = arith.constant 1328 : index
    %swap3A_1027 = tpu.vector_load %arg6[%swap3A_1026] {strides = array<i32>} : memref<2048xi32, #tpu.memory_space<vmem>>, vector<16xi32>,
    %swap3A_1028 = vector.shape_cast %swap3A_1027 : vector<16xi32> to vector<16xi32>
    %swap3A_1029 = vector.shape_cast %and3A_1025 : vector<16xi32> to vector<16xi32>
    tpu.vector_store %arg6[%swap3A_1026], %swap3A_1029 {strides = array<i32>} : memref<2048xi32, #tpu.memory_space<vmem>>, vector<16xi32>,
    %get3A_1030 = arith.constant 1344 : index
    %get3A_1031 = tpu.vector_load %arg6[%get3A_1030] {strides = array<i32>} : memref<2048xi32, #tpu.memory_space<vmem>>, vector<16xi32>,
    %get3A_1032 = vector.shape_cast %get3A_1031 : vector<16xi32> to vector<16xi32>
    %and3A_1033 = arith.constant 65535 : i32
    %and3A_1034 = vector.broadcast %and3A_1033 : i32 to vector<16xi32>
    %and3A_1035 = arith.andi %get3A_1032, %and3A_1034 : vector<16xi32>
    %swap3A_1036 = arith.constant 1344 : index
    %swap3A_1037 = tpu.vector_load %arg6[%swap3A_1036] {strides = array<i32>} : memref<2048xi32, #tpu.memory_space<vmem>>, vector<16xi32>,
    %swap3A_1038 = vector.shape_cast %swap3A_1037 : vector<16xi32> to vector<16xi32>
    %swap3A_1039 = vector.shape_cast %and3A_1035 : vector<16xi32> to vector<16xi32>
    tpu.vector_store %arg6[%swap3A_1036], %swap3A_1039 {strides = array<i32>} : memref<2048xi32, #tpu.memory_space<vmem>>, vector<16xi32>,
    %get3A_1040 = arith.constant 1360 : index
    %get3A_1041 = tpu.vector_load %arg6[%get3A_1040] {strides = array<i32>} : memref<2048xi32, #tpu.memory_space<vmem>>, vector<16xi32>,
    %get3A_1042 = vector.shape_cast %get3A_1041 : vector<16xi32> to vector<16xi32>
    %and3A_1043 = arith.constant 65535 : i32
    %and3A_1044 = vector.broadcast %and3A_1043 : i32 to vector<16xi32>
    %and3A_1045 = arith.andi %get3A_1042, %and3A_1044 : vector<16xi32>
    %swap3A_1046 = arith.constant 1360 : index
    %swap3A_1047 = tpu.vector_load %arg6[%swap3A_1046] {strides = array<i32>} : memref<2048xi32, #tpu.memory_space<vmem>>, vector<16xi32>,
    %swap3A_1048 = vector.shape_cast %swap3A_1047 : vector<16xi32> to vector<16xi32>
    %swap3A_1049 = vector.shape_cast %and3A_1045 : vector<16xi32> to vector<16xi32>
    tpu.vector_store %arg6[%swap3A_1046], %swap3A_1049 {strides = array<i32>} : memref<2048xi32, #tpu.memory_space<vmem>>, vector<16xi32>,
    %get3A_1050 = arith.constant 1376 : index
    %get3A_1051 = tpu.vector_load %arg6[%get3A_1050] {strides = array<i32>} : memref<2048xi32, #tpu.memory_space<vmem>>, vector<16xi32>,
    %get3A_1052 = vector.shape_cast %get3A_1051 : vector<16xi32> to vector<16xi32>
    %and3A_1053 = arith.constant 65535 : i32
    %and3A_1054 = vector.broadcast %and3A_1053 : i32 to vector<16xi32>
    %and3A_1055 = arith.andi %get3A_1052, %and3A_1054 : vector<16xi32>
    %swap3A_1056 = arith.constant 1376 : index
    %swap3A_1057 = tpu.vector_load %arg6[%swap3A_1056] {strides = array<i32>} : memref<2048xi32, #tpu.memory_space<vmem>>, vector<16xi32>,
    %swap3A_1058 = vector.shape_cast %swap3A_1057 : vector<16xi32> to vector<16xi32>
    %swap3A_1059 = vector.shape_cast %and3A_1055 : vector<16xi32> to vector<16xi32>
    tpu.vector_store %arg6[%swap3A_1056], %swap3A_1059 {strides = array<i32>} : memref<2048xi32, #tpu.memory_space<vmem>>, vector<16xi32>,
    %get3A_1060 = arith.constant 1392 : index
    %get3A_1061 = tpu.vector_load %arg6[%get3A_1060] {strides = array<i32>} : memref<2048xi32, #tpu.memory_space<vmem>>, vector<16xi32>,
    %get3A_1062 = vector.shape_cast %get3A_1061 : vector<16xi32> to vector<16xi32>
    %and3A_1063 = arith.constant 65535 : i32
    %and3A_1064 = vector.broadcast %and3A_1063 : i32 to vector<16xi32>
    %and3A_1065 = arith.andi %get3A_1062, %and3A_1064 : vector<16xi32>
    %swap3A_1066 = arith.constant 1392 : index
    %swap3A_1067 = tpu.vector_load %arg6[%swap3A_1066] {strides = array<i32>} : memref<2048xi32, #tpu.memory_space<vmem>>, vector<16xi32>,
    %swap3A_1068 = vector.shape_cast %swap3A_1067 : vector<16xi32> to vector<16xi32>
    %swap3A_1069 = vector.shape_cast %and3A_1065 : vector<16xi32> to vector<16xi32>
    tpu.vector_store %arg6[%swap3A_1066], %swap3A_1069 {strides = array<i32>} : memref<2048xi32, #tpu.memory_space<vmem>>, vector<16xi32>,
    %get3A_1070 = arith.constant 1408 : index
    %get3A_1071 = tpu.vector_load %arg6[%get3A_1070] {strides = array<i32>} : memref<2048xi32, #tpu.memory_space<vmem>>, vector<16xi32>,
    %get3A_1072 = vector.shape_cast %get3A_1071 : vector<16xi32> to vector<16xi32>
    %and3A_1073 = arith.constant 65535 : i32
    %and3A_1074 = vector.broadcast %and3A_1073 : i32 to vector<16xi32>
    %and3A_1075 = arith.andi %get3A_1072, %and3A_1074 : vector<16xi32>
    %swap3A_1076 = arith.constant 1408 : index
    %swap3A_1077 = tpu.vector_load %arg6[%swap3A_1076] {strides = array<i32>} : memref<2048xi32, #tpu.memory_space<vmem>>, vector<16xi32>,
    %swap3A_1078 = vector.shape_cast %swap3A_1077 : vector<16xi32> to vector<16xi32>
    %swap3A_1079 = vector.shape_cast %and3A_1075 : vector<16xi32> to vector<16xi32>
    tpu.vector_store %arg6[%swap3A_1076], %swap3A_1079 {strides = array<i32>} : memref<2048xi32, #tpu.memory_space<vmem>>, vector<16xi32>,
    %get3A_1080 = arith.constant 1424 : index
    %get3A_1081 = tpu.vector_load %arg6[%get3A_1080] {strides = array<i32>} : memref<2048xi32, #tpu.memory_space<vmem>>, vector<16xi32>,
    %get3A_1082 = vector.shape_cast %get3A_1081 : vector<16xi32> to vector<16xi32>
    %and3A_1083 = arith.constant 65535 : i32
    %and3A_1084 = vector.broadcast %and3A_1083 : i32 to vector<16xi32>
    %and3A_1085 = arith.andi %get3A_1082, %and3A_1084 : vector<16xi32>
    %swap3A_1086 = arith.constant 1424 : index
    %swap3A_1087 = tpu.vector_load %arg6[%swap3A_1086] {strides = array<i32>} : memref<2048xi32, #tpu.memory_space<vmem>>, vector<16xi32>,
    %swap3A_1088 = vector.shape_cast %swap3A_1087 : vector<16xi32> to vector<16xi32>
    %swap3A_1089 = vector.shape_cast %and3A_1085 : vector<16xi32> to vector<16xi32>
    tpu.vector_store %arg6[%swap3A_1086], %swap3A_1089 {strides = array<i32>} : memref<2048xi32, #tpu.memory_space<vmem>>, vector<16xi32>,
    %get3A_1090 = arith.constant 1440 : index
    %get3A_1091 = tpu.vector_load %arg6[%get3A_1090] {strides = array<i32>} : memref<2048xi32, #tpu.memory_space<vmem>>, vector<16xi32>,
    %get3A_1092 = vector.shape_cast %get3A_1091 : vector<16xi32> to vector<16xi32>
    %and3A_1093 = arith.constant 65535 : i32
    %and3A_1094 = vector.broadcast %and3A_1093 : i32 to vector<16xi32>
    %and3A_1095 = arith.andi %get3A_1092, %and3A_1094 : vector<16xi32>
    %swap3A_1096 = arith.constant 1440 : index
    %swap3A_1097 = tpu.vector_load %arg6[%swap3A_1096] {strides = array<i32>} : memref<2048xi32, #tpu.memory_space<vmem>>, vector<16xi32>,
    %swap3A_1098 = vector.shape_cast %swap3A_1097 : vector<16xi32> to vector<16xi32>
    %swap3A_1099 = vector.shape_cast %and3A_1095 : vector<16xi32> to vector<16xi32>
    tpu.vector_store %arg6[%swap3A_1096], %swap3A_1099 {strides = array<i32>} : memref<2048xi32, #tpu.memory_space<vmem>>, vector<16xi32>,
    %get3A_1100 = arith.constant 1456 : index
    %get3A_1101 = tpu.vector_load %arg6[%get3A_1100] {strides = array<i32>} : memref<2048xi32, #tpu.memory_space<vmem>>, vector<16xi32>,
    %get3A_1102 = vector.shape_cast %get3A_1101 : vector<16xi32> to vector<16xi32>
    %and3A_1103 = arith.constant 65535 : i32
    %and3A_1104 = vector.broadcast %and3A_1103 : i32 to vector<16xi32>
    %and3A_1105 = arith.andi %get3A_1102, %and3A_1104 : vector<16xi32>
    %swap3A_1106 = arith.constant 1456 : index
    %swap3A_1107 = tpu.vector_load %arg6[%swap3A_1106] {strides = array<i32>} : memref<2048xi32, #tpu.memory_space<vmem>>, vector<16xi32>,
    %swap3A_1108 = vector.shape_cast %swap3A_1107 : vector<16xi32> to vector<16xi32>
    %swap3A_1109 = vector.shape_cast %and3A_1105 : vector<16xi32> to vector<16xi32>
    tpu.vector_store %arg6[%swap3A_1106], %swap3A_1109 {strides = array<i32>} : memref<2048xi32, #tpu.memory_space<vmem>>, vector<16xi32>,
    %get3A_1110 = arith.constant 1472 : index
    %get3A_1111 = tpu.vector_load %arg6[%get3A_1110] {strides = array<i32>} : memref<2048xi32, #tpu.memory_space<vmem>>, vector<16xi32>,
    %get3A_1112 = vector.shape_cast %get3A_1111 : vector<16xi32> to vector<16xi32>
    %and3A_1113 = arith.constant 65535 : i32
    %and3A_1114 = vector.broadcast %and3A_1113 : i32 to vector<16xi32>
    %and3A_1115 = arith.andi %get3A_1112, %and3A_1114 : vector<16xi32>
    %swap3A_1116 = arith.constant 1472 : index
    %swap3A_1117 = tpu.vector_load %arg6[%swap3A_1116] {strides = array<i32>} : memref<2048xi32, #tpu.memory_space<vmem>>, vector<16xi32>,
    %swap3A_1118 = vector.shape_cast %swap3A_1117 : vector<16xi32> to vector<16xi32>
    %swap3A_1119 = vector.shape_cast %and3A_1115 : vector<16xi32> to vector<16xi32>
    tpu.vector_store %arg6[%swap3A_1116], %swap3A_1119 {strides = array<i32>} : memref<2048xi32, #tpu.memory_space<vmem>>, vector<16xi32>,
    %get3A_1120 = arith.constant 1488 : index
    %get3A_1121 = tpu.vector_load %arg6[%get3A_1120] {strides = array<i32>} : memref<2048xi32, #tpu.memory_space<vmem>>, vector<16xi32>,
    %get3A_1122 = vector.shape_cast %get3A_1121 : vector<16xi32> to vector<16xi32>
    %and3A_1123 = arith.constant 65535 : i32
    %and3A_1124 = vector.broadcast %and3A_1123 : i32 to vector<16xi32>
    %and3A_1125 = arith.andi %get3A_1122, %and3A_1124 : vector<16xi32>
    %swap3A_1126 = arith.constant 1488 : index
    %swap3A_1127 = tpu.vector_load %arg6[%swap3A_1126] {strides = array<i32>} : memref<2048xi32, #tpu.memory_space<vmem>>, vector<16xi32>,
    %swap3A_1128 = vector.shape_cast %swap3A_1127 : vector<16xi32> to vector<16xi32>
    %swap3A_1129 = vector.shape_cast %and3A_1125 : vector<16xi32> to vector<16xi32>
    tpu.vector_store %arg6[%swap3A_1126], %swap3A_1129 {strides = array<i32>} : memref<2048xi32, #tpu.memory_space<vmem>>, vector<16xi32>,
    %get3A_1130 = arith.constant 1504 : index
    %get3A_1131 = tpu.vector_load %arg6[%get3A_1130] {strides = array<i32>} : memref<2048xi32, #tpu.memory_space<vmem>>, vector<16xi32>,
    %get3A_1132 = vector.shape_cast %get3A_1131 : vector<16xi32> to vector<16xi32>
    %and3A_1133 = arith.constant 65535 : i32
    %and3A_1134 = vector.broadcast %and3A_1133 : i32 to vector<16xi32>
    %and3A_1135 = arith.andi %get3A_1132, %and3A_1134 : vector<16xi32>
    %swap3A_1136 = arith.constant 1504 : index
    %swap3A_1137 = tpu.vector_load %arg6[%swap3A_1136] {strides = array<i32>} : memref<2048xi32, #tpu.memory_space<vmem>>, vector<16xi32>,
    %swap3A_1138 = vector.shape_cast %swap3A_1137 : vector<16xi32> to vector<16xi32>
    %swap3A_1139 = vector.shape_cast %and3A_1135 : vector<16xi32> to vector<16xi32>
    tpu.vector_store %arg6[%swap3A_1136], %swap3A_1139 {strides = array<i32>} : memref<2048xi32, #tpu.memory_space<vmem>>, vector<16xi32>,
    %get3A_1140 = arith.constant 1520 : index
    %get3A_1141 = tpu.vector_load %arg6[%get3A_1140] {strides = array<i32>} : memref<2048xi32, #tpu.memory_space<vmem>>, vector<16xi32>,
    %get3A_1142 = vector.shape_cast %get3A_1141 : vector<16xi32> to vector<16xi32>
    %and3A_1143 = arith.constant 65535 : i32
    %and3A_1144 = vector.broadcast %and3A_1143 : i32 to vector<16xi32>
    %and3A_1145 = arith.andi %get3A_1142, %and3A_1144 : vector<16xi32>
    %swap3A_1146 = arith.constant 1520 : index
    %swap3A_1147 = tpu.vector_load %arg6[%swap3A_1146] {strides = array<i32>} : memref<2048xi32, #tpu.memory_space<vmem>>, vector<16xi32>,
    %swap3A_1148 = vector.shape_cast %swap3A_1147 : vector<16xi32> to vector<16xi32>
    %swap3A_1149 = vector.shape_cast %and3A_1145 : vector<16xi32> to vector<16xi32>
    tpu.vector_store %arg6[%swap3A_1146], %swap3A_1149 {strides = array<i32>} : memref<2048xi32, #tpu.memory_space<vmem>>, vector<16xi32>,
    %get3A_1150 = arith.constant 1536 : index
    %get3A_1151 = tpu.vector_load %arg6[%get3A_1150] {strides = array<i32>} : memref<2048xi32, #tpu.memory_space<vmem>>, vector<16xi32>,
    %get3A_1152 = vector.shape_cast %get3A_1151 : vector<16xi32> to vector<16xi32>
    %and3A_1153 = arith.constant 65535 : i32
    %and3A_1154 = vector.broadcast %and3A_1153 : i32 to vector<16xi32>
    %and3A_1155 = arith.andi %get3A_1152, %and3A_1154 : vector<16xi32>
    %swap3A_1156 = arith.constant 1536 : index
    %swap3A_1157 = tpu.vector_load %arg6[%swap3A_1156] {strides = array<i32>} : memref<2048xi32, #tpu.memory_space<vmem>>, vector<16xi32>,
    %swap3A_1158 = vector.shape_cast %swap3A_1157 : vector<16xi32> to vector<16xi32>
    %swap3A_1159 = vector.shape_cast %and3A_1155 : vector<16xi32> to vector<16xi32>
    tpu.vector_store %arg6[%swap3A_1156], %swap3A_1159 {strides = array<i32>} : memref<2048xi32, #tpu.memory_space<vmem>>, vector<16xi32>,
    %get3A_1160 = arith.constant 1552 : index
    %get3A_1161 = tpu.vector_load %arg6[%get3A_1160] {strides = array<i32>} : memref<2048xi32, #tpu.memory_space<vmem>>, vector<16xi32>,
    %get3A_1162 = vector.shape_cast %get3A_1161 : vector<16xi32> to vector<16xi32>
    %and3A_1163 = arith.constant 65535 : i32
    %and3A_1164 = vector.broadcast %and3A_1163 : i32 to vector<16xi32>
    %and3A_1165 = arith.andi %get3A_1162, %and3A_1164 : vector<16xi32>
    %swap3A_1166 = arith.constant 1552 : index
    %swap3A_1167 = tpu.vector_load %arg6[%swap3A_1166] {strides = array<i32>} : memref<2048xi32, #tpu.memory_space<vmem>>, vector<16xi32>,
    %swap3A_1168 = vector.shape_cast %swap3A_1167 : vector<16xi32> to vector<16xi32>
    %swap3A_1169 = vector.shape_cast %and3A_1165 : vector<16xi32> to vector<16xi32>
    tpu.vector_store %arg6[%swap3A_1166], %swap3A_1169 {strides = array<i32>} : memref<2048xi32, #tpu.memory_space<vmem>>, vector<16xi32>,
    %get3A_1170 = arith.constant 1568 : index
    %get3A_1171 = tpu.vector_load %arg6[%get3A_1170] {strides = array<i32>} : memref<2048xi32, #tpu.memory_space<vmem>>, vector<16xi32>,
    %get3A_1172 = vector.shape_cast %get3A_1171 : vector<16xi32> to vector<16xi32>
    %and3A_1173 = arith.constant 65535 : i32
    %and3A_1174 = vector.broadcast %and3A_1173 : i32 to vector<16xi32>
    %and3A_1175 = arith.andi %get3A_1172, %and3A_1174 : vector<16xi32>
    %swap3A_1176 = arith.constant 1568 : index
    %swap3A_1177 = tpu.vector_load %arg6[%swap3A_1176] {strides = array<i32>} : memref<2048xi32, #tpu.memory_space<vmem>>, vector<16xi32>,
    %swap3A_1178 = vector.shape_cast %swap3A_1177 : vector<16xi32> to vector<16xi32>
    %swap3A_1179 = vector.shape_cast %and3A_1175 : vector<16xi32> to vector<16xi32>
    tpu.vector_store %arg6[%swap3A_1176], %swap3A_1179 {strides = array<i32>} : memref<2048xi32, #tpu.memory_space<vmem>>, vector<16xi32>,
    %get3A_1180 = arith.constant 1584 : index
    %get3A_1181 = tpu.vector_load %arg6[%get3A_1180] {strides = array<i32>} : memref<2048xi32, #tpu.memory_space<vmem>>, vector<16xi32>,
    %get3A_1182 = vector.shape_cast %get3A_1181 : vector<16xi32> to vector<16xi32>
    %and3A_1183 = arith.constant 65535 : i32
    %and3A_1184 = vector.broadcast %and3A_1183 : i32 to vector<16xi32>
    %and3A_1185 = arith.andi %get3A_1182, %and3A_1184 : vector<16xi32>
    %swap3A_1186 = arith.constant 1584 : index
    %swap3A_1187 = tpu.vector_load %arg6[%swap3A_1186] {strides = array<i32>} : memref<2048xi32, #tpu.memory_space<vmem>>, vector<16xi32>,
    %swap3A_1188 = vector.shape_cast %swap3A_1187 : vector<16xi32> to vector<16xi32>
    %swap3A_1189 = vector.shape_cast %and3A_1185 : vector<16xi32> to vector<16xi32>
    tpu.vector_store %arg6[%swap3A_1186], %swap3A_1189 {strides = array<i32>} : memref<2048xi32, #tpu.memory_space<vmem>>, vector<16xi32>,
    %get3A_1190 = arith.constant 1600 : index
    %get3A_1191 = tpu.vector_load %arg6[%get3A_1190] {strides = array<i32>} : memref<2048xi32, #tpu.memory_space<vmem>>, vector<16xi32>,
    %get3A_1192 = vector.shape_cast %get3A_1191 : vector<16xi32> to vector<16xi32>
    %and3A_1193 = arith.constant 65535 : i32
    %and3A_1194 = vector.broadcast %and3A_1193 : i32 to vector<16xi32>
    %and3A_1195 = arith.andi %get3A_1192, %and3A_1194 : vector<16xi32>
    %swap3A_1196 = arith.constant 1600 : index
    %swap3A_1197 = tpu.vector_load %arg6[%swap3A_1196] {strides = array<i32>} : memref<2048xi32, #tpu.memory_space<vmem>>, vector<16xi32>,
    %swap3A_1198 = vector.shape_cast %swap3A_1197 : vector<16xi32> to vector<16xi32>
    %swap3A_1199 = vector.shape_cast %and3A_1195 : vector<16xi32> to vector<16xi32>
    tpu.vector_store %arg6[%swap3A_1196], %swap3A_1199 {strides = array<i32>} : memref<2048xi32, #tpu.memory_space<vmem>>, vector<16xi32>,
    %get3A_1200 = arith.constant 1616 : index
    %get3A_1201 = tpu.vector_load %arg6[%get3A_1200] {strides = array<i32>} : memref<2048xi32, #tpu.memory_space<vmem>>, vector<16xi32>,
    %get3A_1202 = vector.shape_cast %get3A_1201 : vector<16xi32> to vector<16xi32>
    %and3A_1203 = arith.constant 65535 : i32
    %and3A_1204 = vector.broadcast %and3A_1203 : i32 to vector<16xi32>
    %and3A_1205 = arith.andi %get3A_1202, %and3A_1204 : vector<16xi32>
    %swap3A_1206 = arith.constant 1616 : index
    %swap3A_1207 = tpu.vector_load %arg6[%swap3A_1206] {strides = array<i32>} : memref<2048xi32, #tpu.memory_space<vmem>>, vector<16xi32>,
    %swap3A_1208 = vector.shape_cast %swap3A_1207 : vector<16xi32> to vector<16xi32>
    %swap3A_1209 = vector.shape_cast %and3A_1205 : vector<16xi32> to vector<16xi32>
    tpu.vector_store %arg6[%swap3A_1206], %swap3A_1209 {strides = array<i32>} : memref<2048xi32, #tpu.memory_space<vmem>>, vector<16xi32>,
    %get3A_1210 = arith.constant 1632 : index
    %get3A_1211 = tpu.vector_load %arg6[%get3A_1210] {strides = array<i32>} : memref<2048xi32, #tpu.memory_space<vmem>>, vector<16xi32>,
    %get3A_1212 = vector.shape_cast %get3A_1211 : vector<16xi32> to vector<16xi32>
    %and3A_1213 = arith.constant 65535 : i32
    %and3A_1214 = vector.broadcast %and3A_1213 : i32 to vector<16xi32>
    %and3A_1215 = arith.andi %get3A_1212, %and3A_1214 : vector<16xi32>
    %swap3A_1216 = arith.constant 1632 : index
    %swap3A_1217 = tpu.vector_load %arg6[%swap3A_1216] {strides = array<i32>} : memref<2048xi32, #tpu.memory_space<vmem>>, vector<16xi32>,
    %swap3A_1218 = vector.shape_cast %swap3A_1217 : vector<16xi32> to vector<16xi32>
    %swap3A_1219 = vector.shape_cast %and3A_1215 : vector<16xi32> to vector<16xi32>
    tpu.vector_store %arg6[%swap3A_1216], %swap3A_1219 {strides = array<i32>} : memref<2048xi32, #tpu.memory_space<vmem>>, vector<16xi32>,
    %get3A_1220 = arith.constant 1648 : index
    %get3A_1221 = tpu.vector_load %arg6[%get3A_1220] {strides = array<i32>} : memref<2048xi32, #tpu.memory_space<vmem>>, vector<16xi32>,
    %get3A_1222 = vector.shape_cast %get3A_1221 : vector<16xi32> to vector<16xi32>
    %and3A_1223 = arith.constant 65535 : i32
    %and3A_1224 = vector.broadcast %and3A_1223 : i32 to vector<16xi32>
    %and3A_1225 = arith.andi %get3A_1222, %and3A_1224 : vector<16xi32>
    %swap3A_1226 = arith.constant 1648 : index
    %swap3A_1227 = tpu.vector_load %arg6[%swap3A_1226] {strides = array<i32>} : memref<2048xi32, #tpu.memory_space<vmem>>, vector<16xi32>,
    %swap3A_1228 = vector.shape_cast %swap3A_1227 : vector<16xi32> to vector<16xi32>
    %swap3A_1229 = vector.shape_cast %and3A_1225 : vector<16xi32> to vector<16xi32>
    tpu.vector_store %arg6[%swap3A_1226], %swap3A_1229 {strides = array<i32>} : memref<2048xi32, #tpu.memory_space<vmem>>, vector<16xi32>,
    %get3A_1230 = arith.constant 1664 : index
    %get3A_1231 = tpu.vector_load %arg6[%get3A_1230] {strides = array<i32>} : memref<2048xi32, #tpu.memory_space<vmem>>, vector<16xi32>,
    %get3A_1232 = vector.shape_cast %get3A_1231 : vector<16xi32> to vector<16xi32>
    %and3A_1233 = arith.constant 65535 : i32
    %and3A_1234 = vector.broadcast %and3A_1233 : i32 to vector<16xi32>
    %and3A_1235 = arith.andi %get3A_1232, %and3A_1234 : vector<16xi32>
    %swap3A_1236 = arith.constant 1664 : index
    %swap3A_1237 = tpu.vector_load %arg6[%swap3A_1236] {strides = array<i32>} : memref<2048xi32, #tpu.memory_space<vmem>>, vector<16xi32>,
    %swap3A_1238 = vector.shape_cast %swap3A_1237 : vector<16xi32> to vector<16xi32>
    %swap3A_1239 = vector.shape_cast %and3A_1235 : vector<16xi32> to vector<16xi32>
    tpu.vector_store %arg6[%swap3A_1236], %swap3A_1239 {strides = array<i32>} : memref<2048xi32, #tpu.memory_space<vmem>>, vector<16xi32>,
    %get3A_1240 = arith.constant 1680 : index
    %get3A_1241 = tpu.vector_load %arg6[%get3A_1240] {strides = array<i32>} : memref<2048xi32, #tpu.memory_space<vmem>>, vector<16xi32>,
    %get3A_1242 = vector.shape_cast %get3A_1241 : vector<16xi32> to vector<16xi32>
    %and3A_1243 = arith.constant 65535 : i32
    %and3A_1244 = vector.broadcast %and3A_1243 : i32 to vector<16xi32>
    %and3A_1245 = arith.andi %get3A_1242, %and3A_1244 : vector<16xi32>
    %swap3A_1246 = arith.constant 1680 : index
    %swap3A_1247 = tpu.vector_load %arg6[%swap3A_1246] {strides = array<i32>} : memref<2048xi32, #tpu.memory_space<vmem>>, vector<16xi32>,
    %swap3A_1248 = vector.shape_cast %swap3A_1247 : vector<16xi32> to vector<16xi32>
    %swap3A_1249 = vector.shape_cast %and3A_1245 : vector<16xi32> to vector<16xi32>
    tpu.vector_store %arg6[%swap3A_1246], %swap3A_1249 {strides = array<i32>} : memref<2048xi32, #tpu.memory_space<vmem>>, vector<16xi32>,
    %get3A_1250 = arith.constant 1696 : index
    %get3A_1251 = tpu.vector_load %arg6[%get3A_1250] {strides = array<i32>} : memref<2048xi32, #tpu.memory_space<vmem>>, vector<16xi32>,
    %get3A_1252 = vector.shape_cast %get3A_1251 : vector<16xi32> to vector<16xi32>
    %and3A_1253 = arith.constant 65535 : i32
    %and3A_1254 = vector.broadcast %and3A_1253 : i32 to vector<16xi32>
    %and3A_1255 = arith.andi %get3A_1252, %and3A_1254 : vector<16xi32>
    %swap3A_1256 = arith.constant 1696 : index
    %swap3A_1257 = tpu.vector_load %arg6[%swap3A_1256] {strides = array<i32>} : memref<2048xi32, #tpu.memory_space<vmem>>, vector<16xi32>,
    %swap3A_1258 = vector.shape_cast %swap3A_1257 : vector<16xi32> to vector<16xi32>
    %swap3A_1259 = vector.shape_cast %and3A_1255 : vector<16xi32> to vector<16xi32>
    tpu.vector_store %arg6[%swap3A_1256], %swap3A_1259 {strides = array<i32>} : memref<2048xi32, #tpu.memory_space<vmem>>, vector<16xi32>,
    %get3A_1260 = arith.constant 1712 : index
    %get3A_1261 = tpu.vector_load %arg6[%get3A_1260] {strides = array<i32>} : memref<2048xi32, #tpu.memory_space<vmem>>, vector<16xi32>,
    %get3A_1262 = vector.shape_cast %get3A_1261 : vector<16xi32> to vector<16xi32>
    %and3A_1263 = arith.constant 65535 : i32
    %and3A_1264 = vector.broadcast %and3A_1263 : i32 to vector<16xi32>
    %and3A_1265 = arith.andi %get3A_1262, %and3A_1264 : vector<16xi32>
    %swap3A_1266 = arith.constant 1712 : index
    %swap3A_1267 = tpu.vector_load %arg6[%swap3A_1266] {strides = array<i32>} : memref<2048xi32, #tpu.memory_space<vmem>>, vector<16xi32>,
    %swap3A_1268 = vector.shape_cast %swap3A_1267 : vector<16xi32> to vector<16xi32>
    %swap3A_1269 = vector.shape_cast %and3A_1265 : vector<16xi32> to vector<16xi32>
    tpu.vector_store %arg6[%swap3A_1266], %swap3A_1269 {strides = array<i32>} : memref<2048xi32, #tpu.memory_space<vmem>>, vector<16xi32>,
    %get3A_1270 = arith.constant 1728 : index
    %get3A_1271 = tpu.vector_load %arg6[%get3A_1270] {strides = array<i32>} : memref<2048xi32, #tpu.memory_space<vmem>>, vector<16xi32>,
    %get3A_1272 = vector.shape_cast %get3A_1271 : vector<16xi32> to vector<16xi32>
    %and3A_1273 = arith.constant 65535 : i32
    %and3A_1274 = vector.broadcast %and3A_1273 : i32 to vector<16xi32>
    %and3A_1275 = arith.andi %get3A_1272, %and3A_1274 : vector<16xi32>
    %swap3A_1276 = arith.constant 1728 : index
    %swap3A_1277 = tpu.vector_load %arg6[%swap3A_1276] {strides = array<i32>} : memref<2048xi32, #tpu.memory_space<vmem>>, vector<16xi32>,
    %swap3A_1278 = vector.shape_cast %swap3A_1277 : vector<16xi32> to vector<16xi32>
    %swap3A_1279 = vector.shape_cast %and3A_1275 : vector<16xi32> to vector<16xi32>
    tpu.vector_store %arg6[%swap3A_1276], %swap3A_1279 {strides = array<i32>} : memref<2048xi32, #tpu.memory_space<vmem>>, vector<16xi32>,
    %get3A_1280 = arith.constant 1744 : index
    %get3A_1281 = tpu.vector_load %arg6[%get3A_1280] {strides = array<i32>} : memref<2048xi32, #tpu.memory_space<vmem>>, vector<16xi32>,
    %get3A_1282 = vector.shape_cast %get3A_1281 : vector<16xi32> to vector<16xi32>
    %and3A_1283 = arith.constant 65535 : i32
    %and3A_1284 = vector.broadcast %and3A_1283 : i32 to vector<16xi32>
    %and3A_1285 = arith.andi %get3A_1282, %and3A_1284 : vector<16xi32>
    %swap3A_1286 = arith.constant 1744 : index
    %swap3A_1287 = tpu.vector_load %arg6[%swap3A_1286] {strides = array<i32>} : memref<2048xi32, #tpu.memory_space<vmem>>, vector<16xi32>,
    %swap3A_1288 = vector.shape_cast %swap3A_1287 : vector<16xi32> to vector<16xi32>
    %swap3A_1289 = vector.shape_cast %and3A_1285 : vector<16xi32> to vector<16xi32>
    tpu.vector_store %arg6[%swap3A_1286], %swap3A_1289 {strides = array<i32>} : memref<2048xi32, #tpu.memory_space<vmem>>, vector<16xi32>,
    %get3A_1290 = arith.constant 1760 : index
    %get3A_1291 = tpu.vector_load %arg6[%get3A_1290] {strides = array<i32>} : memref<2048xi32, #tpu.memory_space<vmem>>, vector<16xi32>,
    %get3A_1292 = vector.shape_cast %get3A_1291 : vector<16xi32> to vector<16xi32>
    %and3A_1293 = arith.constant 65535 : i32
    %and3A_1294 = vector.broadcast %and3A_1293 : i32 to vector<16xi32>
    %and3A_1295 = arith.andi %get3A_1292, %and3A_1294 : vector<16xi32>
    %swap3A_1296 = arith.constant 1760 : index
    %swap3A_1297 = tpu.vector_load %arg6[%swap3A_1296] {strides = array<i32>} : memref<2048xi32, #tpu.memory_space<vmem>>, vector<16xi32>,
    %swap3A_1298 = vector.shape_cast %swap3A_1297 : vector<16xi32> to vector<16xi32>
    %swap3A_1299 = vector.shape_cast %and3A_1295 : vector<16xi32> to vector<16xi32>
    tpu.vector_store %arg6[%swap3A_1296], %swap3A_1299 {strides = array<i32>} : memref<2048xi32, #tpu.memory_space<vmem>>, vector<16xi32>,
    %get3A_1300 = arith.constant 1776 : index
    %get3A_1301 = tpu.vector_load %arg6[%get3A_1300] {strides = array<i32>} : memref<2048xi32, #tpu.memory_space<vmem>>, vector<16xi32>,
    %get3A_1302 = vector.shape_cast %get3A_1301 : vector<16xi32> to vector<16xi32>
    %and3A_1303 = arith.constant 65535 : i32
    %and3A_1304 = vector.broadcast %and3A_1303 : i32 to vector<16xi32>
    %and3A_1305 = arith.andi %get3A_1302, %and3A_1304 : vector<16xi32>
    %swap3A_1306 = arith.constant 1776 : index
    %swap3A_1307 = tpu.vector_load %arg6[%swap3A_1306] {strides = array<i32>} : memref<2048xi32, #tpu.memory_space<vmem>>, vector<16xi32>,
    %swap3A_1308 = vector.shape_cast %swap3A_1307 : vector<16xi32> to vector<16xi32>
    %swap3A_1309 = vector.shape_cast %and3A_1305 : vector<16xi32> to vector<16xi32>
    tpu.vector_store %arg6[%swap3A_1306], %swap3A_1309 {strides = array<i32>} : memref<2048xi32, #tpu.memory_space<vmem>>, vector<16xi32>,
    %get3A_1310 = arith.constant 1792 : index
    %get3A_1311 = tpu.vector_load %arg6[%get3A_1310] {strides = array<i32>} : memref<2048xi32, #tpu.memory_space<vmem>>, vector<16xi32>,
    %get3A_1312 = vector.shape_cast %get3A_1311 : vector<16xi32> to vector<16xi32>
    %and3A_1313 = arith.constant 65535 : i32
    %and3A_1314 = vector.broadcast %and3A_1313 : i32 to vector<16xi32>
    %and3A_1315 = arith.andi %get3A_1312, %and3A_1314 : vector<16xi32>
    %swap3A_1316 = arith.constant 1792 : index
    %swap3A_1317 = tpu.vector_load %arg6[%swap3A_1316] {strides = array<i32>} : memref<2048xi32, #tpu.memory_space<vmem>>, vector<16xi32>,
    %swap3A_1318 = vector.shape_cast %swap3A_1317 : vector<16xi32> to vector<16xi32>
    %swap3A_1319 = vector.shape_cast %and3A_1315 : vector<16xi32> to vector<16xi32>
    tpu.vector_store %arg6[%swap3A_1316], %swap3A_1319 {strides = array<i32>} : memref<2048xi32, #tpu.memory_space<vmem>>, vector<16xi32>,
    %get3A_1320 = arith.constant 1808 : index
    %get3A_1321 = tpu.vector_load %arg6[%get3A_1320] {strides = array<i32>} : memref<2048xi32, #tpu.memory_space<vmem>>, vector<16xi32>,
    %get3A_1322 = vector.shape_cast %get3A_1321 : vector<16xi32> to vector<16xi32>
    %and3A_1323 = arith.constant 65535 : i32
    %and3A_1324 = vector.broadcast %and3A_1323 : i32 to vector<16xi32>
    %and3A_1325 = arith.andi %get3A_1322, %and3A_1324 : vector<16xi32>
    %swap3A_1326 = arith.constant 1808 : index
    %swap3A_1327 = tpu.vector_load %arg6[%swap3A_1326] {strides = array<i32>} : memref<2048xi32, #tpu.memory_space<vmem>>, vector<16xi32>,
    %swap3A_1328 = vector.shape_cast %swap3A_1327 : vector<16xi32> to vector<16xi32>
    %swap3A_1329 = vector.shape_cast %and3A_1325 : vector<16xi32> to vector<16xi32>
    tpu.vector_store %arg6[%swap3A_1326], %swap3A_1329 {strides = array<i32>} : memref<2048xi32, #tpu.memory_space<vmem>>, vector<16xi32>,
    %get3A_1330 = arith.constant 1824 : index
    %get3A_1331 = tpu.vector_load %arg6[%get3A_1330] {strides = array<i32>} : memref<2048xi32, #tpu.memory_space<vmem>>, vector<16xi32>,
    %get3A_1332 = vector.shape_cast %get3A_1331 : vector<16xi32> to vector<16xi32>
    %and3A_1333 = arith.constant 65535 : i32
    %and3A_1334 = vector.broadcast %and3A_1333 : i32 to vector<16xi32>
    %and3A_1335 = arith.andi %get3A_1332, %and3A_1334 : vector<16xi32>
    %swap3A_1336 = arith.constant 1824 : index
    %swap3A_1337 = tpu.vector_load %arg6[%swap3A_1336] {strides = array<i32>} : memref<2048xi32, #tpu.memory_space<vmem>>, vector<16xi32>,
    %swap3A_1338 = vector.shape_cast %swap3A_1337 : vector<16xi32> to vector<16xi32>
    %swap3A_1339 = vector.shape_cast %and3A_1335 : vector<16xi32> to vector<16xi32>
    tpu.vector_store %arg6[%swap3A_1336], %swap3A_1339 {strides = array<i32>} : memref<2048xi32, #tpu.memory_space<vmem>>, vector<16xi32>,
    %get3A_1340 = arith.constant 1840 : index
    %get3A_1341 = tpu.vector_load %arg6[%get3A_1340] {strides = array<i32>} : memref<2048xi32, #tpu.memory_space<vmem>>, vector<16xi32>,
    %get3A_1342 = vector.shape_cast %get3A_1341 : vector<16xi32> to vector<16xi32>
    %and3A_1343 = arith.constant 65535 : i32
    %and3A_1344 = vector.broadcast %and3A_1343 : i32 to vector<16xi32>
    %and3A_1345 = arith.andi %get3A_1342, %and3A_1344 : vector<16xi32>
    %swap3A_1346 = arith.constant 1840 : index
    %swap3A_1347 = tpu.vector_load %arg6[%swap3A_1346] {strides = array<i32>} : memref<2048xi32, #tpu.memory_space<vmem>>, vector<16xi32>,
    %swap3A_1348 = vector.shape_cast %swap3A_1347 : vector<16xi32> to vector<16xi32>
    %swap3A_1349 = vector.shape_cast %and3A_1345 : vector<16xi32> to vector<16xi32>
    tpu.vector_store %arg6[%swap3A_1346], %swap3A_1349 {strides = array<i32>} : memref<2048xi32, #tpu.memory_space<vmem>>, vector<16xi32>,
    %get3A_1350 = arith.constant 1856 : index
    %get3A_1351 = tpu.vector_load %arg6[%get3A_1350] {strides = array<i32>} : memref<2048xi32, #tpu.memory_space<vmem>>, vector<16xi32>,
    %get3A_1352 = vector.shape_cast %get3A_1351 : vector<16xi32> to vector<16xi32>
    %and3A_1353 = arith.constant 65535 : i32
    %and3A_1354 = vector.broadcast %and3A_1353 : i32 to vector<16xi32>
    %and3A_1355 = arith.andi %get3A_1352, %and3A_1354 : vector<16xi32>
    %swap3A_1356 = arith.constant 1856 : index
    %swap3A_1357 = tpu.vector_load %arg6[%swap3A_1356] {strides = array<i32>} : memref<2048xi32, #tpu.memory_space<vmem>>, vector<16xi32>,
    %swap3A_1358 = vector.shape_cast %swap3A_1357 : vector<16xi32> to vector<16xi32>
    %swap3A_1359 = vector.shape_cast %and3A_1355 : vector<16xi32> to vector<16xi32>
    tpu.vector_store %arg6[%swap3A_1356], %swap3A_1359 {strides = array<i32>} : memref<2048xi32, #tpu.memory_space<vmem>>, vector<16xi32>,
    %get3A_1360 = arith.constant 1872 : index
    %get3A_1361 = tpu.vector_load %arg6[%get3A_1360] {strides = array<i32>} : memref<2048xi32, #tpu.memory_space<vmem>>, vector<16xi32>,
    %get3A_1362 = vector.shape_cast %get3A_1361 : vector<16xi32> to vector<16xi32>
    %and3A_1363 = arith.constant 65535 : i32
    %and3A_1364 = vector.broadcast %and3A_1363 : i32 to vector<16xi32>
    %and3A_1365 = arith.andi %get3A_1362, %and3A_1364 : vector<16xi32>
    %swap3A_1366 = arith.constant 1872 : index
    %swap3A_1367 = tpu.vector_load %arg6[%swap3A_1366] {strides = array<i32>} : memref<2048xi32, #tpu.memory_space<vmem>>, vector<16xi32>,
    %swap3A_1368 = vector.shape_cast %swap3A_1367 : vector<16xi32> to vector<16xi32>
    %swap3A_1369 = vector.shape_cast %and3A_1365 : vector<16xi32> to vector<16xi32>
    tpu.vector_store %arg6[%swap3A_1366], %swap3A_1369 {strides = array<i32>} : memref<2048xi32, #tpu.memory_space<vmem>>, vector<16xi32>,
    %get3A_1370 = arith.constant 1888 : index
    %get3A_1371 = tpu.vector_load %arg6[%get3A_1370] {strides = array<i32>} : memref<2048xi32, #tpu.memory_space<vmem>>, vector<16xi32>,
    %get3A_1372 = vector.shape_cast %get3A_1371 : vector<16xi32> to vector<16xi32>
    %and3A_1373 = arith.constant 65535 : i32
    %and3A_1374 = vector.broadcast %and3A_1373 : i32 to vector<16xi32>
    %and3A_1375 = arith.andi %get3A_1372, %and3A_1374 : vector<16xi32>
    %swap3A_1376 = arith.constant 1888 : index
    %swap3A_1377 = tpu.vector_load %arg6[%swap3A_1376] {strides = array<i32>} : memref<2048xi32, #tpu.memory_space<vmem>>, vector<16xi32>,
    %swap3A_1378 = vector.shape_cast %swap3A_1377 : vector<16xi32> to vector<16xi32>
    %swap3A_1379 = vector.shape_cast %and3A_1375 : vector<16xi32> to vector<16xi32>
    tpu.vector_store %arg6[%swap3A_1376], %swap3A_1379 {strides = array<i32>} : memref<2048xi32, #tpu.memory_space<vmem>>, vector<16xi32>,
    %get3A_1380 = arith.constant 1904 : index
    %get3A_1381 = tpu.vector_load %arg6[%get3A_1380] {strides = array<i32>} : memref<2048xi32, #tpu.memory_space<vmem>>, vector<16xi32>,
    %get3A_1382 = vector.shape_cast %get3A_1381 : vector<16xi32> to vector<16xi32>
    %and3A_1383 = arith.constant 65535 : i32
    %and3A_1384 = vector.broadcast %and3A_1383 : i32 to vector<16xi32>
    %and3A_1385 = arith.andi %get3A_1382, %and3A_1384 : vector<16xi32>
    %swap3A_1386 = arith.constant 1904 : index
    %swap3A_1387 = tpu.vector_load %arg6[%swap3A_1386] {strides = array<i32>} : memref<2048xi32, #tpu.memory_space<vmem>>, vector<16xi32>,
    %swap3A_1388 = vector.shape_cast %swap3A_1387 : vector<16xi32> to vector<16xi32>
    %swap3A_1389 = vector.shape_cast %and3A_1385 : vector<16xi32> to vector<16xi32>
    tpu.vector_store %arg6[%swap3A_1386], %swap3A_1389 {strides = array<i32>} : memref<2048xi32, #tpu.memory_space<vmem>>, vector<16xi32>,
    %get3A_1390 = arith.constant 1920 : index
    %get3A_1391 = tpu.vector_load %arg6[%get3A_1390] {strides = array<i32>} : memref<2048xi32, #tpu.memory_space<vmem>>, vector<16xi32>,
    %get3A_1392 = vector.shape_cast %get3A_1391 : vector<16xi32> to vector<16xi32>
    %and3A_1393 = arith.constant 65535 : i32
    %and3A_1394 = vector.broadcast %and3A_1393 : i32 to vector<16xi32>
    %and3A_1395 = arith.andi %get3A_1392, %and3A_1394 : vector<16xi32>
    %swap3A_1396 = arith.constant 1920 : index
    %swap3A_1397 = tpu.vector_load %arg6[%swap3A_1396] {strides = array<i32>} : memref<2048xi32, #tpu.memory_space<vmem>>, vector<16xi32>,
    %swap3A_1398 = vector.shape_cast %swap3A_1397 : vector<16xi32> to vector<16xi32>
    %swap3A_1399 = vector.shape_cast %and3A_1395 : vector<16xi32> to vector<16xi32>
    tpu.vector_store %arg6[%swap3A_1396], %swap3A_1399 {strides = array<i32>} : memref<2048xi32, #tpu.memory_space<vmem>>, vector<16xi32>,
    %get3A_1400 = arith.constant 1936 : index
    %get3A_1401 = tpu.vector_load %arg6[%get3A_1400] {strides = array<i32>} : memref<2048xi32, #tpu.memory_space<vmem>>, vector<16xi32>,
    %get3A_1402 = vector.shape_cast %get3A_1401 : vector<16xi32> to vector<16xi32>
    %and3A_1403 = arith.constant 65535 : i32
    %and3A_1404 = vector.broadcast %and3A_1403 : i32 to vector<16xi32>
    %and3A_1405 = arith.andi %get3A_1402, %and3A_1404 : vector<16xi32>
    %swap3A_1406 = arith.constant 1936 : index
    %swap3A_1407 = tpu.vector_load %arg6[%swap3A_1406] {strides = array<i32>} : memref<2048xi32, #tpu.memory_space<vmem>>, vector<16xi32>,
    %swap3A_1408 = vector.shape_cast %swap3A_1407 : vector<16xi32> to vector<16xi32>
    %swap3A_1409 = vector.shape_cast %and3A_1405 : vector<16xi32> to vector<16xi32>
    tpu.vector_store %arg6[%swap3A_1406], %swap3A_1409 {strides = array<i32>} : memref<2048xi32, #tpu.memory_space<vmem>>, vector<16xi32>,
    %get3A_1410 = arith.constant 1952 : index
    %get3A_1411 = tpu.vector_load %arg6[%get3A_1410] {strides = array<i32>} : memref<2048xi32, #tpu.memory_space<vmem>>, vector<16xi32>,
    %get3A_1412 = vector.shape_cast %get3A_1411 : vector<16xi32> to vector<16xi32>
    %and3A_1413 = arith.constant 65535 : i32
    %and3A_1414 = vector.broadcast %and3A_1413 : i32 to vector<16xi32>
    %and3A_1415 = arith.andi %get3A_1412, %and3A_1414 : vector<16xi32>
    %swap3A_1416 = arith.constant 1952 : index
    %swap3A_1417 = tpu.vector_load %arg6[%swap3A_1416] {strides = array<i32>} : memref<2048xi32, #tpu.memory_space<vmem>>, vector<16xi32>,
    %swap3A_1418 = vector.shape_cast %swap3A_1417 : vector<16xi32> to vector<16xi32>
    %swap3A_1419 = vector.shape_cast %and3A_1415 : vector<16xi32> to vector<16xi32>
    tpu.vector_store %arg6[%swap3A_1416], %swap3A_1419 {strides = array<i32>} : memref<2048xi32, #tpu.memory_space<vmem>>, vector<16xi32>,
    %get3A_1420 = arith.constant 1968 : index
    %get3A_1421 = tpu.vector_load %arg6[%get3A_1420] {strides = array<i32>} : memref<2048xi32, #tpu.memory_space<vmem>>, vector<16xi32>,
    %get3A_1422 = vector.shape_cast %get3A_1421 : vector<16xi32> to vector<16xi32>
    %and3A_1423 = arith.constant 65535 : i32
    %and3A_1424 = vector.broadcast %and3A_1423 : i32 to vector<16xi32>
    %and3A_1425 = arith.andi %get3A_1422, %and3A_1424 : vector<16xi32>
    %swap3A_1426 = arith.constant 1968 : index
    %swap3A_1427 = tpu.vector_load %arg6[%swap3A_1426] {strides = array<i32>} : memref<2048xi32, #tpu.memory_space<vmem>>, vector<16xi32>,
    %swap3A_1428 = vector.shape_cast %swap3A_1427 : vector<16xi32> to vector<16xi32>
    %swap3A_1429 = vector.shape_cast %and3A_1425 : vector<16xi32> to vector<16xi32>
    tpu.vector_store %arg6[%swap3A_1426], %swap3A_1429 {strides = array<i32>} : memref<2048xi32, #tpu.memory_space<vmem>>, vector<16xi32>,
    %get3A_1430 = arith.constant 1984 : index
    %get3A_1431 = tpu.vector_load %arg6[%get3A_1430] {strides = array<i32>} : memref<2048xi32, #tpu.memory_space<vmem>>, vector<16xi32>,
    %get3A_1432 = vector.shape_cast %get3A_1431 : vector<16xi32> to vector<16xi32>
    %and3A_1433 = arith.constant 65535 : i32
    %and3A_1434 = vector.broadcast %and3A_1433 : i32 to vector<16xi32>
    %and3A_1435 = arith.andi %get3A_1432, %and3A_1434 : vector<16xi32>
    %swap3A_1436 = arith.constant 1984 : index
    %swap3A_1437 = tpu.vector_load %arg6[%swap3A_1436] {strides = array<i32>} : memref<2048xi32, #tpu.memory_space<vmem>>, vector<16xi32>,
    %swap3A_1438 = vector.shape_cast %swap3A_1437 : vector<16xi32> to vector<16xi32>
    %swap3A_1439 = vector.shape_cast %and3A_1435 : vector<16xi32> to vector<16xi32>
    tpu.vector_store %arg6[%swap3A_1436], %swap3A_1439 {strides = array<i32>} : memref<2048xi32, #tpu.memory_space<vmem>>, vector<16xi32>,
    %get3A_1440 = arith.constant 2000 : index
    %get3A_1441 = tpu.vector_load %arg6[%get3A_1440] {strides = array<i32>} : memref<2048xi32, #tpu.memory_space<vmem>>, vector<16xi32>,
    %get3A_1442 = vector.shape_cast %get3A_1441 : vector<16xi32> to vector<16xi32>
    %and3A_1443 = arith.constant 65535 : i32
    %and3A_1444 = vector.broadcast %and3A_1443 : i32 to vector<16xi32>
    %and3A_1445 = arith.andi %get3A_1442, %and3A_1444 : vector<16xi32>
    %swap3A_1446 = arith.constant 2000 : index
    %swap3A_1447 = tpu.vector_load %arg6[%swap3A_1446] {strides = array<i32>} : memref<2048xi32, #tpu.memory_space<vmem>>, vector<16xi32>,
    %swap3A_1448 = vector.shape_cast %swap3A_1447 : vector<16xi32> to vector<16xi32>
    %swap3A_1449 = vector.shape_cast %and3A_1445 : vector<16xi32> to vector<16xi32>
    tpu.vector_store %arg6[%swap3A_1446], %swap3A_1449 {strides = array<i32>} : memref<2048xi32, #tpu.memory_space<vmem>>, vector<16xi32>,
    %get3A_1450 = arith.constant 2016 : index
    %get3A_1451 = tpu.vector_load %arg6[%get3A_1450] {strides = array<i32>} : memref<2048xi32, #tpu.memory_space<vmem>>, vector<16xi32>,
    %get3A_1452 = vector.shape_cast %get3A_1451 : vector<16xi32> to vector<16xi32>
    %and3A_1453 = arith.constant 65535 : i32
    %and3A_1454 = vector.broadcast %and3A_1453 : i32 to vector<16xi32>
    %and3A_1455 = arith.andi %get3A_1452, %and3A_1454 : vector<16xi32>
    %swap3A_1456 = arith.constant 2016 : index
    %swap3A_1457 = tpu.vector_load %arg6[%swap3A_1456] {strides = array<i32>} : memref<2048xi32, #tpu.memory_space<vmem>>, vector<16xi32>,
    %swap3A_1458 = vector.shape_cast %swap3A_1457 : vector<16xi32> to vector<16xi32>
    %swap3A_1459 = vector.shape_cast %and3A_1455 : vector<16xi32> to vector<16xi32>
    tpu.vector_store %arg6[%swap3A_1456], %swap3A_1459 {strides = array<i32>} : memref<2048xi32, #tpu.memory_space<vmem>>, vector<16xi32>,
    %get3A_1460 = arith.constant 2032 : index
    %get3A_1461 = tpu.vector_load %arg6[%get3A_1460] {strides = array<i32>} : memref<2048xi32, #tpu.memory_space<vmem>>, vector<16xi32>,
    %get3A_1462 = vector.shape_cast %get3A_1461 : vector<16xi32> to vector<16xi32>
    %and3A_1463 = arith.constant 65535 : i32
    %and3A_1464 = vector.broadcast %and3A_1463 : i32 to vector<16xi32>
    %and3A_1465 = arith.andi %get3A_1462, %and3A_1464 : vector<16xi32>
    %swap3A_1466 = arith.constant 2032 : index
    %swap3A_1467 = tpu.vector_load %arg6[%swap3A_1466] {strides = array<i32>} : memref<2048xi32, #tpu.memory_space<vmem>>, vector<16xi32>,
    %swap3A_1468 = vector.shape_cast %swap3A_1467 : vector<16xi32> to vector<16xi32>
    %swap3A_1469 = vector.shape_cast %and3A_1465 : vector<16xi32> to vector<16xi32>
    tpu.vector_store %arg6[%swap3A_1466], %swap3A_1469 {strides = array<i32>} : memref<2048xi32, #tpu.memory_space<vmem>>, vector<16xi32>,
    "tpu.region"() ({
      %run_scoped3A = tpu.sem_alloc : memref<!tpu.dma_semaphore, #tpu.memory_space<semaphore_mem>>
      %dma_start3A_1470 = tpu.memref_slice %arg4[%mul3A_2] : memref<65536xi32, #tpu.memory_space<hbm>> -> memref<2048xi32, #tpu.memory_space<hbm>>
      %dma_start3A_1471 = tpu.memref_slice %arg4[%mul3A_2] : memref<65536xi32, #tpu.memory_space<hbm>> -> memref<2048xi32, #tpu.memory_space<hbm>>
      tpu.enqueue_dma source(%arg6 : memref<2048xi32, #tpu.memory_space<vmem>>) target(%dma_start3A_1471 : memref<2048xi32, #tpu.memory_space<hbm>>) target_semaphore(%run_scoped3A : memref<!tpu.dma_semaphore, #tpu.memory_space<semaphore_mem>>)
      %dma_wait3A_1472 = tpu.memref_slice %arg4[%mul3A_2] : memref<65536xi32, #tpu.memory_space<hbm>> -> memref<2048xi32, #tpu.memory_space<hbm>>
      %dma_wait3A_1473 = tpu.memref_slice %arg4[%mul3A_2] : memref<65536xi32, #tpu.memory_space<hbm>> -> memref<2048xi32, #tpu.memory_space<hbm>>
      tpu.wait_dma2 semaphore(%run_scoped3A : memref<!tpu.dma_semaphore, #tpu.memory_space<semaphore_mem>>) src(%arg6 : memref<2048xi32, #tpu.memory_space<vmem>>) dst(%dma_wait3A_1473 : memref<2048xi32, #tpu.memory_space<hbm>>)
      tpu.yield
    }) : () -> ()
    return
  }
}

module attributes {stable_mosaic.version = 14 : i64} {
  func.func @_layer0_kernel(%arg0: i32, %arg1: memref<1024x1xi32, #tpu.memory_space<vmem>>, %arg2: memref<1024x1xi32, #tpu.memory_space<vmem>>, %arg3: memref<1024x1xi32, #tpu.memory_space<vmem>>, %arg4: memref<1024x304xbf16, #tpu.memory_space<vmem>>, %arg5: memref<1024x272xbf16, #tpu.memory_space<vmem>>, %arg6: memref<32x32xf32, #tpu.memory_space<vmem>>, %arg7: memref<32x256xf32, #tpu.memory_space<vmem>>, %arg8: memref<1x256xf32, #tpu.memory_space<vmem>>, %arg9: memref<1x256xf32, #tpu.memory_space<vmem>>, %arg10: memref<256x64xf32, #tpu.memory_space<vmem>>, %arg11: memref<256x32xf32, #tpu.memory_space<vmem>>, %arg12: memref<1024x32xf32, #tpu.memory_space<vmem>>, %arg13: memref<1024x8xf32, #tpu.memory_space<vmem>>, %arg14: memref<1024x8xf32, #tpu.memory_space<vmem>>, %arg15: memref<1024x256xf32, #tpu.memory_space<vmem>>, %arg16: memref<1024x192xf32, #tpu.memory_space<vmem>>) attributes {dimension_semantics = [#tpu.dimension_semantics<arbitrary>], iteration_bounds = array<i64: 64>, scalar_prefetch = 0 : i64, scratch_operands = 0 : i64, tpu.core_type = #tpu.core_type<tc>, window_params = [{transform_indices = @transform_0, window_bounds = array<i64: 1024, 1>}, {transform_indices = @transform_1, window_bounds = array<i64: 1024, 1>}, {transform_indices = @transform_2, window_bounds = array<i64: 1024, 1>}, {pipeline_mode = #tpu.pipeline_mode<synchronous>, transform_indices = @transform_3, window_bounds = array<i64: 1024, 304>}, {pipeline_mode = #tpu.pipeline_mode<synchronous>, transform_indices = @transform_4, window_bounds = array<i64: 1024, 272>}, {pipeline_mode = #tpu.pipeline_mode<synchronous>, transform_indices = @transform_5, window_bounds = array<i64: 32, 32>}, {pipeline_mode = #tpu.pipeline_mode<synchronous>, transform_indices = @transform_6, window_bounds = array<i64: 32, 256>}, {pipeline_mode = #tpu.pipeline_mode<synchronous>, transform_indices = @transform_7, window_bounds = array<i64: 1, 256>}, {pipeline_mode = #tpu.pipeline_mode<synchronous>, transform_indices = @transform_8, window_bounds = array<i64: 1, 256>}, {pipeline_mode = #tpu.pipeline_mode<synchronous>, transform_indices = @transform_9, window_bounds = array<i64: 256, 64>}, {pipeline_mode = #tpu.pipeline_mode<synchronous>, transform_indices = @transform_10, window_bounds = array<i64: 256, 32>}, {transform_indices = @transform_11, window_bounds = array<i64: 1024, 32>}, {transform_indices = @transform_12, window_bounds = array<i64: 1024, 8>}, {pipeline_mode = #tpu.pipeline_mode<synchronous>, transform_indices = @transform_13, window_bounds = array<i64: 1024, 8>}, {pipeline_mode = #tpu.pipeline_mode<synchronous>, transform_indices = @transform_14, window_bounds = array<i64: 1024, 256>}, {pipeline_mode = #tpu.pipeline_mode<synchronous>, transform_indices = @transform_15, window_bounds = array<i64: 1024, 192>}]} {
    %eq3A = arith.constant 0 : i32
    %eq3A_0 = arith.cmpi eq, %arg0, %eq3A : i32
    %convert_element_type3A = arith.extui %eq3A_0 : i1 to i32
    %cond3A = arith.constant 0 : i32
    %cond3A_1 = arith.cmpi ne, %convert_element_type3A, %cond3A : i32
    scf.if %cond3A_1 {
      %broadcast_in_dim3A_281 = arith.constant 0.000000e+00 : f32
      %broadcast_in_dim3A_282 = vector.broadcast %broadcast_in_dim3A_281 : f32 to vector<1024x8xf32>
      %swap3A_283 = arith.constant 0 : index
      %swap3A_284 = arith.constant 0 : index
      %swap3A_285 = vector.load %arg14[%swap3A_283, %swap3A_284] : memref<1024x8xf32, #tpu.memory_space<vmem>>, vector<1024x8xf32>
      tpu.vector_store %arg14[%swap3A_283, %swap3A_284], %broadcast_in_dim3A_282 {strides = array<i32>} : memref<1024x8xf32, #tpu.memory_space<vmem>>, vector<1024x8xf32>,
      %broadcast_in_dim3A_286 = arith.constant 0.000000e+00 : f32
      %broadcast_in_dim3A_287 = vector.broadcast %broadcast_in_dim3A_286 : f32 to vector<1024x256xf32>
      %swap3A_288 = arith.constant 0 : index
      %swap3A_289 = arith.constant 0 : index
      %swap3A_290 = vector.load %arg15[%swap3A_288, %swap3A_289] : memref<1024x256xf32, #tpu.memory_space<vmem>>, vector<1024x256xf32>
      tpu.vector_store %arg15[%swap3A_288, %swap3A_289], %broadcast_in_dim3A_287 {strides = array<i32>} : memref<1024x256xf32, #tpu.memory_space<vmem>>, vector<1024x256xf32>,
      %broadcast_in_dim3A_291 = arith.constant 0.000000e+00 : f32
      %broadcast_in_dim3A_292 = vector.broadcast %broadcast_in_dim3A_291 : f32 to vector<1024x192xf32>
      %swap3A_293 = arith.constant 0 : index
      %swap3A_294 = arith.constant 0 : index
      %swap3A_295 = vector.load %arg16[%swap3A_293, %swap3A_294] : memref<1024x192xf32, #tpu.memory_space<vmem>>, vector<1024x192xf32>
      tpu.vector_store %arg16[%swap3A_293, %swap3A_294], %broadcast_in_dim3A_292 {strides = array<i32>} : memref<1024x192xf32, #tpu.memory_space<vmem>>, vector<1024x192xf32>,
    } else {
    }
    %get3A = arith.constant 0 : index
    %get3A_2 = arith.constant 0 : index
    %get3A_3 = vector.load %arg4[%get3A, %get3A_2] : memref<1024x304xbf16, #tpu.memory_space<vmem>>, vector<1024x304xbf16>
    %get3A_4 = arith.constant 0 : index
    %get3A_5 = arith.constant 0 : index
    %get3A_6 = vector.load %arg5[%get3A_4, %get3A_5] : memref<1024x272xbf16, #tpu.memory_space<vmem>>, vector<1024x272xbf16>
    %get3A_7 = arith.constant 0 : index
    %get3A_8 = arith.constant 0 : index
    %get3A_9 = vector.load %arg6[%get3A_7, %get3A_8] : memref<32x32xf32, #tpu.memory_space<vmem>>, vector<32x32xf32>
    %get3A_10 = arith.constant 0 : index
    %get3A_11 = arith.constant 0 : index
    %get3A_12 = vector.load %arg7[%get3A_10, %get3A_11] : memref<32x256xf32, #tpu.memory_space<vmem>>, vector<32x256xf32>
    %get3A_13 = arith.constant 0 : index
    %get3A_14 = arith.constant 0 : index
    %get3A_15 = vector.load %arg8[%get3A_13, %get3A_14] : memref<1x256xf32, #tpu.memory_space<vmem>>, vector<1x256xf32>
    %get3A_16 = arith.constant 0 : index
    %get3A_17 = arith.constant 0 : index
    %get3A_18 = vector.load %arg9[%get3A_16, %get3A_17] : memref<1x256xf32, #tpu.memory_space<vmem>>, vector<1x256xf32>
    %get3A_19 = arith.constant 0 : index
    %get3A_20 = arith.constant 0 : index
    %get3A_21 = vector.load %arg10[%get3A_19, %get3A_20] : memref<256x64xf32, #tpu.memory_space<vmem>>, vector<256x64xf32>
    %get3A_22 = arith.constant 0 : index
    %get3A_23 = arith.constant 0 : index
    %get3A_24 = vector.load %arg11[%get3A_22, %get3A_23] : memref<256x32xf32, #tpu.memory_space<vmem>>, vector<256x32xf32>
    %iota3A = tpu.iota {dimensions = array<i32: 1>} : vector<1x8xi32>
    %eq3A_25 = arith.constant 3 : i32
    %eq3A_26 = vector.broadcast %eq3A_25 : i32 to vector<1x8xi32>
    %eq3A_27 = arith.cmpi eq, %iota3A, %eq3A_26 : vector<1x8xi32>
    %convert_element_type3A_28 = arith.extui %eq3A_27 : vector<1x8xi1> to vector<1x8xi32>
    %convert_element_type3A_29 = arith.sitofp %convert_element_type3A_28 : vector<1x8xi32> to vector<1x8xf32>
    %get3A_30 = arith.constant 0 : index
    %get3A_31 = arith.constant 0 : index
    %get3A_32 = vector.load %arg2[%get3A_30, %get3A_31] : memref<1024x1xi32, #tpu.memory_space<vmem>>, vector<512x1xi32>
    %iota3A_33 = tpu.iota {dimensions = array<i32: 1>} : vector<1x1024xi32>
    %eq3A_34 = vector.broadcast %get3A_32 : vector<512x1xi32> to vector<512x1024xi32>
    %eq3A_35 = vector.broadcast %iota3A_33 : vector<1x1024xi32> to vector<512x1024xi32>
    %eq3A_36 = arith.cmpi eq, %eq3A_34, %eq3A_35 : vector<512x1024xi32>
    %convert_element_type3A_37 = arith.extui %eq3A_36 : vector<512x1024xi1> to vector<512x1024xi32>
    %convert_element_type3A_38 = arith.sitofp %convert_element_type3A_37 : vector<512x1024xi32> to vector<512x1024xf32>
    %convert_element_type3A_39 = arith.truncf %convert_element_type3A_38 : vector<512x1024xf32> to vector<512x1024xbf16>
    %get3A_40 = arith.constant 0 : index
    %get3A_41 = arith.constant 0 : index
    %get3A_42 = vector.load %arg1[%get3A_40, %get3A_41] : memref<1024x1xi32, #tpu.memory_space<vmem>>, vector<512x1xi32>
    %iota3A_43 = tpu.iota {dimensions = array<i32: 1>} : vector<1x1024xi32>
    %eq3A_44 = vector.broadcast %get3A_42 : vector<512x1xi32> to vector<512x1024xi32>
    %eq3A_45 = vector.broadcast %iota3A_43 : vector<1x1024xi32> to vector<512x1024xi32>
    %eq3A_46 = arith.cmpi eq, %eq3A_44, %eq3A_45 : vector<512x1024xi32>
    %convert_element_type3A_47 = arith.extui %eq3A_46 : vector<512x1024xi1> to vector<512x1024xi32>
    %convert_element_type3A_48 = arith.sitofp %convert_element_type3A_47 : vector<512x1024xi32> to vector<512x1024xf32>
    %convert_element_type3A_49 = arith.truncf %convert_element_type3A_48 : vector<512x1024xf32> to vector<512x1024xbf16>
    %get3A_50 = arith.constant 0 : index
    %get3A_51 = arith.constant 0 : index
    %get3A_52 = vector.load %arg3[%get3A_50, %get3A_51] : memref<1024x1xi32, #tpu.memory_space<vmem>>, vector<512x1xi32>
    %iota3A_53 = tpu.iota {dimensions = array<i32: 1>} : vector<1x32xi32>
    %eq3A_54 = vector.broadcast %get3A_52 : vector<512x1xi32> to vector<512x32xi32>
    %eq3A_55 = vector.broadcast %iota3A_53 : vector<1x32xi32> to vector<512x32xi32>
    %eq3A_56 = arith.cmpi eq, %eq3A_54, %eq3A_55 : vector<512x32xi32>
    %convert_element_type3A_57 = arith.extui %eq3A_56 : vector<512x32xi1> to vector<512x32xi32>
    %convert_element_type3A_58 = arith.sitofp %convert_element_type3A_57 : vector<512x32xi32> to vector<512x32xf32>
    %dot_general3A = arith.constant dense<0.000000e+00> : vector<512x304xf32>
    %dot_general3A_59 = tpu.matmul %convert_element_type3A_39, %get3A_3, %dot_general3A {dimension_numbers = #tpu.dot_dimension_numbers<[1], [0], [0], [1], [0, 0, 1, 1], [], []>, transpose_lhs_hint = false} : vector<512x1024xbf16>, vector<1024x304xbf16>, vector<512x304xf32> -> vector<512x304xf32>
    %dot_general3A_60 = arith.constant dense<0.000000e+00> : vector<512x272xf32>
    %dot_general3A_61 = tpu.matmul %convert_element_type3A_49, %get3A_6, %dot_general3A_60 {dimension_numbers = #tpu.dot_dimension_numbers<[1], [0], [0], [1], [0, 0, 1, 1], [], []>, transpose_lhs_hint = false} : vector<512x1024xbf16>, vector<1024x272xbf16>, vector<512x272xf32> -> vector<512x272xf32>
    %slice3A = vector.extract_strided_slice %dot_general3A_59 {offsets = [0, 256], sizes = [512, 8], strides = [1, 1]} : vector<512x304xf32> to vector<512x8xf32>
    %slice3A_62 = vector.extract_strided_slice %dot_general3A_59 {offsets = [0, 264], sizes = [512, 8], strides = [1, 1]} : vector<512x304xf32> to vector<512x8xf32>
    %add3A = arith.addf %slice3A, %slice3A_62 : vector<512x8xf32>
    %slice3A_63 = vector.extract_strided_slice %dot_general3A_61 {offsets = [0, 256], sizes = [512, 8], strides = [1, 1]} : vector<512x272xf32> to vector<512x8xf32>
    %slice3A_64 = vector.extract_strided_slice %dot_general3A_61 {offsets = [0, 264], sizes = [512, 8], strides = [1, 1]} : vector<512x272xf32> to vector<512x8xf32>
    %add3A_65 = arith.addf %slice3A_63, %slice3A_64 : vector<512x8xf32>
    %slice3A_66 = vector.extract_strided_slice %dot_general3A_59 {offsets = [0, 272], sizes = [512, 32], strides = [1, 1]} : vector<512x304xf32> to vector<512x32xf32>
    %dot_general3A_67 = arith.constant dense<0.000000e+00> : vector<512x32xf32>
    %dot_general3A_68 = tpu.matmul %convert_element_type3A_58, %get3A_9, %dot_general3A_67 {dimension_numbers = #tpu.dot_dimension_numbers<[1], [0], [0], [1], [0, 0, 1, 1], [], []>, transpose_lhs_hint = false} : vector<512x32xf32>, vector<32x32xf32>, vector<512x32xf32> -> vector<512x32xf32>
    %add3A_69 = arith.addf %slice3A_66, %dot_general3A_68 : vector<512x32xf32>
    %sub3A = arith.subf %add3A, %add3A_65 : vector<512x8xf32>
    %mul3A = arith.mulf %sub3A, %sub3A : vector<512x8xf32>
    %reduce_sum3A = arith.constant dense<0.000000e+00> : vector<512xf32>
    %reduce_sum3A_70 = vector.multi_reduction <add>, %mul3A, %reduce_sum3A [1] : vector<512x8xf32> to vector<512xf32>
    %broadcast_in_dim3A = vector.shape_cast %reduce_sum3A_70 : vector<512xf32> to vector<512x1xf32>
    %max3A = arith.constant 9.99999997E-7 : f32
    %max3A_71 = vector.broadcast %max3A : f32 to vector<512x1xf32>
    %max3A_72 = arith.maximumf %broadcast_in_dim3A, %max3A_71 : vector<512x1xf32>
    %sqrt3A = math.sqrt %max3A_72 : vector<512x1xf32>
    %add3A_73 = arith.constant 1.000000e+00 : f32
    %add3A_74 = vector.broadcast %add3A_73 : f32 to vector<512x1xf32>
    %add3A_75 = arith.addf %add3A_74, %sqrt3A : vector<512x1xf32>
    %div3A = vector.broadcast %add3A_75 : vector<512x1xf32> to vector<512x8xf32>
    %div3A_76 = arith.divf %sub3A, %div3A : vector<512x8xf32>
    %mul3A_77 = vector.broadcast %sqrt3A : vector<512x1xf32> to vector<512x8xf32>
    %mul3A_78 = vector.broadcast %convert_element_type3A_29 : vector<1x8xf32> to vector<512x8xf32>
    %mul3A_79 = arith.mulf %mul3A_77, %mul3A_78 : vector<512x8xf32>
    %add3A_80 = arith.addf %div3A_76, %mul3A_79 : vector<512x8xf32>
    %swap3A = arith.constant 0 : index
    %swap3A_81 = arith.constant 0 : index
    %swap3A_82 = vector.load %arg13[%swap3A, %swap3A_81] : memref<1024x8xf32, #tpu.memory_space<vmem>>, vector<512x8xf32>
    tpu.vector_store %arg13[%swap3A, %swap3A_81], %add3A_80 {strides = array<i32>} : memref<1024x8xf32, #tpu.memory_space<vmem>>, vector<512x8xf32>,
    %slice3A_83 = vector.extract_strided_slice %dot_general3A_61 {offsets = [0, 0], sizes = [512, 256], strides = [1, 1]} : vector<512x272xf32> to vector<512x256xf32>
    %slice3A_84 = vector.extract_strided_slice %dot_general3A_59 {offsets = [0, 0], sizes = [512, 256], strides = [1, 1]} : vector<512x304xf32> to vector<512x256xf32>
    %add3A_85 = arith.addf %slice3A_83, %slice3A_84 : vector<512x256xf32>
    %dot_general3A_86 = arith.constant dense<0.000000e+00> : vector<512x256xf32>
    %dot_general3A_87 = tpu.matmul %add3A_69, %get3A_12, %dot_general3A_86 {dimension_numbers = #tpu.dot_dimension_numbers<[1], [0], [0], [1], [0, 0, 1, 1], [], []>, transpose_lhs_hint = false} : vector<512x32xf32>, vector<32x256xf32>, vector<512x256xf32> -> vector<512x256xf32>
    %add3A_88 = arith.addf %add3A_85, %dot_general3A_87 : vector<512x256xf32>
    %mul3A_89 = vector.broadcast %sqrt3A : vector<512x1xf32> to vector<512x256xf32>
    %mul3A_90 = vector.broadcast %get3A_15 : vector<1x256xf32> to vector<512x256xf32>
    %mul3A_91 = arith.mulf %mul3A_89, %mul3A_90 : vector<512x256xf32>
    %add3A_92 = arith.addf %add3A_88, %mul3A_91 : vector<512x256xf32>
    %add3A_93 = vector.broadcast %get3A_18 : vector<1x256xf32> to vector<512x256xf32>
    %add3A_94 = arith.addf %add3A_92, %add3A_93 : vector<512x256xf32>
    %logistic3A = arith.negf %add3A_94 : vector<512x256xf32>
    %logistic3A_95 = math.exp %logistic3A : vector<512x256xf32>
    %logistic3A_96 = arith.constant 1.000000e+00 : f32
    %logistic3A_97 = vector.broadcast %logistic3A_96 : f32 to vector<512x256xf32>
    %logistic3A_98 = arith.addf %logistic3A_97, %logistic3A_95 : vector<512x256xf32>
    %logistic3A_99 = arith.divf %logistic3A_97, %logistic3A_98 : vector<512x256xf32>
    %mul3A_100 = arith.mulf %add3A_94, %logistic3A_99 : vector<512x256xf32>
    %dot_general3A_101 = arith.constant dense<0.000000e+00> : vector<512x32xf32>
    %dot_general3A_102 = tpu.matmul %mul3A_100, %get3A_24, %dot_general3A_101 {dimension_numbers = #tpu.dot_dimension_numbers<[1], [0], [0], [1], [0, 0, 1, 1], [], []>, transpose_lhs_hint = false} : vector<512x256xf32>, vector<256x32xf32>, vector<512x32xf32> -> vector<512x32xf32>
    %add3A_103 = arith.addf %add3A_69, %dot_general3A_102 : vector<512x32xf32>
    %swap3A_104 = arith.constant 0 : index
    %swap3A_105 = arith.constant 0 : index
    %swap3A_106 = vector.load %arg12[%swap3A_104, %swap3A_105] : memref<1024x32xf32, #tpu.memory_space<vmem>>, vector<512x32xf32>
    tpu.vector_store %arg12[%swap3A_104, %swap3A_105], %add3A_103 {strides = array<i32>} : memref<1024x32xf32, #tpu.memory_space<vmem>>, vector<512x32xf32>,
    %dot_general3A_107 = arith.constant dense<0.000000e+00> : vector<512x64xf32>
    %dot_general3A_108 = tpu.matmul %mul3A_100, %get3A_21, %dot_general3A_107 {dimension_numbers = #tpu.dot_dimension_numbers<[1], [0], [0], [1], [0, 0, 1, 1], [], []>, transpose_lhs_hint = false} : vector<512x256xf32>, vector<256x64xf32>, vector<512x64xf32> -> vector<512x64xf32>
    %slice3A_109 = vector.extract_strided_slice %div3A_76 {offsets = [0, 0], sizes = [512, 1], strides = [1, 1]} : vector<512x8xf32> to vector<512x1xf32>
    %mul3A_110 = vector.broadcast %slice3A_109 : vector<512x1xf32> to vector<512x64xf32>
    %mul3A_111 = arith.mulf %mul3A_110, %dot_general3A_108 : vector<512x64xf32>
    %slice3A_112 = vector.extract_strided_slice %div3A_76 {offsets = [0, 1], sizes = [512, 1], strides = [1, 1]} : vector<512x8xf32> to vector<512x1xf32>
    %mul3A_113 = vector.broadcast %slice3A_112 : vector<512x1xf32> to vector<512x64xf32>
    %mul3A_114 = arith.mulf %mul3A_113, %dot_general3A_108 : vector<512x64xf32>
    %slice3A_115 = vector.extract_strided_slice %div3A_76 {offsets = [0, 2], sizes = [512, 1], strides = [1, 1]} : vector<512x8xf32> to vector<512x1xf32>
    %mul3A_116 = vector.broadcast %slice3A_115 : vector<512x1xf32> to vector<512x64xf32>
    %mul3A_117 = arith.mulf %mul3A_116, %dot_general3A_108 : vector<512x64xf32>
    %concatenate3A = tpu.concatenate %mul3A_111, %mul3A_114, %mul3A_117 in 1 : vector<512x64xf32>, vector<512x64xf32>, vector<512x64xf32> -> vector<512x192xf32>
    %get3A_118 = arith.constant 0 : index
    %get3A_119 = arith.constant 0 : index
    %get3A_120 = vector.load %arg14[%get3A_118, %get3A_119] : memref<1024x8xf32, #tpu.memory_space<vmem>>, vector<1024x8xf32>
    %broadcast_in_dim3A_121 = arith.constant 1.000000e+00 : bf16
    %broadcast_in_dim3A_122 = vector.broadcast %broadcast_in_dim3A_121 : bf16 to vector<512x8xbf16>
    %dot_general3A_123 = arith.constant dense<0.000000e+00> : vector<1024x8xf32>
    %dot_general3A_124 = tpu.matmul %convert_element_type3A_39, %broadcast_in_dim3A_122, %dot_general3A_123 {dimension_numbers = #tpu.dot_dimension_numbers<[0], [0], [1], [1], [0, 1, 1, 1], [], []>, transpose_lhs_hint = false} : vector<512x1024xbf16>, vector<512x8xbf16>, vector<1024x8xf32> -> vector<1024x8xf32>
    %add3A_125 = arith.addf %get3A_120, %dot_general3A_124 : vector<1024x8xf32>
    %swap3A_126 = arith.constant 0 : index
    %swap3A_127 = arith.constant 0 : index
    %swap3A_128 = vector.load %arg14[%swap3A_126, %swap3A_127] : memref<1024x8xf32, #tpu.memory_space<vmem>>, vector<1024x8xf32>
    tpu.vector_store %arg14[%swap3A_126, %swap3A_127], %add3A_125 {strides = array<i32>} : memref<1024x8xf32, #tpu.memory_space<vmem>>, vector<1024x8xf32>,
    %get3A_129 = arith.constant 0 : index
    %get3A_130 = arith.constant 0 : index
    %get3A_131 = vector.load %arg15[%get3A_129, %get3A_130] : memref<1024x256xf32, #tpu.memory_space<vmem>>, vector<1024x256xf32>
    %convert_element_type3A_132 = arith.truncf %mul3A_100 : vector<512x256xf32> to vector<512x256xbf16>
    %dot_general3A_133 = arith.constant dense<0.000000e+00> : vector<1024x256xf32>
    %dot_general3A_134 = tpu.matmul %convert_element_type3A_39, %convert_element_type3A_132, %dot_general3A_133 {dimension_numbers = #tpu.dot_dimension_numbers<[0], [0], [1], [1], [0, 1, 1, 1], [], []>, transpose_lhs_hint = false} : vector<512x1024xbf16>, vector<512x256xbf16>, vector<1024x256xf32> -> vector<1024x256xf32>
    %add3A_135 = arith.addf %get3A_131, %dot_general3A_134 : vector<1024x256xf32>
    %swap3A_136 = arith.constant 0 : index
    %swap3A_137 = arith.constant 0 : index
    %swap3A_138 = vector.load %arg15[%swap3A_136, %swap3A_137] : memref<1024x256xf32, #tpu.memory_space<vmem>>, vector<1024x256xf32>
    tpu.vector_store %arg15[%swap3A_136, %swap3A_137], %add3A_135 {strides = array<i32>} : memref<1024x256xf32, #tpu.memory_space<vmem>>, vector<1024x256xf32>,
    %get3A_139 = arith.constant 0 : index
    %get3A_140 = arith.constant 0 : index
    %get3A_141 = vector.load %arg16[%get3A_139, %get3A_140] : memref<1024x192xf32, #tpu.memory_space<vmem>>, vector<1024x192xf32>
    %convert_element_type3A_142 = arith.truncf %concatenate3A : vector<512x192xf32> to vector<512x192xbf16>
    %dot_general3A_143 = arith.constant dense<0.000000e+00> : vector<1024x192xf32>
    %dot_general3A_144 = tpu.matmul %convert_element_type3A_39, %convert_element_type3A_142, %dot_general3A_143 {dimension_numbers = #tpu.dot_dimension_numbers<[0], [0], [1], [1], [0, 1, 1, 1], [], []>, transpose_lhs_hint = false} : vector<512x1024xbf16>, vector<512x192xbf16>, vector<1024x192xf32> -> vector<1024x192xf32>
    %add3A_145 = arith.addf %get3A_141, %dot_general3A_144 : vector<1024x192xf32>
    %swap3A_146 = arith.constant 0 : index
    %swap3A_147 = arith.constant 0 : index
    %swap3A_148 = vector.load %arg16[%swap3A_146, %swap3A_147] : memref<1024x192xf32, #tpu.memory_space<vmem>>, vector<1024x192xf32>
    tpu.vector_store %arg16[%swap3A_146, %swap3A_147], %add3A_145 {strides = array<i32>} : memref<1024x192xf32, #tpu.memory_space<vmem>>, vector<1024x192xf32>,
    %get3A_149 = arith.constant 512 : index
    %get3A_150 = arith.constant 0 : index
    %get3A_151 = vector.load %arg2[%get3A_149, %get3A_150] : memref<1024x1xi32, #tpu.memory_space<vmem>>, vector<512x1xi32>
    %iota3A_152 = tpu.iota {dimensions = array<i32: 1>} : vector<1x1024xi32>
    %eq3A_153 = vector.broadcast %get3A_151 : vector<512x1xi32> to vector<512x1024xi32>
    %eq3A_154 = vector.broadcast %iota3A_152 : vector<1x1024xi32> to vector<512x1024xi32>
    %eq3A_155 = arith.cmpi eq, %eq3A_153, %eq3A_154 : vector<512x1024xi32>
    %convert_element_type3A_156 = arith.extui %eq3A_155 : vector<512x1024xi1> to vector<512x1024xi32>
    %convert_element_type3A_157 = arith.sitofp %convert_element_type3A_156 : vector<512x1024xi32> to vector<512x1024xf32>
    %convert_element_type3A_158 = arith.truncf %convert_element_type3A_157 : vector<512x1024xf32> to vector<512x1024xbf16>
    %get3A_159 = arith.constant 512 : index
    %get3A_160 = arith.constant 0 : index
    %get3A_161 = vector.load %arg1[%get3A_159, %get3A_160] : memref<1024x1xi32, #tpu.memory_space<vmem>>, vector<512x1xi32>
    %iota3A_162 = tpu.iota {dimensions = array<i32: 1>} : vector<1x1024xi32>
    %eq3A_163 = vector.broadcast %get3A_161 : vector<512x1xi32> to vector<512x1024xi32>
    %eq3A_164 = vector.broadcast %iota3A_162 : vector<1x1024xi32> to vector<512x1024xi32>
    %eq3A_165 = arith.cmpi eq, %eq3A_163, %eq3A_164 : vector<512x1024xi32>
    %convert_element_type3A_166 = arith.extui %eq3A_165 : vector<512x1024xi1> to vector<512x1024xi32>
    %convert_element_type3A_167 = arith.sitofp %convert_element_type3A_166 : vector<512x1024xi32> to vector<512x1024xf32>
    %convert_element_type3A_168 = arith.truncf %convert_element_type3A_167 : vector<512x1024xf32> to vector<512x1024xbf16>
    %get3A_169 = arith.constant 512 : index
    %get3A_170 = arith.constant 0 : index
    %get3A_171 = vector.load %arg3[%get3A_169, %get3A_170] : memref<1024x1xi32, #tpu.memory_space<vmem>>, vector<512x1xi32>
    %iota3A_172 = tpu.iota {dimensions = array<i32: 1>} : vector<1x32xi32>
    %eq3A_173 = vector.broadcast %get3A_171 : vector<512x1xi32> to vector<512x32xi32>
    %eq3A_174 = vector.broadcast %iota3A_172 : vector<1x32xi32> to vector<512x32xi32>
    %eq3A_175 = arith.cmpi eq, %eq3A_173, %eq3A_174 : vector<512x32xi32>
    %convert_element_type3A_176 = arith.extui %eq3A_175 : vector<512x32xi1> to vector<512x32xi32>
    %convert_element_type3A_177 = arith.sitofp %convert_element_type3A_176 : vector<512x32xi32> to vector<512x32xf32>
    %dot_general3A_178 = arith.constant dense<0.000000e+00> : vector<512x304xf32>
    %dot_general3A_179 = tpu.matmul %convert_element_type3A_158, %get3A_3, %dot_general3A_178 {dimension_numbers = #tpu.dot_dimension_numbers<[1], [0], [0], [1], [0, 0, 1, 1], [], []>, transpose_lhs_hint = false} : vector<512x1024xbf16>, vector<1024x304xbf16>, vector<512x304xf32> -> vector<512x304xf32>
    %dot_general3A_180 = arith.constant dense<0.000000e+00> : vector<512x272xf32>
    %dot_general3A_181 = tpu.matmul %convert_element_type3A_168, %get3A_6, %dot_general3A_180 {dimension_numbers = #tpu.dot_dimension_numbers<[1], [0], [0], [1], [0, 0, 1, 1], [], []>, transpose_lhs_hint = false} : vector<512x1024xbf16>, vector<1024x272xbf16>, vector<512x272xf32> -> vector<512x272xf32>
    %slice3A_182 = vector.extract_strided_slice %dot_general3A_179 {offsets = [0, 256], sizes = [512, 8], strides = [1, 1]} : vector<512x304xf32> to vector<512x8xf32>
    %slice3A_183 = vector.extract_strided_slice %dot_general3A_179 {offsets = [0, 264], sizes = [512, 8], strides = [1, 1]} : vector<512x304xf32> to vector<512x8xf32>
    %add3A_184 = arith.addf %slice3A_182, %slice3A_183 : vector<512x8xf32>
    %slice3A_185 = vector.extract_strided_slice %dot_general3A_181 {offsets = [0, 256], sizes = [512, 8], strides = [1, 1]} : vector<512x272xf32> to vector<512x8xf32>
    %slice3A_186 = vector.extract_strided_slice %dot_general3A_181 {offsets = [0, 264], sizes = [512, 8], strides = [1, 1]} : vector<512x272xf32> to vector<512x8xf32>
    %add3A_187 = arith.addf %slice3A_185, %slice3A_186 : vector<512x8xf32>
    %slice3A_188 = vector.extract_strided_slice %dot_general3A_179 {offsets = [0, 272], sizes = [512, 32], strides = [1, 1]} : vector<512x304xf32> to vector<512x32xf32>
    %dot_general3A_189 = arith.constant dense<0.000000e+00> : vector<512x32xf32>
    %dot_general3A_190 = tpu.matmul %convert_element_type3A_177, %get3A_9, %dot_general3A_189 {dimension_numbers = #tpu.dot_dimension_numbers<[1], [0], [0], [1], [0, 0, 1, 1], [], []>, transpose_lhs_hint = false} : vector<512x32xf32>, vector<32x32xf32>, vector<512x32xf32> -> vector<512x32xf32>
    %add3A_191 = arith.addf %slice3A_188, %dot_general3A_190 : vector<512x32xf32>
    %sub3A_192 = arith.subf %add3A_184, %add3A_187 : vector<512x8xf32>
    %mul3A_193 = arith.mulf %sub3A_192, %sub3A_192 : vector<512x8xf32>
    %reduce_sum3A_194 = arith.constant dense<0.000000e+00> : vector<512xf32>
    %reduce_sum3A_195 = vector.multi_reduction <add>, %mul3A_193, %reduce_sum3A_194 [1] : vector<512x8xf32> to vector<512xf32>
    %broadcast_in_dim3A_196 = vector.shape_cast %reduce_sum3A_195 : vector<512xf32> to vector<512x1xf32>
    %max3A_197 = arith.constant 9.99999997E-7 : f32
    %max3A_198 = vector.broadcast %max3A_197 : f32 to vector<512x1xf32>
    %max3A_199 = arith.maximumf %broadcast_in_dim3A_196, %max3A_198 : vector<512x1xf32>
    %sqrt3A_200 = math.sqrt %max3A_199 : vector<512x1xf32>
    %add3A_201 = arith.constant 1.000000e+00 : f32
    %add3A_202 = vector.broadcast %add3A_201 : f32 to vector<512x1xf32>
    %add3A_203 = arith.addf %add3A_202, %sqrt3A_200 : vector<512x1xf32>
    %div3A_204 = vector.broadcast %add3A_203 : vector<512x1xf32> to vector<512x8xf32>
    %div3A_205 = arith.divf %sub3A_192, %div3A_204 : vector<512x8xf32>
    %mul3A_206 = vector.broadcast %sqrt3A_200 : vector<512x1xf32> to vector<512x8xf32>
    %mul3A_207 = vector.broadcast %convert_element_type3A_29 : vector<1x8xf32> to vector<512x8xf32>
    %mul3A_208 = arith.mulf %mul3A_206, %mul3A_207 : vector<512x8xf32>
    %add3A_209 = arith.addf %div3A_205, %mul3A_208 : vector<512x8xf32>
    %swap3A_210 = arith.constant 512 : index
    %swap3A_211 = arith.constant 0 : index
    %swap3A_212 = vector.load %arg13[%swap3A_210, %swap3A_211] : memref<1024x8xf32, #tpu.memory_space<vmem>>, vector<512x8xf32>
    tpu.vector_store %arg13[%swap3A_210, %swap3A_211], %add3A_209 {strides = array<i32>} : memref<1024x8xf32, #tpu.memory_space<vmem>>, vector<512x8xf32>,
    %slice3A_213 = vector.extract_strided_slice %dot_general3A_181 {offsets = [0, 0], sizes = [512, 256], strides = [1, 1]} : vector<512x272xf32> to vector<512x256xf32>
    %slice3A_214 = vector.extract_strided_slice %dot_general3A_179 {offsets = [0, 0], sizes = [512, 256], strides = [1, 1]} : vector<512x304xf32> to vector<512x256xf32>
    %add3A_215 = arith.addf %slice3A_213, %slice3A_214 : vector<512x256xf32>
    %dot_general3A_216 = arith.constant dense<0.000000e+00> : vector<512x256xf32>
    %dot_general3A_217 = tpu.matmul %add3A_191, %get3A_12, %dot_general3A_216 {dimension_numbers = #tpu.dot_dimension_numbers<[1], [0], [0], [1], [0, 0, 1, 1], [], []>, transpose_lhs_hint = false} : vector<512x32xf32>, vector<32x256xf32>, vector<512x256xf32> -> vector<512x256xf32>
    %add3A_218 = arith.addf %add3A_215, %dot_general3A_217 : vector<512x256xf32>
    %mul3A_219 = vector.broadcast %sqrt3A_200 : vector<512x1xf32> to vector<512x256xf32>
    %mul3A_220 = vector.broadcast %get3A_15 : vector<1x256xf32> to vector<512x256xf32>
    %mul3A_221 = arith.mulf %mul3A_219, %mul3A_220 : vector<512x256xf32>
    %add3A_222 = arith.addf %add3A_218, %mul3A_221 : vector<512x256xf32>
    %add3A_223 = vector.broadcast %get3A_18 : vector<1x256xf32> to vector<512x256xf32>
    %add3A_224 = arith.addf %add3A_222, %add3A_223 : vector<512x256xf32>
    %logistic3A_225 = arith.negf %add3A_224 : vector<512x256xf32>
    %logistic3A_226 = math.exp %logistic3A_225 : vector<512x256xf32>
    %logistic3A_227 = arith.constant 1.000000e+00 : f32
    %logistic3A_228 = vector.broadcast %logistic3A_227 : f32 to vector<512x256xf32>
    %logistic3A_229 = arith.addf %logistic3A_228, %logistic3A_226 : vector<512x256xf32>
    %logistic3A_230 = arith.divf %logistic3A_228, %logistic3A_229 : vector<512x256xf32>
    %mul3A_231 = arith.mulf %add3A_224, %logistic3A_230 : vector<512x256xf32>
    %dot_general3A_232 = arith.constant dense<0.000000e+00> : vector<512x32xf32>
    %dot_general3A_233 = tpu.matmul %mul3A_231, %get3A_24, %dot_general3A_232 {dimension_numbers = #tpu.dot_dimension_numbers<[1], [0], [0], [1], [0, 0, 1, 1], [], []>, transpose_lhs_hint = false} : vector<512x256xf32>, vector<256x32xf32>, vector<512x32xf32> -> vector<512x32xf32>
    %add3A_234 = arith.addf %add3A_191, %dot_general3A_233 : vector<512x32xf32>
    %swap3A_235 = arith.constant 512 : index
    %swap3A_236 = arith.constant 0 : index
    %swap3A_237 = vector.load %arg12[%swap3A_235, %swap3A_236] : memref<1024x32xf32, #tpu.memory_space<vmem>>, vector<512x32xf32>
    tpu.vector_store %arg12[%swap3A_235, %swap3A_236], %add3A_234 {strides = array<i32>} : memref<1024x32xf32, #tpu.memory_space<vmem>>, vector<512x32xf32>,
    %dot_general3A_238 = arith.constant dense<0.000000e+00> : vector<512x64xf32>
    %dot_general3A_239 = tpu.matmul %mul3A_231, %get3A_21, %dot_general3A_238 {dimension_numbers = #tpu.dot_dimension_numbers<[1], [0], [0], [1], [0, 0, 1, 1], [], []>, transpose_lhs_hint = false} : vector<512x256xf32>, vector<256x64xf32>, vector<512x64xf32> -> vector<512x64xf32>
    %slice3A_240 = vector.extract_strided_slice %div3A_205 {offsets = [0, 0], sizes = [512, 1], strides = [1, 1]} : vector<512x8xf32> to vector<512x1xf32>
    %mul3A_241 = vector.broadcast %slice3A_240 : vector<512x1xf32> to vector<512x64xf32>
    %mul3A_242 = arith.mulf %mul3A_241, %dot_general3A_239 : vector<512x64xf32>
    %slice3A_243 = vector.extract_strided_slice %div3A_205 {offsets = [0, 1], sizes = [512, 1], strides = [1, 1]} : vector<512x8xf32> to vector<512x1xf32>
    %mul3A_244 = vector.broadcast %slice3A_243 : vector<512x1xf32> to vector<512x64xf32>
    %mul3A_245 = arith.mulf %mul3A_244, %dot_general3A_239 : vector<512x64xf32>
    %slice3A_246 = vector.extract_strided_slice %div3A_205 {offsets = [0, 2], sizes = [512, 1], strides = [1, 1]} : vector<512x8xf32> to vector<512x1xf32>
    %mul3A_247 = vector.broadcast %slice3A_246 : vector<512x1xf32> to vector<512x64xf32>
    %mul3A_248 = arith.mulf %mul3A_247, %dot_general3A_239 : vector<512x64xf32>
    %concatenate3A_249 = tpu.concatenate %mul3A_242, %mul3A_245, %mul3A_248 in 1 : vector<512x64xf32>, vector<512x64xf32>, vector<512x64xf32> -> vector<512x192xf32>
    %get3A_250 = arith.constant 0 : index
    %get3A_251 = arith.constant 0 : index
    %get3A_252 = vector.load %arg14[%get3A_250, %get3A_251] : memref<1024x8xf32, #tpu.memory_space<vmem>>, vector<1024x8xf32>
    %broadcast_in_dim3A_253 = arith.constant 1.000000e+00 : bf16
    %broadcast_in_dim3A_254 = vector.broadcast %broadcast_in_dim3A_253 : bf16 to vector<512x8xbf16>
    %dot_general3A_255 = arith.constant dense<0.000000e+00> : vector<1024x8xf32>
    %dot_general3A_256 = tpu.matmul %convert_element_type3A_158, %broadcast_in_dim3A_254, %dot_general3A_255 {dimension_numbers = #tpu.dot_dimension_numbers<[0], [0], [1], [1], [0, 1, 1, 1], [], []>, transpose_lhs_hint = false} : vector<512x1024xbf16>, vector<512x8xbf16>, vector<1024x8xf32> -> vector<1024x8xf32>
    %add3A_257 = arith.addf %get3A_252, %dot_general3A_256 : vector<1024x8xf32>
    %swap3A_258 = arith.constant 0 : index
    %swap3A_259 = arith.constant 0 : index
    %swap3A_260 = vector.load %arg14[%swap3A_258, %swap3A_259] : memref<1024x8xf32, #tpu.memory_space<vmem>>, vector<1024x8xf32>
    tpu.vector_store %arg14[%swap3A_258, %swap3A_259], %add3A_257 {strides = array<i32>} : memref<1024x8xf32, #tpu.memory_space<vmem>>, vector<1024x8xf32>,
    %get3A_261 = arith.constant 0 : index
    %get3A_262 = arith.constant 0 : index
    %get3A_263 = vector.load %arg15[%get3A_261, %get3A_262] : memref<1024x256xf32, #tpu.memory_space<vmem>>, vector<1024x256xf32>
    %convert_element_type3A_264 = arith.truncf %mul3A_231 : vector<512x256xf32> to vector<512x256xbf16>
    %dot_general3A_265 = arith.constant dense<0.000000e+00> : vector<1024x256xf32>
    %dot_general3A_266 = tpu.matmul %convert_element_type3A_158, %convert_element_type3A_264, %dot_general3A_265 {dimension_numbers = #tpu.dot_dimension_numbers<[0], [0], [1], [1], [0, 1, 1, 1], [], []>, transpose_lhs_hint = false} : vector<512x1024xbf16>, vector<512x256xbf16>, vector<1024x256xf32> -> vector<1024x256xf32>
    %add3A_267 = arith.addf %get3A_263, %dot_general3A_266 : vector<1024x256xf32>
    %swap3A_268 = arith.constant 0 : index
    %swap3A_269 = arith.constant 0 : index
    %swap3A_270 = vector.load %arg15[%swap3A_268, %swap3A_269] : memref<1024x256xf32, #tpu.memory_space<vmem>>, vector<1024x256xf32>
    tpu.vector_store %arg15[%swap3A_268, %swap3A_269], %add3A_267 {strides = array<i32>} : memref<1024x256xf32, #tpu.memory_space<vmem>>, vector<1024x256xf32>,
    %get3A_271 = arith.constant 0 : index
    %get3A_272 = arith.constant 0 : index
    %get3A_273 = vector.load %arg16[%get3A_271, %get3A_272] : memref<1024x192xf32, #tpu.memory_space<vmem>>, vector<1024x192xf32>
    %convert_element_type3A_274 = arith.truncf %concatenate3A_249 : vector<512x192xf32> to vector<512x192xbf16>
    %dot_general3A_275 = arith.constant dense<0.000000e+00> : vector<1024x192xf32>
    %dot_general3A_276 = tpu.matmul %convert_element_type3A_158, %convert_element_type3A_274, %dot_general3A_275 {dimension_numbers = #tpu.dot_dimension_numbers<[0], [0], [1], [1], [0, 1, 1, 1], [], []>, transpose_lhs_hint = false} : vector<512x1024xbf16>, vector<512x192xbf16>, vector<1024x192xf32> -> vector<1024x192xf32>
    %add3A_277 = arith.addf %get3A_273, %dot_general3A_276 : vector<1024x192xf32>
    %swap3A_278 = arith.constant 0 : index
    %swap3A_279 = arith.constant 0 : index
    %swap3A_280 = vector.load %arg16[%swap3A_278, %swap3A_279] : memref<1024x192xf32, #tpu.memory_space<vmem>>, vector<1024x192xf32>
    tpu.vector_store %arg16[%swap3A_278, %swap3A_279], %add3A_277 {strides = array<i32>} : memref<1024x192xf32, #tpu.memory_space<vmem>>, vector<1024x192xf32>,
    return
  }
  func.func @transform_0(%arg0: i32) -> (i32, i32) {
    %c0_i32 = arith.constant 0 : i32
    %c0_i32_0 = arith.constant 0 : i32
    return %arg0, %c0_i32 : i32, i32
  }
  func.func @transform_1(%arg0: i32) -> (i32, i32) {
    %c0_i32 = arith.constant 0 : i32
    %c0_i32_0 = arith.constant 0 : i32
    return %arg0, %c0_i32 : i32, i32
  }
  func.func @transform_2(%arg0: i32) -> (i32, i32) {
    %c0_i32 = arith.constant 0 : i32
    %c0_i32_0 = arith.constant 0 : i32
    return %arg0, %c0_i32 : i32, i32
  }
  func.func @transform_3(%arg0: i32) -> (i32, i32) {
    %c0_i32 = arith.constant 0 : i32
    %c0_i32_0 = arith.constant 0 : i32
    %c0_i32_1 = arith.constant 0 : i32
    return %c0_i32, %c0_i32_0 : i32, i32
  }
  func.func @transform_4(%arg0: i32) -> (i32, i32) {
    %c0_i32 = arith.constant 0 : i32
    %c0_i32_0 = arith.constant 0 : i32
    %c0_i32_1 = arith.constant 0 : i32
    return %c0_i32, %c0_i32_0 : i32, i32
  }
  func.func @transform_5(%arg0: i32) -> (i32, i32) {
    %c0_i32 = arith.constant 0 : i32
    %c0_i32_0 = arith.constant 0 : i32
    %c0_i32_1 = arith.constant 0 : i32
    return %c0_i32, %c0_i32_0 : i32, i32
  }
  func.func @transform_6(%arg0: i32) -> (i32, i32) {
    %c0_i32 = arith.constant 0 : i32
    %c0_i32_0 = arith.constant 0 : i32
    %c0_i32_1 = arith.constant 0 : i32
    return %c0_i32, %c0_i32_0 : i32, i32
  }
  func.func @transform_7(%arg0: i32) -> (i32, i32) {
    %c0_i32 = arith.constant 0 : i32
    %c0_i32_0 = arith.constant 0 : i32
    %c0_i32_1 = arith.constant 0 : i32
    return %c0_i32, %c0_i32_0 : i32, i32
  }
  func.func @transform_8(%arg0: i32) -> (i32, i32) {
    %c0_i32 = arith.constant 0 : i32
    %c0_i32_0 = arith.constant 0 : i32
    %c0_i32_1 = arith.constant 0 : i32
    return %c0_i32, %c0_i32_0 : i32, i32
  }
  func.func @transform_9(%arg0: i32) -> (i32, i32) {
    %c0_i32 = arith.constant 0 : i32
    %c0_i32_0 = arith.constant 0 : i32
    %c0_i32_1 = arith.constant 0 : i32
    return %c0_i32, %c0_i32_0 : i32, i32
  }
  func.func @transform_10(%arg0: i32) -> (i32, i32) {
    %c0_i32 = arith.constant 0 : i32
    %c0_i32_0 = arith.constant 0 : i32
    %c0_i32_1 = arith.constant 0 : i32
    return %c0_i32, %c0_i32_0 : i32, i32
  }
  func.func @transform_11(%arg0: i32) -> (i32, i32) {
    %c0_i32 = arith.constant 0 : i32
    %c0_i32_0 = arith.constant 0 : i32
    return %arg0, %c0_i32 : i32, i32
  }
  func.func @transform_12(%arg0: i32) -> (i32, i32) {
    %c0_i32 = arith.constant 0 : i32
    %c0_i32_0 = arith.constant 0 : i32
    return %arg0, %c0_i32 : i32, i32
  }
  func.func @transform_13(%arg0: i32) -> (i32, i32) {
    %c0_i32 = arith.constant 0 : i32
    %c0_i32_0 = arith.constant 0 : i32
    %c0_i32_1 = arith.constant 0 : i32
    return %c0_i32, %c0_i32_0 : i32, i32
  }
  func.func @transform_14(%arg0: i32) -> (i32, i32) {
    %c0_i32 = arith.constant 0 : i32
    %c0_i32_0 = arith.constant 0 : i32
    %c0_i32_1 = arith.constant 0 : i32
    return %c0_i32, %c0_i32_0 : i32, i32
  }
  func.func @transform_15(%arg0: i32) -> (i32, i32) {
    %c0_i32 = arith.constant 0 : i32
    %c0_i32_0 = arith.constant 0 : i32
    %c0_i32_1 = arith.constant 0 : i32
    return %c0_i32, %c0_i32_0 : i32, i32
  }
}

module attributes {stable_mosaic.version = 14 : i64} {
  func.func @_node_prep_kernel(%arg0: memref<1024x16xf32, #tpu.memory_space<vmem>>, %arg1: memref<32x1xf32, #tpu.memory_space<vmem>>, %arg2: memref<1024x8xf32, #tpu.memory_space<vmem>>, %arg3: memref<1024x1xi32, #tpu.memory_space<vmem>>, %arg4: memref<1x1024xi32, #tpu.memory_space<vmem>>, %arg5: memref<1x256xf32, #tpu.memory_space<vmem>>, %arg6: memref<1x256xf32, #tpu.memory_space<vmem>>, %arg7: memref<1x32xf32, #tpu.memory_space<vmem>>, %arg8: memref<1x32xf32, #tpu.memory_space<vmem>>, %arg9: memref<16x256xf32, #tpu.memory_space<vmem>>, %arg10: memref<1x256xf32, #tpu.memory_space<vmem>>, %arg11: memref<256x256xf32, #tpu.memory_space<vmem>>, %arg12: memref<1x256xf32, #tpu.memory_space<vmem>>, %arg13: memref<16x32xf32, #tpu.memory_space<vmem>>, %arg14: memref<1x32xf32, #tpu.memory_space<vmem>>, %arg15: memref<32x32xf32, #tpu.memory_space<vmem>>, %arg16: memref<1x32xf32, #tpu.memory_space<vmem>>, %arg17: memref<256x256xf32, #tpu.memory_space<vmem>>, %arg18: memref<256x256xf32, #tpu.memory_space<vmem>>, %arg19: memref<1024x256xf32, #tpu.memory_space<vmem>>, %arg20: memref<1024x8xf32, #tpu.memory_space<vmem>>, %arg21: memref<1024x272xbf16, #tpu.memory_space<vmem>>, %arg22: memref<1024x304xbf16, #tpu.memory_space<vmem>>, %arg23: memref<32x32xf32, #tpu.memory_space<vmem>>) attributes {dimension_semantics = [], scalar_prefetch = 0 : i64, scratch_operands = 0 : i64, tpu.core_type = #tpu.core_type<tc>} {
    %get3A = arith.constant 0 : index
    %get3A_0 = arith.constant 0 : index
    %get3A_1 = vector.load %arg0[%get3A, %get3A_0] : memref<1024x16xf32, #tpu.memory_space<vmem>>, vector<1024x16xf32>
    %get3A_2 = arith.constant 0 : index
    %get3A_3 = arith.constant 0 : index
    %get3A_4 = vector.load %arg1[%get3A_2, %get3A_3] : memref<32x1xf32, #tpu.memory_space<vmem>>, vector<32x1xf32>
    %get3A_5 = arith.constant 0 : index
    %get3A_6 = arith.constant 0 : index
    %get3A_7 = vector.load %arg3[%get3A_5, %get3A_6] : memref<1024x1xi32, #tpu.memory_space<vmem>>, vector<1024x1xi32>
    %iota3A = tpu.iota {dimensions = array<i32: 1>} : vector<1x32xi32>
    %eq3A = vector.broadcast %get3A_7 : vector<1024x1xi32> to vector<1024x32xi32>
    %eq3A_8 = vector.broadcast %iota3A : vector<1x32xi32> to vector<1024x32xi32>
    %eq3A_9 = arith.cmpi eq, %eq3A, %eq3A_8 : vector<1024x32xi32>
    %convert_element_type3A = arith.extui %eq3A_9 : vector<1024x32xi1> to vector<1024x32xi32>
    %convert_element_type3A_10 = arith.sitofp %convert_element_type3A : vector<1024x32xi32> to vector<1024x32xf32>
    %iota3A_11 = tpu.iota {dimensions = array<i32: 0>} : vector<32x1xi32>
    %get3A_12 = arith.constant 0 : index
    %get3A_13 = arith.constant 0 : index
    %get3A_14 = vector.load %arg4[%get3A_12, %get3A_13] : memref<1x1024xi32, #tpu.memory_space<vmem>>, vector<1x1024xi32>
    %eq3A_15 = vector.broadcast %iota3A_11 : vector<32x1xi32> to vector<32x1024xi32>
    %eq3A_16 = vector.broadcast %get3A_14 : vector<1x1024xi32> to vector<32x1024xi32>
    %eq3A_17 = arith.cmpi eq, %eq3A_15, %eq3A_16 : vector<32x1024xi32>
    %convert_element_type3A_18 = arith.extui %eq3A_17 : vector<32x1024xi1> to vector<32x1024xi32>
    %convert_element_type3A_19 = arith.sitofp %convert_element_type3A_18 : vector<32x1024xi32> to vector<32x1024xf32>
    %get3A_20 = arith.constant 0 : index
    %get3A_21 = arith.constant 0 : index
    %get3A_22 = vector.load %arg5[%get3A_20, %get3A_21] : memref<1x256xf32, #tpu.memory_space<vmem>>, vector<1x256xf32>
    %dot_general3A = arith.constant dense<0.000000e+00> : vector<32x256xf32>
    %dot_general3A_23 = tpu.matmul %get3A_4, %get3A_22, %dot_general3A {dimension_numbers = #tpu.dot_dimension_numbers<[1], [0], [0], [1], [0, 0, 1, 1], [], []>, precision = #tpu.contract_precision<fp32>, transpose_lhs_hint = false} : vector<32x1xf32>, vector<1x256xf32>, vector<32x256xf32> -> vector<32x256xf32>
    %get3A_24 = arith.constant 0 : index
    %get3A_25 = arith.constant 0 : index
    %get3A_26 = vector.load %arg6[%get3A_24, %get3A_25] : memref<1x256xf32, #tpu.memory_space<vmem>>, vector<1x256xf32>
    %add3A = vector.broadcast %get3A_26 : vector<1x256xf32> to vector<32x256xf32>
    %add3A_27 = arith.addf %dot_general3A_23, %add3A : vector<32x256xf32>
    %get3A_28 = arith.constant 0 : index
    %get3A_29 = arith.constant 0 : index
    %get3A_30 = vector.load %arg7[%get3A_28, %get3A_29] : memref<1x32xf32, #tpu.memory_space<vmem>>, vector<1x32xf32>
    %dot_general3A_31 = arith.constant dense<0.000000e+00> : vector<32x32xf32>
    %dot_general3A_32 = tpu.matmul %get3A_4, %get3A_30, %dot_general3A_31 {dimension_numbers = #tpu.dot_dimension_numbers<[1], [0], [0], [1], [0, 0, 1, 1], [], []>, precision = #tpu.contract_precision<fp32>, transpose_lhs_hint = false} : vector<32x1xf32>, vector<1x32xf32>, vector<32x32xf32> -> vector<32x32xf32>
    %get3A_33 = arith.constant 0 : index
    %get3A_34 = arith.constant 0 : index
    %get3A_35 = vector.load %arg8[%get3A_33, %get3A_34] : memref<1x32xf32, #tpu.memory_space<vmem>>, vector<1x32xf32>
    %add3A_36 = vector.broadcast %get3A_35 : vector<1x32xf32> to vector<32x32xf32>
    %add3A_37 = arith.addf %dot_general3A_32, %add3A_36 : vector<32x32xf32>
    %get3A_38 = arith.constant 0 : index
    %get3A_39 = arith.constant 0 : index
    %get3A_40 = vector.load %arg9[%get3A_38, %get3A_39] : memref<16x256xf32, #tpu.memory_space<vmem>>, vector<16x256xf32>
    %dot_general3A_41 = arith.constant dense<0.000000e+00> : vector<1024x256xf32>
    %dot_general3A_42 = tpu.matmul %get3A_1, %get3A_40, %dot_general3A_41 {dimension_numbers = #tpu.dot_dimension_numbers<[1], [0], [0], [1], [0, 0, 1, 1], [], []>, precision = #tpu.contract_precision<fp32>, transpose_lhs_hint = false} : vector<1024x16xf32>, vector<16x256xf32>, vector<1024x256xf32> -> vector<1024x256xf32>
    %get3A_43 = arith.constant 0 : index
    %get3A_44 = arith.constant 0 : index
    %get3A_45 = vector.load %arg10[%get3A_43, %get3A_44] : memref<1x256xf32, #tpu.memory_space<vmem>>, vector<1x256xf32>
    %add3A_46 = vector.broadcast %get3A_45 : vector<1x256xf32> to vector<1024x256xf32>
    %add3A_47 = arith.addf %dot_general3A_42, %add3A_46 : vector<1024x256xf32>
    %dot_general3A_48 = arith.constant dense<0.000000e+00> : vector<1024x256xf32>
    %dot_general3A_49 = tpu.matmul %convert_element_type3A_10, %add3A_27, %dot_general3A_48 {dimension_numbers = #tpu.dot_dimension_numbers<[1], [0], [0], [1], [0, 0, 1, 1], [], []>, precision = #tpu.contract_precision<fp32>, transpose_lhs_hint = false} : vector<1024x32xf32>, vector<32x256xf32>, vector<1024x256xf32> -> vector<1024x256xf32>
    %add3A_50 = arith.addf %add3A_47, %dot_general3A_49 : vector<1024x256xf32>
    %get3A_51 = arith.constant 0 : index
    %get3A_52 = arith.constant 0 : index
    %get3A_53 = vector.load %arg11[%get3A_51, %get3A_52] : memref<256x256xf32, #tpu.memory_space<vmem>>, vector<256x256xf32>
    %dot_general3A_54 = arith.constant dense<0.000000e+00> : vector<1024x256xf32>
    %dot_general3A_55 = tpu.matmul %add3A_50, %get3A_53, %dot_general3A_54 {dimension_numbers = #tpu.dot_dimension_numbers<[1], [0], [0], [1], [0, 0, 1, 1], [], []>, precision = #tpu.contract_precision<fp32>, transpose_lhs_hint = false} : vector<1024x256xf32>, vector<256x256xf32>, vector<1024x256xf32> -> vector<1024x256xf32>
    %get3A_56 = arith.constant 0 : index
    %get3A_57 = arith.constant 0 : index
    %get3A_58 = vector.load %arg12[%get3A_56, %get3A_57] : memref<1x256xf32, #tpu.memory_space<vmem>>, vector<1x256xf32>
    %add3A_59 = vector.broadcast %get3A_58 : vector<1x256xf32> to vector<1024x256xf32>
    %add3A_60 = arith.addf %dot_general3A_55, %add3A_59 : vector<1024x256xf32>
    %get3A_61 = arith.constant 0 : index
    %get3A_62 = arith.constant 0 : index
    %get3A_63 = vector.load %arg2[%get3A_61, %get3A_62] : memref<1024x8xf32, #tpu.memory_space<vmem>>, vector<1024x8xf32>
    %dot_general3A_64 = arith.constant dense<0.000000e+00> : vector<32x8xf32>
    %dot_general3A_65 = tpu.matmul %convert_element_type3A_19, %get3A_63, %dot_general3A_64 {dimension_numbers = #tpu.dot_dimension_numbers<[1], [0], [0], [1], [0, 0, 1, 1], [], []>, precision = #tpu.contract_precision<fp32>, transpose_lhs_hint = false} : vector<32x1024xf32>, vector<1024x8xf32>, vector<32x8xf32> -> vector<32x8xf32>
    %reduce_sum3A = arith.constant dense<0.000000e+00> : vector<32xf32>
    %reduce_sum3A_66 = vector.multi_reduction <add>, %convert_element_type3A_19, %reduce_sum3A [1] : vector<32x1024xf32> to vector<32xf32>
    %broadcast_in_dim3A = vector.shape_cast %reduce_sum3A_66 : vector<32xf32> to vector<32x1xf32>
    %max3A = arith.constant 1.000000e+00 : f32
    %max3A_67 = vector.broadcast %max3A : f32 to vector<32x1xf32>
    %max3A_68 = arith.maximumf %broadcast_in_dim3A, %max3A_67 : vector<32x1xf32>
    %div3A = vector.broadcast %max3A_68 : vector<32x1xf32> to vector<32x8xf32>
    %div3A_69 = arith.divf %dot_general3A_65, %div3A : vector<32x8xf32>
    %dot_general3A_70 = arith.constant dense<0.000000e+00> : vector<1024x8xf32>
    %dot_general3A_71 = tpu.matmul %convert_element_type3A_10, %div3A_69, %dot_general3A_70 {dimension_numbers = #tpu.dot_dimension_numbers<[1], [0], [0], [1], [0, 0, 1, 1], [], []>, precision = #tpu.contract_precision<fp32>, transpose_lhs_hint = false} : vector<1024x32xf32>, vector<32x8xf32>, vector<1024x8xf32> -> vector<1024x8xf32>
    %sub3A = arith.subf %get3A_63, %dot_general3A_71 : vector<1024x8xf32>
    %swap3A = arith.constant 0 : index
    %swap3A_72 = arith.constant 0 : index
    %swap3A_73 = vector.load %arg19[%swap3A, %swap3A_72] : memref<1024x256xf32, #tpu.memory_space<vmem>>, vector<1024x256xf32>
    tpu.vector_store %arg19[%swap3A, %swap3A_72], %add3A_60 {strides = array<i32>} : memref<1024x256xf32, #tpu.memory_space<vmem>>, vector<1024x256xf32>,
    %swap3A_74 = arith.constant 0 : index
    %swap3A_75 = arith.constant 0 : index
    %swap3A_76 = vector.load %arg20[%swap3A_74, %swap3A_75] : memref<1024x8xf32, #tpu.memory_space<vmem>>, vector<1024x8xf32>
    tpu.vector_store %arg20[%swap3A_74, %swap3A_75], %sub3A {strides = array<i32>} : memref<1024x8xf32, #tpu.memory_space<vmem>>, vector<1024x8xf32>,
    %get3A_77 = arith.constant 0 : index
    %get3A_78 = arith.constant 0 : index
    %get3A_79 = vector.load %arg13[%get3A_77, %get3A_78] : memref<16x32xf32, #tpu.memory_space<vmem>>, vector<16x32xf32>
    %dot_general3A_80 = arith.constant dense<0.000000e+00> : vector<1024x32xf32>
    %dot_general3A_81 = tpu.matmul %get3A_1, %get3A_79, %dot_general3A_80 {dimension_numbers = #tpu.dot_dimension_numbers<[1], [0], [0], [1], [0, 0, 1, 1], [], []>, precision = #tpu.contract_precision<fp32>, transpose_lhs_hint = false} : vector<1024x16xf32>, vector<16x32xf32>, vector<1024x32xf32> -> vector<1024x32xf32>
    %get3A_82 = arith.constant 0 : index
    %get3A_83 = arith.constant 0 : index
    %get3A_84 = vector.load %arg14[%get3A_82, %get3A_83] : memref<1x32xf32, #tpu.memory_space<vmem>>, vector<1x32xf32>
    %add3A_85 = vector.broadcast %get3A_84 : vector<1x32xf32> to vector<1024x32xf32>
    %add3A_86 = arith.addf %dot_general3A_81, %add3A_85 : vector<1024x32xf32>
    %get3A_87 = arith.constant 0 : index
    %get3A_88 = arith.constant 0 : index
    %get3A_89 = vector.load %arg15[%get3A_87, %get3A_88] : memref<32x32xf32, #tpu.memory_space<vmem>>, vector<32x32xf32>
    %dot_general3A_90 = arith.constant dense<0.000000e+00> : vector<1024x32xf32>
    %dot_general3A_91 = tpu.matmul %add3A_86, %get3A_89, %dot_general3A_90 {dimension_numbers = #tpu.dot_dimension_numbers<[1], [0], [0], [1], [0, 0, 1, 1], [], []>, precision = #tpu.contract_precision<fp32>, transpose_lhs_hint = false} : vector<1024x32xf32>, vector<32x32xf32>, vector<1024x32xf32> -> vector<1024x32xf32>
    %convert_element_type3A_92 = arith.truncf %sub3A : vector<1024x8xf32> to vector<1024x8xbf16>
    %convert_element_type3A_93 = arith.extf %convert_element_type3A_92 : vector<1024x8xbf16> to vector<1024x8xf32>
    %sub3A_94 = arith.subf %sub3A, %convert_element_type3A_93 : vector<1024x8xf32>
    %convert_element_type3A_95 = arith.truncf %sub3A_94 : vector<1024x8xf32> to vector<1024x8xbf16>
    %get3A_96 = arith.constant 0 : index
    %get3A_97 = arith.constant 0 : index
    %get3A_98 = vector.load %arg15[%get3A_96, %get3A_97] : memref<32x32xf32, #tpu.memory_space<vmem>>, vector<32x32xf32>
    %dot_general3A_99 = arith.constant dense<0.000000e+00> : vector<32x32xf32>
    %dot_general3A_100 = tpu.matmul %add3A_37, %get3A_98, %dot_general3A_99 {dimension_numbers = #tpu.dot_dimension_numbers<[1], [0], [0], [1], [0, 0, 1, 1], [], []>, precision = #tpu.contract_precision<fp32>, transpose_lhs_hint = false} : vector<32x32xf32>, vector<32x32xf32>, vector<32x32xf32> -> vector<32x32xf32>
    %get3A_101 = arith.constant 0 : index
    %get3A_102 = arith.constant 0 : index
    %get3A_103 = vector.load %arg16[%get3A_101, %get3A_102] : memref<1x32xf32, #tpu.memory_space<vmem>>, vector<1x32xf32>
    %add3A_104 = vector.broadcast %get3A_103 : vector<1x32xf32> to vector<32x32xf32>
    %add3A_105 = arith.addf %dot_general3A_100, %add3A_104 : vector<32x32xf32>
    %swap3A_106 = arith.constant 0 : index
    %swap3A_107 = arith.constant 0 : index
    %swap3A_108 = vector.load %arg23[%swap3A_106, %swap3A_107] : memref<32x32xf32, #tpu.memory_space<vmem>>, vector<32x32xf32>
    tpu.vector_store %arg23[%swap3A_106, %swap3A_107], %add3A_105 {strides = array<i32>} : memref<32x32xf32, #tpu.memory_space<vmem>>, vector<32x32xf32>,
    %get3A_109 = arith.constant 0 : index
    %get3A_110 = arith.constant 0 : index
    %get3A_111 = vector.load %arg17[%get3A_109, %get3A_110] : memref<256x256xf32, #tpu.memory_space<vmem>>, vector<256x256xf32>
    %dot_general3A_112 = arith.constant dense<0.000000e+00> : vector<1024x256xf32>
    %dot_general3A_113 = tpu.matmul %add3A_60, %get3A_111, %dot_general3A_112 {dimension_numbers = #tpu.dot_dimension_numbers<[1], [0], [0], [1], [0, 0, 1, 1], [], []>, precision = #tpu.contract_precision<fp32>, transpose_lhs_hint = false} : vector<1024x256xf32>, vector<256x256xf32>, vector<1024x256xf32> -> vector<1024x256xf32>
    %convert_element_type3A_114 = arith.truncf %dot_general3A_113 : vector<1024x256xf32> to vector<1024x256xbf16>
    %get3A_115 = arith.constant 0 : index
    %get3A_116 = arith.constant 0 : index
    %get3A_117 = vector.load %arg18[%get3A_115, %get3A_116] : memref<256x256xf32, #tpu.memory_space<vmem>>, vector<256x256xf32>
    %dot_general3A_118 = arith.constant dense<0.000000e+00> : vector<1024x256xf32>
    %dot_general3A_119 = tpu.matmul %add3A_60, %get3A_117, %dot_general3A_118 {dimension_numbers = #tpu.dot_dimension_numbers<[1], [0], [0], [1], [0, 0, 1, 1], [], []>, precision = #tpu.contract_precision<fp32>, transpose_lhs_hint = false} : vector<1024x256xf32>, vector<256x256xf32>, vector<1024x256xf32> -> vector<1024x256xf32>
    %convert_element_type3A_120 = arith.truncf %dot_general3A_119 : vector<1024x256xf32> to vector<1024x256xbf16>
    %concatenate3A = tpu.concatenate %convert_element_type3A_114, %convert_element_type3A_92, %convert_element_type3A_95 in 1 : vector<1024x256xbf16>, vector<1024x8xbf16>, vector<1024x8xbf16> -> vector<1024x272xbf16>
    %swap3A_121 = arith.constant 0 : index
    %swap3A_122 = arith.constant 0 : index
    %swap3A_123 = vector.load %arg21[%swap3A_121, %swap3A_122] : memref<1024x272xbf16, #tpu.memory_space<vmem>>, vector<1024x272xbf16>
    tpu.vector_store %arg21[%swap3A_121, %swap3A_122], %concatenate3A {strides = array<i32>} : memref<1024x272xbf16, #tpu.memory_space<vmem>>, vector<1024x272xbf16>,
    %convert_element_type3A_124 = arith.truncf %dot_general3A_91 : vector<1024x32xf32> to vector<1024x32xbf16>
    %concatenate3A_125 = tpu.concatenate %convert_element_type3A_120, %convert_element_type3A_92, %convert_element_type3A_95, %convert_element_type3A_124 in 1 : vector<1024x256xbf16>, vector<1024x8xbf16>, vector<1024x8xbf16>, vector<1024x32xbf16> -> vector<1024x304xbf16>
    %swap3A_126 = arith.constant 0 : index
    %swap3A_127 = arith.constant 0 : index
    %swap3A_128 = vector.load %arg22[%swap3A_126, %swap3A_127] : memref<1024x304xbf16, #tpu.memory_space<vmem>>, vector<1024x304xbf16>
    tpu.vector_store %arg22[%swap3A_126, %swap3A_127], %concatenate3A_125 {strides = array<i32>} : memref<1024x304xbf16, #tpu.memory_space<vmem>>, vector<1024x304xbf16>,
    return
  }
}

module attributes {stable_mosaic.version = 14 : i64} {
  func.func @_node_update_kernel(%arg0: memref<1024x256xf32, #tpu.memory_space<vmem>>, %arg1: memref<1024x256xf32, #tpu.memory_space<vmem>>, %arg2: memref<1024x192xf32, #tpu.memory_space<vmem>>, %arg3: memref<1024x8xf32, #tpu.memory_space<vmem>>, %arg4: memref<256x256xf32, #tpu.memory_space<vmem>>, %arg5: memref<256x256xf32, #tpu.memory_space<vmem>>, %arg6: memref<256x256xf32, #tpu.memory_space<vmem>>, %arg7: memref<1024x256xf32, #tpu.memory_space<vmem>>, %arg8: memref<1024x192xf32, #tpu.memory_space<vmem>>, %arg9: memref<1024x256xbf16, #tpu.memory_space<vmem>>, %arg10: memref<1024x256xbf16, #tpu.memory_space<vmem>>) attributes {dimension_semantics = [], scalar_prefetch = 0 : i64, scratch_operands = 0 : i64, tpu.core_type = #tpu.core_type<tc>} {
    %get3A = arith.constant 0 : index
    %get3A_0 = arith.constant 0 : index
    %get3A_1 = vector.load %arg3[%get3A, %get3A_0] : memref<1024x8xf32, #tpu.memory_space<vmem>>, vector<1024x1xf32>
    %max3A = arith.constant 1.000000e+00 : f32
    %max3A_2 = vector.broadcast %max3A : f32 to vector<1024x1xf32>
    %max3A_3 = arith.maximumf %get3A_1, %max3A_2 : vector<1024x1xf32>
    %get3A_4 = arith.constant 0 : index
    %get3A_5 = arith.constant 0 : index
    %get3A_6 = vector.load %arg0[%get3A_4, %get3A_5] : memref<1024x256xf32, #tpu.memory_space<vmem>>, vector<1024x256xf32>
    %get3A_7 = arith.constant 0 : index
    %get3A_8 = arith.constant 0 : index
    %get3A_9 = vector.load %arg1[%get3A_7, %get3A_8] : memref<1024x256xf32, #tpu.memory_space<vmem>>, vector<1024x256xf32>
    %div3A = vector.broadcast %max3A_3 : vector<1024x1xf32> to vector<1024x256xf32>
    %div3A_10 = arith.divf %get3A_9, %div3A : vector<1024x256xf32>
    %get3A_11 = arith.constant 0 : index
    %get3A_12 = arith.constant 0 : index
    %get3A_13 = vector.load %arg4[%get3A_11, %get3A_12] : memref<256x256xf32, #tpu.memory_space<vmem>>, vector<256x256xf32>
    %dot_general3A = arith.constant dense<0.000000e+00> : vector<1024x256xf32>
    %dot_general3A_14 = tpu.matmul %div3A_10, %get3A_13, %dot_general3A {dimension_numbers = #tpu.dot_dimension_numbers<[1], [0], [0], [1], [0, 0, 1, 1], [], []>, precision = #tpu.contract_precision<fp32>, transpose_lhs_hint = false} : vector<1024x256xf32>, vector<256x256xf32>, vector<1024x256xf32> -> vector<1024x256xf32>
    %add3A = arith.addf %get3A_6, %dot_general3A_14 : vector<1024x256xf32>
    %swap3A = arith.constant 0 : index
    %swap3A_15 = arith.constant 0 : index
    %swap3A_16 = vector.load %arg7[%swap3A, %swap3A_15] : memref<1024x256xf32, #tpu.memory_space<vmem>>, vector<1024x256xf32>
    tpu.vector_store %arg7[%swap3A, %swap3A_15], %add3A {strides = array<i32>} : memref<1024x256xf32, #tpu.memory_space<vmem>>, vector<1024x256xf32>,
    %get3A_17 = arith.constant 0 : index
    %get3A_18 = arith.constant 0 : index
    %get3A_19 = vector.load %arg2[%get3A_17, %get3A_18] : memref<1024x192xf32, #tpu.memory_space<vmem>>, vector<1024x192xf32>
    %div3A_20 = vector.broadcast %max3A_3 : vector<1024x1xf32> to vector<1024x192xf32>
    %div3A_21 = arith.divf %get3A_19, %div3A_20 : vector<1024x192xf32>
    %swap3A_22 = arith.constant 0 : index
    %swap3A_23 = arith.constant 0 : index
    %swap3A_24 = vector.load %arg8[%swap3A_22, %swap3A_23] : memref<1024x192xf32, #tpu.memory_space<vmem>>, vector<1024x192xf32>
    tpu.vector_store %arg8[%swap3A_22, %swap3A_23], %div3A_21 {strides = array<i32>} : memref<1024x192xf32, #tpu.memory_space<vmem>>, vector<1024x192xf32>,
    %get3A_25 = arith.constant 0 : index
    %get3A_26 = arith.constant 0 : index
    %get3A_27 = vector.load %arg5[%get3A_25, %get3A_26] : memref<256x256xf32, #tpu.memory_space<vmem>>, vector<256x256xf32>
    %dot_general3A_28 = arith.constant dense<0.000000e+00> : vector<1024x256xf32>
    %dot_general3A_29 = tpu.matmul %add3A, %get3A_27, %dot_general3A_28 {dimension_numbers = #tpu.dot_dimension_numbers<[1], [0], [0], [1], [0, 0, 1, 1], [], []>, precision = #tpu.contract_precision<fp32>, transpose_lhs_hint = false} : vector<1024x256xf32>, vector<256x256xf32>, vector<1024x256xf32> -> vector<1024x256xf32>
    %convert_element_type3A = arith.truncf %dot_general3A_29 : vector<1024x256xf32> to vector<1024x256xbf16>
    %swap3A_30 = arith.constant 0 : index
    %swap3A_31 = arith.constant 0 : index
    %swap3A_32 = vector.load %arg9[%swap3A_30, %swap3A_31] : memref<1024x256xbf16, #tpu.memory_space<vmem>>, vector<1024x256xbf16>
    tpu.vector_store %arg9[%swap3A_30, %swap3A_31], %convert_element_type3A {strides = array<i32>} : memref<1024x256xbf16, #tpu.memory_space<vmem>>, vector<1024x256xbf16>,
    %get3A_33 = arith.constant 0 : index
    %get3A_34 = arith.constant 0 : index
    %get3A_35 = vector.load %arg6[%get3A_33, %get3A_34] : memref<256x256xf32, #tpu.memory_space<vmem>>, vector<256x256xf32>
    %dot_general3A_36 = arith.constant dense<0.000000e+00> : vector<1024x256xf32>
    %dot_general3A_37 = tpu.matmul %add3A, %get3A_35, %dot_general3A_36 {dimension_numbers = #tpu.dot_dimension_numbers<[1], [0], [0], [1], [0, 0, 1, 1], [], []>, precision = #tpu.contract_precision<fp32>, transpose_lhs_hint = false} : vector<1024x256xf32>, vector<256x256xf32>, vector<1024x256xf32> -> vector<1024x256xf32>
    %convert_element_type3A_38 = arith.truncf %dot_general3A_37 : vector<1024x256xf32> to vector<1024x256xbf16>
    %swap3A_39 = arith.constant 0 : index
    %swap3A_40 = arith.constant 0 : index
    %swap3A_41 = vector.load %arg10[%swap3A_39, %swap3A_40] : memref<1024x256xbf16, #tpu.memory_space<vmem>>, vector<1024x256xbf16>
    tpu.vector_store %arg10[%swap3A_39, %swap3A_40], %convert_element_type3A_38 {strides = array<i32>} : memref<1024x256xbf16, #tpu.memory_space<vmem>>, vector<1024x256xbf16>,
    return
  }
}

module attributes {stable_mosaic.version = 14 : i64} {
  func.func @_layer_kernel(%arg0: i32, %arg1: memref<1024x1xi32, #tpu.memory_space<vmem>>, %arg2: memref<1024x1xi32, #tpu.memory_space<vmem>>, %arg3: memref<1024x32xf32, #tpu.memory_space<vmem>>, %arg4: memref<1024x8xf32, #tpu.memory_space<vmem>>, %arg5: memref<1024x256xbf16, #tpu.memory_space<vmem>>, %arg6: memref<1024x256xbf16, #tpu.memory_space<vmem>>, %arg7: memref<32x256xf32, #tpu.memory_space<vmem>>, %arg8: memref<1x256xf32, #tpu.memory_space<vmem>>, %arg9: memref<1x256xf32, #tpu.memory_space<vmem>>, %arg10: memref<256x64xf32, #tpu.memory_space<vmem>>, %arg11: memref<256x32xf32, #tpu.memory_space<vmem>>, %arg12: memref<1024x48xf32, #tpu.memory_space<vmem>>, %arg13: memref<1024x256xf32, #tpu.memory_space<vmem>>, %arg14: memref<1024x192xf32, #tpu.memory_space<vmem>>) attributes {dimension_semantics = [#tpu.dimension_semantics<arbitrary>], iteration_bounds = array<i64: 64>, scalar_prefetch = 0 : i64, scratch_operands = 0 : i64, tpu.core_type = #tpu.core_type<tc>, window_params = [{transform_indices = @transform_0, window_bounds = array<i64: 1024, 1>}, {transform_indices = @transform_1, window_bounds = array<i64: 1024, 1>}, {transform_indices = @transform_2, window_bounds = array<i64: 1024, 32>}, {transform_indices = @transform_3, window_bounds = array<i64: 1024, 8>}, {pipeline_mode = #tpu.pipeline_mode<synchronous>, transform_indices = @transform_4, window_bounds = array<i64: 1024, 256>}, {pipeline_mode = #tpu.pipeline_mode<synchronous>, transform_indices = @transform_5, window_bounds = array<i64: 1024, 256>}, {pipeline_mode = #tpu.pipeline_mode<synchronous>, transform_indices = @transform_6, window_bounds = array<i64: 32, 256>}, {pipeline_mode = #tpu.pipeline_mode<synchronous>, transform_indices = @transform_7, window_bounds = array<i64: 1, 256>}, {pipeline_mode = #tpu.pipeline_mode<synchronous>, transform_indices = @transform_8, window_bounds = array<i64: 1, 256>}, {pipeline_mode = #tpu.pipeline_mode<synchronous>, transform_indices = @transform_9, window_bounds = array<i64: 256, 64>}, {pipeline_mode = #tpu.pipeline_mode<synchronous>, transform_indices = @transform_10, window_bounds = array<i64: 256, 32>}, {transform_indices = @transform_11, window_bounds = array<i64: 1024, 48>}, {pipeline_mode = #tpu.pipeline_mode<synchronous>, transform_indices = @transform_12, window_bounds = array<i64: 1024, 256>}, {pipeline_mode = #tpu.pipeline_mode<synchronous>, transform_indices = @transform_13, window_bounds = array<i64: 1024, 192>}]} {
    %eq3A = arith.constant 0 : i32
    %eq3A_0 = arith.cmpi eq, %arg0, %eq3A : i32
    %convert_element_type3A = arith.extui %eq3A_0 : i1 to i32
    %cond3A = arith.constant 0 : i32
    %cond3A_1 = arith.cmpi ne, %convert_element_type3A, %cond3A : i32
    scf.if %cond3A_1 {
      %broadcast_in_dim3A_213 = arith.constant 0.000000e+00 : f32
      %broadcast_in_dim3A_214 = vector.broadcast %broadcast_in_dim3A_213 : f32 to vector<1024x256xf32>
      %swap3A_215 = arith.constant 0 : index
      %swap3A_216 = arith.constant 0 : index
      %swap3A_217 = vector.load %arg13[%swap3A_215, %swap3A_216] : memref<1024x256xf32, #tpu.memory_space<vmem>>, vector<1024x256xf32>
      tpu.vector_store %arg13[%swap3A_215, %swap3A_216], %broadcast_in_dim3A_214 {strides = array<i32>} : memref<1024x256xf32, #tpu.memory_space<vmem>>, vector<1024x256xf32>,
      %broadcast_in_dim3A_218 = arith.constant 0.000000e+00 : f32
      %broadcast_in_dim3A_219 = vector.broadcast %broadcast_in_dim3A_218 : f32 to vector<1024x192xf32>
      %swap3A_220 = arith.constant 0 : index
      %swap3A_221 = arith.constant 0 : index
      %swap3A_222 = vector.load %arg14[%swap3A_220, %swap3A_221] : memref<1024x192xf32, #tpu.memory_space<vmem>>, vector<1024x192xf32>
      tpu.vector_store %arg14[%swap3A_220, %swap3A_221], %broadcast_in_dim3A_219 {strides = array<i32>} : memref<1024x192xf32, #tpu.memory_space<vmem>>, vector<1024x192xf32>,
    } else {
    }
    %get3A = arith.constant 0 : index
    %get3A_2 = arith.constant 0 : index
    %get3A_3 = vector.load %arg5[%get3A, %get3A_2] : memref<1024x256xbf16, #tpu.memory_space<vmem>>, vector<1024x256xbf16>
    %get3A_4 = arith.constant 0 : index
    %get3A_5 = arith.constant 0 : index
    %get3A_6 = vector.load %arg6[%get3A_4, %get3A_5] : memref<1024x256xbf16, #tpu.memory_space<vmem>>, vector<1024x256xbf16>
    %get3A_7 = arith.constant 0 : index
    %get3A_8 = arith.constant 0 : index
    %get3A_9 = vector.load %arg7[%get3A_7, %get3A_8] : memref<32x256xf32, #tpu.memory_space<vmem>>, vector<32x256xf32>
    %get3A_10 = arith.constant 0 : index
    %get3A_11 = arith.constant 0 : index
    %get3A_12 = vector.load %arg8[%get3A_10, %get3A_11] : memref<1x256xf32, #tpu.memory_space<vmem>>, vector<1x256xf32>
    %get3A_13 = arith.constant 0 : index
    %get3A_14 = arith.constant 0 : index
    %get3A_15 = vector.load %arg9[%get3A_13, %get3A_14] : memref<1x256xf32, #tpu.memory_space<vmem>>, vector<1x256xf32>
    %get3A_16 = arith.constant 0 : index
    %get3A_17 = arith.constant 0 : index
    %get3A_18 = vector.load %arg10[%get3A_16, %get3A_17] : memref<256x64xf32, #tpu.memory_space<vmem>>, vector<256x64xf32>
    %get3A_19 = arith.constant 0 : index
    %get3A_20 = arith.constant 0 : index
    %get3A_21 = vector.load %arg11[%get3A_19, %get3A_20] : memref<256x32xf32, #tpu.memory_space<vmem>>, vector<256x32xf32>
    %get3A_22 = arith.constant 0 : index
    %get3A_23 = arith.constant 0 : index
    %get3A_24 = vector.load %arg1[%get3A_22, %get3A_23] : memref<1024x1xi32, #tpu.memory_space<vmem>>, vector<512x1xi32>
    %iota3A = tpu.iota {dimensions = array<i32: 1>} : vector<1x1024xi32>
    %eq3A_25 = vector.broadcast %get3A_24 : vector<512x1xi32> to vector<512x1024xi32>
    %eq3A_26 = vector.broadcast %iota3A : vector<1x1024xi32> to vector<512x1024xi32>
    %eq3A_27 = arith.cmpi eq, %eq3A_25, %eq3A_26 : vector<512x1024xi32>
    %convert_element_type3A_28 = arith.extui %eq3A_27 : vector<512x1024xi1> to vector<512x1024xi32>
    %convert_element_type3A_29 = arith.sitofp %convert_element_type3A_28 : vector<512x1024xi32> to vector<512x1024xf32>
    %convert_element_type3A_30 = arith.truncf %convert_element_type3A_29 : vector<512x1024xf32> to vector<512x1024xbf16>
    %get3A_31 = arith.constant 0 : index
    %get3A_32 = arith.constant 0 : index
    %get3A_33 = vector.load %arg2[%get3A_31, %get3A_32] : memref<1024x1xi32, #tpu.memory_space<vmem>>, vector<512x1xi32>
    %iota3A_34 = tpu.iota {dimensions = array<i32: 1>} : vector<1x1024xi32>
    %eq3A_35 = vector.broadcast %get3A_33 : vector<512x1xi32> to vector<512x1024xi32>
    %eq3A_36 = vector.broadcast %iota3A_34 : vector<1x1024xi32> to vector<512x1024xi32>
    %eq3A_37 = arith.cmpi eq, %eq3A_35, %eq3A_36 : vector<512x1024xi32>
    %convert_element_type3A_38 = arith.extui %eq3A_37 : vector<512x1024xi1> to vector<512x1024xi32>
    %convert_element_type3A_39 = arith.sitofp %convert_element_type3A_38 : vector<512x1024xi32> to vector<512x1024xf32>
    %convert_element_type3A_40 = arith.truncf %convert_element_type3A_39 : vector<512x1024xf32> to vector<512x1024xbf16>
    %get3A_41 = arith.constant 0 : index
    %get3A_42 = arith.constant 0 : index
    %get3A_43 = vector.load %arg3[%get3A_41, %get3A_42] : memref<1024x32xf32, #tpu.memory_space<vmem>>, vector<512x32xf32>
    %get3A_44 = arith.constant 0 : index
    %get3A_45 = arith.constant 0 : index
    %get3A_46 = vector.load %arg4[%get3A_44, %get3A_45] : memref<1024x8xf32, #tpu.memory_space<vmem>>, vector<512x8xf32>
    %slice3A = vector.extract_strided_slice %get3A_46 {offsets = [0, 3], sizes = [512, 1], strides = [1, 1]} : vector<512x8xf32> to vector<512x1xf32>
    %dot_general3A = arith.constant dense<0.000000e+00> : vector<512x256xf32>
    %dot_general3A_47 = tpu.matmul %convert_element_type3A_30, %get3A_3, %dot_general3A {dimension_numbers = #tpu.dot_dimension_numbers<[1], [0], [0], [1], [0, 0, 1, 1], [], []>, transpose_lhs_hint = false} : vector<512x1024xbf16>, vector<1024x256xbf16>, vector<512x256xf32> -> vector<512x256xf32>
    %dot_general3A_48 = arith.constant dense<0.000000e+00> : vector<512x256xf32>
    %dot_general3A_49 = tpu.matmul %convert_element_type3A_40, %get3A_6, %dot_general3A_48 {dimension_numbers = #tpu.dot_dimension_numbers<[1], [0], [0], [1], [0, 0, 1, 1], [], []>, transpose_lhs_hint = false} : vector<512x1024xbf16>, vector<1024x256xbf16>, vector<512x256xf32> -> vector<512x256xf32>
    %add3A = arith.addf %dot_general3A_47, %dot_general3A_49 : vector<512x256xf32>
    %dot_general3A_50 = arith.constant dense<0.000000e+00> : vector<512x256xf32>
    %dot_general3A_51 = tpu.matmul %get3A_43, %get3A_9, %dot_general3A_50 {dimension_numbers = #tpu.dot_dimension_numbers<[1], [0], [0], [1], [0, 0, 1, 1], [], []>, transpose_lhs_hint = false} : vector<512x32xf32>, vector<32x256xf32>, vector<512x256xf32> -> vector<512x256xf32>
    %add3A_52 = arith.addf %add3A, %dot_general3A_51 : vector<512x256xf32>
    %mul3A = vector.broadcast %slice3A : vector<512x1xf32> to vector<512x256xf32>
    %mul3A_53 = vector.broadcast %get3A_12 : vector<1x256xf32> to vector<512x256xf32>
    %mul3A_54 = arith.mulf %mul3A, %mul3A_53 : vector<512x256xf32>
    %add3A_55 = arith.addf %add3A_52, %mul3A_54 : vector<512x256xf32>
    %add3A_56 = vector.broadcast %get3A_15 : vector<1x256xf32> to vector<512x256xf32>
    %add3A_57 = arith.addf %add3A_55, %add3A_56 : vector<512x256xf32>
    %logistic3A = arith.negf %add3A_57 : vector<512x256xf32>
    %logistic3A_58 = math.exp %logistic3A : vector<512x256xf32>
    %logistic3A_59 = arith.constant 1.000000e+00 : f32
    %logistic3A_60 = vector.broadcast %logistic3A_59 : f32 to vector<512x256xf32>
    %logistic3A_61 = arith.addf %logistic3A_60, %logistic3A_58 : vector<512x256xf32>
    %logistic3A_62 = arith.divf %logistic3A_60, %logistic3A_61 : vector<512x256xf32>
    %mul3A_63 = arith.mulf %add3A_57, %logistic3A_62 : vector<512x256xf32>
    %get3A_64 = arith.constant 0 : index
    %get3A_65 = arith.constant 0 : index
    %get3A_66 = vector.load %arg1[%get3A_64, %get3A_65] : memref<1024x1xi32, #tpu.memory_space<vmem>>, vector<512x1xi32>
    %mul3A_67 = arith.constant 1024 : i32
    %mul3A_68 = vector.broadcast %mul3A_67 : i32 to vector<512x1xi32>
    %mul3A_69 = arith.muli %get3A_66, %mul3A_68 : vector<512x1xi32>
    %get3A_70 = arith.constant 0 : index
    %get3A_71 = arith.constant 0 : index
    %get3A_72 = vector.load %arg2[%get3A_70, %get3A_71] : memref<1024x1xi32, #tpu.memory_space<vmem>>, vector<512x1xi32>
    %add3A_73 = arith.addi %mul3A_69, %get3A_72 : vector<512x1xi32>
    %convert_element_type3A_74 = arith.sitofp %add3A_73 : vector<512x1xi32> to vector<512x1xf32>
    %dot_general3A_75 = arith.constant dense<0.000000e+00> : vector<512x32xf32>
    %dot_general3A_76 = tpu.matmul %mul3A_63, %get3A_21, %dot_general3A_75 {dimension_numbers = #tpu.dot_dimension_numbers<[1], [0], [0], [1], [0, 0, 1, 1], [], []>, transpose_lhs_hint = false} : vector<512x256xf32>, vector<256x32xf32>, vector<512x32xf32> -> vector<512x32xf32>
    %add3A_77 = arith.addf %get3A_43, %dot_general3A_76 : vector<512x32xf32>
    %broadcast_in_dim3A = arith.constant 0.000000e+00 : f32
    %broadcast_in_dim3A_78 = vector.broadcast %broadcast_in_dim3A : f32 to vector<512x15xf32>
    %concatenate3A = tpu.concatenate %add3A_77, %convert_element_type3A_74, %broadcast_in_dim3A_78 in 1 : vector<512x32xf32>, vector<512x1xf32>, vector<512x15xf32> -> vector<512x48xf32>
    %swap3A = arith.constant 0 : index
    %swap3A_79 = arith.constant 0 : index
    %swap3A_80 = vector.load %arg12[%swap3A, %swap3A_79] : memref<1024x48xf32, #tpu.memory_space<vmem>>, vector<512x48xf32>
    tpu.vector_store %arg12[%swap3A, %swap3A_79], %concatenate3A {strides = array<i32>} : memref<1024x48xf32, #tpu.memory_space<vmem>>, vector<512x48xf32>,
    %dot_general3A_81 = arith.constant dense<0.000000e+00> : vector<512x64xf32>
    %dot_general3A_82 = tpu.matmul %mul3A_63, %get3A_18, %dot_general3A_81 {dimension_numbers = #tpu.dot_dimension_numbers<[1], [0], [0], [1], [0, 0, 1, 1], [], []>, transpose_lhs_hint = false} : vector<512x256xf32>, vector<256x64xf32>, vector<512x64xf32> -> vector<512x64xf32>
    %slice3A_83 = vector.extract_strided_slice %get3A_46 {offsets = [0, 0], sizes = [512, 1], strides = [1, 1]} : vector<512x8xf32> to vector<512x1xf32>
    %mul3A_84 = vector.broadcast %slice3A_83 : vector<512x1xf32> to vector<512x64xf32>
    %mul3A_85 = arith.mulf %mul3A_84, %dot_general3A_82 : vector<512x64xf32>
    %slice3A_86 = vector.extract_strided_slice %get3A_46 {offsets = [0, 1], sizes = [512, 1], strides = [1, 1]} : vector<512x8xf32> to vector<512x1xf32>
    %mul3A_87 = vector.broadcast %slice3A_86 : vector<512x1xf32> to vector<512x64xf32>
    %mul3A_88 = arith.mulf %mul3A_87, %dot_general3A_82 : vector<512x64xf32>
    %slice3A_89 = vector.extract_strided_slice %get3A_46 {offsets = [0, 2], sizes = [512, 1], strides = [1, 1]} : vector<512x8xf32> to vector<512x1xf32>
    %mul3A_90 = vector.broadcast %slice3A_89 : vector<512x1xf32> to vector<512x64xf32>
    %mul3A_91 = arith.mulf %mul3A_90, %dot_general3A_82 : vector<512x64xf32>
    %concatenate3A_92 = tpu.concatenate %mul3A_85, %mul3A_88, %mul3A_91 in 1 : vector<512x64xf32>, vector<512x64xf32>, vector<512x64xf32> -> vector<512x192xf32>
    %get3A_93 = arith.constant 0 : index
    %get3A_94 = arith.constant 0 : index
    %get3A_95 = vector.load %arg13[%get3A_93, %get3A_94] : memref<1024x256xf32, #tpu.memory_space<vmem>>, vector<1024x256xf32>
    %convert_element_type3A_96 = arith.truncf %mul3A_63 : vector<512x256xf32> to vector<512x256xbf16>
    %dot_general3A_97 = arith.constant dense<0.000000e+00> : vector<1024x256xf32>
    %dot_general3A_98 = tpu.matmul %convert_element_type3A_40, %convert_element_type3A_96, %dot_general3A_97 {dimension_numbers = #tpu.dot_dimension_numbers<[0], [0], [1], [1], [0, 1, 1, 1], [], []>, transpose_lhs_hint = false} : vector<512x1024xbf16>, vector<512x256xbf16>, vector<1024x256xf32> -> vector<1024x256xf32>
    %add3A_99 = arith.addf %get3A_95, %dot_general3A_98 : vector<1024x256xf32>
    %swap3A_100 = arith.constant 0 : index
    %swap3A_101 = arith.constant 0 : index
    %swap3A_102 = vector.load %arg13[%swap3A_100, %swap3A_101] : memref<1024x256xf32, #tpu.memory_space<vmem>>, vector<1024x256xf32>
    tpu.vector_store %arg13[%swap3A_100, %swap3A_101], %add3A_99 {strides = array<i32>} : memref<1024x256xf32, #tpu.memory_space<vmem>>, vector<1024x256xf32>,
    %get3A_103 = arith.constant 0 : index
    %get3A_104 = arith.constant 0 : index
    %get3A_105 = vector.load %arg14[%get3A_103, %get3A_104] : memref<1024x192xf32, #tpu.memory_space<vmem>>, vector<1024x192xf32>
    %convert_element_type3A_106 = arith.truncf %concatenate3A_92 : vector<512x192xf32> to vector<512x192xbf16>
    %dot_general3A_107 = arith.constant dense<0.000000e+00> : vector<1024x192xf32>
    %dot_general3A_108 = tpu.matmul %convert_element_type3A_40, %convert_element_type3A_106, %dot_general3A_107 {dimension_numbers = #tpu.dot_dimension_numbers<[0], [0], [1], [1], [0, 1, 1, 1], [], []>, transpose_lhs_hint = false} : vector<512x1024xbf16>, vector<512x192xbf16>, vector<1024x192xf32> -> vector<1024x192xf32>
    %add3A_109 = arith.addf %get3A_105, %dot_general3A_108 : vector<1024x192xf32>
    %swap3A_110 = arith.constant 0 : index
    %swap3A_111 = arith.constant 0 : index
    %swap3A_112 = vector.load %arg14[%swap3A_110, %swap3A_111] : memref<1024x192xf32, #tpu.memory_space<vmem>>, vector<1024x192xf32>
    tpu.vector_store %arg14[%swap3A_110, %swap3A_111], %add3A_109 {strides = array<i32>} : memref<1024x192xf32, #tpu.memory_space<vmem>>, vector<1024x192xf32>,
    %get3A_113 = arith.constant 512 : index
    %get3A_114 = arith.constant 0 : index
    %get3A_115 = vector.load %arg1[%get3A_113, %get3A_114] : memref<1024x1xi32, #tpu.memory_space<vmem>>, vector<512x1xi32>
    %iota3A_116 = tpu.iota {dimensions = array<i32: 1>} : vector<1x1024xi32>
    %eq3A_117 = vector.broadcast %get3A_115 : vector<512x1xi32> to vector<512x1024xi32>
    %eq3A_118 = vector.broadcast %iota3A_116 : vector<1x1024xi32> to vector<512x1024xi32>
    %eq3A_119 = arith.cmpi eq, %eq3A_117, %eq3A_118 : vector<512x1024xi32>
    %convert_element_type3A_120 = arith.extui %eq3A_119 : vector<512x1024xi1> to vector<512x1024xi32>
    %convert_element_type3A_121 = arith.sitofp %convert_element_type3A_120 : vector<512x1024xi32> to vector<512x1024xf32>
    %convert_element_type3A_122 = arith.truncf %convert_element_type3A_121 : vector<512x1024xf32> to vector<512x1024xbf16>
    %get3A_123 = arith.constant 512 : index
    %get3A_124 = arith.constant 0 : index
    %get3A_125 = vector.load %arg2[%get3A_123, %get3A_124] : memref<1024x1xi32, #tpu.memory_space<vmem>>, vector<512x1xi32>
    %iota3A_126 = tpu.iota {dimensions = array<i32: 1>} : vector<1x1024xi32>
    %eq3A_127 = vector.broadcast %get3A_125 : vector<512x1xi32> to vector<512x1024xi32>
    %eq3A_128 = vector.broadcast %iota3A_126 : vector<1x1024xi32> to vector<512x1024xi32>
    %eq3A_129 = arith.cmpi eq, %eq3A_127, %eq3A_128 : vector<512x1024xi32>
    %convert_element_type3A_130 = arith.extui %eq3A_129 : vector<512x1024xi1> to vector<512x1024xi32>
    %convert_element_type3A_131 = arith.sitofp %convert_element_type3A_130 : vector<512x1024xi32> to vector<512x1024xf32>
    %convert_element_type3A_132 = arith.truncf %convert_element_type3A_131 : vector<512x1024xf32> to vector<512x1024xbf16>
    %get3A_133 = arith.constant 512 : index
    %get3A_134 = arith.constant 0 : index
    %get3A_135 = vector.load %arg3[%get3A_133, %get3A_134] : memref<1024x32xf32, #tpu.memory_space<vmem>>, vector<512x32xf32>
    %get3A_136 = arith.constant 512 : index
    %get3A_137 = arith.constant 0 : index
    %get3A_138 = vector.load %arg4[%get3A_136, %get3A_137] : memref<1024x8xf32, #tpu.memory_space<vmem>>, vector<512x8xf32>
    %slice3A_139 = vector.extract_strided_slice %get3A_138 {offsets = [0, 3], sizes = [512, 1], strides = [1, 1]} : vector<512x8xf32> to vector<512x1xf32>
    %dot_general3A_140 = arith.constant dense<0.000000e+00> : vector<512x256xf32>
    %dot_general3A_141 = tpu.matmul %convert_element_type3A_122, %get3A_3, %dot_general3A_140 {dimension_numbers = #tpu.dot_dimension_numbers<[1], [0], [0], [1], [0, 0, 1, 1], [], []>, transpose_lhs_hint = false} : vector<512x1024xbf16>, vector<1024x256xbf16>, vector<512x256xf32> -> vector<512x256xf32>
    %dot_general3A_142 = arith.constant dense<0.000000e+00> : vector<512x256xf32>
    %dot_general3A_143 = tpu.matmul %convert_element_type3A_132, %get3A_6, %dot_general3A_142 {dimension_numbers = #tpu.dot_dimension_numbers<[1], [0], [0], [1], [0, 0, 1, 1], [], []>, transpose_lhs_hint = false} : vector<512x1024xbf16>, vector<1024x256xbf16>, vector<512x256xf32> -> vector<512x256xf32>
    %add3A_144 = arith.addf %dot_general3A_141, %dot_general3A_143 : vector<512x256xf32>
    %dot_general3A_145 = arith.constant dense<0.000000e+00> : vector<512x256xf32>
    %dot_general3A_146 = tpu.matmul %get3A_135, %get3A_9, %dot_general3A_145 {dimension_numbers = #tpu.dot_dimension_numbers<[1], [0], [0], [1], [0, 0, 1, 1], [], []>, transpose_lhs_hint = false} : vector<512x32xf32>, vector<32x256xf32>, vector<512x256xf32> -> vector<512x256xf32>
    %add3A_147 = arith.addf %add3A_144, %dot_general3A_146 : vector<512x256xf32>
    %mul3A_148 = vector.broadcast %slice3A_139 : vector<512x1xf32> to vector<512x256xf32>
    %mul3A_149 = vector.broadcast %get3A_12 : vector<1x256xf32> to vector<512x256xf32>
    %mul3A_150 = arith.mulf %mul3A_148, %mul3A_149 : vector<512x256xf32>
    %add3A_151 = arith.addf %add3A_147, %mul3A_150 : vector<512x256xf32>
    %add3A_152 = vector.broadcast %get3A_15 : vector<1x256xf32> to vector<512x256xf32>
    %add3A_153 = arith.addf %add3A_151, %add3A_152 : vector<512x256xf32>
    %logistic3A_154 = arith.negf %add3A_153 : vector<512x256xf32>
    %logistic3A_155 = math.exp %logistic3A_154 : vector<512x256xf32>
    %logistic3A_156 = arith.constant 1.000000e+00 : f32
    %logistic3A_157 = vector.broadcast %logistic3A_156 : f32 to vector<512x256xf32>
    %logistic3A_158 = arith.addf %logistic3A_157, %logistic3A_155 : vector<512x256xf32>
    %logistic3A_159 = arith.divf %logistic3A_157, %logistic3A_158 : vector<512x256xf32>
    %mul3A_160 = arith.mulf %add3A_153, %logistic3A_159 : vector<512x256xf32>
    %get3A_161 = arith.constant 512 : index
    %get3A_162 = arith.constant 0 : index
    %get3A_163 = vector.load %arg1[%get3A_161, %get3A_162] : memref<1024x1xi32, #tpu.memory_space<vmem>>, vector<512x1xi32>
    %mul3A_164 = arith.constant 1024 : i32
    %mul3A_165 = vector.broadcast %mul3A_164 : i32 to vector<512x1xi32>
    %mul3A_166 = arith.muli %get3A_163, %mul3A_165 : vector<512x1xi32>
    %get3A_167 = arith.constant 512 : index
    %get3A_168 = arith.constant 0 : index
    %get3A_169 = vector.load %arg2[%get3A_167, %get3A_168] : memref<1024x1xi32, #tpu.memory_space<vmem>>, vector<512x1xi32>
    %add3A_170 = arith.addi %mul3A_166, %get3A_169 : vector<512x1xi32>
    %convert_element_type3A_171 = arith.sitofp %add3A_170 : vector<512x1xi32> to vector<512x1xf32>
    %dot_general3A_172 = arith.constant dense<0.000000e+00> : vector<512x32xf32>
    %dot_general3A_173 = tpu.matmul %mul3A_160, %get3A_21, %dot_general3A_172 {dimension_numbers = #tpu.dot_dimension_numbers<[1], [0], [0], [1], [0, 0, 1, 1], [], []>, transpose_lhs_hint = false} : vector<512x256xf32>, vector<256x32xf32>, vector<512x32xf32> -> vector<512x32xf32>
    %add3A_174 = arith.addf %get3A_135, %dot_general3A_173 : vector<512x32xf32>
    %broadcast_in_dim3A_175 = arith.constant 0.000000e+00 : f32
    %broadcast_in_dim3A_176 = vector.broadcast %broadcast_in_dim3A_175 : f32 to vector<512x15xf32>
    %concatenate3A_177 = tpu.concatenate %add3A_174, %convert_element_type3A_171, %broadcast_in_dim3A_176 in 1 : vector<512x32xf32>, vector<512x1xf32>, vector<512x15xf32> -> vector<512x48xf32>
    %swap3A_178 = arith.constant 512 : index
    %swap3A_179 = arith.constant 0 : index
    %swap3A_180 = vector.load %arg12[%swap3A_178, %swap3A_179] : memref<1024x48xf32, #tpu.memory_space<vmem>>, vector<512x48xf32>
    tpu.vector_store %arg12[%swap3A_178, %swap3A_179], %concatenate3A_177 {strides = array<i32>} : memref<1024x48xf32, #tpu.memory_space<vmem>>, vector<512x48xf32>,
    %dot_general3A_181 = arith.constant dense<0.000000e+00> : vector<512x64xf32>
    %dot_general3A_182 = tpu.matmul %mul3A_160, %get3A_18, %dot_general3A_181 {dimension_numbers = #tpu.dot_dimension_numbers<[1], [0], [0], [1], [0, 0, 1, 1], [], []>, transpose_lhs_hint = false} : vector<512x256xf32>, vector<256x64xf32>, vector<512x64xf32> -> vector<512x64xf32>
    %slice3A_183 = vector.extract_strided_slice %get3A_138 {offsets = [0, 0], sizes = [512, 1], strides = [1, 1]} : vector<512x8xf32> to vector<512x1xf32>
    %mul3A_184 = vector.broadcast %slice3A_183 : vector<512x1xf32> to vector<512x64xf32>
    %mul3A_185 = arith.mulf %mul3A_184, %dot_general3A_182 : vector<512x64xf32>
    %slice3A_186 = vector.extract_strided_slice %get3A_138 {offsets = [0, 1], sizes = [512, 1], strides = [1, 1]} : vector<512x8xf32> to vector<512x1xf32>
    %mul3A_187 = vector.broadcast %slice3A_186 : vector<512x1xf32> to vector<512x64xf32>
    %mul3A_188 = arith.mulf %mul3A_187, %dot_general3A_182 : vector<512x64xf32>
    %slice3A_189 = vector.extract_strided_slice %get3A_138 {offsets = [0, 2], sizes = [512, 1], strides = [1, 1]} : vector<512x8xf32> to vector<512x1xf32>
    %mul3A_190 = vector.broadcast %slice3A_189 : vector<512x1xf32> to vector<512x64xf32>
    %mul3A_191 = arith.mulf %mul3A_190, %dot_general3A_182 : vector<512x64xf32>
    %concatenate3A_192 = tpu.concatenate %mul3A_185, %mul3A_188, %mul3A_191 in 1 : vector<512x64xf32>, vector<512x64xf32>, vector<512x64xf32> -> vector<512x192xf32>
    %get3A_193 = arith.constant 0 : index
    %get3A_194 = arith.constant 0 : index
    %get3A_195 = vector.load %arg13[%get3A_193, %get3A_194] : memref<1024x256xf32, #tpu.memory_space<vmem>>, vector<1024x256xf32>
    %convert_element_type3A_196 = arith.truncf %mul3A_160 : vector<512x256xf32> to vector<512x256xbf16>
    %dot_general3A_197 = arith.constant dense<0.000000e+00> : vector<1024x256xf32>
    %dot_general3A_198 = tpu.matmul %convert_element_type3A_132, %convert_element_type3A_196, %dot_general3A_197 {dimension_numbers = #tpu.dot_dimension_numbers<[0], [0], [1], [1], [0, 1, 1, 1], [], []>, transpose_lhs_hint = false} : vector<512x1024xbf16>, vector<512x256xbf16>, vector<1024x256xf32> -> vector<1024x256xf32>
    %add3A_199 = arith.addf %get3A_195, %dot_general3A_198 : vector<1024x256xf32>
    %swap3A_200 = arith.constant 0 : index
    %swap3A_201 = arith.constant 0 : index
    %swap3A_202 = vector.load %arg13[%swap3A_200, %swap3A_201] : memref<1024x256xf32, #tpu.memory_space<vmem>>, vector<1024x256xf32>
    tpu.vector_store %arg13[%swap3A_200, %swap3A_201], %add3A_199 {strides = array<i32>} : memref<1024x256xf32, #tpu.memory_space<vmem>>, vector<1024x256xf32>,
    %get3A_203 = arith.constant 0 : index
    %get3A_204 = arith.constant 0 : index
    %get3A_205 = vector.load %arg14[%get3A_203, %get3A_204] : memref<1024x192xf32, #tpu.memory_space<vmem>>, vector<1024x192xf32>
    %convert_element_type3A_206 = arith.truncf %concatenate3A_192 : vector<512x192xf32> to vector<512x192xbf16>
    %dot_general3A_207 = arith.constant dense<0.000000e+00> : vector<1024x192xf32>
    %dot_general3A_208 = tpu.matmul %convert_element_type3A_132, %convert_element_type3A_206, %dot_general3A_207 {dimension_numbers = #tpu.dot_dimension_numbers<[0], [0], [1], [1], [0, 1, 1, 1], [], []>, transpose_lhs_hint = false} : vector<512x1024xbf16>, vector<512x192xbf16>, vector<1024x192xf32> -> vector<1024x192xf32>
    %add3A_209 = arith.addf %get3A_205, %dot_general3A_208 : vector<1024x192xf32>
    %swap3A_210 = arith.constant 0 : index
    %swap3A_211 = arith.constant 0 : index
    %swap3A_212 = vector.load %arg14[%swap3A_210, %swap3A_211] : memref<1024x192xf32, #tpu.memory_space<vmem>>, vector<1024x192xf32>
    tpu.vector_store %arg14[%swap3A_210, %swap3A_211], %add3A_209 {strides = array<i32>} : memref<1024x192xf32, #tpu.memory_space<vmem>>, vector<1024x192xf32>,
    return
  }
  func.func @transform_0(%arg0: i32) -> (i32, i32) {
    %c0_i32 = arith.constant 0 : i32
    %c0_i32_0 = arith.constant 0 : i32
    return %arg0, %c0_i32 : i32, i32
  }
  func.func @transform_1(%arg0: i32) -> (i32, i32) {
    %c0_i32 = arith.constant 0 : i32
    %c0_i32_0 = arith.constant 0 : i32
    return %arg0, %c0_i32 : i32, i32
  }
  func.func @transform_2(%arg0: i32) -> (i32, i32) {
    %c0_i32 = arith.constant 0 : i32
    %c0_i32_0 = arith.constant 0 : i32
    return %arg0, %c0_i32 : i32, i32
  }
  func.func @transform_3(%arg0: i32) -> (i32, i32) {
    %c0_i32 = arith.constant 0 : i32
    %c0_i32_0 = arith.constant 0 : i32
    return %arg0, %c0_i32 : i32, i32
  }
  func.func @transform_4(%arg0: i32) -> (i32, i32) {
    %c0_i32 = arith.constant 0 : i32
    %c0_i32_0 = arith.constant 0 : i32
    %c0_i32_1 = arith.constant 0 : i32
    return %c0_i32, %c0_i32_0 : i32, i32
  }
  func.func @transform_5(%arg0: i32) -> (i32, i32) {
    %c0_i32 = arith.constant 0 : i32
    %c0_i32_0 = arith.constant 0 : i32
    %c0_i32_1 = arith.constant 0 : i32
    return %c0_i32, %c0_i32_0 : i32, i32
  }
  func.func @transform_6(%arg0: i32) -> (i32, i32) {
    %c0_i32 = arith.constant 0 : i32
    %c0_i32_0 = arith.constant 0 : i32
    %c0_i32_1 = arith.constant 0 : i32
    return %c0_i32, %c0_i32_0 : i32, i32
  }
  func.func @transform_7(%arg0: i32) -> (i32, i32) {
    %c0_i32 = arith.constant 0 : i32
    %c0_i32_0 = arith.constant 0 : i32
    %c0_i32_1 = arith.constant 0 : i32
    return %c0_i32, %c0_i32_0 : i32, i32
  }
  func.func @transform_8(%arg0: i32) -> (i32, i32) {
    %c0_i32 = arith.constant 0 : i32
    %c0_i32_0 = arith.constant 0 : i32
    %c0_i32_1 = arith.constant 0 : i32
    return %c0_i32, %c0_i32_0 : i32, i32
  }
  func.func @transform_9(%arg0: i32) -> (i32, i32) {
    %c0_i32 = arith.constant 0 : i32
    %c0_i32_0 = arith.constant 0 : i32
    %c0_i32_1 = arith.constant 0 : i32
    return %c0_i32, %c0_i32_0 : i32, i32
  }
  func.func @transform_10(%arg0: i32) -> (i32, i32) {
    %c0_i32 = arith.constant 0 : i32
    %c0_i32_0 = arith.constant 0 : i32
    %c0_i32_1 = arith.constant 0 : i32
    return %c0_i32, %c0_i32_0 : i32, i32
  }
  func.func @transform_11(%arg0: i32) -> (i32, i32) {
    %c0_i32 = arith.constant 0 : i32
    %c0_i32_0 = arith.constant 0 : i32
    return %arg0, %c0_i32 : i32, i32
  }
  func.func @transform_12(%arg0: i32) -> (i32, i32) {
    %c0_i32 = arith.constant 0 : i32
    %c0_i32_0 = arith.constant 0 : i32
    %c0_i32_1 = arith.constant 0 : i32
    return %c0_i32, %c0_i32_0 : i32, i32
  }
  func.func @transform_13(%arg0: i32) -> (i32, i32) {
    %c0_i32 = arith.constant 0 : i32
    %c0_i32_0 = arith.constant 0 : i32
    %c0_i32_1 = arith.constant 0 : i32
    return %c0_i32, %c0_i32_0 : i32, i32
  }
}

module attributes {stable_mosaic.version = 14 : i64} {
  func.func @_node_update_kernel(%arg0: memref<1024x256xf32, #tpu.memory_space<vmem>>, %arg1: memref<1024x256xf32, #tpu.memory_space<vmem>>, %arg2: memref<1024x192xf32, #tpu.memory_space<vmem>>, %arg3: memref<1024x8xf32, #tpu.memory_space<vmem>>, %arg4: memref<256x256xf32, #tpu.memory_space<vmem>>, %arg5: memref<256x256xf32, #tpu.memory_space<vmem>>, %arg6: memref<256x256xf32, #tpu.memory_space<vmem>>, %arg7: memref<1024x256xf32, #tpu.memory_space<vmem>>, %arg8: memref<1024x192xf32, #tpu.memory_space<vmem>>, %arg9: memref<1024x256xbf16, #tpu.memory_space<vmem>>, %arg10: memref<1024x256xbf16, #tpu.memory_space<vmem>>) attributes {dimension_semantics = [], scalar_prefetch = 0 : i64, scratch_operands = 0 : i64, tpu.core_type = #tpu.core_type<tc>} {
    %get3A = arith.constant 0 : index
    %get3A_0 = arith.constant 0 : index
    %get3A_1 = vector.load %arg3[%get3A, %get3A_0] : memref<1024x8xf32, #tpu.memory_space<vmem>>, vector<1024x1xf32>
    %max3A = arith.constant 1.000000e+00 : f32
    %max3A_2 = vector.broadcast %max3A : f32 to vector<1024x1xf32>
    %max3A_3 = arith.maximumf %get3A_1, %max3A_2 : vector<1024x1xf32>
    %get3A_4 = arith.constant 0 : index
    %get3A_5 = arith.constant 0 : index
    %get3A_6 = vector.load %arg0[%get3A_4, %get3A_5] : memref<1024x256xf32, #tpu.memory_space<vmem>>, vector<1024x256xf32>
    %get3A_7 = arith.constant 0 : index
    %get3A_8 = arith.constant 0 : index
    %get3A_9 = vector.load %arg1[%get3A_7, %get3A_8] : memref<1024x256xf32, #tpu.memory_space<vmem>>, vector<1024x256xf32>
    %div3A = vector.broadcast %max3A_3 : vector<1024x1xf32> to vector<1024x256xf32>
    %div3A_10 = arith.divf %get3A_9, %div3A : vector<1024x256xf32>
    %get3A_11 = arith.constant 0 : index
    %get3A_12 = arith.constant 0 : index
    %get3A_13 = vector.load %arg4[%get3A_11, %get3A_12] : memref<256x256xf32, #tpu.memory_space<vmem>>, vector<256x256xf32>
    %dot_general3A = arith.constant dense<0.000000e+00> : vector<1024x256xf32>
    %dot_general3A_14 = tpu.matmul %div3A_10, %get3A_13, %dot_general3A {dimension_numbers = #tpu.dot_dimension_numbers<[1], [0], [0], [1], [0, 0, 1, 1], [], []>, precision = #tpu.contract_precision<fp32>, transpose_lhs_hint = false} : vector<1024x256xf32>, vector<256x256xf32>, vector<1024x256xf32> -> vector<1024x256xf32>
    %add3A = arith.addf %get3A_6, %dot_general3A_14 : vector<1024x256xf32>
    %swap3A = arith.constant 0 : index
    %swap3A_15 = arith.constant 0 : index
    %swap3A_16 = vector.load %arg7[%swap3A, %swap3A_15] : memref<1024x256xf32, #tpu.memory_space<vmem>>, vector<1024x256xf32>
    tpu.vector_store %arg7[%swap3A, %swap3A_15], %add3A {strides = array<i32>} : memref<1024x256xf32, #tpu.memory_space<vmem>>, vector<1024x256xf32>,
    %get3A_17 = arith.constant 0 : index
    %get3A_18 = arith.constant 0 : index
    %get3A_19 = vector.load %arg2[%get3A_17, %get3A_18] : memref<1024x192xf32, #tpu.memory_space<vmem>>, vector<1024x192xf32>
    %div3A_20 = vector.broadcast %max3A_3 : vector<1024x1xf32> to vector<1024x192xf32>
    %div3A_21 = arith.divf %get3A_19, %div3A_20 : vector<1024x192xf32>
    %swap3A_22 = arith.constant 0 : index
    %swap3A_23 = arith.constant 0 : index
    %swap3A_24 = vector.load %arg8[%swap3A_22, %swap3A_23] : memref<1024x192xf32, #tpu.memory_space<vmem>>, vector<1024x192xf32>
    tpu.vector_store %arg8[%swap3A_22, %swap3A_23], %div3A_21 {strides = array<i32>} : memref<1024x192xf32, #tpu.memory_space<vmem>>, vector<1024x192xf32>,
    %get3A_25 = arith.constant 0 : index
    %get3A_26 = arith.constant 0 : index
    %get3A_27 = vector.load %arg5[%get3A_25, %get3A_26] : memref<256x256xf32, #tpu.memory_space<vmem>>, vector<256x256xf32>
    %dot_general3A_28 = arith.constant dense<0.000000e+00> : vector<1024x256xf32>
    %dot_general3A_29 = tpu.matmul %add3A, %get3A_27, %dot_general3A_28 {dimension_numbers = #tpu.dot_dimension_numbers<[1], [0], [0], [1], [0, 0, 1, 1], [], []>, precision = #tpu.contract_precision<fp32>, transpose_lhs_hint = false} : vector<1024x256xf32>, vector<256x256xf32>, vector<1024x256xf32> -> vector<1024x256xf32>
    %convert_element_type3A = arith.truncf %dot_general3A_29 : vector<1024x256xf32> to vector<1024x256xbf16>
    %swap3A_30 = arith.constant 0 : index
    %swap3A_31 = arith.constant 0 : index
    %swap3A_32 = vector.load %arg9[%swap3A_30, %swap3A_31] : memref<1024x256xbf16, #tpu.memory_space<vmem>>, vector<1024x256xbf16>
    tpu.vector_store %arg9[%swap3A_30, %swap3A_31], %convert_element_type3A {strides = array<i32>} : memref<1024x256xbf16, #tpu.memory_space<vmem>>, vector<1024x256xbf16>,
    %get3A_33 = arith.constant 0 : index
    %get3A_34 = arith.constant 0 : index
    %get3A_35 = vector.load %arg6[%get3A_33, %get3A_34] : memref<256x256xf32, #tpu.memory_space<vmem>>, vector<256x256xf32>
    %dot_general3A_36 = arith.constant dense<0.000000e+00> : vector<1024x256xf32>
    %dot_general3A_37 = tpu.matmul %add3A, %get3A_35, %dot_general3A_36 {dimension_numbers = #tpu.dot_dimension_numbers<[1], [0], [0], [1], [0, 0, 1, 1], [], []>, precision = #tpu.contract_precision<fp32>, transpose_lhs_hint = false} : vector<1024x256xf32>, vector<256x256xf32>, vector<1024x256xf32> -> vector<1024x256xf32>
    %convert_element_type3A_38 = arith.truncf %dot_general3A_37 : vector<1024x256xf32> to vector<1024x256xbf16>
    %swap3A_39 = arith.constant 0 : index
    %swap3A_40 = arith.constant 0 : index
    %swap3A_41 = vector.load %arg10[%swap3A_39, %swap3A_40] : memref<1024x256xbf16, #tpu.memory_space<vmem>>, vector<1024x256xbf16>
    tpu.vector_store %arg10[%swap3A_39, %swap3A_40], %convert_element_type3A_38 {strides = array<i32>} : memref<1024x256xbf16, #tpu.memory_space<vmem>>, vector<1024x256xbf16>,
    return
  }
}

module attributes {stable_mosaic.version = 14 : i64} {
  func.func @_final_node_kernel(%arg0: memref<1024x256xf32, #tpu.memory_space<vmem>>, %arg1: memref<1024x192xf32, #tpu.memory_space<vmem>>, %arg2: memref<1024x192xf32, #tpu.memory_space<vmem>>, %arg3: memref<1024x8xf32, #tpu.memory_space<vmem>>, %arg4: memref<1024x1xi32, #tpu.memory_space<vmem>>, %arg5: memref<1x1024xi32, #tpu.memory_space<vmem>>, %arg6: memref<256x256xf32, #tpu.memory_space<vmem>>, %arg7: memref<1x256xf32, #tpu.memory_space<vmem>>, %arg8: memref<256x256xf32, #tpu.memory_space<vmem>>, %arg9: memref<64x1xf32, #tpu.memory_space<vmem>>, %arg10: memref<32x256xf32, #tpu.memory_space<vmem>>, %arg11: memref<1x256xf32, #tpu.memory_space<vmem>>, %arg12: memref<1x256xf32, #tpu.memory_space<vmem>>, %arg13: memref<1024x256xbf16, #tpu.memory_space<vmem>>, %arg14: memref<1024x16xbf16, #tpu.memory_space<vmem>>, %arg15: memref<32x256xf32, #tpu.memory_space<vmem>>, %arg16: memref<1x256xf32, #tpu.memory_space<vmem>>) attributes {dimension_semantics = [], scalar_prefetch = 0 : i64, scratch_operands = 0 : i64, tpu.core_type = #tpu.core_type<tc>} {
    %get3A = arith.constant 0 : index
    %get3A_0 = arith.constant 0 : index
    %get3A_1 = vector.load %arg0[%get3A, %get3A_0] : memref<1024x256xf32, #tpu.memory_space<vmem>>, vector<1024x256xf32>
    %get3A_2 = arith.constant 0 : index
    %get3A_3 = arith.constant 0 : index
    %get3A_4 = vector.load %arg6[%get3A_2, %get3A_3] : memref<256x256xf32, #tpu.memory_space<vmem>>, vector<256x256xf32>
    %dot_general3A = arith.constant dense<0.000000e+00> : vector<1024x256xf32>
    %dot_general3A_5 = tpu.matmul %get3A_1, %get3A_4, %dot_general3A {dimension_numbers = #tpu.dot_dimension_numbers<[1], [0], [0], [1], [0, 0, 1, 1], [], []>, precision = #tpu.contract_precision<fp32>, transpose_lhs_hint = false} : vector<1024x256xf32>, vector<256x256xf32>, vector<1024x256xf32> -> vector<1024x256xf32>
    %get3A_6 = arith.constant 0 : index
    %get3A_7 = arith.constant 0 : index
    %get3A_8 = vector.load %arg7[%get3A_6, %get3A_7] : memref<1x256xf32, #tpu.memory_space<vmem>>, vector<1x256xf32>
    %add3A = vector.broadcast %get3A_8 : vector<1x256xf32> to vector<1024x256xf32>
    %add3A_9 = arith.addf %dot_general3A_5, %add3A : vector<1024x256xf32>
    %logistic3A = arith.negf %add3A_9 : vector<1024x256xf32>
    %logistic3A_10 = math.exp %logistic3A : vector<1024x256xf32>
    %logistic3A_11 = arith.constant 1.000000e+00 : f32
    %logistic3A_12 = vector.broadcast %logistic3A_11 : f32 to vector<1024x256xf32>
    %logistic3A_13 = arith.addf %logistic3A_12, %logistic3A_10 : vector<1024x256xf32>
    %logistic3A_14 = arith.divf %logistic3A_12, %logistic3A_13 : vector<1024x256xf32>
    %mul3A = arith.mulf %add3A_9, %logistic3A_14 : vector<1024x256xf32>
    %get3A_15 = arith.constant 0 : index
    %get3A_16 = arith.constant 0 : index
    %get3A_17 = vector.load %arg8[%get3A_15, %get3A_16] : memref<256x256xf32, #tpu.memory_space<vmem>>, vector<256x256xf32>
    %dot_general3A_18 = arith.constant dense<0.000000e+00> : vector<1024x256xf32>
    %dot_general3A_19 = tpu.matmul %mul3A, %get3A_17, %dot_general3A_18 {dimension_numbers = #tpu.dot_dimension_numbers<[1], [0], [0], [1], [0, 0, 1, 1], [], []>, precision = #tpu.contract_precision<fp32>, transpose_lhs_hint = false} : vector<1024x256xf32>, vector<256x256xf32>, vector<1024x256xf32> -> vector<1024x256xf32>
    %convert_element_type3A = arith.truncf %dot_general3A_19 : vector<1024x256xf32> to vector<1024x256xbf16>
    %swap3A = arith.constant 0 : index
    %swap3A_20 = arith.constant 0 : index
    %swap3A_21 = vector.load %arg13[%swap3A, %swap3A_20] : memref<1024x256xbf16, #tpu.memory_space<vmem>>, vector<1024x256xbf16>
    tpu.vector_store %arg13[%swap3A, %swap3A_20], %convert_element_type3A {strides = array<i32>} : memref<1024x256xbf16, #tpu.memory_space<vmem>>, vector<1024x256xbf16>,
    %get3A_22 = arith.constant 0 : index
    %get3A_23 = arith.constant 0 : index
    %get3A_24 = vector.load %arg1[%get3A_22, %get3A_23] : memref<1024x192xf32, #tpu.memory_space<vmem>>, vector<1024x192xf32>
    %get3A_25 = arith.constant 0 : index
    %get3A_26 = arith.constant 0 : index
    %get3A_27 = vector.load %arg2[%get3A_25, %get3A_26] : memref<1024x192xf32, #tpu.memory_space<vmem>>, vector<1024x192xf32>
    %add3A_28 = arith.addf %get3A_24, %get3A_27 : vector<1024x192xf32>
    %get3A_29 = arith.constant 0 : index
    %get3A_30 = arith.constant 0 : index
    %get3A_31 = vector.load %arg9[%get3A_29, %get3A_30] : memref<64x1xf32, #tpu.memory_space<vmem>>, vector<64x1xf32>
    %slice3A = vector.extract_strided_slice %add3A_28 {offsets = [0, 0], sizes = [1024, 64], strides = [1, 1]} : vector<1024x192xf32> to vector<1024x64xf32>
    %dot_general3A_32 = arith.constant dense<0.000000e+00> : vector<1024x1xf32>
    %dot_general3A_33 = tpu.matmul %slice3A, %get3A_31, %dot_general3A_32 {dimension_numbers = #tpu.dot_dimension_numbers<[1], [0], [0], [1], [0, 0, 1, 1], [], []>, precision = #tpu.contract_precision<fp32>, transpose_lhs_hint = false} : vector<1024x64xf32>, vector<64x1xf32>, vector<1024x1xf32> -> vector<1024x1xf32>
    %slice3A_34 = vector.extract_strided_slice %add3A_28 {offsets = [0, 64], sizes = [1024, 64], strides = [1, 1]} : vector<1024x192xf32> to vector<1024x64xf32>
    %dot_general3A_35 = arith.constant dense<0.000000e+00> : vector<1024x1xf32>
    %dot_general3A_36 = tpu.matmul %slice3A_34, %get3A_31, %dot_general3A_35 {dimension_numbers = #tpu.dot_dimension_numbers<[1], [0], [0], [1], [0, 0, 1, 1], [], []>, precision = #tpu.contract_precision<fp32>, transpose_lhs_hint = false} : vector<1024x64xf32>, vector<64x1xf32>, vector<1024x1xf32> -> vector<1024x1xf32>
    %slice3A_37 = vector.extract_strided_slice %add3A_28 {offsets = [0, 128], sizes = [1024, 64], strides = [1, 1]} : vector<1024x192xf32> to vector<1024x64xf32>
    %dot_general3A_38 = arith.constant dense<0.000000e+00> : vector<1024x1xf32>
    %dot_general3A_39 = tpu.matmul %slice3A_37, %get3A_31, %dot_general3A_38 {dimension_numbers = #tpu.dot_dimension_numbers<[1], [0], [0], [1], [0, 0, 1, 1], [], []>, precision = #tpu.contract_precision<fp32>, transpose_lhs_hint = false} : vector<1024x64xf32>, vector<64x1xf32>, vector<1024x1xf32> -> vector<1024x1xf32>
    %broadcast_in_dim3A = arith.constant 0.000000e+00 : f32
    %broadcast_in_dim3A_40 = vector.broadcast %broadcast_in_dim3A : f32 to vector<1024x5xf32>
    %get3A_41 = arith.constant 0 : index
    %get3A_42 = arith.constant 0 : index
    %get3A_43 = vector.load %arg3[%get3A_41, %get3A_42] : memref<1024x8xf32, #tpu.memory_space<vmem>>, vector<1024x8xf32>
    %concatenate3A = tpu.concatenate %dot_general3A_33, %dot_general3A_36, %dot_general3A_39, %broadcast_in_dim3A_40 in 1 : vector<1024x1xf32>, vector<1024x1xf32>, vector<1024x1xf32>, vector<1024x5xf32> -> vector<1024x8xf32>
    %add3A_44 = arith.addf %get3A_43, %concatenate3A : vector<1024x8xf32>
    %get3A_45 = arith.constant 0 : index
    %get3A_46 = arith.constant 0 : index
    %get3A_47 = vector.load %arg4[%get3A_45, %get3A_46] : memref<1024x1xi32, #tpu.memory_space<vmem>>, vector<1024x1xi32>
    %iota3A = tpu.iota {dimensions = array<i32: 1>} : vector<1x32xi32>
    %eq3A = vector.broadcast %get3A_47 : vector<1024x1xi32> to vector<1024x32xi32>
    %eq3A_48 = vector.broadcast %iota3A : vector<1x32xi32> to vector<1024x32xi32>
    %eq3A_49 = arith.cmpi eq, %eq3A, %eq3A_48 : vector<1024x32xi32>
    %convert_element_type3A_50 = arith.extui %eq3A_49 : vector<1024x32xi1> to vector<1024x32xi32>
    %convert_element_type3A_51 = arith.sitofp %convert_element_type3A_50 : vector<1024x32xi32> to vector<1024x32xf32>
    %iota3A_52 = tpu.iota {dimensions = array<i32: 0>} : vector<32x1xi32>
    %get3A_53 = arith.constant 0 : index
    %get3A_54 = arith.constant 0 : index
    %get3A_55 = vector.load %arg5[%get3A_53, %get3A_54] : memref<1x1024xi32, #tpu.memory_space<vmem>>, vector<1x1024xi32>
    %eq3A_56 = vector.broadcast %iota3A_52 : vector<32x1xi32> to vector<32x1024xi32>
    %eq3A_57 = vector.broadcast %get3A_55 : vector<1x1024xi32> to vector<32x1024xi32>
    %eq3A_58 = arith.cmpi eq, %eq3A_56, %eq3A_57 : vector<32x1024xi32>
    %convert_element_type3A_59 = arith.extui %eq3A_58 : vector<32x1024xi1> to vector<32x1024xi32>
    %convert_element_type3A_60 = arith.sitofp %convert_element_type3A_59 : vector<32x1024xi32> to vector<32x1024xf32>
    %dot_general3A_61 = arith.constant dense<0.000000e+00> : vector<32x8xf32>
    %dot_general3A_62 = tpu.matmul %convert_element_type3A_60, %add3A_44, %dot_general3A_61 {dimension_numbers = #tpu.dot_dimension_numbers<[1], [0], [0], [1], [0, 0, 1, 1], [], []>, precision = #tpu.contract_precision<fp32>, transpose_lhs_hint = false} : vector<32x1024xf32>, vector<1024x8xf32>, vector<32x8xf32> -> vector<32x8xf32>
    %reduce_sum3A = arith.constant dense<0.000000e+00> : vector<32xf32>
    %reduce_sum3A_63 = vector.multi_reduction <add>, %convert_element_type3A_60, %reduce_sum3A [1] : vector<32x1024xf32> to vector<32xf32>
    %broadcast_in_dim3A_64 = vector.shape_cast %reduce_sum3A_63 : vector<32xf32> to vector<32x1xf32>
    %max3A = arith.constant 1.000000e+00 : f32
    %max3A_65 = vector.broadcast %max3A : f32 to vector<32x1xf32>
    %max3A_66 = arith.maximumf %broadcast_in_dim3A_64, %max3A_65 : vector<32x1xf32>
    %div3A = vector.broadcast %max3A_66 : vector<32x1xf32> to vector<32x8xf32>
    %div3A_67 = arith.divf %dot_general3A_62, %div3A : vector<32x8xf32>
    %dot_general3A_68 = arith.constant dense<0.000000e+00> : vector<1024x8xf32>
    %dot_general3A_69 = tpu.matmul %convert_element_type3A_51, %div3A_67, %dot_general3A_68 {dimension_numbers = #tpu.dot_dimension_numbers<[1], [0], [0], [1], [0, 0, 1, 1], [], []>, precision = #tpu.contract_precision<fp32>, transpose_lhs_hint = false} : vector<1024x32xf32>, vector<32x8xf32>, vector<1024x8xf32> -> vector<1024x8xf32>
    %sub3A = arith.subf %add3A_44, %dot_general3A_69 : vector<1024x8xf32>
    %convert_element_type3A_70 = arith.truncf %sub3A : vector<1024x8xf32> to vector<1024x8xbf16>
    %convert_element_type3A_71 = arith.extf %convert_element_type3A_70 : vector<1024x8xbf16> to vector<1024x8xf32>
    %sub3A_72 = arith.subf %sub3A, %convert_element_type3A_71 : vector<1024x8xf32>
    %convert_element_type3A_73 = arith.truncf %sub3A_72 : vector<1024x8xf32> to vector<1024x8xbf16>
    %concatenate3A_74 = tpu.concatenate %convert_element_type3A_70, %convert_element_type3A_73 in 1 : vector<1024x8xbf16>, vector<1024x8xbf16> -> vector<1024x16xbf16>
    %swap3A_75 = arith.constant 0 : index
    %swap3A_76 = arith.constant 0 : index
    %swap3A_77 = vector.load %arg14[%swap3A_75, %swap3A_76] : memref<1024x16xbf16, #tpu.memory_space<vmem>>, vector<1024x16xbf16>
    tpu.vector_store %arg14[%swap3A_75, %swap3A_76], %concatenate3A_74 {strides = array<i32>} : memref<1024x16xbf16, #tpu.memory_space<vmem>>, vector<1024x16xbf16>,
    %get3A_78 = arith.constant 0 : index
    %get3A_79 = arith.constant 0 : index
    %get3A_80 = vector.load %arg10[%get3A_78, %get3A_79] : memref<32x256xf32, #tpu.memory_space<vmem>>, vector<32x256xf32>
    %get3A_81 = arith.constant 0 : index
    %get3A_82 = arith.constant 0 : index
    %get3A_83 = vector.load %arg8[%get3A_81, %get3A_82] : memref<256x256xf32, #tpu.memory_space<vmem>>, vector<256x256xf32>
    %dot_general3A_84 = arith.constant dense<0.000000e+00> : vector<32x256xf32>
    %dot_general3A_85 = tpu.matmul %get3A_80, %get3A_83, %dot_general3A_84 {dimension_numbers = #tpu.dot_dimension_numbers<[1], [0], [0], [1], [0, 0, 1, 1], [], []>, precision = #tpu.contract_precision<fp32>, transpose_lhs_hint = false} : vector<32x256xf32>, vector<256x256xf32>, vector<32x256xf32> -> vector<32x256xf32>
    %swap3A_86 = arith.constant 0 : index
    %swap3A_87 = arith.constant 0 : index
    %swap3A_88 = vector.load %arg15[%swap3A_86, %swap3A_87] : memref<32x256xf32, #tpu.memory_space<vmem>>, vector<32x256xf32>
    tpu.vector_store %arg15[%swap3A_86, %swap3A_87], %dot_general3A_85 {strides = array<i32>} : memref<32x256xf32, #tpu.memory_space<vmem>>, vector<32x256xf32>,
    %get3A_89 = arith.constant 0 : index
    %get3A_90 = arith.constant 0 : index
    %get3A_91 = vector.load %arg11[%get3A_89, %get3A_90] : memref<1x256xf32, #tpu.memory_space<vmem>>, vector<1x256xf32>
    %get3A_92 = arith.constant 0 : index
    %get3A_93 = arith.constant 0 : index
    %get3A_94 = vector.load %arg8[%get3A_92, %get3A_93] : memref<256x256xf32, #tpu.memory_space<vmem>>, vector<256x256xf32>
    %dot_general3A_95 = arith.constant dense<0.000000e+00> : vector<1x256xf32>
    %dot_general3A_96 = tpu.matmul %get3A_91, %get3A_94, %dot_general3A_95 {dimension_numbers = #tpu.dot_dimension_numbers<[1], [0], [0], [1], [0, 0, 1, 1], [], []>, precision = #tpu.contract_precision<fp32>, transpose_lhs_hint = false} : vector<1x256xf32>, vector<256x256xf32>, vector<1x256xf32> -> vector<1x256xf32>
    %get3A_97 = arith.constant 0 : index
    %get3A_98 = arith.constant 0 : index
    %get3A_99 = vector.load %arg12[%get3A_97, %get3A_98] : memref<1x256xf32, #tpu.memory_space<vmem>>, vector<1x256xf32>
    %add3A_100 = arith.addf %dot_general3A_96, %get3A_99 : vector<1x256xf32>
    %swap3A_101 = arith.constant 0 : index
    %swap3A_102 = arith.constant 0 : index
    %swap3A_103 = vector.load %arg16[%swap3A_101, %swap3A_102] : memref<1x256xf32, #tpu.memory_space<vmem>>, vector<1x256xf32>
    tpu.vector_store %arg16[%swap3A_101, %swap3A_102], %add3A_100 {strides = array<i32>} : memref<1x256xf32, #tpu.memory_space<vmem>>, vector<1x256xf32>,
    return
  }
}

module attributes {stable_mosaic.version = 14 : i64} {
  func.func @_final_edge_kernel(%arg0: i32, %arg1: memref<1024x1xi32, #tpu.memory_space<vmem>>, %arg2: memref<1024x1xi32, #tpu.memory_space<vmem>>, %arg3: memref<1024x48xf32, #tpu.memory_space<vmem>>, %arg4: memref<1024x48xf32, #tpu.memory_space<vmem>>, %arg5: memref<1024x256xbf16, #tpu.memory_space<vmem>>, %arg6: memref<1024x16xbf16, #tpu.memory_space<vmem>>, %arg7: memref<32x256xf32, #tpu.memory_space<vmem>>, %arg8: memref<1x256xf32, #tpu.memory_space<vmem>>, %arg9: memref<1x256xf32, #tpu.memory_space<vmem>>, %arg10: memref<256x8xf32, #tpu.memory_space<vmem>>, %arg11: memref<1x8xf32, #tpu.memory_space<vmem>>, %arg12: memref<1024x8xf32, #tpu.memory_space<vmem>>) attributes {dimension_semantics = [#tpu.dimension_semantics<arbitrary>], iteration_bounds = array<i64: 64>, scalar_prefetch = 0 : i64, scratch_operands = 0 : i64, tpu.core_type = #tpu.core_type<tc>, window_params = [{transform_indices = @transform_0, window_bounds = array<i64: 1024, 1>}, {transform_indices = @transform_1, window_bounds = array<i64: 1024, 1>}, {transform_indices = @transform_2, window_bounds = array<i64: 1024, 48>}, {transform_indices = @transform_3, window_bounds = array<i64: 1024, 48>}, {pipeline_mode = #tpu.pipeline_mode<synchronous>, transform_indices = @transform_4, window_bounds = array<i64: 1024, 256>}, {pipeline_mode = #tpu.pipeline_mode<synchronous>, transform_indices = @transform_5, window_bounds = array<i64: 1024, 16>}, {pipeline_mode = #tpu.pipeline_mode<synchronous>, transform_indices = @transform_6, window_bounds = array<i64: 32, 256>}, {pipeline_mode = #tpu.pipeline_mode<synchronous>, transform_indices = @transform_7, window_bounds = array<i64: 1, 256>}, {pipeline_mode = #tpu.pipeline_mode<synchronous>, transform_indices = @transform_8, window_bounds = array<i64: 1, 256>}, {pipeline_mode = #tpu.pipeline_mode<synchronous>, transform_indices = @transform_9, window_bounds = array<i64: 256, 8>}, {pipeline_mode = #tpu.pipeline_mode<synchronous>, transform_indices = @transform_10, window_bounds = array<i64: 1, 8>}, {transform_indices = @transform_11, window_bounds = array<i64: 1024, 8>}]} {
    %get3A = arith.constant 0 : index
    %get3A_0 = arith.constant 0 : index
    %get3A_1 = vector.load %arg1[%get3A, %get3A_0] : memref<1024x1xi32, #tpu.memory_space<vmem>>, vector<1024x1xi32>
    %iota3A = tpu.iota {dimensions = array<i32: 1>} : vector<1x1024xi32>
    %eq3A = vector.broadcast %get3A_1 : vector<1024x1xi32> to vector<1024x1024xi32>
    %eq3A_2 = vector.broadcast %iota3A : vector<1x1024xi32> to vector<1024x1024xi32>
    %eq3A_3 = arith.cmpi eq, %eq3A, %eq3A_2 : vector<1024x1024xi32>
    %convert_element_type3A = arith.extui %eq3A_3 : vector<1024x1024xi1> to vector<1024x1024xi32>
    %convert_element_type3A_4 = arith.sitofp %convert_element_type3A : vector<1024x1024xi32> to vector<1024x1024xf32>
    %convert_element_type3A_5 = arith.truncf %convert_element_type3A_4 : vector<1024x1024xf32> to vector<1024x1024xbf16>
    %get3A_6 = arith.constant 0 : index
    %get3A_7 = arith.constant 0 : index
    %get3A_8 = vector.load %arg2[%get3A_6, %get3A_7] : memref<1024x1xi32, #tpu.memory_space<vmem>>, vector<1024x1xi32>
    %iota3A_9 = tpu.iota {dimensions = array<i32: 1>} : vector<1x1024xi32>
    %eq3A_10 = vector.broadcast %get3A_8 : vector<1024x1xi32> to vector<1024x1024xi32>
    %eq3A_11 = vector.broadcast %iota3A_9 : vector<1x1024xi32> to vector<1024x1024xi32>
    %eq3A_12 = arith.cmpi eq, %eq3A_10, %eq3A_11 : vector<1024x1024xi32>
    %convert_element_type3A_13 = arith.extui %eq3A_12 : vector<1024x1024xi1> to vector<1024x1024xi32>
    %convert_element_type3A_14 = arith.sitofp %convert_element_type3A_13 : vector<1024x1024xi32> to vector<1024x1024xf32>
    %convert_element_type3A_15 = arith.truncf %convert_element_type3A_14 : vector<1024x1024xf32> to vector<1024x1024xbf16>
    %add3A = arith.addf %convert_element_type3A_5, %convert_element_type3A_15 : vector<1024x1024xbf16>
    %get3A_16 = arith.constant 0 : index
    %get3A_17 = arith.constant 0 : index
    %get3A_18 = vector.load %arg5[%get3A_16, %get3A_17] : memref<1024x256xbf16, #tpu.memory_space<vmem>>, vector<1024x256xbf16>
    %dot_general3A = arith.constant dense<0.000000e+00> : vector<1024x256xf32>
    %dot_general3A_19 = tpu.matmul %add3A, %get3A_18, %dot_general3A {dimension_numbers = #tpu.dot_dimension_numbers<[1], [0], [0], [1], [0, 0, 1, 1], [], []>, transpose_lhs_hint = false} : vector<1024x1024xbf16>, vector<1024x256xbf16>, vector<1024x256xf32> -> vector<1024x256xf32>
    %sub3A = arith.subf %convert_element_type3A_5, %convert_element_type3A_15 : vector<1024x1024xbf16>
    %get3A_20 = arith.constant 0 : index
    %get3A_21 = arith.constant 0 : index
    %get3A_22 = vector.load %arg6[%get3A_20, %get3A_21] : memref<1024x16xbf16, #tpu.memory_space<vmem>>, vector<1024x16xbf16>
    %dot_general3A_23 = arith.constant dense<0.000000e+00> : vector<1024x16xf32>
    %dot_general3A_24 = tpu.matmul %sub3A, %get3A_22, %dot_general3A_23 {dimension_numbers = #tpu.dot_dimension_numbers<[1], [0], [0], [1], [0, 0, 1, 1], [], []>, transpose_lhs_hint = false} : vector<1024x1024xbf16>, vector<1024x16xbf16>, vector<1024x16xf32> -> vector<1024x16xf32>
    %slice3A = vector.extract_strided_slice %dot_general3A_24 {offsets = [0, 0], sizes = [1024, 8], strides = [1, 1]} : vector<1024x16xf32> to vector<1024x8xf32>
    %slice3A_25 = vector.extract_strided_slice %dot_general3A_24 {offsets = [0, 8], sizes = [1024, 8], strides = [1, 1]} : vector<1024x16xf32> to vector<1024x8xf32>
    %add3A_26 = arith.addf %slice3A, %slice3A_25 : vector<1024x8xf32>
    %mul3A = arith.mulf %add3A_26, %add3A_26 : vector<1024x8xf32>
    %reduce_sum3A = arith.constant dense<0.000000e+00> : vector<1024xf32>
    %reduce_sum3A_27 = vector.multi_reduction <add>, %mul3A, %reduce_sum3A [1] : vector<1024x8xf32> to vector<1024xf32>
    %broadcast_in_dim3A = vector.shape_cast %reduce_sum3A_27 : vector<1024xf32> to vector<1024x1xf32>
    %get3A_28 = arith.constant 0 : index
    %get3A_29 = arith.constant 0 : index
    %get3A_30 = vector.load %arg1[%get3A_28, %get3A_29] : memref<1024x1xi32, #tpu.memory_space<vmem>>, vector<1024x1xi32>
    %mul3A_31 = arith.constant 1024 : i32
    %mul3A_32 = vector.broadcast %mul3A_31 : i32 to vector<1024x1xi32>
    %mul3A_33 = arith.muli %get3A_30, %mul3A_32 : vector<1024x1xi32>
    %get3A_34 = arith.constant 0 : index
    %get3A_35 = arith.constant 0 : index
    %get3A_36 = vector.load %arg2[%get3A_34, %get3A_35] : memref<1024x1xi32, #tpu.memory_space<vmem>>, vector<1024x1xi32>
    %add3A_37 = arith.addi %mul3A_33, %get3A_36 : vector<1024x1xi32>
    %convert_element_type3A_38 = arith.sitofp %add3A_37 : vector<1024x1xi32> to vector<1024x1xf32>
    %get3A_39 = arith.constant 0 : index
    %get3A_40 = arith.constant 32 : index
    %get3A_41 = vector.load %arg4[%get3A_39, %get3A_40] : memref<1024x48xf32, #tpu.memory_space<vmem>>, vector<1024x1xf32>
    %eq3A_42 = arith.cmpf oeq, %get3A_41, %convert_element_type3A_38 : vector<1024x1xf32>
    %convert_element_type3A_43 = arith.extui %eq3A_42 : vector<1024x1xi1> to vector<1024x1xi32>
    %convert_element_type3A_44 = arith.sitofp %convert_element_type3A_43 : vector<1024x1xi32> to vector<1024x1xf32>
    %get3A_45 = arith.constant 0 : index
    %get3A_46 = arith.constant 0 : index
    %get3A_47 = vector.load %arg3[%get3A_45, %get3A_46] : memref<1024x48xf32, #tpu.memory_space<vmem>>, vector<1024x32xf32>
    %get3A_48 = arith.constant 0 : index
    %get3A_49 = arith.constant 0 : index
    %get3A_50 = vector.load %arg4[%get3A_48, %get3A_49] : memref<1024x48xf32, #tpu.memory_space<vmem>>, vector<1024x32xf32>
    %mul3A_51 = vector.broadcast %convert_element_type3A_44 : vector<1024x1xf32> to vector<1024x32xf32>
    %mul3A_52 = arith.mulf %get3A_50, %mul3A_51 : vector<1024x32xf32>
    %add3A_53 = arith.addf %get3A_47, %mul3A_52 : vector<1024x32xf32>
    %mul3A_54 = arith.constant 5.000000e-01 : f32
    %mul3A_55 = vector.broadcast %mul3A_54 : f32 to vector<1024x32xf32>
    %mul3A_56 = arith.mulf %mul3A_55, %add3A_53 : vector<1024x32xf32>
    %get3A_57 = arith.constant 0 : index
    %get3A_58 = arith.constant 0 : index
    %get3A_59 = vector.load %arg7[%get3A_57, %get3A_58] : memref<32x256xf32, #tpu.memory_space<vmem>>, vector<32x256xf32>
    %dot_general3A_60 = arith.constant dense<0.000000e+00> : vector<1024x256xf32>
    %dot_general3A_61 = tpu.matmul %mul3A_56, %get3A_59, %dot_general3A_60 {dimension_numbers = #tpu.dot_dimension_numbers<[1], [0], [0], [1], [0, 0, 1, 1], [], []>, precision = #tpu.contract_precision<fp32>, transpose_lhs_hint = false} : vector<1024x32xf32>, vector<32x256xf32>, vector<1024x256xf32> -> vector<1024x256xf32>
    %add3A_62 = arith.addf %dot_general3A_19, %dot_general3A_61 : vector<1024x256xf32>
    %get3A_63 = arith.constant 0 : index
    %get3A_64 = arith.constant 0 : index
    %get3A_65 = vector.load %arg9[%get3A_63, %get3A_64] : memref<1x256xf32, #tpu.memory_space<vmem>>, vector<1x256xf32>
    %mul3A_66 = vector.broadcast %broadcast_in_dim3A : vector<1024x1xf32> to vector<1024x256xf32>
    %mul3A_67 = vector.broadcast %get3A_65 : vector<1x256xf32> to vector<1024x256xf32>
    %mul3A_68 = arith.mulf %mul3A_66, %mul3A_67 : vector<1024x256xf32>
    %add3A_69 = arith.addf %add3A_62, %mul3A_68 : vector<1024x256xf32>
    %get3A_70 = arith.constant 0 : index
    %get3A_71 = arith.constant 0 : index
    %get3A_72 = vector.load %arg8[%get3A_70, %get3A_71] : memref<1x256xf32, #tpu.memory_space<vmem>>, vector<1x256xf32>
    %add3A_73 = vector.broadcast %get3A_72 : vector<1x256xf32> to vector<1024x256xf32>
    %add3A_74 = arith.addf %add3A_69, %add3A_73 : vector<1024x256xf32>
    %logistic3A = arith.negf %add3A_74 : vector<1024x256xf32>
    %logistic3A_75 = math.exp %logistic3A : vector<1024x256xf32>
    %logistic3A_76 = arith.constant 1.000000e+00 : f32
    %logistic3A_77 = vector.broadcast %logistic3A_76 : f32 to vector<1024x256xf32>
    %logistic3A_78 = arith.addf %logistic3A_77, %logistic3A_75 : vector<1024x256xf32>
    %logistic3A_79 = arith.divf %logistic3A_77, %logistic3A_78 : vector<1024x256xf32>
    %mul3A_80 = arith.mulf %add3A_74, %logistic3A_79 : vector<1024x256xf32>
    %get3A_81 = arith.constant 0 : index
    %get3A_82 = arith.constant 0 : index
    %get3A_83 = vector.load %arg10[%get3A_81, %get3A_82] : memref<256x8xf32, #tpu.memory_space<vmem>>, vector<256x8xf32>
    %dot_general3A_84 = arith.constant dense<0.000000e+00> : vector<1024x8xf32>
    %dot_general3A_85 = tpu.matmul %mul3A_80, %get3A_83, %dot_general3A_84 {dimension_numbers = #tpu.dot_dimension_numbers<[1], [0], [0], [1], [0, 0, 1, 1], [], []>, precision = #tpu.contract_precision<fp32>, transpose_lhs_hint = false} : vector<1024x256xf32>, vector<256x8xf32>, vector<1024x8xf32> -> vector<1024x8xf32>
    %get3A_86 = arith.constant 0 : index
    %get3A_87 = arith.constant 0 : index
    %get3A_88 = vector.load %arg11[%get3A_86, %get3A_87] : memref<1x8xf32, #tpu.memory_space<vmem>>, vector<1x8xf32>
    %add3A_89 = vector.broadcast %get3A_88 : vector<1x8xf32> to vector<1024x8xf32>
    %add3A_90 = arith.addf %dot_general3A_85, %add3A_89 : vector<1024x8xf32>
    %swap3A = arith.constant 0 : index
    %swap3A_91 = arith.constant 0 : index
    %swap3A_92 = vector.load %arg12[%swap3A, %swap3A_91] : memref<1024x8xf32, #tpu.memory_space<vmem>>, vector<1024x8xf32>
    tpu.vector_store %arg12[%swap3A, %swap3A_91], %add3A_90 {strides = array<i32>} : memref<1024x8xf32, #tpu.memory_space<vmem>>, vector<1024x8xf32>,
    return
  }
  func.func @transform_0(%arg0: i32) -> (i32, i32) {
    %c0_i32 = arith.constant 0 : i32
    %c0_i32_0 = arith.constant 0 : i32
    return %arg0, %c0_i32 : i32, i32
  }
  func.func @transform_1(%arg0: i32) -> (i32, i32) {
    %c0_i32 = arith.constant 0 : i32
    %c0_i32_0 = arith.constant 0 : i32
    return %arg0, %c0_i32 : i32, i32
  }
  func.func @transform_2(%arg0: i32) -> (i32, i32) {
    %c0_i32 = arith.constant 0 : i32
    %c0_i32_0 = arith.constant 0 : i32
    return %arg0, %c0_i32 : i32, i32
  }
  func.func @transform_3(%arg0: i32) -> (i32, i32) {
    %c0_i32 = arith.constant 0 : i32
    %c0_i32_0 = arith.constant 0 : i32
    return %arg0, %c0_i32 : i32, i32
  }
  func.func @transform_4(%arg0: i32) -> (i32, i32) {
    %c0_i32 = arith.constant 0 : i32
    %c0_i32_0 = arith.constant 0 : i32
    %c0_i32_1 = arith.constant 0 : i32
    return %c0_i32, %c0_i32_0 : i32, i32
  }
  func.func @transform_5(%arg0: i32) -> (i32, i32) {
    %c0_i32 = arith.constant 0 : i32
    %c0_i32_0 = arith.constant 0 : i32
    %c0_i32_1 = arith.constant 0 : i32
    return %c0_i32, %c0_i32_0 : i32, i32
  }
  func.func @transform_6(%arg0: i32) -> (i32, i32) {
    %c0_i32 = arith.constant 0 : i32
    %c0_i32_0 = arith.constant 0 : i32
    %c0_i32_1 = arith.constant 0 : i32
    return %c0_i32, %c0_i32_0 : i32, i32
  }
  func.func @transform_7(%arg0: i32) -> (i32, i32) {
    %c0_i32 = arith.constant 0 : i32
    %c0_i32_0 = arith.constant 0 : i32
    %c0_i32_1 = arith.constant 0 : i32
    return %c0_i32, %c0_i32_0 : i32, i32
  }
  func.func @transform_8(%arg0: i32) -> (i32, i32) {
    %c0_i32 = arith.constant 0 : i32
    %c0_i32_0 = arith.constant 0 : i32
    %c0_i32_1 = arith.constant 0 : i32
    return %c0_i32, %c0_i32_0 : i32, i32
  }
  func.func @transform_9(%arg0: i32) -> (i32, i32) {
    %c0_i32 = arith.constant 0 : i32
    %c0_i32_0 = arith.constant 0 : i32
    %c0_i32_1 = arith.constant 0 : i32
    return %c0_i32, %c0_i32_0 : i32, i32
  }
  func.func @transform_10(%arg0: i32) -> (i32, i32) {
    %c0_i32 = arith.constant 0 : i32
    %c0_i32_0 = arith.constant 0 : i32
    %c0_i32_1 = arith.constant 0 : i32
    return %c0_i32, %c0_i32_0 : i32, i32
  }
  func.func @transform_11(%arg0: i32) -> (i32, i32) {
    %c0_i32 = arith.constant 0 : i32
    %c0_i32_0 = arith.constant 0 : i32
    return %arg0, %c0_i32 : i32, i32
  }
}

</mosaic_0001>

<sc_bundles>
// kernel: kernel.12.cloned.1.call-start
scs
__scs_entry_jumppad:
0x0: {  	(pc) =	sbr.rel $0x88, $3  }
0x1: {  	(tag) =	ssettag $0x0;
	lr =	simm.s32 $0x1  }
0x2: {  	[smem:$0x3F7C] =	sst lr;
	_ =	strace $0xD0000000  }
0x3: {  	_ = 	snop  }
0x4: {  	_ = 	snop  }
0x5: {  	_ = 	snop  }
0x6: {  	_ = 	snop  }
0x7: {  	_ = 	snop  }
__scs_overlays_trampoline_lowered:
0x8: {  	[smem:$0x3F8B] =	sst s0  }
0x9: {  	[smem:$0x3F8C] =	sst s1  }
0xa: {  	[smem:$0x3F8D] =	sst s2  }
0xb: {  	[smem:$0x3F8E] =	sst s3  }
0xc: {  	[smem:$0x3F8F] =	sst s4  }
0xd: {  	[smem:$0x3F90] =	sst s5  }
0xe: {  	[smem:$0x3F91] =	sst s6  }
0xf: {  	[smem:$0x3F92] =	sst s7  }
0x10: {  	[smem:$0x3F93] =	sst s8  }
0x11: {  	[smem:$0x3F94] =	sst s9;
	s0 =	simm.s32 @!p0 $0x0  }
0x12: {  	s1 =	sld [smem:$0x3F7A];
	s0 =	simm.s32 @p0 $0x1  }
0x13: {  	[smem:$0x3F95] =	sst s0;
	s0 =	simm.s32 @!p1 $0x0  }
0x14: {  	s2 =	sld [smem:$0x3F79];
	s0 =	simm.s32 @p1 $0x1  }
0x15: {  	[smem:$0x3F96] =	sst s0;
	s0 =	simm.s32 @!p2 $0x0  }
0x16: {  	s3 =	sld [smem:$0x3FDB];
	s0 =	simm.s32 @p2 $0x1  }
0x17: {  	s4 =	simm.s32 $0x1BF5;
	[smem:$0x3F98] =	sst s0  }
0x18: {  	s0 =	sld [smem:$0x3F7B];
	_ =	swait.ge [sflag:s4], $0x0  }
0x19: {  	s7 =	sld [smem:$0x3F7C]  }
0x1a: {  	s8 =	sadd.s32 $0xFFFFE003, lr  }
0x1b: {  	s9 =	sadd.s32 $0xFFFFFEF7, lr;
	s5 =	simm.s32 $0xFFFFFFFF;
	p2 =	slt.u32 s8, $0xFFFFF086  }
0x1c: {  	p1 =	slt.u32 s9, $0xF7A;
	s5 =	simm.s32 @!p2 $0x0  }
0x1d: {  	s5 =	simm.s32 @p1 $0x1;
	p0 =	seq.s32 s7, s2  }
0x1e: {  	s7 =	smul.u32 @!p0 $0xF7A, s2;
	p2 =	seq.s32 @!p0 s5, $0x0  }
0x1f: {  	s9 =	smul.u32 $0xF7A, s1;
	s8 =	simm.s32 @!p0 $0x1BF5;
	p2 =	por !p2, p0  }
0x20: {  	[sflag:s8] =	ssyncset.s32 @!p0 $0xFFFFF086;
	s6 =	sadd.s32 @!p0 s3, s7;
	s7 =	simm.s32 @!p0 $0x108  }
0x21: {  	s3 =	sadd.s32 s3, s9;
	s6 =	sadd.s32 @!p0 $0x88, s6;
	s7 =	simm.s32 @p2 $0x1082  }
0x22: {  	[simem:s7], [sflag:s8] =	dma.local @!p0 [hbm:s6], $0xF7A  }
0x23: {  	s9 =	sor.u32 $0xD0000000, s2;
	s6 =	simm.s32 $0x108;
	_ =	swait.ge @!p0 [sflag:s8], $0x0  }
0x24: {  	s3 =	sadd.s32 $0x88, s3;
	s6 =	simm.s32 @!p1 $0x1082;
	[sflag:s4] =	ssyncset.s32 $0xFFFFF086  }
0x25: {  	[simem:s6], [sflag:s4] =	dma.local [hbm:s3], $0xF7A  }
0x26: {  	[smem:$0x3F7C] =	sst s1;
	(tag) =	ssettag s2;
	_ =	strace s9  }
0x27: {  	s1 =	sld [smem:$0x3F8C]  }
0x28: {  	s2 =	sld [smem:$0x3F8D]  }
0x29: {  	s4 =	sld [smem:$0x3F8F]  }
0x2a: {  	p0 =	seq.s32 s5, $0x0;
	s5 =	sld [smem:$0x3F90]  }
0x2b: {  	s6 =	sld [smem:$0x3F91]  }
0x2c: {  	s7 =	sld [smem:$0x3F92]  }
0x2d: {  	s3 =	simm.s32 $0x108;
	s8 =	sld [smem:$0x3F93]  }
0x2e: {  	s3 =	simm.s32 @!p0 $0x1082;
	s9 =	sld [smem:$0x3F94]  }
0x2f: {  	lr =	sadd.s32 s0, s3;
	s0 =	sld [smem:$0x3F8B]  }
0x30: {  	s3 =	sld [smem:$0x3F8E]  }
0x31: {  	[smem:$0x3F97] =	sst s10  }
0x32: {  	s10 =	sld [smem:$0x3F95];
	_ =	sdelay $0x3  }
0x33: {  	p0 =	seq.s32 s10, $0x1;
	s10 =	sld [smem:$0x3F97];
	_ =	sdelay $0x3  }
0x34: {  	[smem:$0x3F97] =	sst s10  }
0x35: {  	s10 =	sld [smem:$0x3F96];
	_ =	sdelay $0x3  }
0x36: {  	p1 =	seq.s32 s10, $0x1;
	s10 =	sld [smem:$0x3F97];
	_ =	sdelay $0x3  }
0x37: {  	[smem:$0x3F97] =	sst s10  }
0x38: {  	s10 =	sld [smem:$0x3F98]  }
0x39: {  	_ = 	snop;
	(pc) =	sbr.ind lr, $3  }
0x3a: {  	_ = 	snop  }
0x3b: {  	_ = 	snop  }
0x3c: {  	p2 =	seq.s32 s10, $0x1;
	s10 =	sld [smem:$0x3F97]  }
0x3d: {  	_ =	shalt  }
0x3e: {  	_ =	shalt  }
0x3f: {  	_ =	shalt  }
0x40: {  	_ =	shalt  }
0x41: {  	_ =	shalt  }
0x42: {  	_ =	shalt  }
0x43: {  	_ =	shalt  }
0x44: {  	_ =	shalt  }
0x45: {  	_ =	shalt  }
0x46: {  	_ =	shalt  }
0x47: {  	_ =	shalt  }
0x48: {  	_ =	shalt  }
0x49: {  	_ =	shalt  }
0x4a: {  	_ =	shalt  }
0x4b: {  	_ =	shalt  }
0x4c: {  	_ =	shalt  }
0x4d: {  	_ =	shalt  }
0x4e: {  	_ =	shalt  }
0x4f: {  	_ =	shalt  }
0x50: {  	_ =	shalt  }
0x51: {  	_ =	shalt  }
0x52: {  	_ =	shalt  }
0x53: {  	_ =	shalt  }
0x54: {  	_ =	shalt  }
0x55: {  	_ =	shalt  }
0x56: {  	_ =	shalt  }
0x57: {  	_ =	shalt  }
0x58: {  	_ =	shalt  }
0x59: {  	_ =	shalt  }
0x5a: {  	_ =	shalt  }
0x5b: {  	_ =	shalt  }
0x5c: {  	_ =	shalt  }
0x5d: {  	_ =	shalt  }
0x5e: {  	_ =	shalt  }
0x5f: {  	_ =	shalt  }
0x60: {  	_ =	shalt  }
0x61: {  	_ =	shalt  }
0x62: {  	_ =	shalt  }
0x63: {  	_ =	shalt  }
0x64: {  	_ =	shalt  }
0x65: {  	_ =	shalt  }
0x66: {  	_ =	shalt  }
0x67: {  	_ =	shalt  }
0x68: {  	_ =	shalt  }
0x69: {  	_ =	shalt  }
0x6a: {  	_ =	shalt  }
0x6b: {  	_ =	shalt  }
0x6c: {  	_ =	shalt  }
0x6d: {  	_ =	shalt  }
0x6e: {  	_ =	shalt  }
0x6f: {  	_ =	shalt  }
0x70: {  	_ =	shalt  }
0x71: {  	_ =	shalt  }
0x72: {  	_ =	shalt  }
0x73: {  	_ =	shalt  }
0x74: {  	_ =	shalt  }
0x75: {  	_ =	shalt  }
0x76: {  	_ =	shalt  }
0x77: {  	_ =	shalt  }
0x78: {  	_ =	shalt  }
0x79: {  	_ =	shalt  }
0x7a: {  	_ =	shalt  }
0x7b: {  	_ =	shalt  }
0x7c: {  	_ =	shalt  }
0x7d: {  	_ =	shalt  }
0x7e: {  	_ =	shalt  }
0x7f: {  	_ =	shalt  }
0x80: {  	_ =	shalt  }
0x81: {  	_ =	shalt  }
0x82: {  	_ =	shalt  }
0x83: {  	_ =	shalt  }
0x84: {  	_ =	shalt  }
0x85: {  	_ =	shalt  }
0x86: {  	_ =	shalt  }
0x87: {  	_ =	shalt  }
.Lfunc_end0:
.L_simem_size_0:
called_computation_lowered:
.L_overlay_start_0:
0x88: {  	s2 =	sld [smem:$0x3FD9]  }
0x89: {  	s3 =	sld [smem:$0x3FFE];
	_ =	sdelay $0x1  }
0x8a: {  	s1 =	srdreg.scid  }
0x8b: {  	s0 =	sand.u32 $0x1, s1  }
0x8c: {  	s16 =	sshll.u32 s0, $0xA;
	s2 =	sadd.s32 s3, s2  }
0x8d: {  	s2 =	sadd.s32 s2, s16  }
0x8e: {  	[smem:$0x3FA3] =	sst s2  }
0x8f: {  	_ = 	snop  }
0x90: {  	(tm) =	ssettm $0x1  }
0x91: {  	s17 =	sld [smem:$0x3FFB];
	_ =	sdelay $0x3  }
0x92: {  	_ =	strace s17  }
0x93: {  	s2 =	sld [smem:$0x3FFC];
	_ =	sdelay $0x3  }
0x94: {  	_ =	strace s2  }
0x95: {  	s2 =	sld [smem:$0x3FFD];
	_ =	sdelay $0x3  }
0x96: {  	_ =	strace s2  }
0x97: {  	_ =	strace $0x8FFFFFFF  }
0x98: {  	s18 =	sld [smem:$0x3FDB];
	_ =	sdelay $0x1  }
0x99: {  	s19 =	simm.s32 $_scs_section_size  }
0x9a: {  	s4 =	simm.s32 $_size__tile_overlayer_lowered;
	s5 =	simm.s32 $_tile_overlayer_lowered  }
0x9b: {  	s22 =	simm.s32 $0x1BFF;
	s21 =	sshll.u32 s5, $0x1;
	s2 =	sadd.s32 s19, s18  }
0x9c: {  	s6 =	simm.s32 $0x0;
	s20 =	sshll.u32 s4, $0x1;
	s4 =	sadd.s32 s21, s2  }
0x9d: {  	[timem:s6], [sflag:s22] =	dma.local [hbm:s4], s20  }
0x9e: {  	_ =	swait.ge [sflag:s22], s20  }
0x9f: {  	s3 =	ssub.s32 $0x0, s20;
	[sflag:s22] =	ssyncset.done $0x0  }
0xa0: {  	[sflag:s22] =	ssyncadd.s32 s3;
	_ =	sdelay $0x1  }
0xa1: {  	s23 =	simm.s32 $0x1B8B  }
0xa2: {  	_ =	swait.ge [sflag:s23], $0x1  }
0xa3: {  	[sflag:s23] =	ssyncset.done $0x0  }
0xa4: {  	s25 =	simm.s32 $0x1B8E;
	s24 =	sld [smem:$0x3FFE];
	[sflag:s23] =	ssyncadd.s32 $0xFFFFFFFF  }
0xa5: {  	s26 =	simm.s32 $execute0_lowered;
	[smem:$0x3FD2] =	sst s25  }
0xa6: {  	s4 =	sshll.u32 s26, $0x1;
	_ =	strace $0x80000046;
	[dreg:$0x1] =	wrdreg $0xFFFFFFFF  }
0xa7: {  	s28 =	simm.s32 $_size_execute0_lowered;
	s2 =	sadd.s32 s2, s4;
	[dreg:$0x0] =	wrdreg $0x0  }
0xa8: {  	s4 =	sshll.u32 s28, $0x1;
	[dreg:$0x2] =	wrdreg s2  }
0xa9: {  	[dreg:$0x3] =	wrdreg s4  }
0xaa: {  	[dreg:$0x4] =	wrdreg $0xC0  }
0xab: {  	_ =	task [dreg:s6], $0x5FFFF  }
0xac: {  	[dreg:$0x1] =	wrdreg $0xFFFFFFFF  }
0xad: {  	[dreg:$0x0] =	wrdreg $0x60  }
0xae: {  	[dreg:$0x2] =	wrdreg s24  }
0xaf: {  	[dreg:$0x3] =	wrdreg $0x9  }
0xb0: {  	_ =	task.clear_ibuf [dreg:s6], $0x4FFFF;
	_ =	strace $0x90000046  }
0xb1: {  	s29 =	simm.s32 $0x9;
	_ =	strace $0x80000048  }
0xb2: {  	_ =	swait.ge [sflag:s29], $0x1  }
0xb3: {  	[sflag:s29] =	ssyncadd.s32 $0xFFFFFFFF  }
0xb4: {  	_ =	strace $0x90000048  }
0xb5: {  	_ =	sfence  }
0xb6: {  	s30 =	sld [smem:$0x0];
	_ =	sdelay $0x2  }
0xb7: {  	s31 =	sshll.u32 s1, $0xD;
	s1 =	sshrl.u32 s1, $0x2  }
0xb8: {  	s3 =	sand.u32 $0x4000, s31;
	s1 =	sadd.s32 s1, s30  }
0xb9: {  	s0 =	sor.u32 s3, s0;
	s1 =	sshll.u32 s1, $0x11  }
0xba: {  	s0 =	sor.u32 s1, s0  }
0xbb: {  	s0 =	sadd.s32 $0x8F2B, s0  }
0xbc: {  	[sflag:s0] =	ssyncadd.remote.s32 $0x1  }
0xbd: {  	_ =	sfence.sel $0xFFFF  }
0xbe: {  	[dreg:$0x0] =	wrdreg $0xFFFFFFFF;
	(pc) =	sbr.abs _section_cstart, $3  }
0xbf: {  	[dreg:$0x1] =	wrdreg $0xFFFFFFFF  }
0xc0: {  	_ =	task.clear_ibuf [dreg:s6], $0x2FFFF;
	_ =	strace $0x9FFFFFFF  }
0xc1: {  	(tm) =	ssettm $0x7FFFFFFF  }
tec
execute0_lowered:
.L_overlay_start_1:
0x0: {  	(tag) =	ssettag $0x1  }
0x1: {  	s1 =	srdreg.scid;
	s2 =	rddreg [dreg:$0x0]  }
0x2: {  	s7 =	stileid.u32;
	s8 =	rddreg [dreg:$0x1]  }
0x3: {  	s4 =	simm.s32 $0x0;
	s20 =	simm.s32 $0x880;
	s21 =	simm.s32 $0x100  }
0x4: {  	s23 =	simm.s32 $0x900;
	s24 =	simm.s32 $0x180;
	s25 =	simm.s32 $0x980  }
0x5: {  	s16 =	simm.s32 $0x2;
	s26 =	simm.s32 $0x200;
	s9 =	simm.s32 $0x300  }
0x6: {  	s10 =	simm.s32 $0xB00;
	s11 =	simm.s32 $0x380;
	s12 =	simm.s32 $0xB80  }
0x7: {  	s13 =	simm.s32 $0x400;
	s14 =	simm.s32 $0xC00;
	s15 =	simm.s32 $0x480  }
0x8: {  	s17 =	simm.s32 $0xC80;
	p0 =	por $0x0, $0x0;
	[smem:$0x7FF] =	sst s4  }
0x9: {  	s28 =	simm.s32 $0x700;
	_ =	strace $0x80000047;
	[dreg:$0x4] =	wrdreg s20  }
0xa: {  	s29 =	simm.s32 $0xF00;
	s30 =	simm.s32 $0x780;
	[dreg:$0x5] =	wrdreg s21  }
0xb: {  	s31 =	simm.s32 $0xF80;
	s1 =	sand.u32 $0x1, s1;
	[dreg:$0x6] =	wrdreg s23  }
0xc: {  	s5 =	sshll.u32 s1, $0x8;
	s1 =	ssub.s32 $0x2, s1;
	[dreg:$0x7] =	wrdreg s24  }
0xd: {  	s3 =	sshll.u32 s7, $0x9;
	[dreg:$0x8] =	wrdreg s25;
	s22 =	sshrl.u32 s1, $0x1  }
0xe: {  	[dreg:$0x9] =	wrdreg s26;
	s20 =	simm.s32 $0xD00;
	s1 =	ssub.s32 s1, s22  }
0xf: {  	s21 =	simm.s32 $0x580;
	s23 =	simm.s32 $0x600;
	s1 =	smax.u32 s1, $0x1  }
0x10: {  	s24 =	simm.s32 $0xE00;
	s3 =	sor.u32 s5, s3;
	p1 =	sne.s32 s1, $0x1  }
.Ltmp0:
0x11: {  	s25 =	simm.s32 $0x680;
	s3 =	sadd.s32 s3, s2;
	(pc) =	sbr.rel @!p1 .LBB2_5-.Ltmp0, $4  }
0x12: {  	s26 =	simm.s32 $0xE80;
	s5 =	simm.s32 $0x80;
	s18 =	sadd.s32 $0x8600, s3  }
0x13: {  	s22 =	simm.s32 $0xD80;
	s19 =	sadd.s32 $0x6600, s3;
	[dreg:$0x2] =	wrdreg s18  }
0x14: {  	s3 =	sadd.s32 $0xA600, s2;
	s2 =	simm.s32 $0x1;
	[dreg:$0x3] =	wrdreg s19  }
0x15: {  	s19 =	simm.s32 $0x800;
	s18 =	simm.s32 $0x500;
	s0 =	sadd.s32 $0xFFFFFFFF, s1  }
0x16: {  	[dreg:$0xb] =	wrdreg s0  }
0x17: {  	s6 =	rddreg [dreg:$0x2]  }
0x18: {  	[tilespmem:s4], [sflag:$0x2] =	stream.linear.gather [hbm4b:s6+s4], $0x800, $0x38;
	[tilespmem:$0x1000] =	vst v63  }
0x19: {  	_ =	swait.ge [sflag:s16], $0x800  }
0x1a: {  	[sflag:s16] =	ssyncset.done $0x0  }
0x1b: {  	s7 =	rddreg [dreg:$0x3];
	[sflag:s16] =	ssyncadd.s32 $0xFFFFF800  }
0x1c: {  	[tilespmem:s19], [sflag:$0x2] =	stream.linear.gather [hbm4b:s7+s4], $0x800, $0x38;
	[tilespmem:$0x1000] =	vst v63  }
0x1d: {  	_ =	swait.ge [sflag:s16], $0x800  }
0x1e: {  	s8 =	rddreg [dreg:$0x5]  }
0x1f: {  	s1 =	rddreg [dreg:$0x4]  }
0x20: {  	[sflag:s16] =	ssyncset.done $0x0;
	s0 =	rddreg [dreg:$0x6]  }
0x21: {  	s6 =	rddreg [dreg:$0x8];
	[sflag:s16] =	ssyncadd.s32 $0xFFFFF800  }
0x22: {  	[hbm4b:s3+s5] =	stream.indirect.scatter [tilespmem:s19], [sflag:$0x1], $0x1, s4, s5, $0xb8;
	[tilespmem:$0x1000] =	vst v63  }
0x23: {  	[dreg:$0xa] =	wrdreg s6  }
0x24: {  	[hbm4b:s3+s5] =	stream.indirect.scatter [tilespmem:s1], [sflag:$0x1], $0x1, s5, s5, $0xb8;
	[tilespmem:$0x1000] =	vst v63  }
0x25: {  	s6 =	rddreg [dreg:$0xa]  }
0x26: {  	[hbm4b:s3+s5] =	stream.indirect.scatter [tilespmem:s0], [sflag:$0x1], $0x1, s8, s5, $0xb8;
	[tilespmem:$0x1000] =	vst v63  }
0x27: {  	s1 =	rddreg [dreg:$0x7]  }
0x28: {  	[hbm4b:s3+s5] =	stream.indirect.scatter [tilespmem:s6], [sflag:$0x1], $0x1, s1, s5, $0xb8;
	[tilespmem:$0x1000] =	vst v63  }
0x29: {  	s7 =	simm.s32 $0xA00;
	s8 =	rddreg [dreg:$0x9]  }
0x2a: {  	[hbm4b:s3+s5] =	stream.indirect.scatter [tilespmem:s7], [sflag:$0x1], $0x1, s8, s5, $0xb8;
	[tilespmem:$0x1000] =	vst v63  }
0x2b: {  	s6 =	simm.s32 $0x280;
	s7 =	simm.s32 $0xA80  }
0x2c: {  	[hbm4b:s3+s5] =	stream.indirect.scatter [tilespmem:s7], [sflag:$0x1], $0x1, s6, s5, $0xb8;
	[tilespmem:$0x1000] =	vst v63  }
0x2d: {  	_ = 	snop  }
0x2e: {  	[hbm4b:s3+s5] =	stream.indirect.scatter [tilespmem:s10], [sflag:$0x1], $0x1, s9, s5, $0xb8;
	[tilespmem:$0x1000] =	vst v63  }
0x2f: {  	_ = 	snop  }
0x30: {  	[hbm4b:s3+s5] =	stream.indirect.scatter [tilespmem:s12], [sflag:$0x1], $0x1, s11, s5, $0xb8;
	[tilespmem:$0x1000] =	vst v63  }
0x31: {  	_ = 	snop  }
0x32: {  	[hbm4b:s3+s5] =	stream.indirect.scatter [tilespmem:s14], [sflag:$0x1], $0x1, s13, s5, $0xb8;
	[tilespmem:$0x1000] =	vst v63  }
0x33: {  	_ = 	snop  }
0x34: {  	[hbm4b:s3+s5] =	stream.indirect.scatter [tilespmem:s17], [sflag:$0x1], $0x1, s15, s5, $0xb8;
	[tilespmem:$0x1000] =	vst v63  }
0x35: {  	_ = 	snop  }
0x36: {  	[hbm4b:s3+s5] =	stream.indirect.scatter [tilespmem:s20], [sflag:$0x1], $0x1, s18, s5, $0xb8;
	[tilespmem:$0x1000] =	vst v63  }
0x37: {  	_ = 	snop  }
0x38: {  	[hbm4b:s3+s5] =	stream.indirect.scatter [tilespmem:s22], [sflag:$0x1], $0x1, s21, s5, $0xb8;
	[tilespmem:$0x1000] =	vst v63  }
0x39: {  	_ = 	snop  }
0x3a: {  	[hbm4b:s3+s5] =	stream.indirect.scatter [tilespmem:s24], [sflag:$0x1], $0x1, s23, s5, $0xb8;
	[tilespmem:$0x1000] =	vst v63  }
0x3b: {  	_ = 	snop  }
0x3c: {  	[hbm4b:s3+s5] =	stream.indirect.scatter [tilespmem:s26], [sflag:$0x1], $0x1, s25, s5, $0xb8;
	[tilespmem:$0x1000] =	vst v63  }
0x3d: {  	_ = 	snop  }
0x3e: {  	[hbm4b:s3+s5] =	stream.indirect.scatter [tilespmem:s29], [sflag:$0x1], $0x1, s28, s5, $0xb8;
	[tilespmem:$0x1000] =	vst v63  }
0x3f: {  	_ = 	snop  }
0x40: {  	[hbm4b:s3+s5] =	stream.indirect.scatter [tilespmem:s31], [sflag:$0x1], $0x1, s30, s5, $0xb8;
	[tilespmem:$0x1000] =	vst v63  }
0x41: {  	_ =	swait.ge [sflag:s2], $0x80  }
0x42: {  	[sflag:s2] =	ssyncset.done $0x0  }
0x43: {  	[sflag:s2] =	ssyncadd.s32 $0xFFFFFF80  }
0x44: {  	_ =	swait.ge [sflag:s2], $0x80  }
0x45: {  	[sflag:s2] =	ssyncset.done $0x0  }
0x46: {  	[sflag:s2] =	ssyncadd.s32 $0xFFFFFF80  }
0x47: {  	_ =	swait.ge [sflag:s2], $0x80  }
0x48: {  	[sflag:s2] =	ssyncset.done $0x0  }
0x49: {  	[sflag:s2] =	ssyncadd.s32 $0xFFFFFF80  }
0x4a: {  	_ =	swait.ge [sflag:s2], $0x80  }
0x4b: {  	[sflag:s2] =	ssyncset.done $0x0  }
0x4c: {  	[sflag:s2] =	ssyncadd.s32 $0xFFFFFF80  }
0x4d: {  	_ =	swait.ge [sflag:s2], $0x80  }
0x4e: {  	[sflag:s2] =	ssyncset.done $0x0  }
0x4f: {  	[sflag:s2] =	ssyncadd.s32 $0xFFFFFF80  }
0x50: {  	_ =	swait.ge [sflag:s2], $0x80  }
0x51: {  	[sflag:s2] =	ssyncset.done $0x0  }
0x52: {  	[sflag:s2] =	ssyncadd.s32 $0xFFFFFF80  }
0x53: {  	_ =	swait.ge [sflag:s2], $0x80  }
0x54: {  	[sflag:s2] =	ssyncset.done $0x0  }
0x55: {  	[sflag:s2] =	ssyncadd.s32 $0xFFFFFF80  }
0x56: {  	_ =	swait.ge [sflag:s2], $0x80  }
0x57: {  	[sflag:s2] =	ssyncset.done $0x0  }
0x58: {  	[sflag:s2] =	ssyncadd.s32 $0xFFFFFF80  }
0x59: {  	_ =	swait.ge [sflag:s2], $0x80  }
0x5a: {  	[sflag:s2] =	ssyncset.done $0x0  }
0x5b: {  	[sflag:s2] =	ssyncadd.s32 $0xFFFFFF80  }
0x5c: {  	_ =	swait.ge [sflag:s2], $0x80  }
0x5d: {  	[sflag:s2] =	ssyncset.done $0x0  }
0x5e: {  	[sflag:s2] =	ssyncadd.s32 $0xFFFFFF80  }
0x5f: {  	_ =	swait.ge [sflag:s2], $0x80  }
0x60: {  	[sflag:s2] =	ssyncset.done $0x0  }
0x61: {  	[sflag:s2] =	ssyncadd.s32 $0xFFFFFF80  }
0x62: {  	_ =	swait.ge [sflag:s2], $0x80  }
0x63: {  	[sflag:s2] =	ssyncset.done $0x0  }
0x64: {  	[sflag:s2] =	ssyncadd.s32 $0xFFFFFF80  }
0x65: {  	_ =	swait.ge [sflag:s2], $0x80  }
0x66: {  	[sflag:s2] =	ssyncset.done $0x0  }
0x67: {  	[sflag:s2] =	ssyncadd.s32 $0xFFFFFF80  }
0x68: {  	_ =	swait.ge [sflag:s2], $0x80  }
0x69: {  	[sflag:s2] =	ssyncset.done $0x0  }
0x6a: {  	[sflag:s2] =	ssyncadd.s32 $0xFFFFFF80  }
0x6b: {  	_ =	swait.ge [sflag:s2], $0x80  }
0x6c: {  	s8 =	rddreg [dreg:$0xb]  }
0x6d: {  	p1 =	sne.s32 s8, $0x1  }
.Ltmp1:
0x6e: {  	_ = 	snop;
	(pc) =	sbr.rel @!p1 .LBB2_2-.Ltmp1, $3  }
0x6f: {  	_ =	sdelay $0x1  }
0x70: {  	[sflag:s2] =	ssyncset.done $0x0  }
0x71: {  	p0 =	por $0x1, $0x1;
	s1 =	sadd.s32 $0xFFFFFFFF, s8;
	[sflag:s2] =	ssyncadd.s32 $0xFFFFFF80  }
.LBB2_3:
0x72: {  	_ =	swait.ge [sflag:s2], $0x80  }
0x73: {  	[sflag:s2] =	ssyncset.done $0x0  }
0x74: {  	s0 =	rddreg [dreg:$0x2];
	[sflag:s2] =	ssyncadd.s32 $0xFFFFFF80  }
0x75: {  	[tilespmem:s4], [sflag:$0x2] =	stream.linear.gather [hbm4b:s0+s4], $0x800, $0x38;
	[tilespmem:$0x1000] =	vst v63  }
0x76: {  	_ =	swait.ge [sflag:s16], $0x800  }
0x77: {  	[sflag:s16] =	ssyncset.done $0x0  }
0x78: {  	s6 =	rddreg [dreg:$0x3];
	[sflag:s16] =	ssyncadd.s32 $0xFFFFF800  }
0x79: {  	[tilespmem:s19], [sflag:$0x2] =	stream.linear.gather [hbm4b:s6+s4], $0x800, $0x38;
	[tilespmem:$0x1000] =	vst v63  }
0x7a: {  	_ =	swait.ge [sflag:s16], $0x800  }
0x7b: {  	s0 =	rddreg [dreg:$0x5];
	[sflag:s16] =	ssyncset.done $0x0  }
0x7c: {  	s6 =	rddreg [dreg:$0x4];
	[sflag:s16] =	ssyncadd.s32 $0xFFFFF800  }
0x7d: {  	[hbm4b:s3+s5] =	stream.indirect.scatter [tilespmem:s19], [sflag:$0x1], $0x1, s4, s5, $0xb8;
	[tilespmem:$0x1000] =	vst v63  }
0x7e: {  	s7 =	rddreg [dreg:$0x6]  }
0x7f: {  	[hbm4b:s3+s5] =	stream.indirect.scatter [tilespmem:s6], [sflag:$0x1], $0x1, s5, s5, $0xb8;
	[tilespmem:$0x1000] =	vst v63  }
0x80: {  	s8 =	rddreg [dreg:$0x8]  }
0x81: {  	[hbm4b:s3+s5] =	stream.indirect.scatter [tilespmem:s7], [sflag:$0x1], $0x1, s0, s5, $0xb8;
	[tilespmem:$0x1000] =	vst v63  }
0x82: {  	s6 =	rddreg [dreg:$0x7]  }
0x83: {  	[hbm4b:s3+s5] =	stream.indirect.scatter [tilespmem:s8], [sflag:$0x1], $0x1, s6, s5, $0xb8;
	[tilespmem:$0x1000] =	vst v63  }
0x84: {  	s7 =	rddreg [dreg:$0x9];
	s8 =	simm.s32 $0xA00  }
0x85: {  	[hbm4b:s3+s5] =	stream.indirect.scatter [tilespmem:s8], [sflag:$0x1], $0x1, s7, s5, $0xb8;
	[tilespmem:$0x1000] =	vst v63  }
0x86: {  	s7 =	simm.s32 $0x280;
	s8 =	simm.s32 $0xA80  }
0x87: {  	[hbm4b:s3+s5] =	stream.indirect.scatter [tilespmem:s8], [sflag:$0x1], $0x1, s7, s5, $0xb8;
	[tilespmem:$0x1000] =	vst v63  }
0x88: {  	_ = 	snop  }
0x89: {  	[hbm4b:s3+s5] =	stream.indirect.scatter [tilespmem:s10], [sflag:$0x1], $0x1, s9, s5, $0xb8;
	[tilespmem:$0x1000] =	vst v63  }
0x8a: {  	_ = 	snop  }
0x8b: {  	[hbm4b:s3+s5] =	stream.indirect.scatter [tilespmem:s12], [sflag:$0x1], $0x1, s11, s5, $0xb8;
	[tilespmem:$0x1000] =	vst v63  }
0x8c: {  	_ = 	snop  }
0x8d: {  	[hbm4b:s3+s5] =	stream.indirect.scatter [tilespmem:s14], [sflag:$0x1], $0x1, s13, s5, $0xb8;
	[tilespmem:$0x1000] =	vst v63  }
0x8e: {  	_ = 	snop  }
0x8f: {  	[hbm4b:s3+s5] =	stream.indirect.scatter [tilespmem:s17], [sflag:$0x1], $0x1, s15, s5, $0xb8;
	[tilespmem:$0x1000] =	vst v63  }
0x90: {  	_ = 	snop  }
0x91: {  	[hbm4b:s3+s5] =	stream.indirect.scatter [tilespmem:s20], [sflag:$0x1], $0x1, s18, s5, $0xb8;
	[tilespmem:$0x1000] =	vst v63  }
0x92: {  	_ = 	snop  }
0x93: {  	[hbm4b:s3+s5] =	stream.indirect.scatter [tilespmem:s22], [sflag:$0x1], $0x1, s21, s5, $0xb8;
	[tilespmem:$0x1000] =	vst v63  }
0x94: {  	_ = 	snop  }
0x95: {  	[hbm4b:s3+s5] =	stream.indirect.scatter [tilespmem:s24], [sflag:$0x1], $0x1, s23, s5, $0xb8;
	[tilespmem:$0x1000] =	vst v63  }
0x96: {  	_ = 	snop  }
0x97: {  	[hbm4b:s3+s5] =	stream.indirect.scatter [tilespmem:s26], [sflag:$0x1], $0x1, s25, s5, $0xb8;
	[tilespmem:$0x1000] =	vst v63  }
0x98: {  	_ = 	snop  }
0x99: {  	[hbm4b:s3+s5] =	stream.indirect.scatter [tilespmem:s29], [sflag:$0x1], $0x1, s28, s5, $0xb8;
	[tilespmem:$0x1000] =	vst v63  }
0x9a: {  	_ = 	snop  }
0x9b: {  	[hbm4b:s3+s5] =	stream.indirect.scatter [tilespmem:s31], [sflag:$0x1], $0x1, s30, s5, $0xb8;
	[tilespmem:$0x1000] =	vst v63  }
0x9c: {  	_ =	swait.ge [sflag:s2], $0x80  }
0x9d: {  	[sflag:s2] =	ssyncset.done $0x0  }
0x9e: {  	[sflag:s2] =	ssyncadd.s32 $0xFFFFFF80  }
0x9f: {  	_ =	swait.ge [sflag:s2], $0x80  }
0xa0: {  	[sflag:s2] =	ssyncset.done $0x0  }
0xa1: {  	[sflag:s2] =	ssyncadd.s32 $0xFFFFFF80  }
0xa2: {  	_ =	swait.ge [sflag:s2], $0x80  }
0xa3: {  	[sflag:s2] =	ssyncset.done $0x0  }
0xa4: {  	[sflag:s2] =	ssyncadd.s32 $0xFFFFFF80  }
0xa5: {  	_ =	swait.ge [sflag:s2], $0x80  }
0xa6: {  	[sflag:s2] =	ssyncset.done $0x0  }
0xa7: {  	[sflag:s2] =	ssyncadd.s32 $0xFFFFFF80  }
0xa8: {  	_ =	swait.ge [sflag:s2], $0x80  }
0xa9: {  	[sflag:s2] =	ssyncset.done $0x0  }
0xaa: {  	[sflag:s2] =	ssyncadd.s32 $0xFFFFFF80  }
0xab: {  	_ =	swait.ge [sflag:s2], $0x80  }
0xac: {  	[sflag:s2] =	ssyncset.done $0x0  }
0xad: {  	[sflag:s2] =	ssyncadd.s32 $0xFFFFFF80  }
0xae: {  	_ =	swait.ge [sflag:s2], $0x80  }
0xaf: {  	[sflag:s2] =	ssyncset.done $0x0  }
0xb0: {  	[sflag:s2] =	ssyncadd.s32 $0xFFFFFF80  }
0xb1: {  	_ =	swait.ge [sflag:s2], $0x80  }
0xb2: {  	[sflag:s2] =	ssyncset.done $0x0  }
0xb3: {  	[sflag:s2] =	ssyncadd.s32 $0xFFFFFF80  }
0xb4: {  	_ =	swait.ge [sflag:s2], $0x80  }
0xb5: {  	[sflag:s2] =	ssyncset.done $0x0  }
0xb6: {  	[sflag:s2] =	ssyncadd.s32 $0xFFFFFF80  }
0xb7: {  	_ =	swait.ge [sflag:s2], $0x80  }
0xb8: {  	[sflag:s2] =	ssyncset.done $0x0  }
0xb9: {  	[sflag:s2] =	ssyncadd.s32 $0xFFFFFF80  }
0xba: {  	_ =	swait.ge [sflag:s2], $0x80  }
0xbb: {  	[sflag:s2] =	ssyncset.done $0x0  }
0xbc: {  	[sflag:s2] =	ssyncadd.s32 $0xFFFFFF80  }
0xbd: {  	_ =	swait.ge [sflag:s2], $0x80  }
0xbe: {  	[sflag:s2] =	ssyncset.done $0x0  }
0xbf: {  	[sflag:s2] =	ssyncadd.s32 $0xFFFFFF80  }
0xc0: {  	_ =	swait.ge [sflag:s2], $0x80  }
0xc1: {  	[sflag:s2] =	ssyncset.done $0x0  }
0xc2: {  	[sflag:s2] =	ssyncadd.s32 $0xFFFFFF80  }
0xc3: {  	p1 =	sne.s32 s1, $0x1;
	_ =	swait.ge [sflag:s2], $0x80  }
.Ltmp2:
0xc4: {  	[sflag:s2] =	ssyncset.done $0x0;
	(pc) =	sbr.rel @p1 .LBB2_3-.Ltmp2, $4  }
0xc5: {  	[sflag:s2] =	ssyncadd.s32 $0xFFFFFF80  }
0xc6: {  	_ =	swait.ge [sflag:s2], $0x80  }
0xc7: {  	[sflag:s2] =	ssyncset.done $0x0  }
0xc8: {  	s1 =	sadd.s32 $0xFFFFFFFF, s1;
	[sflag:s2] =	ssyncadd.s32 $0xFFFFFF80  }
0xc9: {  	s7 =	stileid.u32;
	s8 =	rddreg [dreg:$0x1]  }
.LBB2_5:
0xca: {  	_ =	swait.ge @p0 [sflag:s2], $0x80  }
0xcb: {  	[sflag:s2] =	ssyncset.done @p0 $0x0  }
0xcc: {  	s0 =	rddreg [dreg:$0x2];
	[sflag:s2] =	ssyncadd.s32 @p0 $0xFFFFFF80  }
0xcd: {  	[tilespmem:s4], [sflag:$0x2] =	stream.linear.gather [hbm4b:s0+s4], $0x800, $0x38;
	[tilespmem:$0x1000] =	vst v63  }
0xce: {  	_ =	swait.ge [sflag:s16], $0x800  }
0xcf: {  	[sflag:s16] =	ssyncset.done $0x0  }
0xd0: {  	s6 =	rddreg [dreg:$0x3];
	[sflag:s16] =	ssyncadd.s32 $0xFFFFF800  }
0xd1: {  	[tilespmem:s19], [sflag:$0x2] =	stream.linear.gather [hbm4b:s6+s4], $0x800, $0x38;
	[tilespmem:$0x1000] =	vst v63  }
0xd2: {  	_ =	swait.ge [sflag:s16], $0x800  }
0xd3: {  	[sflag:s16] =	ssyncset.done $0x0;
	s1 =	rddreg [dreg:$0x4]  }
0xd4: {  	s6 =	rddreg [dreg:$0x7];
	[sflag:s16] =	ssyncadd.s32 $0xFFFFF800  }
0xd5: {  	[hbm4b:s3+s5] =	stream.indirect.scatter [tilespmem:s19], [sflag:$0x1], $0x1, s4, s5, $0xb8;
	[tilespmem:$0x1000] =	vst v63  }
0xd6: {  	s4 =	rddreg [dreg:$0x5]  }
0xd7: {  	[hbm4b:s3+s5] =	stream.indirect.scatter [tilespmem:s1], [sflag:$0x1], $0x1, s5, s5, $0xb8;
	[tilespmem:$0x1000] =	vst v63  }
0xd8: {  	s1 =	rddreg [dreg:$0x6]  }
0xd9: {  	[hbm4b:s3+s5] =	stream.indirect.scatter [tilespmem:s1], [sflag:$0x1], $0x1, s4, s5, $0xb8;
	[tilespmem:$0x1000] =	vst v63  }
0xda: {  	s16 =	rddreg [dreg:$0x8]  }
0xdb: {  	[hbm4b:s3+s5] =	stream.indirect.scatter [tilespmem:s16], [sflag:$0x1], $0x1, s6, s5, $0xb8;
	[tilespmem:$0x1000] =	vst v63  }
0xdc: {  	s19 =	simm.s32 $0xA00;
	s1 =	rddreg [dreg:$0x9]  }
0xdd: {  	[hbm4b:s3+s5] =	stream.indirect.scatter [tilespmem:s19], [sflag:$0x1], $0x1, s1, s5, $0xb8;
	[tilespmem:$0x1000] =	vst v63  }
0xde: {  	s16 =	simm.s32 $0x280;
	s19 =	simm.s32 $0xA80  }
0xdf: {  	[hbm4b:s3+s5] =	stream.indirect.scatter [tilespmem:s19], [sflag:$0x1], $0x1, s16, s5, $0xb8;
	[tilespmem:$0x1000] =	vst v63  }
0xe0: {  	_ = 	snop  }
0xe1: {  	[hbm4b:s3+s5] =	stream.indirect.scatter [tilespmem:s10], [sflag:$0x1], $0x1, s9, s5, $0xb8;
	[tilespmem:$0x1000] =	vst v63  }
0xe2: {  	_ = 	snop  }
0xe3: {  	[hbm4b:s3+s5] =	stream.indirect.scatter [tilespmem:s12], [sflag:$0x1], $0x1, s11, s5, $0xb8;
	[tilespmem:$0x1000] =	vst v63  }
0xe4: {  	_ = 	snop  }
0xe5: {  	[hbm4b:s3+s5] =	stream.indirect.scatter [tilespmem:s14], [sflag:$0x1], $0x1, s13, s5, $0xb8;
	[tilespmem:$0x1000] =	vst v63  }
0xe6: {  	_ = 	snop  }
0xe7: {  	[hbm4b:s3+s5] =	stream.indirect.scatter [tilespmem:s17], [sflag:$0x1], $0x1, s15, s5, $0xb8;
	[tilespmem:$0x1000] =	vst v63  }
0xe8: {  	_ = 	snop  }
0xe9: {  	[hbm4b:s3+s5] =	stream.indirect.scatter [tilespmem:s20], [sflag:$0x1], $0x1, s18, s5, $0xb8;
	[tilespmem:$0x1000] =	vst v63  }
0xea: {  	_ = 	snop  }
0xeb: {  	[hbm4b:s3+s5] =	stream.indirect.scatter [tilespmem:s22], [sflag:$0x1], $0x1, s21, s5, $0xb8;
	[tilespmem:$0x1000] =	vst v63  }
0xec: {  	_ = 	snop  }
0xed: {  	[hbm4b:s3+s5] =	stream.indirect.scatter [tilespmem:s24], [sflag:$0x1], $0x1, s23, s5, $0xb8;
	[tilespmem:$0x1000] =	vst v63  }
0xee: {  	_ = 	snop  }
0xef: {  	[hbm4b:s3+s5] =	stream.indirect.scatter [tilespmem:s26], [sflag:$0x1], $0x1, s25, s5, $0xb8;
	[tilespmem:$0x1000] =	vst v63  }
0xf0: {  	_ = 	snop  }
0xf1: {  	[hbm4b:s3+s5] =	stream.indirect.scatter [tilespmem:s29], [sflag:$0x1], $0x1, s28, s5, $0xb8;
	[tilespmem:$0x1000] =	vst v63  }
0xf2: {  	_ = 	snop  }
0xf3: {  	[hbm4b:s3+s5] =	stream.indirect.scatter [tilespmem:s31], [sflag:$0x1], $0x1, s30, s5, $0xb8;
	[tilespmem:$0x1000] =	vst v63  }
0xf4: {  	_ =	swait.ge [sflag:s2], $0x80  }
0xf5: {  	[sflag:s2] =	ssyncset.done $0x0  }
0xf6: {  	[sflag:s2] =	ssyncadd.s32 $0xFFFFFF80  }
0xf7: {  	_ =	swait.ge [sflag:s2], $0x80  }
0xf8: {  	[sflag:s2] =	ssyncset.done $0x0  }
0xf9: {  	[sflag:s2] =	ssyncadd.s32 $0xFFFFFF80  }
0xfa: {  	_ =	swait.ge [sflag:s2], $0x80  }
0xfb: {  	[sflag:s2] =	ssyncset.done $0x0  }
0xfc: {  	[sflag:s2] =	ssyncadd.s32 $0xFFFFFF80  }
0xfd: {  	_ =	swait.ge [sflag:s2], $0x80  }
0xfe: {  	[sflag:s2] =	ssyncset.done $0x0  }
0xff: {  	[sflag:s2] =	ssyncadd.s32 $0xFFFFFF80  }
0x100: {  	_ =	swait.ge [sflag:s2], $0x80  }
0x101: {  	[sflag:s2] =	ssyncset.done $0x0  }
0x102: {  	[sflag:s2] =	ssyncadd.s32 $0xFFFFFF80  }
0x103: {  	_ =	swait.ge [sflag:s2], $0x80  }
0x104: {  	[sflag:s2] =	ssyncset.done $0x0  }
0x105: {  	[sflag:s2] =	ssyncadd.s32 $0xFFFFFF80  }
0x106: {  	_ =	swait.ge [sflag:s2], $0x80  }
0x107: {  	[sflag:s2] =	ssyncset.done $0x0  }
0x108: {  	[sflag:s2] =	ssyncadd.s32 $0xFFFFFF80  }
0x109: {  	_ =	swait.ge [sflag:s2], $0x80  }
0x10a: {  	[sflag:s2] =	ssyncset.done $0x0  }
0x10b: {  	[sflag:s2] =	ssyncadd.s32 $0xFFFFFF80  }
0x10c: {  	_ =	swait.ge [sflag:s2], $0x80  }
0x10d: {  	[sflag:s2] =	ssyncset.done $0x0  }
0x10e: {  	[sflag:s2] =	ssyncadd.s32 $0xFFFFFF80  }
0x10f: {  	_ =	swait.ge [sflag:s2], $0x80  }
0x110: {  	[sflag:s2] =	ssyncset.done $0x0  }
0x111: {  	[sflag:s2] =	ssyncadd.s32 $0xFFFFFF80  }
0x112: {  	_ =	swait.ge [sflag:s2], $0x80  }
0x113: {  	[sflag:s2] =	ssyncset.done $0x0  }
0x114: {  	[sflag:s2] =	ssyncadd.s32 $0xFFFFFF80  }
0x115: {  	_ =	swait.ge [sflag:s2], $0x80  }
0x116: {  	[sflag:s2] =	ssyncset.done $0x0  }
0x117: {  	[sflag:s2] =	ssyncadd.s32 $0xFFFFFF80  }
0x118: {  	_ =	swait.ge [sflag:s2], $0x80  }
0x119: {  	[sflag:s2] =	ssyncset.done $0x0  }
0x11a: {  	[sflag:s2] =	ssyncadd.s32 $0xFFFFFF80  }
0x11b: {  	_ =	swait.ge [sflag:s2], $0x80  }
0x11c: {  	[sflag:s2] =	ssyncset.done $0x0  }
0x11d: {  	[sflag:s2] =	ssyncadd.s32 $0xFFFFFF80  }
0x11e: {  	_ =	swait.ge [sflag:s2], $0x80  }
0x11f: {  	[sflag:s2] =	ssyncset.done $0x0  }
0x120: {  	[sflag:s2] =	ssyncadd.s32 $0xFFFFFF80  }
0x121: {  	_ =	swait.ge [sflag:s2], $0x80  }
0x122: {  	[sflag:s2] =	ssyncset.done $0x0  }
0x123: {  	[sflag:s2] =	ssyncadd.s32 $0xFFFFFF80  }
0x124: {  	_ =	sfence.sel $0x180000  }
0x125: {  	[bflag:$0x0] =	sbarrier.arrive $0xFFFF  }
0x126: {  	p0 =	sne.s32 s7, $0x0;
	_ =	strace $0x90000047  }
0x127: {  	s0 =	sadd.s32 @!p0 $0x100000, s8;
	[bflag:$0x2] =	sbarrier.arrive $0xFFFF  }
0x128: {  	[sflag:s0] =	ssyncadd.tile.s32 @!p0 $0x1;
	_ =	shalt  }
.LBB2_2:
.Ltmp3:
0x129: {  	(pc) =	sbr.rel .LBB2_5-.Ltmp3, $2  }
0x12a: {  	_ =	sdelay $0x2  }
0x12b: {  	s7 =	stileid.u32;
	s8 =	rddreg [dreg:$0x1]  }
.Lfunc_end2:
_tile_overlayer_lowered:
.L_overlay_start_2:
0x12c: {  	(tag) =	ssettag $0x2  }
0x12d: {  	s0 =	rddreg [dreg:$0x0];
	s2 =	stileid.u32  }
0x12e: {  	s1 =	rddreg [dreg:$0x1];
	p0 =	sne.s32 s2, $0x0  }
0x12f: {  	s3 =	rddreg [dreg:$0x2];
	[bflag:$0x3] =	sbarrier.arrive $0xFFFF;
	s2 =	simm.s32 @!p0 $0x1C02  }
0x130: {  	[timem:s3], [sflag:s2] =	dma.local @!p0 [hbm:s0], s1  }
0x131: {  	s0 =	simm.s32 @!p0 $0x2  }
0x132: {  	_ =	swait.ge @!p0 [sflag:s0], s1  }
0x133: {  	s1 =	ssub.s32 @!p0 $0x0, s1;
	[sflag:s0] =	ssyncset.done @!p0 $0x0  }
0x134: {  	[sflag:s0] =	ssyncadd.s32 @!p0 s1  }
0x135: {  	[bflag:$0x3] =	sbarrier.arrive $0xFFFF  }
0x136: {  	_ =	shalt  }

// kernel: kernel.15.cloned.1.call-start
scs
__scs_entry_jumppad:
0x0: {  	(pc) =	sbr.rel $0x88, $3  }
0x1: {  	(tag) =	ssettag $0x0;
	lr =	simm.s32 $0x1  }
0x2: {  	[smem:$0x3F7C] =	sst lr;
	_ =	strace $0xD0000000  }
0x3: {  	_ = 	snop  }
0x4: {  	_ = 	snop  }
0x5: {  	_ = 	snop  }
0x6: {  	_ = 	snop  }
0x7: {  	_ = 	snop  }
__scs_overlays_trampoline_lowered:
0x8: {  	[smem:$0x3F8B] =	sst s0  }
0x9: {  	[smem:$0x3F8C] =	sst s1  }
0xa: {  	[smem:$0x3F8D] =	sst s2  }
0xb: {  	[smem:$0x3F8E] =	sst s3  }
0xc: {  	[smem:$0x3F8F] =	sst s4  }
0xd: {  	[smem:$0x3F90] =	sst s5  }
0xe: {  	[smem:$0x3F91] =	sst s6  }
0xf: {  	[smem:$0x3F92] =	sst s7  }
0x10: {  	[smem:$0x3F93] =	sst s8  }
0x11: {  	[smem:$0x3F94] =	sst s9;
	s0 =	simm.s32 @!p0 $0x0  }
0x12: {  	s1 =	sld [smem:$0x3F7A];
	s0 =	simm.s32 @p0 $0x1  }
0x13: {  	[smem:$0x3F95] =	sst s0;
	s0 =	simm.s32 @!p1 $0x0  }
0x14: {  	s2 =	sld [smem:$0x3F79];
	s0 =	simm.s32 @p1 $0x1  }
0x15: {  	[smem:$0x3F96] =	sst s0;
	s0 =	simm.s32 @!p2 $0x0  }
0x16: {  	s3 =	sld [smem:$0x3FDB];
	s0 =	simm.s32 @p2 $0x1  }
0x17: {  	s4 =	simm.s32 $0x1BF5;
	[smem:$0x3F98] =	sst s0  }
0x18: {  	s0 =	sld [smem:$0x3F7B];
	_ =	swait.ge [sflag:s4], $0x0  }
0x19: {  	s7 =	sld [smem:$0x3F7C]  }
0x1a: {  	s8 =	sadd.s32 $0xFFFFE003, lr  }
0x1b: {  	s9 =	sadd.s32 $0xFFFFFEF7, lr;
	s5 =	simm.s32 $0xFFFFFFFF;
	p2 =	slt.u32 s8, $0xFFFFF086  }
0x1c: {  	p1 =	slt.u32 s9, $0xF7A;
	s5 =	simm.s32 @!p2 $0x0  }
0x1d: {  	s5 =	simm.s32 @p1 $0x1;
	p0 =	seq.s32 s7, s2  }
0x1e: {  	s7 =	smul.u32 @!p0 $0xF7A, s2;
	p2 =	seq.s32 @!p0 s5, $0x0  }
0x1f: {  	s9 =	smul.u32 $0xF7A, s1;
	s8 =	simm.s32 @!p0 $0x1BF5;
	p2 =	por !p2, p0  }
0x20: {  	[sflag:s8] =	ssyncset.s32 @!p0 $0xFFFFF086;
	s6 =	sadd.s32 @!p0 s3, s7;
	s7 =	simm.s32 @!p0 $0x108  }
0x21: {  	s3 =	sadd.s32 s3, s9;
	s6 =	sadd.s32 @!p0 $0x88, s6;
	s7 =	simm.s32 @p2 $0x1082  }
0x22: {  	[simem:s7], [sflag:s8] =	dma.local @!p0 [hbm:s6], $0xF7A  }
0x23: {  	s9 =	sor.u32 $0xD0000000, s2;
	s6 =	simm.s32 $0x108;
	_ =	swait.ge @!p0 [sflag:s8], $0x0  }
0x24: {  	s3 =	sadd.s32 $0x88, s3;
	s6 =	simm.s32 @!p1 $0x1082;
	[sflag:s4] =	ssyncset.s32 $0xFFFFF086  }
0x25: {  	[simem:s6], [sflag:s4] =	dma.local [hbm:s3], $0xF7A  }
0x26: {  	[smem:$0x3F7C] =	sst s1;
	(tag) =	ssettag s2;
	_ =	strace s9  }
0x27: {  	s1 =	sld [smem:$0x3F8C]  }
0x28: {  	s2 =	sld [smem:$0x3F8D]  }
0x29: {  	s4 =	sld [smem:$0x3F8F]  }
0x2a: {  	p0 =	seq.s32 s5, $0x0;
	s5 =	sld [smem:$0x3F90]  }
0x2b: {  	s6 =	sld [smem:$0x3F91]  }
0x2c: {  	s7 =	sld [smem:$0x3F92]  }
0x2d: {  	s3 =	simm.s32 $0x108;
	s8 =	sld [smem:$0x3F93]  }
0x2e: {  	s3 =	simm.s32 @!p0 $0x1082;
	s9 =	sld [smem:$0x3F94]  }
0x2f: {  	lr =	sadd.s32 s0, s3;
	s0 =	sld [smem:$0x3F8B]  }
0x30: {  	s3 =	sld [smem:$0x3F8E]  }
0x31: {  	[smem:$0x3F97] =	sst s10  }
0x32: {  	s10 =	sld [smem:$0x3F95];
	_ =	sdelay $0x3  }
0x33: {  	p0 =	seq.s32 s10, $0x1;
	s10 =	sld [smem:$0x3F97];
	_ =	sdelay $0x3  }
0x34: {  	[smem:$0x3F97] =	sst s10  }
0x35: {  	s10 =	sld [smem:$0x3F96];
	_ =	sdelay $0x3  }
0x36: {  	p1 =	seq.s32 s10, $0x1;
	s10 =	sld [smem:$0x3F97];
	_ =	sdelay $0x3  }
0x37: {  	[smem:$0x3F97] =	sst s10  }
0x38: {  	s10 =	sld [smem:$0x3F98]  }
0x39: {  	_ = 	snop;
	(pc) =	sbr.ind lr, $3  }
0x3a: {  	_ = 	snop  }
0x3b: {  	_ = 	snop  }
0x3c: {  	p2 =	seq.s32 s10, $0x1;
	s10 =	sld [smem:$0x3F97]  }
0x3d: {  	_ =	shalt  }
0x3e: {  	_ =	shalt  }
0x3f: {  	_ =	shalt  }
0x40: {  	_ =	shalt  }
0x41: {  	_ =	shalt  }
0x42: {  	_ =	shalt  }
0x43: {  	_ =	shalt  }
0x44: {  	_ =	shalt  }
0x45: {  	_ =	shalt  }
0x46: {  	_ =	shalt  }
0x47: {  	_ =	shalt  }
0x48: {  	_ =	shalt  }
0x49: {  	_ =	shalt  }
0x4a: {  	_ =	shalt  }
0x4b: {  	_ =	shalt  }
0x4c: {  	_ =	shalt  }
0x4d: {  	_ =	shalt  }
0x4e: {  	_ =	shalt  }
0x4f: {  	_ =	shalt  }
0x50: {  	_ =	shalt  }
0x51: {  	_ =	shalt  }
0x52: {  	_ =	shalt  }
0x53: {  	_ =	shalt  }
0x54: {  	_ =	shalt  }
0x55: {  	_ =	shalt  }
0x56: {  	_ =	shalt  }
0x57: {  	_ =	shalt  }
0x58: {  	_ =	shalt  }
0x59: {  	_ =	shalt  }
0x5a: {  	_ =	shalt  }
0x5b: {  	_ =	shalt  }
0x5c: {  	_ =	shalt  }
0x5d: {  	_ =	shalt  }
0x5e: {  	_ =	shalt  }
0x5f: {  	_ =	shalt  }
0x60: {  	_ =	shalt  }
0x61: {  	_ =	shalt  }
0x62: {  	_ =	shalt  }
0x63: {  	_ =	shalt  }
0x64: {  	_ =	shalt  }
0x65: {  	_ =	shalt  }
0x66: {  	_ =	shalt  }
0x67: {  	_ =	shalt  }
0x68: {  	_ =	shalt  }
0x69: {  	_ =	shalt  }
0x6a: {  	_ =	shalt  }
0x6b: {  	_ =	shalt  }
0x6c: {  	_ =	shalt  }
0x6d: {  	_ =	shalt  }
0x6e: {  	_ =	shalt  }
0x6f: {  	_ =	shalt  }
0x70: {  	_ =	shalt  }
0x71: {  	_ =	shalt  }
0x72: {  	_ =	shalt  }
0x73: {  	_ =	shalt  }
0x74: {  	_ =	shalt  }
0x75: {  	_ =	shalt  }
0x76: {  	_ =	shalt  }
0x77: {  	_ =	shalt  }
0x78: {  	_ =	shalt  }
0x79: {  	_ =	shalt  }
0x7a: {  	_ =	shalt  }
0x7b: {  	_ =	shalt  }
0x7c: {  	_ =	shalt  }
0x7d: {  	_ =	shalt  }
0x7e: {  	_ =	shalt  }
0x7f: {  	_ =	shalt  }
0x80: {  	_ =	shalt  }
0x81: {  	_ =	shalt  }
0x82: {  	_ =	shalt  }
0x83: {  	_ =	shalt  }
0x84: {  	_ =	shalt  }
0x85: {  	_ =	shalt  }
0x86: {  	_ =	shalt  }
0x87: {  	_ =	shalt  }
.Lfunc_end0:
.L_simem_size_0:
called_computation.1_lowered:
.L_overlay_start_0:
0x88: {  	s2 =	sld [smem:$0x3FD9]  }
0x89: {  	s3 =	sld [smem:$0x3FFE];
	_ =	sdelay $0x1  }
0x8a: {  	s1 =	srdreg.scid  }
0x8b: {  	s0 =	sand.u32 $0x1, s1  }
0x8c: {  	s17 =	sshll.u32 s0, $0xA;
	s2 =	sadd.s32 s3, s2  }
0x8d: {  	s2 =	sadd.s32 s2, s17  }
0x8e: {  	[smem:$0x3FA3] =	sst s2  }
0x8f: {  	_ = 	snop  }
0x90: {  	s2 =	sld [smem:$0x3FD0];
	(tm) =	ssettm $0x1  }
0x91: {  	s18 =	sld [smem:$0x3FFB];
	_ =	sdelay $0x3  }
0x92: {  	_ =	strace s18  }
0x93: {  	s3 =	sld [smem:$0x3FFC];
	_ =	sdelay $0x3  }
0x94: {  	_ =	strace s3  }
0x95: {  	s3 =	sld [smem:$0x3FFD];
	_ =	sdelay $0x3  }
0x96: {  	_ =	strace s3  }
0x97: {  	_ =	strace $0x8FFFFFFF  }
0x98: {  	s19 =	sld [smem:$0x3FDB];
	_ =	sdelay $0x1  }
0x99: {  	s4 =	simm.s32 $_scs_section_size  }
0x9a: {  	s5 =	simm.s32 $_size__tile_overlayer_lowered;
	s6 =	simm.s32 $_tile_overlayer_lowered  }
0x9b: {  	s22 =	simm.s32 $0x1BFF;
	s21 =	sshll.u32 s6, $0x1;
	s3 =	sadd.s32 s4, s19  }
0x9c: {  	s7 =	simm.s32 $0x0;
	s20 =	sshll.u32 s5, $0x1;
	s5 =	sadd.s32 s21, s3  }
0x9d: {  	[timem:s7], [sflag:s22] =	dma.local [hbm:s5], s20  }
0x9e: {  	_ =	swait.ge [sflag:s22], s20  }
0x9f: {  	s4 =	ssub.s32 $0x0, s20;
	[sflag:s22] =	ssyncset.done $0x0  }
0xa0: {  	[sflag:s22] =	ssyncadd.s32 s4;
	_ =	sdelay $0x1  }
0xa1: {  	s23 =	simm.s32 $0x1B8B  }
0xa2: {  	_ =	swait.ge [sflag:s23], $0x1  }
0xa3: {  	[sflag:s23] =	ssyncset.done $0x0  }
0xa4: {  	s25 =	simm.s32 $0x1B8E;
	s24 =	sld [smem:$0x3FFE];
	[sflag:s23] =	ssyncadd.s32 $0xFFFFFFFF  }
0xa5: {  	s26 =	simm.s32 $execute0_lowered;
	[smem:$0x3FD2] =	sst s25  }
0xa6: {  	s5 =	sshll.u32 s26, $0x1;
	_ =	strace $0x80000049;
	[dreg:$0x1] =	wrdreg $0xFFFFFFFF  }
0xa7: {  	s28 =	simm.s32 $_size_execute0_lowered;
	s3 =	sadd.s32 s3, s5;
	[dreg:$0x0] =	wrdreg $0x0  }
0xa8: {  	s5 =	sshll.u32 s28, $0x1;
	[dreg:$0x2] =	wrdreg s3  }
0xa9: {  	[dreg:$0x3] =	wrdreg s5  }
0xaa: {  	[dreg:$0x4] =	wrdreg $0xC0  }
0xab: {  	_ =	task [dreg:s7], $0x5FFFF  }
0xac: {  	[dreg:$0x1] =	wrdreg $0xFFFFFFFF  }
0xad: {  	[dreg:$0x0] =	wrdreg $0x60  }
0xae: {  	[dreg:$0x2] =	wrdreg s24  }
0xaf: {  	[dreg:$0x3] =	wrdreg s2  }
0xb0: {  	[dreg:$0x4] =	wrdreg $0x9  }
0xb1: {  	_ =	task.clear_ibuf [dreg:s7], $0x5FFFF;
	_ =	strace $0x90000049  }
0xb2: {  	s29 =	simm.s32 $0x9;
	_ =	strace $0x8000004B  }
0xb3: {  	_ =	swait.ge [sflag:s29], $0x1  }
0xb4: {  	[sflag:s29] =	ssyncadd.s32 $0xFFFFFFFF  }
0xb5: {  	_ =	strace $0x9000004B  }
0xb6: {  	_ =	sfence  }
0xb7: {  	s30 =	sld [smem:$0x0];
	_ =	sdelay $0x2  }
0xb8: {  	s31 =	sshll.u32 s1, $0xD;
	s1 =	sshrl.u32 s1, $0x2  }
0xb9: {  	s3 =	sand.u32 $0x4000, s31;
	s1 =	sadd.s32 s1, s30  }
0xba: {  	s0 =	sor.u32 s3, s0;
	s1 =	sshll.u32 s1, $0x11  }
0xbb: {  	s0 =	sor.u32 s1, s0  }
0xbc: {  	s0 =	sadd.s32 $0x8F2B, s0  }
0xbd: {  	[sflag:s0] =	ssyncadd.remote.s32 $0x1  }
0xbe: {  	_ =	sfence.sel $0xFFFF  }
0xbf: {  	[dreg:$0x0] =	wrdreg $0xFFFFFFFF;
	(pc) =	sbr.abs _section_cstart, $3  }
0xc0: {  	[dreg:$0x1] =	wrdreg $0xFFFFFFFF  }
0xc1: {  	_ =	task.clear_ibuf [dreg:s7], $0x2FFFF;
	_ =	strace $0x9FFFFFFF  }
0xc2: {  	(tm) =	ssettm $0x7FFFFFFF  }
0xc3: {  	_ =	shalt  }
tec
execute0_lowered:
.L_overlay_start_1:
0x0: {  	(tag) =	ssettag $0x1  }
0x1: {  	s0 =	rddreg [dreg:$0x0]  }
0x2: {  	s3 =	rddreg [dreg:$0x1];
	s2 =	srdreg.scid  }
0x3: {  	s1 =	stileid.u32;
	s20 =	simm.s32 $0x880;
	s21 =	simm.s32 $0x100  }
0x4: {  	s23 =	simm.s32 $0x900;
	s24 =	simm.s32 $0x180;
	s25 =	simm.s32 $0x980  }
0x5: {  	s26 =	simm.s32 $0x200;
	s7 =	simm.s32 $0x800;
	s11 =	simm.s32 $0x300  }
0x6: {  	s12 =	simm.s32 $0xB00;
	s13 =	simm.s32 $0x380;
	s14 =	simm.s32 $0xB80  }
0x7: {  	s15 =	simm.s32 $0x400;
	s4 =	sand.u32 $0x1, s2;
	s2 =	simm.s32 $0x0  }
0x8: {  	s16 =	simm.s32 $0xC00;
	s17 =	simm.s32 $0x480;
	[smem:$0x7FF] =	sst s2  }
0x9: {  	s18 =	simm.s32 $0xC80;
	_ =	strace $0x8000004A;
	[dreg:$0x5] =	wrdreg s20  }
0xa: {  	s28 =	simm.s32 $0x700;
	s29 =	simm.s32 $0xF00;
	[dreg:$0x6] =	wrdreg s21  }
0xb: {  	s30 =	simm.s32 $0x780;
	s31 =	simm.s32 $0xF80;
	[dreg:$0x7] =	wrdreg s23  }
0xc: {  	s5 =	sshll.u32 s1, $0x9;
	s6 =	sshll.u32 s4, $0x8;
	[dreg:$0x8] =	wrdreg s24  }
0xd: {  	s4 =	ssub.s32 $0x2, s4;
	s5 =	sor.u32 s6, s5;
	[dreg:$0x9] =	wrdreg s25  }
0xe: {  	s22 =	sshrl.u32 s4, $0x1;
	[dreg:$0xa] =	wrdreg s26;
	s20 =	simm.s32 $0xD00  }
0xf: {  	s21 =	simm.s32 $0x580;
	s23 =	simm.s32 $0x600;
	s24 =	simm.s32 $0xE00  }
0x10: {  	s25 =	simm.s32 $0x680;
	s26 =	simm.s32 $0xE80;
	s6 =	sadd.s32 s5, s0  }
0x11: {  	s3 =	sadd.s32 s3, s5;
	s4 =	ssub.s32 s4, s22;
	s5 =	simm.s32 $0x2  }
0x12: {  	s22 =	simm.s32 $0xD80;
	[dreg:$0x3] =	wrdreg s3;
	s19 =	sadd.s32 $0x6600, s6  }
0x13: {  	s3 =	sadd.s32 $0xA600, s0;
	s4 =	smax.u32 s4, $0x1;
	s6 =	simm.s32 $0x80  }
0x14: {  	s0 =	simm.s32 $0x1;
	[dreg:$0x4] =	wrdreg s19;
	s19 =	simm.s32 $0x500  }
.LBB2_1:
0x15: {  	s1 =	rddreg [dreg:$0x3]  }
0x16: {  	[tilespmem:s2], [sflag:$0x2] =	stream.linear.gather [hbm4b:s1+s2], $0x800, $0x38;
	[tilespmem:$0x1000] =	vst v63  }
0x17: {  	_ =	swait.ge [sflag:s5], $0x800  }
0x18: {  	[sflag:s5] =	ssyncset.done $0x0;
	s10 =	rddreg [dreg:$0x5]  }
0x19: {  	s1 =	rddreg [dreg:$0x6];
	[sflag:s5] =	ssyncadd.s32 $0xFFFFF800  }
0x1a: {  	[tilespmem:s7], [sflag:$0x1] =	stream.indirect.gather [hbm4b:s3+s6], $0x1, s2, s6, $0xb8;
	[tilespmem:$0x1000] =	vst v63  }
0x1b: {  	s8 =	rddreg [dreg:$0x7]  }
0x1c: {  	[tilespmem:s10], [sflag:$0x1] =	stream.indirect.gather [hbm4b:s3+s6], $0x1, s6, s6, $0xb8;
	[tilespmem:$0x1000] =	vst v63  }
0x1d: {  	s9 =	rddreg [dreg:$0x8]  }
0x1e: {  	[tilespmem:s8], [sflag:$0x1] =	stream.indirect.gather [hbm4b:s3+s6], $0x1, s1, s6, $0xb8;
	[tilespmem:$0x1000] =	vst v63  }
0x1f: {  	s10 =	rddreg [dreg:$0x9]  }
0x20: {  	[tilespmem:s10], [sflag:$0x1] =	stream.indirect.gather [hbm4b:s3+s6], $0x1, s9, s6, $0xb8;
	[tilespmem:$0x1000] =	vst v63  }
0x21: {  	s8 =	rddreg [dreg:$0xa];
	s10 =	simm.s32 $0xA00  }
0x22: {  	[tilespmem:s10], [sflag:$0x1] =	stream.indirect.gather [hbm4b:s3+s6], $0x1, s8, s6, $0xb8;
	[tilespmem:$0x1000] =	vst v63  }
0x23: {  	s9 =	simm.s32 $0xA80;
	s8 =	simm.s32 $0x280  }
0x24: {  	[tilespmem:s9], [sflag:$0x1] =	stream.indirect.gather [hbm4b:s3+s6], $0x1, s8, s6, $0xb8;
	[tilespmem:$0x1000] =	vst v63  }
0x25: {  	_ = 	snop  }
0x26: {  	[tilespmem:s12], [sflag:$0x1] =	stream.indirect.gather [hbm4b:s3+s6], $0x1, s11, s6, $0xb8;
	[tilespmem:$0x1000] =	vst v63  }
0x27: {  	_ = 	snop  }
0x28: {  	[tilespmem:s14], [sflag:$0x1] =	stream.indirect.gather [hbm4b:s3+s6], $0x1, s13, s6, $0xb8;
	[tilespmem:$0x1000] =	vst v63  }
0x29: {  	_ = 	snop  }
0x2a: {  	[tilespmem:s16], [sflag:$0x1] =	stream.indirect.gather [hbm4b:s3+s6], $0x1, s15, s6, $0xb8;
	[tilespmem:$0x1000] =	vst v63  }
0x2b: {  	_ = 	snop  }
0x2c: {  	[tilespmem:s18], [sflag:$0x1] =	stream.indirect.gather [hbm4b:s3+s6], $0x1, s17, s6, $0xb8;
	[tilespmem:$0x1000] =	vst v63  }
0x2d: {  	_ = 	snop  }
0x2e: {  	[tilespmem:s20], [sflag:$0x1] =	stream.indirect.gather [hbm4b:s3+s6], $0x1, s19, s6, $0xb8;
	[tilespmem:$0x1000] =	vst v63  }
0x2f: {  	_ = 	snop  }
0x30: {  	[tilespmem:s22], [sflag:$0x1] =	stream.indirect.gather [hbm4b:s3+s6], $0x1, s21, s6, $0xb8;
	[tilespmem:$0x1000] =	vst v63  }
0x31: {  	_ = 	snop  }
0x32: {  	[tilespmem:s24], [sflag:$0x1] =	stream.indirect.gather [hbm4b:s3+s6], $0x1, s23, s6, $0xb8;
	[tilespmem:$0x1000] =	vst v63  }
0x33: {  	_ = 	snop  }
0x34: {  	[tilespmem:s26], [sflag:$0x1] =	stream.indirect.gather [hbm4b:s3+s6], $0x1, s25, s6, $0xb8;
	[tilespmem:$0x1000] =	vst v63  }
0x35: {  	_ = 	snop  }
0x36: {  	[tilespmem:s29], [sflag:$0x1] =	stream.indirect.gather [hbm4b:s3+s6], $0x1, s28, s6, $0xb8;
	[tilespmem:$0x1000] =	vst v63  }
0x37: {  	_ = 	snop  }
0x38: {  	[tilespmem:s31], [sflag:$0x1] =	stream.indirect.gather [hbm4b:s3+s6], $0x1, s30, s6, $0xb8;
	[tilespmem:$0x1000] =	vst v63  }
0x39: {  	_ =	swait.ge [sflag:s0], $0x80  }
0x3a: {  	[sflag:s0] =	ssyncset.done $0x0  }
0x3b: {  	[sflag:s0] =	ssyncadd.s32 $0xFFFFFF80  }
0x3c: {  	_ =	swait.ge [sflag:s0], $0x80  }
0x3d: {  	[sflag:s0] =	ssyncset.done $0x0  }
0x3e: {  	[sflag:s0] =	ssyncadd.s32 $0xFFFFFF80  }
0x3f: {  	_ =	swait.ge [sflag:s0], $0x80  }
0x40: {  	[sflag:s0] =	ssyncset.done $0x0  }
0x41: {  	[sflag:s0] =	ssyncadd.s32 $0xFFFFFF80  }
0x42: {  	_ =	swait.ge [sflag:s0], $0x80  }
0x43: {  	[sflag:s0] =	ssyncset.done $0x0  }
0x44: {  	[sflag:s0] =	ssyncadd.s32 $0xFFFFFF80  }
0x45: {  	_ =	swait.ge [sflag:s0], $0x80  }
0x46: {  	[sflag:s0] =	ssyncset.done $0x0  }
0x47: {  	[sflag:s0] =	ssyncadd.s32 $0xFFFFFF80  }
0x48: {  	_ =	swait.ge [sflag:s0], $0x80  }
0x49: {  	[sflag:s0] =	ssyncset.done $0x0  }
0x4a: {  	[sflag:s0] =	ssyncadd.s32 $0xFFFFFF80  }
0x4b: {  	_ =	swait.ge [sflag:s0], $0x80  }
0x4c: {  	[sflag:s0] =	ssyncset.done $0x0  }
0x4d: {  	[sflag:s0] =	ssyncadd.s32 $0xFFFFFF80  }
0x4e: {  	_ =	swait.ge [sflag:s0], $0x80  }
0x4f: {  	[sflag:s0] =	ssyncset.done $0x0  }
0x50: {  	[sflag:s0] =	ssyncadd.s32 $0xFFFFFF80  }
0x51: {  	_ =	swait.ge [sflag:s0], $0x80  }
0x52: {  	[sflag:s0] =	ssyncset.done $0x0  }
0x53: {  	[sflag:s0] =	ssyncadd.s32 $0xFFFFFF80  }
0x54: {  	_ =	swait.ge [sflag:s0], $0x80  }
0x55: {  	[sflag:s0] =	ssyncset.done $0x0  }
0x56: {  	[sflag:s0] =	ssyncadd.s32 $0xFFFFFF80  }
0x57: {  	_ =	swait.ge [sflag:s0], $0x80  }
0x58: {  	[sflag:s0] =	ssyncset.done $0x0  }
0x59: {  	[sflag:s0] =	ssyncadd.s32 $0xFFFFFF80  }
0x5a: {  	_ =	swait.ge [sflag:s0], $0x80  }
0x5b: {  	[sflag:s0] =	ssyncset.done $0x0  }
0x5c: {  	[sflag:s0] =	ssyncadd.s32 $0xFFFFFF80  }
0x5d: {  	_ =	swait.ge [sflag:s0], $0x80  }
0x5e: {  	[sflag:s0] =	ssyncset.done $0x0  }
0x5f: {  	[sflag:s0] =	ssyncadd.s32 $0xFFFFFF80  }
0x60: {  	_ =	swait.ge [sflag:s0], $0x80  }
0x61: {  	[sflag:s0] =	ssyncset.done $0x0  }
0x62: {  	[sflag:s0] =	ssyncadd.s32 $0xFFFFFF80  }
0x63: {  	_ =	swait.ge [sflag:s0], $0x80  }
0x64: {  	[sflag:s0] =	ssyncset.done $0x0  }
0x65: {  	[sflag:s0] =	ssyncadd.s32 $0xFFFFFF80  }
0x66: {  	_ =	swait.ge [sflag:s0], $0x80  }
0x67: {  	[sflag:s0] =	ssyncset.done $0x0  }
0x68: {  	[sflag:s0] =	ssyncadd.s32 $0xFFFFFF80  }
0x69: {  	v0 =	vld [tilespmem:$0x800]  }
0x6a: {  	v1 =	vld [tilespmem:$0x810]  }
0x6b: {  	v2 =	vld [tilespmem:$0x820]  }
0x6c: {  	v3 =	vld [tilespmem:$0x830]  }
0x6d: {  	v4 =	vld [tilespmem:$0x840]  }
0x6e: {  	v5 =	vld [tilespmem:$0x850];
	v0 =	vand.u32 $0xFFFF, v0  }
0x6f: {  	v41 =	vld [tilespmem:$0x860];
	v40 =	vand.u32 $0xFFFF, v1;
	[tilespmem:$0x800] =	vst v0  }
0x70: {  	v43 =	vld [tilespmem:$0x870];
	v42 =	vand.u32 $0xFFFF, v2;
	[tilespmem:$0x810] =	vst v40  }
0x71: {  	v45 =	vld [tilespmem:$0x880];
	v44 =	vand.u32 $0xFFFF, v3;
	[tilespmem:$0x820] =	vst v42  }
0x72: {  	v47 =	vld [tilespmem:$0x890];
	v46 =	vand.u32 $0xFFFF, v4;
	[tilespmem:$0x830] =	vst v44  }
0x73: {  	v49 =	vld [tilespmem:$0x8A0];
	v48 =	vand.u32 $0xFFFF, v5;
	[tilespmem:$0x840] =	vst v46  }
0x74: {  	v51 =	vld [tilespmem:$0x8B0];
	v50 =	vand.u32 $0xFFFF, v41;
	[tilespmem:$0x850] =	vst v48  }
0x75: {  	v53 =	vld [tilespmem:$0x8C0];
	v52 =	vand.u32 $0xFFFF, v43;
	[tilespmem:$0x860] =	vst v50  }
0x76: {  	v55 =	vld [tilespmem:$0x8D0];
	v54 =	vand.u32 $0xFFFF, v45;
	[tilespmem:$0x870] =	vst v52  }
0x77: {  	v57 =	vld [tilespmem:$0x8E0];
	v56 =	vand.u32 $0xFFFF, v47;
	[tilespmem:$0x880] =	vst v54  }
0x78: {  	v59 =	vld [tilespmem:$0x8F0];
	v58 =	vand.u32 $0xFFFF, v49;
	[tilespmem:$0x890] =	vst v56  }
0x79: {  	v61 =	vld [tilespmem:$0x900];
	v60 =	vand.u32 $0xFFFF, v51;
	[tilespmem:$0x8A0] =	vst v58  }
0x7a: {  	v63 =	vld [tilespmem:$0x910];
	v62 =	vand.u32 $0xFFFF, v53;
	[tilespmem:$0x8B0] =	vst v60  }
0x7b: {  	v9 =	vld [tilespmem:$0x920];
	v8 =	vand.u32 $0xFFFF, v55;
	[tilespmem:$0x8C0] =	vst v62  }
0x7c: {  	v11 =	vld [tilespmem:$0x930];
	v10 =	vand.u32 $0xFFFF, v57;
	[tilespmem:$0x8D0] =	vst v8  }
0x7d: {  	v13 =	vld [tilespmem:$0x940];
	v12 =	vand.u32 $0xFFFF, v59;
	[tilespmem:$0x8E0] =	vst v10  }
0x7e: {  	v15 =	vld [tilespmem:$0x950];
	v14 =	vand.u32 $0xFFFF, v61;
	[tilespmem:$0x8F0] =	vst v12  }
0x7f: {  	v17 =	vld [tilespmem:$0x960];
	v16 =	vand.u32 $0xFFFF, v63;
	[tilespmem:$0x900] =	vst v14  }
0x80: {  	v19 =	vld [tilespmem:$0x970];
	v18 =	vand.u32 $0xFFFF, v9;
	[tilespmem:$0x910] =	vst v16  }
0x81: {  	v21 =	vld [tilespmem:$0x980];
	v20 =	vand.u32 $0xFFFF, v11;
	[tilespmem:$0x920] =	vst v18  }
0x82: {  	v23 =	vld [tilespmem:$0x990];
	v22 =	vand.u32 $0xFFFF, v13;
	[tilespmem:$0x930] =	vst v20  }
0x83: {  	v25 =	vld [tilespmem:$0x9A0];
	v24 =	vand.u32 $0xFFFF, v15;
	[tilespmem:$0x940] =	vst v22  }
0x84: {  	v27 =	vld [tilespmem:$0x9B0];
	v26 =	vand.u32 $0xFFFF, v17;
	[tilespmem:$0x950] =	vst v24  }
0x85: {  	v29 =	vld [tilespmem:$0x9C0];
	v28 =	vand.u32 $0xFFFF, v19;
	[tilespmem:$0x960] =	vst v26  }
0x86: {  	v31 =	vld [tilespmem:$0x9D0];
	v30 =	vand.u32 $0xFFFF, v21;
	[tilespmem:$0x970] =	vst v28  }
0x87: {  	v33 =	vld [tilespmem:$0x9E0];
	v32 =	vand.u32 $0xFFFF, v23;
	[tilespmem:$0x980] =	vst v30  }
0x88: {  	v35 =	vld [tilespmem:$0x9F0];
	v34 =	vand.u32 $0xFFFF, v25;
	[tilespmem:$0x990] =	vst v32  }
0x89: {  	v37 =	vld [tilespmem:$0xA00];
	v36 =	vand.u32 $0xFFFF, v27;
	[tilespmem:$0x9A0] =	vst v34  }
0x8a: {  	v39 =	vld [tilespmem:$0xA10];
	v38 =	vand.u32 $0xFFFF, v29;
	[tilespmem:$0x9B0] =	vst v36  }
0x8b: {  	v41 =	vld [tilespmem:$0xA20];
	[tilespmem:$0x9C0] =	vst v38;
	v40 =	vand.u32 $0xFFFF, v31  }
0x8c: {  	v43 =	vld [tilespmem:$0xA30];
	v42 =	vand.u32 $0xFFFF, v33;
	[tilespmem:$0x9D0] =	vst v40  }
0x8d: {  	v45 =	vld [tilespmem:$0xA40];
	v44 =	vand.u32 $0xFFFF, v35;
	[tilespmem:$0x9E0] =	vst v42  }
0x8e: {  	v47 =	vld [tilespmem:$0xA50];
	v46 =	vand.u32 $0xFFFF, v37;
	[tilespmem:$0x9F0] =	vst v44  }
0x8f: {  	v49 =	vld [tilespmem:$0xA60];
	v48 =	vand.u32 $0xFFFF, v39;
	[tilespmem:$0xA00] =	vst v46  }
0x90: {  	v51 =	vld [tilespmem:$0xA70];
	[tilespmem:$0xA10] =	vst v48;
	v50 =	vand.u32 $0xFFFF, v41  }
0x91: {  	v53 =	vld [tilespmem:$0xA80];
	v52 =	vand.u32 $0xFFFF, v43;
	[tilespmem:$0xA20] =	vst v50  }
0x92: {  	v55 =	vld [tilespmem:$0xA90];
	v54 =	vand.u32 $0xFFFF, v45;
	[tilespmem:$0xA30] =	vst v52  }
0x93: {  	v57 =	vld [tilespmem:$0xAA0];
	v56 =	vand.u32 $0xFFFF, v47;
	[tilespmem:$0xA40] =	vst v54  }
0x94: {  	v59 =	vld [tilespmem:$0xAB0];
	v58 =	vand.u32 $0xFFFF, v49;
	[tilespmem:$0xA50] =	vst v56  }
0x95: {  	v61 =	vld [tilespmem:$0xAC0];
	v60 =	vand.u32 $0xFFFF, v51;
	[tilespmem:$0xA60] =	vst v58  }
0x96: {  	v63 =	vld [tilespmem:$0xAD0];
	v62 =	vand.u32 $0xFFFF, v53;
	[tilespmem:$0xA70] =	vst v60  }
0x97: {  	v9 =	vld [tilespmem:$0xAE0];
	v8 =	vand.u32 $0xFFFF, v55;
	[tilespmem:$0xA80] =	vst v62  }
0x98: {  	v11 =	vld [tilespmem:$0xAF0];
	v10 =	vand.u32 $0xFFFF, v57;
	[tilespmem:$0xA90] =	vst v8  }
0x99: {  	v13 =	vld [tilespmem:$0xB00];
	v12 =	vand.u32 $0xFFFF, v59;
	[tilespmem:$0xAA0] =	vst v10  }
0x9a: {  	v15 =	vld [tilespmem:$0xB10];
	v14 =	vand.u32 $0xFFFF, v61;
	[tilespmem:$0xAB0] =	vst v12  }
0x9b: {  	v17 =	vld [tilespmem:$0xB20];
	v16 =	vand.u32 $0xFFFF, v63;
	[tilespmem:$0xAC0] =	vst v14  }
0x9c: {  	v19 =	vld [tilespmem:$0xB30];
	v18 =	vand.u32 $0xFFFF, v9;
	[tilespmem:$0xAD0] =	vst v16  }
0x9d: {  	v21 =	vld [tilespmem:$0xB40];
	v20 =	vand.u32 $0xFFFF, v11;
	[tilespmem:$0xAE0] =	vst v18  }
0x9e: {  	v23 =	vld [tilespmem:$0xB50];
	v22 =	vand.u32 $0xFFFF, v13;
	[tilespmem:$0xAF0] =	vst v20  }
0x9f: {  	v25 =	vld [tilespmem:$0xB60];
	v24 =	vand.u32 $0xFFFF, v15;
	[tilespmem:$0xB00] =	vst v22  }
0xa0: {  	v27 =	vld [tilespmem:$0xB70];
	v26 =	vand.u32 $0xFFFF, v17;
	[tilespmem:$0xB10] =	vst v24  }
0xa1: {  	v29 =	vld [tilespmem:$0xB80];
	v28 =	vand.u32 $0xFFFF, v19;
	[tilespmem:$0xB20] =	vst v26  }
0xa2: {  	v31 =	vld [tilespmem:$0xB90];
	v30 =	vand.u32 $0xFFFF, v21;
	[tilespmem:$0xB30] =	vst v28  }
0xa3: {  	v33 =	vld [tilespmem:$0xBA0];
	v32 =	vand.u32 $0xFFFF, v23;
	[tilespmem:$0xB40] =	vst v30  }
0xa4: {  	v35 =	vld [tilespmem:$0xBB0];
	v34 =	vand.u32 $0xFFFF, v25;
	[tilespmem:$0xB50] =	vst v32  }
0xa5: {  	v37 =	vld [tilespmem:$0xBC0];
	v36 =	vand.u32 $0xFFFF, v27;
	[tilespmem:$0xB60] =	vst v34  }
0xa6: {  	v39 =	vld [tilespmem:$0xBD0];
	v38 =	vand.u32 $0xFFFF, v29;
	[tilespmem:$0xB70] =	vst v36  }
0xa7: {  	v41 =	vld [tilespmem:$0xBE0];
	[tilespmem:$0xB80] =	vst v38;
	v40 =	vand.u32 $0xFFFF, v31  }
0xa8: {  	v43 =	vld [tilespmem:$0xBF0];
	v42 =	vand.u32 $0xFFFF, v33;
	[tilespmem:$0xB90] =	vst v40  }
0xa9: {  	v45 =	vld [tilespmem:$0xC00];
	v44 =	vand.u32 $0xFFFF, v35;
	[tilespmem:$0xBA0] =	vst v42  }
0xaa: {  	v47 =	vld [tilespmem:$0xC10];
	v46 =	vand.u32 $0xFFFF, v37;
	[tilespmem:$0xBB0] =	vst v44  }
0xab: {  	v49 =	vld [tilespmem:$0xC20];
	v48 =	vand.u32 $0xFFFF, v39;
	[tilespmem:$0xBC0] =	vst v46  }
0xac: {  	v51 =	vld [tilespmem:$0xC30];
	[tilespmem:$0xBD0] =	vst v48;
	v50 =	vand.u32 $0xFFFF, v41  }
0xad: {  	v53 =	vld [tilespmem:$0xC40];
	v52 =	vand.u32 $0xFFFF, v43;
	[tilespmem:$0xBE0] =	vst v50  }
0xae: {  	v55 =	vld [tilespmem:$0xC50];
	v54 =	vand.u32 $0xFFFF, v45;
	[tilespmem:$0xBF0] =	vst v52  }
0xaf: {  	v57 =	vld [tilespmem:$0xC60];
	v56 =	vand.u32 $0xFFFF, v47;
	[tilespmem:$0xC00] =	vst v54  }
0xb0: {  	v59 =	vld [tilespmem:$0xC70];
	v58 =	vand.u32 $0xFFFF, v49;
	[tilespmem:$0xC10] =	vst v56  }
0xb1: {  	v61 =	vld [tilespmem:$0xC80];
	v60 =	vand.u32 $0xFFFF, v51;
	[tilespmem:$0xC20] =	vst v58  }
0xb2: {  	v63 =	vld [tilespmem:$0xC90];
	v62 =	vand.u32 $0xFFFF, v53;
	[tilespmem:$0xC30] =	vst v60  }
0xb3: {  	v9 =	vld [tilespmem:$0xCA0];
	v8 =	vand.u32 $0xFFFF, v55;
	[tilespmem:$0xC40] =	vst v62  }
0xb4: {  	v11 =	vld [tilespmem:$0xCB0];
	v10 =	vand.u32 $0xFFFF, v57;
	[tilespmem:$0xC50] =	vst v8  }
0xb5: {  	v13 =	vld [tilespmem:$0xCC0];
	v12 =	vand.u32 $0xFFFF, v59;
	[tilespmem:$0xC60] =	vst v10  }
0xb6: {  	v15 =	vld [tilespmem:$0xCD0];
	v14 =	vand.u32 $0xFFFF, v61;
	[tilespmem:$0xC70] =	vst v12  }
0xb7: {  	v17 =	vld [tilespmem:$0xCE0];
	v16 =	vand.u32 $0xFFFF, v63;
	[tilespmem:$0xC80] =	vst v14  }
0xb8: {  	v19 =	vld [tilespmem:$0xCF0];
	v18 =	vand.u32 $0xFFFF, v9;
	[tilespmem:$0xC90] =	vst v16  }
0xb9: {  	v21 =	vld [tilespmem:$0xD00];
	v20 =	vand.u32 $0xFFFF, v11;
	[tilespmem:$0xCA0] =	vst v18  }
0xba: {  	v23 =	vld [tilespmem:$0xD10];
	v22 =	vand.u32 $0xFFFF, v13;
	[tilespmem:$0xCB0] =	vst v20  }
0xbb: {  	v25 =	vld [tilespmem:$0xD20];
	v24 =	vand.u32 $0xFFFF, v15;
	[tilespmem:$0xCC0] =	vst v22  }
0xbc: {  	v27 =	vld [tilespmem:$0xD30];
	v26 =	vand.u32 $0xFFFF, v17;
	[tilespmem:$0xCD0] =	vst v24  }
0xbd: {  	v29 =	vld [tilespmem:$0xD40];
	v28 =	vand.u32 $0xFFFF, v19;
	[tilespmem:$0xCE0] =	vst v26  }
0xbe: {  	v31 =	vld [tilespmem:$0xD50];
	v30 =	vand.u32 $0xFFFF, v21;
	[tilespmem:$0xCF0] =	vst v28  }
0xbf: {  	v33 =	vld [tilespmem:$0xD60];
	v32 =	vand.u32 $0xFFFF, v23;
	[tilespmem:$0xD00] =	vst v30  }
0xc0: {  	v35 =	vld [tilespmem:$0xD70];
	v34 =	vand.u32 $0xFFFF, v25;
	[tilespmem:$0xD10] =	vst v32  }
0xc1: {  	v37 =	vld [tilespmem:$0xD80];
	v36 =	vand.u32 $0xFFFF, v27;
	[tilespmem:$0xD20] =	vst v34  }
0xc2: {  	v39 =	vld [tilespmem:$0xD90];
	v38 =	vand.u32 $0xFFFF, v29;
	[tilespmem:$0xD30] =	vst v36  }
0xc3: {  	v41 =	vld [tilespmem:$0xDA0];
	[tilespmem:$0xD40] =	vst v38;
	v40 =	vand.u32 $0xFFFF, v31  }
0xc4: {  	v43 =	vld [tilespmem:$0xDB0];
	v42 =	vand.u32 $0xFFFF, v33;
	[tilespmem:$0xD50] =	vst v40  }
0xc5: {  	v45 =	vld [tilespmem:$0xDC0];
	v44 =	vand.u32 $0xFFFF, v35;
	[tilespmem:$0xD60] =	vst v42  }
0xc6: {  	v47 =	vld [tilespmem:$0xDD0];
	v46 =	vand.u32 $0xFFFF, v37;
	[tilespmem:$0xD70] =	vst v44  }
0xc7: {  	v49 =	vld [tilespmem:$0xDE0];
	v48 =	vand.u32 $0xFFFF, v39;
	[tilespmem:$0xD80] =	vst v46  }
0xc8: {  	v51 =	vld [tilespmem:$0xDF0];
	[tilespmem:$0xD90] =	vst v48;
	v50 =	vand.u32 $0xFFFF, v41  }
0xc9: {  	v53 =	vld [tilespmem:$0xE00];
	v52 =	vand.u32 $0xFFFF, v43;
	[tilespmem:$0xDA0] =	vst v50  }
0xca: {  	v55 =	vld [tilespmem:$0xE10];
	v54 =	vand.u32 $0xFFFF, v45;
	[tilespmem:$0xDB0] =	vst v52  }
0xcb: {  	v57 =	vld [tilespmem:$0xE20];
	v56 =	vand.u32 $0xFFFF, v47;
	[tilespmem:$0xDC0] =	vst v54  }
0xcc: {  	v59 =	vld [tilespmem:$0xE30];
	v58 =	vand.u32 $0xFFFF, v49;
	[tilespmem:$0xDD0] =	vst v56  }
0xcd: {  	v61 =	vld [tilespmem:$0xE40];
	v60 =	vand.u32 $0xFFFF, v51;
	[tilespmem:$0xDE0] =	vst v58  }
0xce: {  	v63 =	vld [tilespmem:$0xE50];
	v62 =	vand.u32 $0xFFFF, v53;
	[tilespmem:$0xDF0] =	vst v60  }
0xcf: {  	v8 =	vld [tilespmem:$0xE60];
	v7 =	vand.u32 $0xFFFF, v55;
	[tilespmem:$0xE00] =	vst v62  }
0xd0: {  	v10 =	vld [tilespmem:$0xE70];
	v9 =	vand.u32 $0xFFFF, v57;
	[tilespmem:$0xE10] =	vst v7  }
0xd1: {  	v12 =	vld [tilespmem:$0xE80];
	v11 =	vand.u32 $0xFFFF, v59;
	[tilespmem:$0xE20] =	vst v9  }
0xd2: {  	v14 =	vld [tilespmem:$0xE90];
	v13 =	vand.u32 $0xFFFF, v61;
	[tilespmem:$0xE30] =	vst v11  }
0xd3: {  	v16 =	vld [tilespmem:$0xEA0];
	v15 =	vand.u32 $0xFFFF, v63;
	[tilespmem:$0xE40] =	vst v13  }
0xd4: {  	v18 =	vld [tilespmem:$0xEB0];
	[tilespmem:$0xE50] =	vst v15;
	v17 =	vand.u32 $0xFFFF, v8  }
0xd5: {  	v20 =	vld [tilespmem:$0xEC0];
	v19 =	vand.u32 $0xFFFF, v10;
	[tilespmem:$0xE60] =	vst v17  }
0xd6: {  	v22 =	vld [tilespmem:$0xED0];
	v21 =	vand.u32 $0xFFFF, v12;
	[tilespmem:$0xE70] =	vst v19  }
0xd7: {  	v24 =	vld [tilespmem:$0xEE0];
	v23 =	vand.u32 $0xFFFF, v14;
	[tilespmem:$0xE80] =	vst v21  }
0xd8: {  	v26 =	vld [tilespmem:$0xEF0];
	v25 =	vand.u32 $0xFFFF, v16;
	[tilespmem:$0xE90] =	vst v23  }
0xd9: {  	v28 =	vld [tilespmem:$0xF00];
	v27 =	vand.u32 $0xFFFF, v18;
	[tilespmem:$0xEA0] =	vst v25  }
0xda: {  	v30 =	vld [tilespmem:$0xF10];
	v29 =	vand.u32 $0xFFFF, v20;
	[tilespmem:$0xEB0] =	vst v27  }
0xdb: {  	v32 =	vld [tilespmem:$0xF20];
	v31 =	vand.u32 $0xFFFF, v22;
	[tilespmem:$0xEC0] =	vst v29  }
0xdc: {  	v34 =	vld [tilespmem:$0xF30];
	v33 =	vand.u32 $0xFFFF, v24;
	[tilespmem:$0xED0] =	vst v31  }
0xdd: {  	v36 =	vld [tilespmem:$0xF40];
	v35 =	vand.u32 $0xFFFF, v26;
	[tilespmem:$0xEE0] =	vst v33  }
0xde: {  	v38 =	vld [tilespmem:$0xF50];
	v37 =	vand.u32 $0xFFFF, v28;
	[tilespmem:$0xEF0] =	vst v35  }
0xdf: {  	v40 =	vld [tilespmem:$0xF60];
	v39 =	vand.u32 $0xFFFF, v30;
	[tilespmem:$0xF00] =	vst v37  }
0xe0: {  	v42 =	vld [tilespmem:$0xF70];
	v41 =	vand.u32 $0xFFFF, v32;
	[tilespmem:$0xF10] =	vst v39  }
0xe1: {  	v44 =	vld [tilespmem:$0xF80];
	v43 =	vand.u32 $0xFFFF, v34;
	[tilespmem:$0xF20] =	vst v41  }
0xe2: {  	v46 =	vld [tilespmem:$0xF90];
	v45 =	vand.u32 $0xFFFF, v36;
	[tilespmem:$0xF30] =	vst v43  }
0xe3: {  	v48 =	vld [tilespmem:$0xFA0];
	v47 =	vand.u32 $0xFFFF, v38;
	[tilespmem:$0xF40] =	vst v45  }
0xe4: {  	v50 =	vld [tilespmem:$0xFB0];
	[tilespmem:$0xF50] =	vst v47;
	v49 =	vand.u32 $0xFFFF, v40  }
0xe5: {  	v52 =	vld [tilespmem:$0xFC0];
	v51 =	vand.u32 $0xFFFF, v42;
	[tilespmem:$0xF60] =	vst v49  }
0xe6: {  	v54 =	vld [tilespmem:$0xFD0];
	v53 =	vand.u32 $0xFFFF, v44;
	[tilespmem:$0xF70] =	vst v51  }
0xe7: {  	v56 =	vld [tilespmem:$0xFE0];
	v55 =	vand.u32 $0xFFFF, v46;
	[tilespmem:$0xF80] =	vst v53  }
0xe8: {  	v58 =	vld [tilespmem:$0xFF0];
	v57 =	vand.u32 $0xFFFF, v48;
	[tilespmem:$0xF90] =	vst v55  }
0xe9: {  	[tilespmem:$0xFA0] =	vst v57;
	v59 =	vand.u32 $0xFFFF, v50  }
0xea: {  	v60 =	vand.u32 $0xFFFF, v52;
	[tilespmem:$0xFB0] =	vst v59  }
0xeb: {  	v61 =	vand.u32 $0xFFFF, v54;
	[tilespmem:$0xFC0] =	vst v60  }
0xec: {  	v62 =	vand.u32 $0xFFFF, v56;
	[tilespmem:$0xFD0] =	vst v61  }
0xed: {  	p0 =	sne.s32 s4, $0x1;
	v63 =	vand.u32 $0xFFFF, v58;
	[tilespmem:$0xFE0] =	vst v62  }
.Ltmp0:
0xee: {  	s10 =	rddreg [dreg:$0x4];
	[tilespmem:$0xFF0] =	vst v63;
	(pc) =	sbr.rel @p0 .LBB2_1-.Ltmp0, $4  }
0xef: {  	[hbm4b:s10+s2] =	stream.linear.scatter [tilespmem:s7], [sflag:$0x2], $0x800, $0x38;
	[tilespmem:$0x1000] =	vst v63  }
0xf0: {  	_ =	swait.ge [sflag:s5], $0x800  }
0xf1: {  	[sflag:s5] =	ssyncset.done $0x0  }
0xf2: {  	s4 =	sadd.s32 $0xFFFFFFFF, s4;
	[sflag:s5] =	ssyncadd.s32 $0xFFFFF800  }
0xf3: {  	_ =	sfence.sel $0x180000  }
0xf4: {  	[bflag:$0x0] =	sbarrier.arrive $0xFFFF  }
0xf5: {  	_ =	strace $0x9000004A  }
0xf6: {  	s0 =	stileid.u32;
	[bflag:$0x2] =	sbarrier.arrive $0xFFFF  }
0xf7: {  	p0 =	sne.s32 s0, $0x0;
	s0 =	rddreg [dreg:$0x2]  }
0xf8: {  	s0 =	sadd.s32 @!p0 $0x100000, s0  }
0xf9: {  	[sflag:s0] =	ssyncadd.tile.s32 @!p0 $0x1;
	_ =	shalt  }
.Lfunc_end2:
_tile_overlayer_lowered:
.L_overlay_start_2:
0xfa: {  	(tag) =	ssettag $0x2  }
0xfb: {  	s0 =	rddreg [dreg:$0x0];
	s2 =	stileid.u32  }
0xfc: {  	s1 =	rddreg [dreg:$0x1];
	p0 =	sne.s32 s2, $0x0  }
0xfd: {  	s3 =	rddreg [dreg:$0x2];
	[bflag:$0x3] =	sbarrier.arrive $0xFFFF;
	s2 =	simm.s32 @!p0 $0x1C02  }
0xfe: {  	[timem:s3], [sflag:s2] =	dma.local @!p0 [hbm:s0], s1  }
0xff: {  	s0 =	simm.s32 @!p0 $0x2  }
0x100: {  	_ =	swait.ge @!p0 [sflag:s0], s1  }
0x101: {  	s1 =	ssub.s32 @!p0 $0x0, s1;
	[sflag:s0] =	ssyncset.done @!p0 $0x0  }
0x102: {  	[sflag:s0] =	ssyncadd.s32 @!p0 s1  }
0x103: {  	[bflag:$0x3] =	sbarrier.arrive $0xFFFF  }
0x104: {  	_ =	shalt  }

// kernel: kernel.18.cloned.1.call-start
scs
__scs_entry_jumppad:
0x0: {  	(pc) =	sbr.rel $0x88, $3  }
0x1: {  	(tag) =	ssettag $0x0;
	lr =	simm.s32 $0x1  }
0x2: {  	[smem:$0x3F7C] =	sst lr;
	_ =	strace $0xD0000000  }
0x3: {  	_ = 	snop  }
0x4: {  	_ = 	snop  }
0x5: {  	_ = 	snop  }
0x6: {  	_ = 	snop  }
0x7: {  	_ = 	snop  }
__scs_overlays_trampoline_lowered:
0x8: {  	[smem:$0x3F8B] =	sst s0  }
0x9: {  	[smem:$0x3F8C] =	sst s1  }
0xa: {  	[smem:$0x3F8D] =	sst s2  }
0xb: {  	[smem:$0x3F8E] =	sst s3  }
0xc: {  	[smem:$0x3F8F] =	sst s4  }
0xd: {  	[smem:$0x3F90] =	sst s5  }
0xe: {  	[smem:$0x3F91] =	sst s6  }
0xf: {  	[smem:$0x3F92] =	sst s7  }
0x10: {  	[smem:$0x3F93] =	sst s8  }
0x11: {  	[smem:$0x3F94] =	sst s9;
	s0 =	simm.s32 @!p0 $0x0  }
0x12: {  	s1 =	sld [smem:$0x3F7A];
	s0 =	simm.s32 @p0 $0x1  }
0x13: {  	[smem:$0x3F95] =	sst s0;
	s0 =	simm.s32 @!p1 $0x0  }
0x14: {  	s2 =	sld [smem:$0x3F79];
	s0 =	simm.s32 @p1 $0x1  }
0x15: {  	[smem:$0x3F96] =	sst s0;
	s0 =	simm.s32 @!p2 $0x0  }
0x16: {  	s3 =	sld [smem:$0x3FDB];
	s0 =	simm.s32 @p2 $0x1  }
0x17: {  	s4 =	simm.s32 $0x1BF5;
	[smem:$0x3F98] =	sst s0  }
0x18: {  	s0 =	sld [smem:$0x3F7B];
	_ =	swait.ge [sflag:s4], $0x0  }
0x19: {  	s7 =	sld [smem:$0x3F7C]  }
0x1a: {  	s8 =	sadd.s32 $0xFFFFE003, lr  }
0x1b: {  	s9 =	sadd.s32 $0xFFFFFEF7, lr;
	s5 =	simm.s32 $0xFFFFFFFF;
	p2 =	slt.u32 s8, $0xFFFFF086  }
0x1c: {  	p1 =	slt.u32 s9, $0xF7A;
	s5 =	simm.s32 @!p2 $0x0  }
0x1d: {  	s5 =	simm.s32 @p1 $0x1;
	p0 =	seq.s32 s7, s2  }
0x1e: {  	s7 =	smul.u32 @!p0 $0xF7A, s2;
	p2 =	seq.s32 @!p0 s5, $0x0  }
0x1f: {  	s9 =	smul.u32 $0xF7A, s1;
	s8 =	simm.s32 @!p0 $0x1BF5;
	p2 =	por !p2, p0  }
0x20: {  	[sflag:s8] =	ssyncset.s32 @!p0 $0xFFFFF086;
	s6 =	sadd.s32 @!p0 s3, s7;
	s7 =	simm.s32 @!p0 $0x108  }
0x21: {  	s3 =	sadd.s32 s3, s9;
	s6 =	sadd.s32 @!p0 $0x88, s6;
	s7 =	simm.s32 @p2 $0x1082  }
0x22: {  	[simem:s7], [sflag:s8] =	dma.local @!p0 [hbm:s6], $0xF7A  }
0x23: {  	s9 =	sor.u32 $0xD0000000, s2;
	s6 =	simm.s32 $0x108;
	_ =	swait.ge @!p0 [sflag:s8], $0x0  }
0x24: {  	s3 =	sadd.s32 $0x88, s3;
	s6 =	simm.s32 @!p1 $0x1082;
	[sflag:s4] =	ssyncset.s32 $0xFFFFF086  }
0x25: {  	[simem:s6], [sflag:s4] =	dma.local [hbm:s3], $0xF7A  }
0x26: {  	[smem:$0x3F7C] =	sst s1;
	(tag) =	ssettag s2;
	_ =	strace s9  }
0x27: {  	s1 =	sld [smem:$0x3F8C]  }
0x28: {  	s2 =	sld [smem:$0x3F8D]  }
0x29: {  	s4 =	sld [smem:$0x3F8F]  }
0x2a: {  	p0 =	seq.s32 s5, $0x0;
	s5 =	sld [smem:$0x3F90]  }
0x2b: {  	s6 =	sld [smem:$0x3F91]  }
0x2c: {  	s7 =	sld [smem:$0x3F92]  }
0x2d: {  	s3 =	simm.s32 $0x108;
	s8 =	sld [smem:$0x3F93]  }
0x2e: {  	s3 =	simm.s32 @!p0 $0x1082;
	s9 =	sld [smem:$0x3F94]  }
0x2f: {  	lr =	sadd.s32 s0, s3;
	s0 =	sld [smem:$0x3F8B]  }
0x30: {  	s3 =	sld [smem:$0x3F8E]  }
0x31: {  	[smem:$0x3F97] =	sst s10  }
0x32: {  	s10 =	sld [smem:$0x3F95];
	_ =	sdelay $0x3  }
0x33: {  	p0 =	seq.s32 s10, $0x1;
	s10 =	sld [smem:$0x3F97];
	_ =	sdelay $0x3  }
0x34: {  	[smem:$0x3F97] =	sst s10  }
0x35: {  	s10 =	sld [smem:$0x3F96];
	_ =	sdelay $0x3  }
0x36: {  	p1 =	seq.s32 s10, $0x1;
	s10 =	sld [smem:$0x3F97];
	_ =	sdelay $0x3  }
0x37: {  	[smem:$0x3F97] =	sst s10  }
0x38: {  	s10 =	sld [smem:$0x3F98]  }
0x39: {  	_ = 	snop;
	(pc) =	sbr.ind lr, $3  }
0x3a: {  	_ = 	snop  }
0x3b: {  	_ = 	snop  }
0x3c: {  	p2 =	seq.s32 s10, $0x1;
	s10 =	sld [smem:$0x3F97]  }
0x3d: {  	_ =	shalt  }
0x3e: {  	_ =	shalt  }
0x3f: {  	_ =	shalt  }
0x40: {  	_ =	shalt  }
0x41: {  	_ =	shalt  }
0x42: {  	_ =	shalt  }
0x43: {  	_ =	shalt  }
0x44: {  	_ =	shalt  }
0x45: {  	_ =	shalt  }
0x46: {  	_ =	shalt  }
0x47: {  	_ =	shalt  }
0x48: {  	_ =	shalt  }
0x49: {  	_ =	shalt  }
0x4a: {  	_ =	shalt  }
0x4b: {  	_ =	shalt  }
0x4c: {  	_ =	shalt  }
0x4d: {  	_ =	shalt  }
0x4e: {  	_ =	shalt  }
0x4f: {  	_ =	shalt  }
0x50: {  	_ =	shalt  }
0x51: {  	_ =	shalt  }
0x52: {  	_ =	shalt  }
0x53: {  	_ =	shalt  }
0x54: {  	_ =	shalt  }
0x55: {  	_ =	shalt  }
0x56: {  	_ =	shalt  }
0x57: {  	_ =	shalt  }
0x58: {  	_ =	shalt  }
0x59: {  	_ =	shalt  }
0x5a: {  	_ =	shalt  }
0x5b: {  	_ =	shalt  }
0x5c: {  	_ =	shalt  }
0x5d: {  	_ =	shalt  }
0x5e: {  	_ =	shalt  }
0x5f: {  	_ =	shalt  }
0x60: {  	_ =	shalt  }
0x61: {  	_ =	shalt  }
0x62: {  	_ =	shalt  }
0x63: {  	_ =	shalt  }
0x64: {  	_ =	shalt  }
0x65: {  	_ =	shalt  }
0x66: {  	_ =	shalt  }
0x67: {  	_ =	shalt  }
0x68: {  	_ =	shalt  }
0x69: {  	_ =	shalt  }
0x6a: {  	_ =	shalt  }
0x6b: {  	_ =	shalt  }
0x6c: {  	_ =	shalt  }
0x6d: {  	_ =	shalt  }
0x6e: {  	_ =	shalt  }
0x6f: {  	_ =	shalt  }
0x70: {  	_ =	shalt  }
0x71: {  	_ =	shalt  }
0x72: {  	_ =	shalt  }
0x73: {  	_ =	shalt  }
0x74: {  	_ =	shalt  }
0x75: {  	_ =	shalt  }
0x76: {  	_ =	shalt  }
0x77: {  	_ =	shalt  }
0x78: {  	_ =	shalt  }
0x79: {  	_ =	shalt  }
0x7a: {  	_ =	shalt  }
0x7b: {  	_ =	shalt  }
0x7c: {  	_ =	shalt  }
0x7d: {  	_ =	shalt  }
0x7e: {  	_ =	shalt  }
0x7f: {  	_ =	shalt  }
0x80: {  	_ =	shalt  }
0x81: {  	_ =	shalt  }
0x82: {  	_ =	shalt  }
0x83: {  	_ =	shalt  }
0x84: {  	_ =	shalt  }
0x85: {  	_ =	shalt  }
0x86: {  	_ =	shalt  }
0x87: {  	_ =	shalt  }
.Lfunc_end0:
.L_simem_size_0:
called_computation.2_lowered:
.L_overlay_start_0:
0x88: {  	s2 =	sld [smem:$0x3FD9]  }
0x89: {  	s3 =	sld [smem:$0x3FFE];
	_ =	sdelay $0x1  }
0x8a: {  	s1 =	srdreg.scid  }
0x8b: {  	s0 =	sand.u32 $0x1, s1  }
0x8c: {  	s16 =	sshll.u32 s0, $0xA;
	s2 =	sadd.s32 s3, s2  }
0x8d: {  	s2 =	sadd.s32 s2, s16  }
0x8e: {  	[smem:$0x3FA3] =	sst s2  }
0x8f: {  	_ = 	snop  }
0x90: {  	(tm) =	ssettm $0x1  }
0x91: {  	s17 =	sld [smem:$0x3FFB];
	_ =	sdelay $0x3  }
0x92: {  	_ =	strace s17  }
0x93: {  	s2 =	sld [smem:$0x3FFC];
	_ =	sdelay $0x3  }
0x94: {  	_ =	strace s2  }
0x95: {  	s2 =	sld [smem:$0x3FFD];
	_ =	sdelay $0x3  }
0x96: {  	_ =	strace s2  }
0x97: {  	_ =	strace $0x8FFFFFFF  }
0x98: {  	s18 =	sld [smem:$0x3FDB];
	_ =	sdelay $0x1  }
0x99: {  	s19 =	simm.s32 $_scs_section_size  }
0x9a: {  	s4 =	simm.s32 $_size__tile_overlayer_lowered;
	s5 =	simm.s32 $_tile_overlayer_lowered  }
0x9b: {  	s22 =	simm.s32 $0x1BFF;
	s21 =	sshll.u32 s5, $0x1;
	s2 =	sadd.s32 s19, s18  }
0x9c: {  	s6 =	simm.s32 $0x0;
	s20 =	sshll.u32 s4, $0x1;
	s4 =	sadd.s32 s21, s2  }
0x9d: {  	[timem:s6], [sflag:s22] =	dma.local [hbm:s4], s20  }
0x9e: {  	_ =	swait.ge [sflag:s22], s20  }
0x9f: {  	s3 =	ssub.s32 $0x0, s20;
	[sflag:s22] =	ssyncset.done $0x0  }
0xa0: {  	[sflag:s22] =	ssyncadd.s32 s3;
	_ =	sdelay $0x1  }
0xa1: {  	s23 =	simm.s32 $0x1B8B  }
0xa2: {  	_ =	swait.ge [sflag:s23], $0x1  }
0xa3: {  	[sflag:s23] =	ssyncset.done $0x0  }
0xa4: {  	s25 =	simm.s32 $0x1B8E;
	s24 =	sld [smem:$0x3FFE];
	[sflag:s23] =	ssyncadd.s32 $0xFFFFFFFF  }
0xa5: {  	s26 =	simm.s32 $execute0_lowered;
	[smem:$0x3FD2] =	sst s25  }
0xa6: {  	s4 =	sshll.u32 s26, $0x1;
	_ =	strace $0x8000004C;
	[dreg:$0x1] =	wrdreg $0xFFFFFFFF  }
0xa7: {  	s28 =	simm.s32 $_size_execute0_lowered;
	s2 =	sadd.s32 s2, s4;
	[dreg:$0x0] =	wrdreg $0x0  }
0xa8: {  	s4 =	sshll.u32 s28, $0x1;
	[dreg:$0x2] =	wrdreg s2  }
0xa9: {  	[dreg:$0x3] =	wrdreg s4  }
0xaa: {  	[dreg:$0x4] =	wrdreg $0xC0  }
0xab: {  	_ =	task [dreg:s6], $0x5FFFF  }
0xac: {  	[dreg:$0x1] =	wrdreg $0xFFFFFFFF  }
0xad: {  	[dreg:$0x0] =	wrdreg $0x60  }
0xae: {  	[dreg:$0x2] =	wrdreg s24  }
0xaf: {  	[dreg:$0x3] =	wrdreg $0x9  }
0xb0: {  	_ =	task.clear_ibuf [dreg:s6], $0x4FFFF;
	_ =	strace $0x9000004C  }
0xb1: {  	s29 =	simm.s32 $0x9;
	_ =	strace $0x8000004E  }
0xb2: {  	_ =	swait.ge [sflag:s29], $0x1  }
0xb3: {  	[sflag:s29] =	ssyncadd.s32 $0xFFFFFFFF  }
0xb4: {  	_ =	strace $0x9000004E  }
0xb5: {  	_ =	sfence  }
0xb6: {  	s30 =	sld [smem:$0x0];
	_ =	sdelay $0x2  }
0xb7: {  	s31 =	sshll.u32 s1, $0xD;
	s1 =	sshrl.u32 s1, $0x2  }
0xb8: {  	s3 =	sand.u32 $0x4000, s31;
	s1 =	sadd.s32 s1, s30  }
0xb9: {  	s0 =	sor.u32 s3, s0;
	s1 =	sshll.u32 s1, $0x11  }
0xba: {  	s0 =	sor.u32 s1, s0  }
0xbb: {  	s0 =	sadd.s32 $0x8F2B, s0  }
0xbc: {  	[sflag:s0] =	ssyncadd.remote.s32 $0x1  }
0xbd: {  	_ =	sfence.sel $0xFFFF  }
0xbe: {  	[dreg:$0x0] =	wrdreg $0xFFFFFFFF;
	(pc) =	sbr.abs _section_cstart, $3  }
0xbf: {  	[dreg:$0x1] =	wrdreg $0xFFFFFFFF  }
0xc0: {  	_ =	task.clear_ibuf [dreg:s6], $0x2FFFF;
	_ =	strace $0x9FFFFFFF  }
0xc1: {  	(tm) =	ssettm $0x7FFFFFFF  }
tec
execute0_lowered:
.L_overlay_start_1:
0x0: {  	(tag) =	ssettag $0x1  }
0x1: {  	s1 =	srdreg.scid  }
0x2: {  	s0 =	stileid.u32;
	s3 =	rddreg [dreg:$0x0]  }
0x3: {  	s20 =	simm.s32 $0x2000;
	s21 =	simm.s32 $0x100;
	s23 =	simm.s32 $0x3800  }
0x4: {  	s24 =	simm.s32 $0x180;
	s25 =	simm.s32 $0x5000;
	s26 =	simm.s32 $0x200  }
0x5: {  	s7 =	simm.s32 $0x80;
	s11 =	simm.s32 $0x300;
	s12 =	simm.s32 $0x9800  }
0x6: {  	s13 =	simm.s32 $0x380;
	s14 =	simm.s32 $0xB000;
	s15 =	simm.s32 $0x400  }
0x7: {  	s16 =	simm.s32 $0xC800;
	s17 =	simm.s32 $0x480;
	s18 =	simm.s32 $0xE000  }
0x8: {  	s19 =	simm.s32 $0x500;
	p0 =	por $0x0, $0x0;
	s1 =	sand.u32 $0x1, s1  }
0x9: {  	s28 =	simm.s32 $0x700;
	s2 =	sshll.u32 s0, $0xC;
	s4 =	sshll.u32 s1, $0xB  }
0xa: {  	s29 =	simm.s32 $0x15800;
	s4 =	sor.u32 s4, s2;
	s2 =	simm.s32 $0x0  }
0xb: {  	s30 =	simm.s32 $0x780;
	s31 =	simm.s32 $0x17000;
	[smem:$0x7FF] =	sst s2  }
0xc: {  	s1 =	ssub.s32 $0x2, s1;
	_ =	strace $0x8000004D;
	[dreg:$0x4] =	wrdreg s20  }
0xd: {  	s6 =	sadd.s32 $0x32A600, s3;
	s22 =	sshrl.u32 s1, $0x1;
	[dreg:$0x5] =	wrdreg s21  }
0xe: {  	s5 =	sshrl.u32 s4, $0x3;
	s4 =	smul.u32 $0x6, s4;
	[dreg:$0x6] =	wrdreg s23  }
0xf: {  	s1 =	ssub.s32 s1, s22;
	s22 =	simm.s32 $0x11000;
	[dreg:$0x7] =	wrdreg s24  }
0x10: {  	s5 =	sadd.s32 s5, s3;
	s1 =	smax.u32 s1, $0x1;
	[dreg:$0x8] =	wrdreg s25  }
0x11: {  	[dreg:$0x9] =	wrdreg s26;
	s20 =	simm.s32 $0xF800;
	p1 =	sne.s32 s1, $0x1  }
.Ltmp0:
0x12: {  	s21 =	simm.s32 $0x580;
	s23 =	simm.s32 $0x600;
	(pc) =	sbr.rel @!p1 .LBB2_3-.Ltmp0, $4  }
0x13: {  	s24 =	simm.s32 $0x12800;
	s25 =	simm.s32 $0x680;
	s26 =	simm.s32 $0x14000  }
0x14: {  	s4 =	sadd.s32 s4, s3;
	s5 =	sadd.s32 $0x6600, s5;
	s3 =	simm.s32 $0x2  }
0x15: {  	s8 =	sadd.s32 $0xFFFFFFFF, s1;
	[dreg:$0x2] =	wrdreg s5;
	s4 =	sadd.s32 $0x38A600, s4  }
0x16: {  	s5 =	simm.s32 $0x1;
	[dreg:$0x3] =	wrdreg s4;
	s4 =	simm.s32 $0x800  }
0x17: {  	s0 =	rddreg [dreg:$0x2]  }
0x18: {  	[tilespmem:s2], [sflag:$0x2] =	stream.linear.gather [hbm4b:s0+s2], $0x800, $0x38;
	[tilespmem:$0x18800] =	vst v63  }
0x19: {  	_ =	swait.ge [sflag:s3], $0x800  }
0x1a: {  	s10 =	rddreg [dreg:$0x5]  }
0x1b: {  	s1 =	rddreg [dreg:$0x4]  }
0x1c: {  	s0 =	rddreg [dreg:$0x6]  }
0x1d: {  	[sflag:s3] =	ssyncset.done $0x0;
	[dreg:$0xa] =	wrdreg s10  }
0x1e: {  	[sflag:s3] =	ssyncadd.s32 $0xFFFFF800;
	s10 =	rddreg [dreg:$0x8]  }
0x1f: {  	[tilespmem:s4], [sflag:$0x1] =	stream.indirect.gather [hbm4b:s6+s7], $0x30, s2, s7, $0xb8;
	[tilespmem:$0x18800] =	vst v63  }
0x20: {  	[dreg:$0xb] =	wrdreg s10  }
0x21: {  	s10 =	rddreg [dreg:$0xa]  }
0x22: {  	[tilespmem:s1], [sflag:$0x1] =	stream.indirect.gather [hbm4b:s6+s7], $0x30, s7, s7, $0xb8;
	[tilespmem:$0x18800] =	vst v63  }
0x23: {  	s1 =	rddreg [dreg:$0x7]  }
0x24: {  	[tilespmem:s0], [sflag:$0x1] =	stream.indirect.gather [hbm4b:s6+s7], $0x30, s10, s7, $0xb8;
	[tilespmem:$0x18800] =	vst v63  }
0x25: {  	s10 =	rddreg [dreg:$0xb]  }
0x26: {  	[tilespmem:s10], [sflag:$0x1] =	stream.indirect.gather [hbm4b:s6+s7], $0x30, s1, s7, $0xb8;
	[tilespmem:$0x18800] =	vst v63  }
0x27: {  	s9 =	simm.s32 $0x6800;
	s0 =	rddreg [dreg:$0x9]  }
0x28: {  	[tilespmem:s9], [sflag:$0x1] =	stream.indirect.gather [hbm4b:s6+s7], $0x30, s0, s7, $0xb8;
	[tilespmem:$0x18800] =	vst v63  }
0x29: {  	s1 =	simm.s32 $0x280;
	s9 =	simm.s32 $0x8000  }
0x2a: {  	[tilespmem:s9], [sflag:$0x1] =	stream.indirect.gather [hbm4b:s6+s7], $0x30, s1, s7, $0xb8;
	[tilespmem:$0x18800] =	vst v63  }
0x2b: {  	_ = 	snop  }
0x2c: {  	[tilespmem:s12], [sflag:$0x1] =	stream.indirect.gather [hbm4b:s6+s7], $0x30, s11, s7, $0xb8;
	[tilespmem:$0x18800] =	vst v63  }
0x2d: {  	_ = 	snop  }
0x2e: {  	[tilespmem:s14], [sflag:$0x1] =	stream.indirect.gather [hbm4b:s6+s7], $0x30, s13, s7, $0xb8;
	[tilespmem:$0x18800] =	vst v63  }
0x2f: {  	_ = 	snop  }
0x30: {  	[tilespmem:s16], [sflag:$0x1] =	stream.indirect.gather [hbm4b:s6+s7], $0x30, s15, s7, $0xb8;
	[tilespmem:$0x18800] =	vst v63  }
0x31: {  	_ = 	snop  }
0x32: {  	[tilespmem:s18], [sflag:$0x1] =	stream.indirect.gather [hbm4b:s6+s7], $0x30, s17, s7, $0xb8;
	[tilespmem:$0x18800] =	vst v63  }
0x33: {  	_ = 	snop  }
0x34: {  	[tilespmem:s20], [sflag:$0x1] =	stream.indirect.gather [hbm4b:s6+s7], $0x30, s19, s7, $0xb8;
	[tilespmem:$0x18800] =	vst v63  }
0x35: {  	_ = 	snop  }
0x36: {  	[tilespmem:s22], [sflag:$0x1] =	stream.indirect.gather [hbm4b:s6+s7], $0x30, s21, s7, $0xb8;
	[tilespmem:$0x18800] =	vst v63  }
0x37: {  	_ = 	snop  }
0x38: {  	[tilespmem:s24], [sflag:$0x1] =	stream.indirect.gather [hbm4b:s6+s7], $0x30, s23, s7, $0xb8;
	[tilespmem:$0x18800] =	vst v63  }
0x39: {  	_ = 	snop  }
0x3a: {  	[tilespmem:s26], [sflag:$0x1] =	stream.indirect.gather [hbm4b:s6+s7], $0x30, s25, s7, $0xb8;
	[tilespmem:$0x18800] =	vst v63  }
0x3b: {  	_ = 	snop  }
0x3c: {  	[tilespmem:s29], [sflag:$0x1] =	stream.indirect.gather [hbm4b:s6+s7], $0x30, s28, s7, $0xb8;
	[tilespmem:$0x18800] =	vst v63  }
0x3d: {  	_ = 	snop  }
0x3e: {  	[tilespmem:s31], [sflag:$0x1] =	stream.indirect.gather [hbm4b:s6+s7], $0x30, s30, s7, $0xb8;
	[tilespmem:$0x18800] =	vst v63  }
0x3f: {  	_ =	swait.ge [sflag:s5], $0x1800  }
0x40: {  	[sflag:s5] =	ssyncset.done $0x0  }
0x41: {  	[sflag:s5] =	ssyncadd.s32 $0xFFFFE800  }
0x42: {  	_ =	swait.ge [sflag:s5], $0x1800  }
0x43: {  	[sflag:s5] =	ssyncset.done $0x0  }
0x44: {  	[sflag:s5] =	ssyncadd.s32 $0xFFFFE800  }
0x45: {  	_ =	swait.ge [sflag:s5], $0x1800  }
0x46: {  	[sflag:s5] =	ssyncset.done $0x0  }
0x47: {  	[sflag:s5] =	ssyncadd.s32 $0xFFFFE800  }
0x48: {  	_ =	swait.ge [sflag:s5], $0x1800  }
0x49: {  	[sflag:s5] =	ssyncset.done $0x0  }
0x4a: {  	[sflag:s5] =	ssyncadd.s32 $0xFFFFE800  }
0x4b: {  	_ =	swait.ge [sflag:s5], $0x1800  }
0x4c: {  	[sflag:s5] =	ssyncset.done $0x0  }
0x4d: {  	[sflag:s5] =	ssyncadd.s32 $0xFFFFE800  }
0x4e: {  	_ =	swait.ge [sflag:s5], $0x1800  }
0x4f: {  	[sflag:s5] =	ssyncset.done $0x0  }
0x50: {  	[sflag:s5] =	ssyncadd.s32 $0xFFFFE800  }
0x51: {  	_ =	swait.ge [sflag:s5], $0x1800  }
0x52: {  	[sflag:s5] =	ssyncset.done $0x0  }
0x53: {  	[sflag:s5] =	ssyncadd.s32 $0xFFFFE800  }
0x54: {  	_ =	swait.ge [sflag:s5], $0x1800  }
0x55: {  	[sflag:s5] =	ssyncset.done $0x0  }
0x56: {  	[sflag:s5] =	ssyncadd.s32 $0xFFFFE800  }
0x57: {  	_ =	swait.ge [sflag:s5], $0x1800  }
0x58: {  	[sflag:s5] =	ssyncset.done $0x0  }
0x59: {  	[sflag:s5] =	ssyncadd.s32 $0xFFFFE800  }
0x5a: {  	_ =	swait.ge [sflag:s5], $0x1800  }
0x5b: {  	[sflag:s5] =	ssyncset.done $0x0  }
0x5c: {  	[sflag:s5] =	ssyncadd.s32 $0xFFFFE800  }
0x5d: {  	_ =	swait.ge [sflag:s5], $0x1800  }
0x5e: {  	[sflag:s5] =	ssyncset.done $0x0  }
0x5f: {  	[sflag:s5] =	ssyncadd.s32 $0xFFFFE800  }
0x60: {  	_ =	swait.ge [sflag:s5], $0x1800  }
0x61: {  	[sflag:s5] =	ssyncset.done $0x0  }
0x62: {  	[sflag:s5] =	ssyncadd.s32 $0xFFFFE800  }
0x63: {  	_ =	swait.ge [sflag:s5], $0x1800  }
0x64: {  	[sflag:s5] =	ssyncset.done $0x0  }
0x65: {  	[sflag:s5] =	ssyncadd.s32 $0xFFFFE800  }
0x66: {  	_ =	swait.ge [sflag:s5], $0x1800  }
0x67: {  	[sflag:s5] =	ssyncset.done $0x0  }
0x68: {  	[sflag:s5] =	ssyncadd.s32 $0xFFFFE800  }
0x69: {  	_ =	swait.ge [sflag:s5], $0x1800  }
0x6a: {  	p1 =	sne.s32 s8, $0x1;
	[sflag:s5] =	ssyncset.done $0x0  }
.Ltmp1:
0x6b: {  	[sflag:s5] =	ssyncadd.s32 $0xFFFFE800;
	(pc) =	sbr.rel @!p1 .LBB2_3-.Ltmp1, $4  }
0x6c: {  	_ =	swait.ge [sflag:s5], $0x1800  }
0x6d: {  	p0 =	por $0x1, $0x1;
	[sflag:s5] =	ssyncset.done $0x0  }
0x6e: {  	s1 =	sadd.s32 $0xFFFFFFFF, s8;
	s10 =	rddreg [dreg:$0x3];
	[sflag:s5] =	ssyncadd.s32 $0xFFFFE800  }
0x6f: {  	[hbm4b:s10+s2] =	stream.linear.scatter [tilespmem:s4], [sflag:$0x2], $0x18000, $0x38;
	[tilespmem:$0x18800] =	vst v63  }
.LBB2_2:
0x70: {  	_ =	swait.ge [sflag:s3], $0x18000  }
0x71: {  	[sflag:s3] =	ssyncset.done $0x0  }
0x72: {  	s0 =	rddreg [dreg:$0x2];
	[sflag:s3] =	ssyncadd.s32 $0xFFFE8000  }
0x73: {  	[tilespmem:s2], [sflag:$0x2] =	stream.linear.gather [hbm4b:s0+s2], $0x800, $0x38;
	[tilespmem:$0x18800] =	vst v63  }
0x74: {  	_ =	swait.ge [sflag:s3], $0x800  }
0x75: {  	s0 =	rddreg [dreg:$0x5];
	[sflag:s3] =	ssyncset.done $0x0  }
0x76: {  	s8 =	rddreg [dreg:$0x4];
	[sflag:s3] =	ssyncadd.s32 $0xFFFFF800  }
0x77: {  	[tilespmem:s4], [sflag:$0x1] =	stream.indirect.gather [hbm4b:s6+s7], $0x30, s2, s7, $0xb8;
	[tilespmem:$0x18800] =	vst v63  }
0x78: {  	s9 =	rddreg [dreg:$0x6]  }
0x79: {  	[tilespmem:s8], [sflag:$0x1] =	stream.indirect.gather [hbm4b:s6+s7], $0x30, s7, s7, $0xb8;
	[tilespmem:$0x18800] =	vst v63  }
0x7a: {  	s10 =	rddreg [dreg:$0x8]  }
0x7b: {  	[tilespmem:s9], [sflag:$0x1] =	stream.indirect.gather [hbm4b:s6+s7], $0x30, s0, s7, $0xb8;
	[tilespmem:$0x18800] =	vst v63  }
0x7c: {  	s8 =	rddreg [dreg:$0x7]  }
0x7d: {  	[tilespmem:s10], [sflag:$0x1] =	stream.indirect.gather [hbm4b:s6+s7], $0x30, s8, s7, $0xb8;
	[tilespmem:$0x18800] =	vst v63  }
0x7e: {  	s0 =	rddreg [dreg:$0x9];
	s8 =	simm.s32 $0x6800  }
0x7f: {  	[tilespmem:s8], [sflag:$0x1] =	stream.indirect.gather [hbm4b:s6+s7], $0x30, s0, s7, $0xb8;
	[tilespmem:$0x18800] =	vst v63  }
0x80: {  	s9 =	simm.s32 $0x280;
	s10 =	simm.s32 $0x8000  }
0x81: {  	[tilespmem:s10], [sflag:$0x1] =	stream.indirect.gather [hbm4b:s6+s7], $0x30, s9, s7, $0xb8;
	[tilespmem:$0x18800] =	vst v63  }
0x82: {  	_ = 	snop  }
0x83: {  	[tilespmem:s12], [sflag:$0x1] =	stream.indirect.gather [hbm4b:s6+s7], $0x30, s11, s7, $0xb8;
	[tilespmem:$0x18800] =	vst v63  }
0x84: {  	_ = 	snop  }
0x85: {  	[tilespmem:s14], [sflag:$0x1] =	stream.indirect.gather [hbm4b:s6+s7], $0x30, s13, s7, $0xb8;
	[tilespmem:$0x18800] =	vst v63  }
0x86: {  	_ = 	snop  }
0x87: {  	[tilespmem:s16], [sflag:$0x1] =	stream.indirect.gather [hbm4b:s6+s7], $0x30, s15, s7, $0xb8;
	[tilespmem:$0x18800] =	vst v63  }
0x88: {  	_ = 	snop  }
0x89: {  	[tilespmem:s18], [sflag:$0x1] =	stream.indirect.gather [hbm4b:s6+s7], $0x30, s17, s7, $0xb8;
	[tilespmem:$0x18800] =	vst v63  }
0x8a: {  	_ = 	snop  }
0x8b: {  	[tilespmem:s20], [sflag:$0x1] =	stream.indirect.gather [hbm4b:s6+s7], $0x30, s19, s7, $0xb8;
	[tilespmem:$0x18800] =	vst v63  }
0x8c: {  	_ = 	snop  }
0x8d: {  	[tilespmem:s22], [sflag:$0x1] =	stream.indirect.gather [hbm4b:s6+s7], $0x30, s21, s7, $0xb8;
	[tilespmem:$0x18800] =	vst v63  }
0x8e: {  	_ = 	snop  }
0x8f: {  	[tilespmem:s24], [sflag:$0x1] =	stream.indirect.gather [hbm4b:s6+s7], $0x30, s23, s7, $0xb8;
	[tilespmem:$0x18800] =	vst v63  }
0x90: {  	_ = 	snop  }
0x91: {  	[tilespmem:s26], [sflag:$0x1] =	stream.indirect.gather [hbm4b:s6+s7], $0x30, s25, s7, $0xb8;
	[tilespmem:$0x18800] =	vst v63  }
0x92: {  	_ = 	snop  }
0x93: {  	[tilespmem:s29], [sflag:$0x1] =	stream.indirect.gather [hbm4b:s6+s7], $0x30, s28, s7, $0xb8;
	[tilespmem:$0x18800] =	vst v63  }
0x94: {  	_ = 	snop  }
0x95: {  	[tilespmem:s31], [sflag:$0x1] =	stream.indirect.gather [hbm4b:s6+s7], $0x30, s30, s7, $0xb8;
	[tilespmem:$0x18800] =	vst v63  }
0x96: {  	_ =	swait.ge [sflag:s5], $0x1800  }
0x97: {  	[sflag:s5] =	ssyncset.done $0x0  }
0x98: {  	[sflag:s5] =	ssyncadd.s32 $0xFFFFE800  }
0x99: {  	_ =	swait.ge [sflag:s5], $0x1800  }
0x9a: {  	[sflag:s5] =	ssyncset.done $0x0  }
0x9b: {  	[sflag:s5] =	ssyncadd.s32 $0xFFFFE800  }
0x9c: {  	_ =	swait.ge [sflag:s5], $0x1800  }
0x9d: {  	[sflag:s5] =	ssyncset.done $0x0  }
0x9e: {  	[sflag:s5] =	ssyncadd.s32 $0xFFFFE800  }
0x9f: {  	_ =	swait.ge [sflag:s5], $0x1800  }
0xa0: {  	[sflag:s5] =	ssyncset.done $0x0  }
0xa1: {  	[sflag:s5] =	ssyncadd.s32 $0xFFFFE800  }
0xa2: {  	_ =	swait.ge [sflag:s5], $0x1800  }
0xa3: {  	[sflag:s5] =	ssyncset.done $0x0  }
0xa4: {  	[sflag:s5] =	ssyncadd.s32 $0xFFFFE800  }
0xa5: {  	_ =	swait.ge [sflag:s5], $0x1800  }
0xa6: {  	[sflag:s5] =	ssyncset.done $0x0  }
0xa7: {  	[sflag:s5] =	ssyncadd.s32 $0xFFFFE800  }
0xa8: {  	_ =	swait.ge [sflag:s5], $0x1800  }
0xa9: {  	[sflag:s5] =	ssyncset.done $0x0  }
0xaa: {  	[sflag:s5] =	ssyncadd.s32 $0xFFFFE800  }
0xab: {  	_ =	swait.ge [sflag:s5], $0x1800  }
0xac: {  	[sflag:s5] =	ssyncset.done $0x0  }
0xad: {  	[sflag:s5] =	ssyncadd.s32 $0xFFFFE800  }
0xae: {  	_ =	swait.ge [sflag:s5], $0x1800  }
0xaf: {  	[sflag:s5] =	ssyncset.done $0x0  }
0xb0: {  	[sflag:s5] =	ssyncadd.s32 $0xFFFFE800  }
0xb1: {  	_ =	swait.ge [sflag:s5], $0x1800  }
0xb2: {  	[sflag:s5] =	ssyncset.done $0x0  }
0xb3: {  	[sflag:s5] =	ssyncadd.s32 $0xFFFFE800  }
0xb4: {  	_ =	swait.ge [sflag:s5], $0x1800  }
0xb5: {  	[sflag:s5] =	ssyncset.done $0x0  }
0xb6: {  	[sflag:s5] =	ssyncadd.s32 $0xFFFFE800  }
0xb7: {  	_ =	swait.ge [sflag:s5], $0x1800  }
0xb8: {  	[sflag:s5] =	ssyncset.done $0x0  }
0xb9: {  	[sflag:s5] =	ssyncadd.s32 $0xFFFFE800  }
0xba: {  	_ =	swait.ge [sflag:s5], $0x1800  }
0xbb: {  	[sflag:s5] =	ssyncset.done $0x0  }
0xbc: {  	[sflag:s5] =	ssyncadd.s32 $0xFFFFE800  }
0xbd: {  	_ =	swait.ge [sflag:s5], $0x1800  }
0xbe: {  	[sflag:s5] =	ssyncset.done $0x0  }
0xbf: {  	[sflag:s5] =	ssyncadd.s32 $0xFFFFE800  }
0xc0: {  	_ =	swait.ge [sflag:s5], $0x1800  }
0xc1: {  	p1 =	sne.s32 s1, $0x1;
	[sflag:s5] =	ssyncset.done $0x0  }
.Ltmp2:
0xc2: {  	[sflag:s5] =	ssyncadd.s32 $0xFFFFE800;
	(pc) =	sbr.rel @p1 .LBB2_2-.Ltmp2, $4  }
0xc3: {  	_ =	swait.ge [sflag:s5], $0x1800  }
0xc4: {  	[sflag:s5] =	ssyncset.done $0x0  }
0xc5: {  	s1 =	sadd.s32 $0xFFFFFFFF, s1;
	s10 =	rddreg [dreg:$0x3];
	[sflag:s5] =	ssyncadd.s32 $0xFFFFE800  }
0xc6: {  	[hbm4b:s10+s2] =	stream.linear.scatter [tilespmem:s4], [sflag:$0x2], $0x18000, $0x38;
	[tilespmem:$0x18800] =	vst v63  }
.LBB2_3:
0xc7: {  	_ =	swait.ge @p0 [sflag:s3], $0x18000  }
0xc8: {  	[sflag:s3] =	ssyncset.done @p0 $0x0  }
0xc9: {  	s0 =	rddreg [dreg:$0x2];
	[sflag:s3] =	ssyncadd.s32 @p0 $0xFFFE8000  }
0xca: {  	[tilespmem:s2], [sflag:$0x2] =	stream.linear.gather [hbm4b:s0+s2], $0x800, $0x38;
	[tilespmem:$0x18800] =	vst v63  }
0xcb: {  	_ =	swait.ge [sflag:s3], $0x800  }
0xcc: {  	[sflag:s3] =	ssyncset.done $0x0;
	s10 =	rddreg [dreg:$0x4]  }
0xcd: {  	s0 =	rddreg [dreg:$0x5];
	[sflag:s3] =	ssyncadd.s32 $0xFFFFF800  }
0xce: {  	[tilespmem:s4], [sflag:$0x1] =	stream.indirect.gather [hbm4b:s6+s7], $0x30, s2, s7, $0xb8;
	[tilespmem:$0x18800] =	vst v63  }
0xcf: {  	s1 =	rddreg [dreg:$0x6]  }
0xd0: {  	[tilespmem:s10], [sflag:$0x1] =	stream.indirect.gather [hbm4b:s6+s7], $0x30, s7, s7, $0xb8;
	[tilespmem:$0x18800] =	vst v63  }
0xd1: {  	s8 =	rddreg [dreg:$0x8]  }
0xd2: {  	[tilespmem:s1], [sflag:$0x1] =	stream.indirect.gather [hbm4b:s6+s7], $0x30, s0, s7, $0xb8;
	[tilespmem:$0x18800] =	vst v63  }
0xd3: {  	s9 =	rddreg [dreg:$0x7]  }
0xd4: {  	[tilespmem:s8], [sflag:$0x1] =	stream.indirect.gather [hbm4b:s6+s7], $0x30, s9, s7, $0xb8;
	[tilespmem:$0x18800] =	vst v63  }
0xd5: {  	s10 =	simm.s32 $0x6800;
	s1 =	rddreg [dreg:$0x9]  }
0xd6: {  	[tilespmem:s10], [sflag:$0x1] =	stream.indirect.gather [hbm4b:s6+s7], $0x30, s1, s7, $0xb8;
	[tilespmem:$0x18800] =	vst v63  }
0xd7: {  	s9 =	simm.s32 $0x8000;
	s10 =	simm.s32 $0x280  }
0xd8: {  	[tilespmem:s9], [sflag:$0x1] =	stream.indirect.gather [hbm4b:s6+s7], $0x30, s10, s7, $0xb8;
	[tilespmem:$0x18800] =	vst v63  }
0xd9: {  	_ = 	snop  }
0xda: {  	[tilespmem:s12], [sflag:$0x1] =	stream.indirect.gather [hbm4b:s6+s7], $0x30, s11, s7, $0xb8;
	[tilespmem:$0x18800] =	vst v63  }
0xdb: {  	_ = 	snop  }
0xdc: {  	[tilespmem:s14], [sflag:$0x1] =	stream.indirect.gather [hbm4b:s6+s7], $0x30, s13, s7, $0xb8;
	[tilespmem:$0x18800] =	vst v63  }
0xdd: {  	_ = 	snop  }
0xde: {  	[tilespmem:s16], [sflag:$0x1] =	stream.indirect.gather [hbm4b:s6+s7], $0x30, s15, s7, $0xb8;
	[tilespmem:$0x18800] =	vst v63  }
0xdf: {  	_ = 	snop  }
0xe0: {  	[tilespmem:s18], [sflag:$0x1] =	stream.indirect.gather [hbm4b:s6+s7], $0x30, s17, s7, $0xb8;
	[tilespmem:$0x18800] =	vst v63  }
0xe1: {  	_ = 	snop  }
0xe2: {  	[tilespmem:s20], [sflag:$0x1] =	stream.indirect.gather [hbm4b:s6+s7], $0x30, s19, s7, $0xb8;
	[tilespmem:$0x18800] =	vst v63  }
0xe3: {  	_ = 	snop  }
0xe4: {  	[tilespmem:s22], [sflag:$0x1] =	stream.indirect.gather [hbm4b:s6+s7], $0x30, s21, s7, $0xb8;
	[tilespmem:$0x18800] =	vst v63  }
0xe5: {  	_ = 	snop  }
0xe6: {  	[tilespmem:s24], [sflag:$0x1] =	stream.indirect.gather [hbm4b:s6+s7], $0x30, s23, s7, $0xb8;
	[tilespmem:$0x18800] =	vst v63  }
0xe7: {  	_ = 	snop  }
0xe8: {  	[tilespmem:s26], [sflag:$0x1] =	stream.indirect.gather [hbm4b:s6+s7], $0x30, s25, s7, $0xb8;
	[tilespmem:$0x18800] =	vst v63  }
0xe9: {  	_ = 	snop  }
0xea: {  	[tilespmem:s29], [sflag:$0x1] =	stream.indirect.gather [hbm4b:s6+s7], $0x30, s28, s7, $0xb8;
	[tilespmem:$0x18800] =	vst v63  }
0xeb: {  	_ = 	snop  }
0xec: {  	[tilespmem:s31], [sflag:$0x1] =	stream.indirect.gather [hbm4b:s6+s7], $0x30, s30, s7, $0xb8;
	[tilespmem:$0x18800] =	vst v63  }
0xed: {  	_ =	swait.ge [sflag:s5], $0x1800  }
0xee: {  	[sflag:s5] =	ssyncset.done $0x0  }
0xef: {  	[sflag:s5] =	ssyncadd.s32 $0xFFFFE800  }
0xf0: {  	_ =	swait.ge [sflag:s5], $0x1800  }
0xf1: {  	[sflag:s5] =	ssyncset.done $0x0  }
0xf2: {  	[sflag:s5] =	ssyncadd.s32 $0xFFFFE800  }
0xf3: {  	_ =	swait.ge [sflag:s5], $0x1800  }
0xf4: {  	[sflag:s5] =	ssyncset.done $0x0  }
0xf5: {  	[sflag:s5] =	ssyncadd.s32 $0xFFFFE800  }
0xf6: {  	_ =	swait.ge [sflag:s5], $0x1800  }
0xf7: {  	[sflag:s5] =	ssyncset.done $0x0  }
0xf8: {  	[sflag:s5] =	ssyncadd.s32 $0xFFFFE800  }
0xf9: {  	_ =	swait.ge [sflag:s5], $0x1800  }
0xfa: {  	[sflag:s5] =	ssyncset.done $0x0  }
0xfb: {  	[sflag:s5] =	ssyncadd.s32 $0xFFFFE800  }
0xfc: {  	_ =	swait.ge [sflag:s5], $0x1800  }
0xfd: {  	[sflag:s5] =	ssyncset.done $0x0  }
0xfe: {  	[sflag:s5] =	ssyncadd.s32 $0xFFFFE800  }
0xff: {  	_ =	swait.ge [sflag:s5], $0x1800  }
0x100: {  	[sflag:s5] =	ssyncset.done $0x0  }
0x101: {  	[sflag:s5] =	ssyncadd.s32 $0xFFFFE800  }
0x102: {  	_ =	swait.ge [sflag:s5], $0x1800  }
0x103: {  	[sflag:s5] =	ssyncset.done $0x0  }
0x104: {  	[sflag:s5] =	ssyncadd.s32 $0xFFFFE800  }
0x105: {  	_ =	swait.ge [sflag:s5], $0x1800  }
0x106: {  	[sflag:s5] =	ssyncset.done $0x0  }
0x107: {  	[sflag:s5] =	ssyncadd.s32 $0xFFFFE800  }
0x108: {  	_ =	swait.ge [sflag:s5], $0x1800  }
0x109: {  	[sflag:s5] =	ssyncset.done $0x0  }
0x10a: {  	[sflag:s5] =	ssyncadd.s32 $0xFFFFE800  }
0x10b: {  	_ =	swait.ge [sflag:s5], $0x1800  }
0x10c: {  	[sflag:s5] =	ssyncset.done $0x0  }
0x10d: {  	[sflag:s5] =	ssyncadd.s32 $0xFFFFE800  }
0x10e: {  	_ =	swait.ge [sflag:s5], $0x1800  }
0x10f: {  	[sflag:s5] =	ssyncset.done $0x0  }
0x110: {  	[sflag:s5] =	ssyncadd.s32 $0xFFFFE800  }
0x111: {  	_ =	swait.ge [sflag:s5], $0x1800  }
0x112: {  	[sflag:s5] =	ssyncset.done $0x0  }
0x113: {  	[sflag:s5] =	ssyncadd.s32 $0xFFFFE800  }
0x114: {  	_ =	swait.ge [sflag:s5], $0x1800  }
0x115: {  	[sflag:s5] =	ssyncset.done $0x0  }
0x116: {  	[sflag:s5] =	ssyncadd.s32 $0xFFFFE800  }
0x117: {  	_ =	swait.ge [sflag:s5], $0x1800  }
0x118: {  	[sflag:s5] =	ssyncset.done $0x0  }
0x119: {  	[sflag:s5] =	ssyncadd.s32 $0xFFFFE800  }
0x11a: {  	_ =	swait.ge [sflag:s5], $0x1800  }
0x11b: {  	[sflag:s5] =	ssyncset.done $0x0  }
0x11c: {  	s30 =	rddreg [dreg:$0x3];
	[sflag:s5] =	ssyncadd.s32 $0xFFFFE800  }
0x11d: {  	[hbm4b:s30+s2] =	stream.linear.scatter [tilespmem:s4], [sflag:$0x2], $0x18000, $0x38;
	[tilespmem:$0x18800] =	vst v63  }
0x11e: {  	_ =	swait.ge [sflag:s3], $0x18000  }
0x11f: {  	[sflag:s3] =	ssyncset.done $0x0  }
0x120: {  	[sflag:s3] =	ssyncadd.s32 $0xFFFE8000  }
0x121: {  	_ =	sfence.sel $0x180000  }
0x122: {  	[bflag:$0x0] =	sbarrier.arrive $0xFFFF  }
0x123: {  	_ =	strace $0x9000004D  }
0x124: {  	s31 =	stileid.u32;
	[bflag:$0x2] =	sbarrier.arrive $0xFFFF  }
0x125: {  	p0 =	sne.s32 s31, $0x0;
	s0 =	rddreg [dreg:$0x1]  }
0x126: {  	s0 =	sadd.s32 @!p0 $0x100000, s0  }
0x127: {  	[sflag:s0] =	ssyncadd.tile.s32 @!p0 $0x1;
	_ =	shalt  }
.Lfunc_end2:
_tile_overlayer_lowered:
.L_overlay_start_2:
0x128: {  	(tag) =	ssettag $0x2  }
0x129: {  	s0 =	rddreg [dreg:$0x0];
	s2 =	stileid.u32  }
0x12a: {  	s1 =	rddreg [dreg:$0x1];
	p0 =	sne.s32 s2, $0x0  }
0x12b: {  	s3 =	rddreg [dreg:$0x2];
	[bflag:$0x3] =	sbarrier.arrive $0xFFFF;
	s2 =	simm.s32 @!p0 $0x1C02  }
0x12c: {  	[timem:s3], [sflag:s2] =	dma.local @!p0 [hbm:s0], s1  }
0x12d: {  	s0 =	simm.s32 @!p0 $0x2  }
0x12e: {  	_ =	swait.ge @!p0 [sflag:s0], s1  }
0x12f: {  	s1 =	ssub.s32 @!p0 $0x0, s1;
	[sflag:s0] =	ssyncset.done @!p0 $0x0  }
0x130: {  	[sflag:s0] =	ssyncadd.s32 @!p0 s1  }
0x131: {  	[bflag:$0x3] =	sbarrier.arrive $0xFFFF  }
0x132: {  	_ =	shalt  }

</sc_bundles>
